<compile_context>
chip_gen: v7x
topology: tpu7x:2x2x1
jax: 0.10.2.dev20260603
libtpu: 0.0.44.dev20260713+nightly
codegen_flags: <defaults>
</compile_context>

<pallas_src>
import functools

import jax
import jax.numpy as jnp
from jax import lax
from jax.experimental import pallas as pl
from jax.experimental.pallas import tpu as pltpu
from jax.experimental.pallas import tpu_sc as plsc

VOCAB = 100000
D = 128
N = 1024 * 200
NC, NS, LANES = 2, 16, 16
NW = NC * NS
PER_W = N // NW
CHUNK = 64
NCHUNK = PER_W // CHUNK
NBUF = 10


def _emb_body(ids_hbm, mask_hbm, table_hbm, out_hbm, idx_v, mask_v, *rest):
    bufs = rest[:NBUF]
    gsems = rest[NBUF:2 * NBUF]
    wsems = rest[2 * NBUF:3 * NBUF]
    msem = rest[3 * NBUF]

    c = lax.axis_index("c")
    s = lax.axis_index("s")
    wid = s * NC + c
    base = wid * PER_W

    pltpu.sync_copy(ids_hbm.at[pl.ds(base, PER_W)], idx_v)
    mask_cp = pltpu.async_copy(mask_hbm.at[pl.ds(base, PER_W)], mask_v, msem)

    def gather_desc(g, b):
        off = g * CHUNK
        return pltpu.make_async_copy(
            table_hbm.at[idx_v.at[pl.ds(off, CHUNK)]], bufs[b], gsems[b]
        )

    def write_desc(g, b):
        off = g * CHUNK
        return pltpu.make_async_copy(
            bufs[b], out_hbm.at[pl.ds(base + off, CHUNK)], wsems[b]
        )

    for b in range(NBUF - 1):
        gather_desc(b, b).start()
    mask_cp.wait()

    def process(g, b):
        pb = (b + NBUF - 1) % NBUF
        gp = g + NBUF - 1

        @pl.when(gp < NCHUNK)
        def _prefetch():
            @pl.when(gp >= NBUF)
            def _reclaim():
                write_desc(gp - NBUF, pb).wait()
            gather_desc(gp, pb).start()

        off = g * CHUNK
        flags = []
        for v in range(CHUNK // LANES):
            ids = idx_v[pl.ds(off + v * LANES, LANES)]
            mk = mask_v[pl.ds(off + v * LANES, LANES)]
            flags.append(jnp.any((ids == 0) | (mk != 1.0)))
        need = functools.reduce(jnp.logical_or, flags)

        gather_desc(g, b).wait()

        @pl.when(need)
        def _fixup():
            def fix_row(r, cr):
                pos = jnp.full((LANES,), off + r, dtype=jnp.int32)
                idb = plsc.load_gather(idx_v, [pos])
                mkb = plsc.load_gather(mask_v, [pos])
                scale = jnp.where(idb == 0, jnp.zeros((LANES,), jnp.float32), mkb)
                for j in range(D // LANES):
                    bufs[b][r, pl.ds(j * LANES, LANES)] = (
                        bufs[b][r, pl.ds(j * LANES, LANES)] * scale
                    )
                return cr
            lax.fori_loop(0, CHUNK, fix_row, 0)

        write_desc(g, b).start()

    def outer(g2, carry):
        for b in range(NBUF):
            process(g2 * NBUF + b, b)
        return carry

    lax.fori_loop(0, NCHUNK // NBUF, outer, 0)

    for b in range(NBUF):
        write_desc(NCHUNK - NBUF + b, b).wait()


@jax.jit
def _emb_call(ids_flat, mask_flat, table):
    mesh = plsc.VectorSubcoreMesh(core_axis_name="c", subcore_axis_name="s")
    kern = pl.kernel(
        _emb_body,
        out_type=jax.ShapeDtypeStruct((N, D), jnp.float32),
        mesh=mesh,
        compiler_params=pltpu.CompilerParams(
            needs_layout_passes=False,
            disable_bounds_checks=True,
            disable_semaphore_checks=True,
            skip_device_barrier=True,
        ),
        scratch_types=(
            [
                pltpu.VMEM((PER_W,), jnp.int32),
                pltpu.VMEM((PER_W,), jnp.float32),
            ]
            + [pltpu.VMEM((CHUNK, D), jnp.float32) for _ in range(NBUF)]
            + [pltpu.SemaphoreType.DMA for _ in range(2 * NBUF + 1)]
        ),
    )
    return kern(ids_flat, mask_flat, table)


def kernel(input_ids, attention_mask, table):
    B, L = input_ids.shape
    out = _emb_call(
        input_ids.reshape(-1).astype(jnp.int32),
        attention_mask.reshape(-1).astype(jnp.float32),
        table,
    )
    return out.reshape(B, L, D)

# --- scband reference (transcript-rebuilt; emitter-appended) ---
"""Pipeline reference for scband-base-neural-model-7017976562234 (READ-ONLY COPY).

The authoritative reference and input builder live on the scoring server;
editing this copy changes nothing except your own understanding.
"""

import jax, jax.numpy as jnp
import numpy as np

VOCAB = 100000
EMBED_DIM = 128
BATCH = 1024
SEQ_LEN = 200
PADDING_IDX = 0


def setup_inputs(seed: int = 0) -> dict:
    key = jax.random.key(seed)
    k1, k2 = jax.random.split(key)
    input_ids = jax.random.randint(k1, (BATCH, SEQ_LEN), 0, VOCAB, dtype=jnp.int64 if jax.config.jax_enable_x64 else jnp.int32).astype(jnp.int32)
    attention_mask = jnp.ones((BATCH, SEQ_LEN), dtype=jnp.float32)
    table = jax.random.normal(k2, (VOCAB, EMBED_DIM), dtype=jnp.float32)
    return {"input_ids": input_ids, "attention_mask": attention_mask, "table": table}


def reference(input_ids, attention_mask, table):
    # nn.Embedding with padding_idx=0: row 0 maps to zeros
    tbl = table.at[PADDING_IDX].set(0.0)
    # embedding gather [B, L] -> [B, L, D]
    emb = jnp.take(tbl, input_ids, axis=0)
    # dropout_layer: identity in eval mode
    # apply_attention_mask: zero out padded positions
    mask_expanded = attention_mask[..., None].astype(jnp.float32)
    emb = emb * mask_expanded
    return emb

if __name__ == "__main__":
    import jax
    _d = setup_inputs()
    print(jax.jit(kernel)(*tuple(_d.values())))

</pallas_src>

<mosaic_0001>
#map = affine_map<(d0, d1) -> (0)>
#map1 = affine_map<(d0, d1) -> (0, 0)>
module attributes {stable_mosaic.version = 14 : i64} {
  func.func @_emb_body(%arg0: i32, %arg1: i32, %arg2: memref<204800xi32, #tpu.memory_space<hbm>>, %arg3: memref<204800xf32, #tpu.memory_space<hbm>>, %arg4: memref<100000x128xf32, #tpu.memory_space<hbm>>, %arg5: memref<204800x128xf32, #tpu.memory_space<hbm>>, %arg6: memref<6400xi32, #tpu.memory_space<vmem>>, %arg7: memref<6400xf32, #tpu.memory_space<vmem>>, %arg8: memref<64x128xf32, #tpu.memory_space<vmem>>, %arg9: memref<64x128xf32, #tpu.memory_space<vmem>>, %arg10: memref<64x128xf32, #tpu.memory_space<vmem>>, %arg11: memref<64x128xf32, #tpu.memory_space<vmem>>, %arg12: memref<64x128xf32, #tpu.memory_space<vmem>>, %arg13: memref<64x128xf32, #tpu.memory_space<vmem>>, %arg14: memref<64x128xf32, #tpu.memory_space<vmem>>, %arg15: memref<64x128xf32, #tpu.memory_space<vmem>>, %arg16: memref<64x128xf32, #tpu.memory_space<vmem>>, %arg17: memref<64x128xf32, #tpu.memory_space<vmem>>, %arg18: memref<!tpu.dma_semaphore, #tpu.memory_space<semaphore_mem>>, %arg19: memref<!tpu.dma_semaphore, #tpu.memory_space<semaphore_mem>>, %arg20: memref<!tpu.dma_semaphore, #tpu.memory_space<semaphore_mem>>, %arg21: memref<!tpu.dma_semaphore, #tpu.memory_space<semaphore_mem>>, %arg22: memref<!tpu.dma_semaphore, #tpu.memory_space<semaphore_mem>>, %arg23: memref<!tpu.dma_semaphore, #tpu.memory_space<semaphore_mem>>, %arg24: memref<!tpu.dma_semaphore, #tpu.memory_space<semaphore_mem>>, %arg25: memref<!tpu.dma_semaphore, #tpu.memory_space<semaphore_mem>>, %arg26: memref<!tpu.dma_semaphore, #tpu.memory_space<semaphore_mem>>, %arg27: memref<!tpu.dma_semaphore, #tpu.memory_space<semaphore_mem>>, %arg28: memref<!tpu.dma_semaphore, #tpu.memory_space<semaphore_mem>>, %arg29: memref<!tpu.dma_semaphore, #tpu.memory_space<semaphore_mem>>, %arg30: memref<!tpu.dma_semaphore, #tpu.memory_space<semaphore_mem>>, %arg31: memref<!tpu.dma_semaphore, #tpu.memory_space<semaphore_mem>>, %arg32: memref<!tpu.dma_semaphore, #tpu.memory_space<semaphore_mem>>, %arg33: memref<!tpu.dma_semaphore, #tpu.memory_space<semaphore_mem>>, %arg34: memref<!tpu.dma_semaphore, #tpu.memory_space<semaphore_mem>>, %arg35: memref<!tpu.dma_semaphore, #tpu.memory_space<semaphore_mem>>, %arg36: memref<!tpu.dma_semaphore, #tpu.memory_space<semaphore_mem>>, %arg37: memref<!tpu.dma_semaphore, #tpu.memory_space<semaphore_mem>>, %arg38: memref<!tpu.dma_semaphore, #tpu.memory_space<semaphore_mem>>) attributes {dimension_semantics = [#tpu.dimension_semantics<core_parallel>, #tpu.dimension_semantics<subcore_parallel>], iteration_bounds = array<i64: 2, 16>, scalar_prefetch = 0 : i64, scratch_operands = 33 : i64, tpu.core_type = #tpu.core_type<sc_vector_subcore>, window_params = [{transform_indices = #map}, {transform_indices = #map}, {transform_indices = #map1}, {transform_indices = #map1}]} {
    %mul3A = arith.constant 2 : i32
    %mul3A_0 = arith.muli %arg1, %mul3A : i32
    %add3A = arith.addi %mul3A_0, %arg0 : i32
    %mul3A_1 = arith.constant 6400 : i32
    %mul3A_2 = arith.muli %add3A, %mul3A_1 : i32
    "tpu.region"() ({
      %run_scoped3A = tpu.sem_alloc : memref<!tpu.dma_semaphore, #tpu.memory_space<semaphore_mem>>
      %dma_start3A_115 = tpu.memref_slice %arg2[%mul3A_2] : memref<204800xi32, #tpu.memory_space<hbm>> -> memref<6400xi32, #tpu.memory_space<hbm>>
      %dma_start3A_116 = tpu.memref_slice %arg2[%mul3A_2] : memref<204800xi32, #tpu.memory_space<hbm>> -> memref<6400xi32, #tpu.memory_space<hbm>>
      tpu.enqueue_dma source(%dma_start3A_116 : memref<6400xi32, #tpu.memory_space<hbm>>) target(%arg6 : memref<6400xi32, #tpu.memory_space<vmem>>) target_semaphore(%run_scoped3A : memref<!tpu.dma_semaphore, #tpu.memory_space<semaphore_mem>>)
      %dma_wait3A_117 = tpu.memref_slice %arg2[%mul3A_2] : memref<204800xi32, #tpu.memory_space<hbm>> -> memref<6400xi32, #tpu.memory_space<hbm>>
      %dma_wait3A_118 = tpu.memref_slice %arg2[%mul3A_2] : memref<204800xi32, #tpu.memory_space<hbm>> -> memref<6400xi32, #tpu.memory_space<hbm>>
      tpu.wait_dma2 semaphore(%run_scoped3A : memref<!tpu.dma_semaphore, #tpu.memory_space<semaphore_mem>>) src(%dma_wait3A_118 : memref<6400xi32, #tpu.memory_space<hbm>>) dst(%arg6 : memref<6400xi32, #tpu.memory_space<vmem>>)
      tpu.yield
    }) : () -> ()
    %dma_start3A = tpu.memref_slice %arg3[%mul3A_2] : memref<204800xf32, #tpu.memory_space<hbm>> -> memref<6400xf32, #tpu.memory_space<hbm>>
    %dma_start3A_3 = tpu.memref_slice %arg3[%mul3A_2] : memref<204800xf32, #tpu.memory_space<hbm>> -> memref<6400xf32, #tpu.memory_space<hbm>>
    tpu.enqueue_dma source(%dma_start3A_3 : memref<6400xf32, #tpu.memory_space<hbm>>) target(%arg7 : memref<6400xf32, #tpu.memory_space<vmem>>) target_semaphore(%arg38 : memref<!tpu.dma_semaphore, #tpu.memory_space<semaphore_mem>>)
    %dma_start3A_4 = arith.constant 0 : i32
    %dma_start3A_5 = tpu.memref_slice %arg6[%dma_start3A_4] : memref<6400xi32, #tpu.memory_space<vmem>> -> memref<64xi32, #tpu.memory_space<vmem>>
    %dma_start3A_6 = arith.constant 0 : i32
    %dma_start3A_7 = arith.constant 0 : i32
    %dma_start3A_8 = tpu.memref_slice %arg4[%dma_start3A_6, %dma_start3A_7] : memref<100000x128xf32, #tpu.memory_space<hbm>> -> memref<100000x128xf32, #tpu.memory_space<hbm>>
    tpu.enqueue_indirect_dma source(%dma_start3A_8 : memref<100000x128xf32, #tpu.memory_space<hbm>>) target(%arg8 : memref<64x128xf32, #tpu.memory_space<vmem>>) offsets(%dma_start3A_5 : memref<64xi32, #tpu.memory_space<vmem>>) semaphore(%arg18 : memref<!tpu.dma_semaphore, #tpu.memory_space<semaphore_mem>>)
    %dma_start3A_9 = arith.constant 64 : i32
    %dma_start3A_10 = tpu.memref_slice %arg6[%dma_start3A_9] : memref<6400xi32, #tpu.memory_space<vmem>> -> memref<64xi32, #tpu.memory_space<vmem>>
    %dma_start3A_11 = arith.constant 0 : i32
    %dma_start3A_12 = arith.constant 0 : i32
    %dma_start3A_13 = tpu.memref_slice %arg4[%dma_start3A_11, %dma_start3A_12] : memref<100000x128xf32, #tpu.memory_space<hbm>> -> memref<100000x128xf32, #tpu.memory_space<hbm>>
    tpu.enqueue_indirect_dma source(%dma_start3A_13 : memref<100000x128xf32, #tpu.memory_space<hbm>>) target(%arg9 : memref<64x128xf32, #tpu.memory_space<vmem>>) offsets(%dma_start3A_10 : memref<64xi32, #tpu.memory_space<vmem>>) semaphore(%arg19 : memref<!tpu.dma_semaphore, #tpu.memory_space<semaphore_mem>>)
    %dma_start3A_14 = arith.constant 128 : i32
    %dma_start3A_15 = tpu.memref_slice %arg6[%dma_start3A_14] : memref<6400xi32, #tpu.memory_space<vmem>> -> memref<64xi32, #tpu.memory_space<vmem>>
    %dma_start3A_16 = arith.constant 0 : i32
    %dma_start3A_17 = arith.constant 0 : i32
    %dma_start3A_18 = tpu.memref_slice %arg4[%dma_start3A_16, %dma_start3A_17] : memref<100000x128xf32, #tpu.memory_space<hbm>> -> memref<100000x128xf32, #tpu.memory_space<hbm>>
    tpu.enqueue_indirect_dma source(%dma_start3A_18 : memref<100000x128xf32, #tpu.memory_space<hbm>>) target(%arg10 : memref<64x128xf32, #tpu.memory_space<vmem>>) offsets(%dma_start3A_15 : memref<64xi32, #tpu.memory_space<vmem>>) semaphore(%arg20 : memref<!tpu.dma_semaphore, #tpu.memory_space<semaphore_mem>>)
    %dma_start3A_19 = arith.constant 192 : i32
    %dma_start3A_20 = tpu.memref_slice %arg6[%dma_start3A_19] : memref<6400xi32, #tpu.memory_space<vmem>> -> memref<64xi32, #tpu.memory_space<vmem>>
    %dma_start3A_21 = arith.constant 0 : i32
    %dma_start3A_22 = arith.constant 0 : i32
    %dma_start3A_23 = tpu.memref_slice %arg4[%dma_start3A_21, %dma_start3A_22] : memref<100000x128xf32, #tpu.memory_space<hbm>> -> memref<100000x128xf32, #tpu.memory_space<hbm>>
    tpu.enqueue_indirect_dma source(%dma_start3A_23 : memref<100000x128xf32, #tpu.memory_space<hbm>>) target(%arg11 : memref<64x128xf32, #tpu.memory_space<vmem>>) offsets(%dma_start3A_20 : memref<64xi32, #tpu.memory_space<vmem>>) semaphore(%arg21 : memref<!tpu.dma_semaphore, #tpu.memory_space<semaphore_mem>>)
    %dma_start3A_24 = arith.constant 256 : i32
    %dma_start3A_25 = tpu.memref_slice %arg6[%dma_start3A_24] : memref<6400xi32, #tpu.memory_space<vmem>> -> memref<64xi32, #tpu.memory_space<vmem>>
    %dma_start3A_26 = arith.constant 0 : i32
    %dma_start3A_27 = arith.constant 0 : i32
    %dma_start3A_28 = tpu.memref_slice %arg4[%dma_start3A_26, %dma_start3A_27] : memref<100000x128xf32, #tpu.memory_space<hbm>> -> memref<100000x128xf32, #tpu.memory_space<hbm>>
    tpu.enqueue_indirect_dma source(%dma_start3A_28 : memref<100000x128xf32, #tpu.memory_space<hbm>>) target(%arg12 : memref<64x128xf32, #tpu.memory_space<vmem>>) offsets(%dma_start3A_25 : memref<64xi32, #tpu.memory_space<vmem>>) semaphore(%arg22 : memref<!tpu.dma_semaphore, #tpu.memory_space<semaphore_mem>>)
    %dma_start3A_29 = arith.constant 320 : i32
    %dma_start3A_30 = tpu.memref_slice %arg6[%dma_start3A_29] : memref<6400xi32, #tpu.memory_space<vmem>> -> memref<64xi32, #tpu.memory_space<vmem>>
    %dma_start3A_31 = arith.constant 0 : i32
    %dma_start3A_32 = arith.constant 0 : i32
    %dma_start3A_33 = tpu.memref_slice %arg4[%dma_start3A_31, %dma_start3A_32] : memref<100000x128xf32, #tpu.memory_space<hbm>> -> memref<100000x128xf32, #tpu.memory_space<hbm>>
    tpu.enqueue_indirect_dma source(%dma_start3A_33 : memref<100000x128xf32, #tpu.memory_space<hbm>>) target(%arg13 : memref<64x128xf32, #tpu.memory_space<vmem>>) offsets(%dma_start3A_30 : memref<64xi32, #tpu.memory_space<vmem>>) semaphore(%arg23 : memref<!tpu.dma_semaphore, #tpu.memory_space<semaphore_mem>>)
    %dma_start3A_34 = arith.constant 384 : i32
    %dma_start3A_35 = tpu.memref_slice %arg6[%dma_start3A_34] : memref<6400xi32, #tpu.memory_space<vmem>> -> memref<64xi32, #tpu.memory_space<vmem>>
    %dma_start3A_36 = arith.constant 0 : i32
    %dma_start3A_37 = arith.constant 0 : i32
    %dma_start3A_38 = tpu.memref_slice %arg4[%dma_start3A_36, %dma_start3A_37] : memref<100000x128xf32, #tpu.memory_space<hbm>> -> memref<100000x128xf32, #tpu.memory_space<hbm>>
    tpu.enqueue_indirect_dma source(%dma_start3A_38 : memref<100000x128xf32, #tpu.memory_space<hbm>>) target(%arg14 : memref<64x128xf32, #tpu.memory_space<vmem>>) offsets(%dma_start3A_35 : memref<64xi32, #tpu.memory_space<vmem>>) semaphore(%arg24 : memref<!tpu.dma_semaphore, #tpu.memory_space<semaphore_mem>>)
    %dma_start3A_39 = arith.constant 448 : i32
    %dma_start3A_40 = tpu.memref_slice %arg6[%dma_start3A_39] : memref<6400xi32, #tpu.memory_space<vmem>> -> memref<64xi32, #tpu.memory_space<vmem>>
    %dma_start3A_41 = arith.constant 0 : i32
    %dma_start3A_42 = arith.constant 0 : i32
    %dma_start3A_43 = tpu.memref_slice %arg4[%dma_start3A_41, %dma_start3A_42] : memref<100000x128xf32, #tpu.memory_space<hbm>> -> memref<100000x128xf32, #tpu.memory_space<hbm>>
    tpu.enqueue_indirect_dma source(%dma_start3A_43 : memref<100000x128xf32, #tpu.memory_space<hbm>>) target(%arg15 : memref<64x128xf32, #tpu.memory_space<vmem>>) offsets(%dma_start3A_40 : memref<64xi32, #tpu.memory_space<vmem>>) semaphore(%arg25 : memref<!tpu.dma_semaphore, #tpu.memory_space<semaphore_mem>>)
    %dma_start3A_44 = arith.constant 512 : i32
    %dma_start3A_45 = tpu.memref_slice %arg6[%dma_start3A_44] : memref<6400xi32, #tpu.memory_space<vmem>> -> memref<64xi32, #tpu.memory_space<vmem>>
    %dma_start3A_46 = arith.constant 0 : i32
    %dma_start3A_47 = arith.constant 0 : i32
    %dma_start3A_48 = tpu.memref_slice %arg4[%dma_start3A_46, %dma_start3A_47] : memref<100000x128xf32, #tpu.memory_space<hbm>> -> memref<100000x128xf32, #tpu.memory_space<hbm>>
    tpu.enqueue_indirect_dma source(%dma_start3A_48 : memref<100000x128xf32, #tpu.memory_space<hbm>>) target(%arg16 : memref<64x128xf32, #tpu.memory_space<vmem>>) offsets(%dma_start3A_45 : memref<64xi32, #tpu.memory_space<vmem>>) semaphore(%arg26 : memref<!tpu.dma_semaphore, #tpu.memory_space<semaphore_mem>>)
    %dma_wait3A = tpu.memref_slice %arg3[%mul3A_2] : memref<204800xf32, #tpu.memory_space<hbm>> -> memref<6400xf32, #tpu.memory_space<hbm>>
    %dma_wait3A_49 = tpu.memref_slice %arg3[%mul3A_2] : memref<204800xf32, #tpu.memory_space<hbm>> -> memref<6400xf32, #tpu.memory_space<hbm>>
    tpu.wait_dma2 semaphore(%arg38 : memref<!tpu.dma_semaphore, #tpu.memory_space<semaphore_mem>>) src(%dma_wait3A_49 : memref<6400xf32, #tpu.memory_space<hbm>>) dst(%arg7 : memref<6400xf32, #tpu.memory_space<vmem>>)
    %scan3A = arith.constant 0 : i32
    %scan3A_50 = arith.constant 0 : i32
    %scan3A_51 = arith.constant 10 : i32
    %scan3A_52 = arith.addi %scan3A_50, %scan3A_51 : i32
    %scan3A_53 = arith.constant 1 : i32
    scf.for %scan3A_115 = %scan3A_50 to %scan3A_52 step %scan3A_53  : i32 {
      %mul3A_116 = arith.constant 10 : i32
      %mul3A_117 = arith.muli %scan3A_115, %mul3A_116 : i32
      %add3A_118 = arith.constant 0 : i32
      %add3A_119 = arith.addi %mul3A_117, %add3A_118 : i32
      %add3A_120 = arith.constant 10 : i32
      %add3A_121 = arith.addi %add3A_119, %add3A_120 : i32
      %sub3A = arith.constant 1 : i32
      %sub3A_122 = arith.subi %add3A_121, %sub3A : i32
      %lt3A = arith.constant 100 : i32
      %lt3A_123 = arith.cmpi slt, %sub3A_122, %lt3A : i32
      %convert_element_type3A = arith.extui %lt3A_123 : i1 to i32
      %cond3A = arith.constant 0 : i32
      %cond3A_124 = arith.cmpi ne, %convert_element_type3A, %cond3A : i32
      scf.if %cond3A_124 {
        %ge3A = arith.constant 10 : i32
        %ge3A_1487 = arith.cmpi sge, %sub3A_122, %ge3A : i32
        %convert_element_type3A_1488 = arith.extui %ge3A_1487 : i1 to i32
        %cond3A_1489 = arith.constant 0 : i32
        %cond3A_1490 = arith.cmpi ne, %convert_element_type3A_1488, %cond3A_1489 : i32
        scf.if %cond3A_1490 {
          %sub3A_1497 = arith.constant 10 : i32
          %sub3A_1498 = arith.subi %sub3A_122, %sub3A_1497 : i32
          %mul3A_1499 = arith.constant 64 : i32
          %mul3A_1500 = arith.muli %sub3A_1498, %mul3A_1499 : i32
          %add3A_1501 = arith.addi %mul3A_2, %mul3A_1500 : i32
          %dma_wait3A_1502 = arith.constant 0 : i32
          %dma_wait3A_1503 = tpu.memref_slice %arg5[%add3A_1501, %dma_wait3A_1502] : memref<204800x128xf32, #tpu.memory_space<hbm>> -> memref<64x128xf32, #tpu.memory_space<hbm>>
          %dma_wait3A_1504 = arith.constant 0 : i32
          %dma_wait3A_1505 = tpu.memref_slice %arg5[%add3A_1501, %dma_wait3A_1504] : memref<204800x128xf32, #tpu.memory_space<hbm>> -> memref<64x128xf32, #tpu.memory_space<hbm>>
          tpu.wait_dma2 semaphore(%arg37 : memref<!tpu.dma_semaphore, #tpu.memory_space<semaphore_mem>>) src(%arg17 : memref<64x128xf32, #tpu.memory_space<vmem>>) dst(%dma_wait3A_1505 : memref<64x128xf32, #tpu.memory_space<hbm>>)
        } else {
        }
        %mul3A_1491 = arith.constant 64 : i32
        %mul3A_1492 = arith.muli %sub3A_122, %mul3A_1491 : i32
        %dma_start3A_1493 = tpu.memref_slice %arg6[%mul3A_1492] : memref<6400xi32, #tpu.memory_space<vmem>> -> memref<64xi32, #tpu.memory_space<vmem>>
        %dma_start3A_1494 = arith.constant 0 : i32
        %dma_start3A_1495 = arith.constant 0 : i32
        %dma_start3A_1496 = tpu.memref_slice %arg4[%dma_start3A_1494, %dma_start3A_1495] : memref<100000x128xf32, #tpu.memory_space<hbm>> -> memref<100000x128xf32, #tpu.memory_space<hbm>>
        tpu.enqueue_indirect_dma source(%dma_start3A_1496 : memref<100000x128xf32, #tpu.memory_space<hbm>>) target(%arg17 : memref<64x128xf32, #tpu.memory_space<vmem>>) offsets(%dma_start3A_1493 : memref<64xi32, #tpu.memory_space<vmem>>) semaphore(%arg27 : memref<!tpu.dma_semaphore, #tpu.memory_space<semaphore_mem>>)
      } else {
      }
      %mul3A_125 = arith.constant 64 : i32
      %mul3A_126 = arith.muli %add3A_119, %mul3A_125 : i32
      %add3A_127 = arith.constant 0 : i32
      %add3A_128 = arith.addi %mul3A_126, %add3A_127 : i32
      %get3A = arith.index_cast %add3A_128 : i32 to index
      %get3A_129 = tpu.vector_load %arg6[%get3A] {strides = array<i32>} : memref<6400xi32, #tpu.memory_space<vmem>>, vector<16xi32>,
      %add3A_130 = arith.constant 0 : i32
      %add3A_131 = arith.addi %mul3A_126, %add3A_130 : i32
      %get3A_132 = arith.index_cast %add3A_131 : i32 to index
      %get3A_133 = tpu.vector_load %arg7[%get3A_132] {strides = array<i32>} : memref<6400xf32, #tpu.memory_space<vmem>>, vector<16xf32>,
      %eq3A = arith.constant 0 : i32
      %eq3A_134 = vector.broadcast %eq3A : i32 to vector<16xi32>
      %eq3A_135 = arith.cmpi eq, %get3A_129, %eq3A_134 : vector<16xi32>
      %ne3A = arith.constant 1.000000e+00 : f32
      %ne3A_136 = vector.broadcast %ne3A : f32 to vector<16xf32>
      %ne3A_137 = arith.cmpf one, %get3A_133, %ne3A_136 : vector<16xf32>
      %or3A = arith.ori %eq3A_135, %ne3A_137 : vector<16xi1>
      %reduce_or3A = arith.constant 1.000000e+00 : f32
      %reduce_or3A_138 = arith.constant 0.000000e+00 : f32
      %reduce_or3A_139 = vector.broadcast %reduce_or3A : f32 to vector<16xf32>
      %reduce_or3A_140 = vector.broadcast %reduce_or3A_138 : f32 to vector<16xf32>
      %reduce_or3A_141 = arith.select %or3A, %reduce_or3A_139, %reduce_or3A_140 : vector<16xi1>, vector<16xf32>
      %reduce_or3A_142 = arith.constant true
      %reduce_or3A_143 = vector.broadcast %reduce_or3A_142 : i1 to vector<16xi1>
      %reduce_or3A_144 = tpu.scan <max>, %reduce_or3A_141 masked %reduce_or3A_143 : vector<16xf32>, vector<16xi1> -> vector<16xf32>
      %reduce_or3A_145 = vector.extract %reduce_or3A_144[15] : f32 from vector<16xf32>
      %reduce_or3A_146 = arith.constant 0.000000e+00 : f32
      %reduce_or3A_147 = arith.cmpf ogt, %reduce_or3A_145, %reduce_or3A_146 : f32
      %add3A_148 = arith.constant 16 : i32
      %add3A_149 = arith.addi %mul3A_126, %add3A_148 : i32
      %get3A_150 = arith.index_cast %add3A_149 : i32 to index
      %get3A_151 = tpu.vector_load %arg6[%get3A_150] {strides = array<i32>} : memref<6400xi32, #tpu.memory_space<vmem>>, vector<16xi32>,
      %add3A_152 = arith.constant 16 : i32
      %add3A_153 = arith.addi %mul3A_126, %add3A_152 : i32
      %get3A_154 = arith.index_cast %add3A_153 : i32 to index
      %get3A_155 = tpu.vector_load %arg7[%get3A_154] {strides = array<i32>} : memref<6400xf32, #tpu.memory_space<vmem>>, vector<16xf32>,
      %eq3A_156 = arith.constant 0 : i32
      %eq3A_157 = vector.broadcast %eq3A_156 : i32 to vector<16xi32>
      %eq3A_158 = arith.cmpi eq, %get3A_151, %eq3A_157 : vector<16xi32>
      %ne3A_159 = arith.constant 1.000000e+00 : f32
      %ne3A_160 = vector.broadcast %ne3A_159 : f32 to vector<16xf32>
      %ne3A_161 = arith.cmpf one, %get3A_155, %ne3A_160 : vector<16xf32>
      %or3A_162 = arith.ori %eq3A_158, %ne3A_161 : vector<16xi1>
      %reduce_or3A_163 = arith.constant 1.000000e+00 : f32
      %reduce_or3A_164 = arith.constant 0.000000e+00 : f32
      %reduce_or3A_165 = vector.broadcast %reduce_or3A_163 : f32 to vector<16xf32>
      %reduce_or3A_166 = vector.broadcast %reduce_or3A_164 : f32 to vector<16xf32>
      %reduce_or3A_167 = arith.select %or3A_162, %reduce_or3A_165, %reduce_or3A_166 : vector<16xi1>, vector<16xf32>
      %reduce_or3A_168 = arith.constant true
      %reduce_or3A_169 = vector.broadcast %reduce_or3A_168 : i1 to vector<16xi1>
      %reduce_or3A_170 = tpu.scan <max>, %reduce_or3A_167 masked %reduce_or3A_169 : vector<16xf32>, vector<16xi1> -> vector<16xf32>
      %reduce_or3A_171 = vector.extract %reduce_or3A_170[15] : f32 from vector<16xf32>
      %reduce_or3A_172 = arith.constant 0.000000e+00 : f32
      %reduce_or3A_173 = arith.cmpf ogt, %reduce_or3A_171, %reduce_or3A_172 : f32
      %add3A_174 = arith.constant 32 : i32
      %add3A_175 = arith.addi %mul3A_126, %add3A_174 : i32
      %get3A_176 = arith.index_cast %add3A_175 : i32 to index
      %get3A_177 = tpu.vector_load %arg6[%get3A_176] {strides = array<i32>} : memref<6400xi32, #tpu.memory_space<vmem>>, vector<16xi32>,
      %add3A_178 = arith.constant 32 : i32
      %add3A_179 = arith.addi %mul3A_126, %add3A_178 : i32
      %get3A_180 = arith.index_cast %add3A_179 : i32 to index
      %get3A_181 = tpu.vector_load %arg7[%get3A_180] {strides = array<i32>} : memref<6400xf32, #tpu.memory_space<vmem>>, vector<16xf32>,
      %eq3A_182 = arith.constant 0 : i32
      %eq3A_183 = vector.broadcast %eq3A_182 : i32 to vector<16xi32>
      %eq3A_184 = arith.cmpi eq, %get3A_177, %eq3A_183 : vector<16xi32>
      %ne3A_185 = arith.constant 1.000000e+00 : f32
      %ne3A_186 = vector.broadcast %ne3A_185 : f32 to vector<16xf32>
      %ne3A_187 = arith.cmpf one, %get3A_181, %ne3A_186 : vector<16xf32>
      %or3A_188 = arith.ori %eq3A_184, %ne3A_187 : vector<16xi1>
      %reduce_or3A_189 = arith.constant 1.000000e+00 : f32
      %reduce_or3A_190 = arith.constant 0.000000e+00 : f32
      %reduce_or3A_191 = vector.broadcast %reduce_or3A_189 : f32 to vector<16xf32>
      %reduce_or3A_192 = vector.broadcast %reduce_or3A_190 : f32 to vector<16xf32>
      %reduce_or3A_193 = arith.select %or3A_188, %reduce_or3A_191, %reduce_or3A_192 : vector<16xi1>, vector<16xf32>
      %reduce_or3A_194 = arith.constant true
      %reduce_or3A_195 = vector.broadcast %reduce_or3A_194 : i1 to vector<16xi1>
      %reduce_or3A_196 = tpu.scan <max>, %reduce_or3A_193 masked %reduce_or3A_195 : vector<16xf32>, vector<16xi1> -> vector<16xf32>
      %reduce_or3A_197 = vector.extract %reduce_or3A_196[15] : f32 from vector<16xf32>
      %reduce_or3A_198 = arith.constant 0.000000e+00 : f32
      %reduce_or3A_199 = arith.cmpf ogt, %reduce_or3A_197, %reduce_or3A_198 : f32
      %add3A_200 = arith.constant 48 : i32
      %add3A_201 = arith.addi %mul3A_126, %add3A_200 : i32
      %get3A_202 = arith.index_cast %add3A_201 : i32 to index
      %get3A_203 = tpu.vector_load %arg6[%get3A_202] {strides = array<i32>} : memref<6400xi32, #tpu.memory_space<vmem>>, vector<16xi32>,
      %add3A_204 = arith.constant 48 : i32
      %add3A_205 = arith.addi %mul3A_126, %add3A_204 : i32
      %get3A_206 = arith.index_cast %add3A_205 : i32 to index
      %get3A_207 = tpu.vector_load %arg7[%get3A_206] {strides = array<i32>} : memref<6400xf32, #tpu.memory_space<vmem>>, vector<16xf32>,
      %eq3A_208 = arith.constant 0 : i32
      %eq3A_209 = vector.broadcast %eq3A_208 : i32 to vector<16xi32>
      %eq3A_210 = arith.cmpi eq, %get3A_203, %eq3A_209 : vector<16xi32>
      %ne3A_211 = arith.constant 1.000000e+00 : f32
      %ne3A_212 = vector.broadcast %ne3A_211 : f32 to vector<16xf32>
      %ne3A_213 = arith.cmpf one, %get3A_207, %ne3A_212 : vector<16xf32>
      %or3A_214 = arith.ori %eq3A_210, %ne3A_213 : vector<16xi1>
      %reduce_or3A_215 = arith.constant 1.000000e+00 : f32
      %reduce_or3A_216 = arith.constant 0.000000e+00 : f32
      %reduce_or3A_217 = vector.broadcast %reduce_or3A_215 : f32 to vector<16xf32>
      %reduce_or3A_218 = vector.broadcast %reduce_or3A_216 : f32 to vector<16xf32>
      %reduce_or3A_219 = arith.select %or3A_214, %reduce_or3A_217, %reduce_or3A_218 : vector<16xi1>, vector<16xf32>
      %reduce_or3A_220 = arith.constant true
      %reduce_or3A_221 = vector.broadcast %reduce_or3A_220 : i1 to vector<16xi1>
      %reduce_or3A_222 = tpu.scan <max>, %reduce_or3A_219 masked %reduce_or3A_221 : vector<16xf32>, vector<16xi1> -> vector<16xf32>
      %reduce_or3A_223 = vector.extract %reduce_or3A_222[15] : f32 from vector<16xf32>
      %reduce_or3A_224 = arith.constant 0.000000e+00 : f32
      %reduce_or3A_225 = arith.cmpf ogt, %reduce_or3A_223, %reduce_or3A_224 : f32
      %or3A_226 = arith.ori %reduce_or3A_147, %reduce_or3A_173 : i1
      %or3A_227 = arith.ori %or3A_226, %reduce_or3A_199 : i1
      %or3A_228 = arith.ori %or3A_227, %reduce_or3A_225 : i1
      %mul3A_229 = arith.constant 64 : i32
      %mul3A_230 = arith.muli %add3A_119, %mul3A_229 : i32
      %dma_wait3A_231 = tpu.memref_slice %arg6[%mul3A_230] : memref<6400xi32, #tpu.memory_space<vmem>> -> memref<64xi32, #tpu.memory_space<vmem>>
      %dma_wait3A_232 = arith.constant 0 : i32
      %dma_wait3A_233 = arith.constant 0 : i32
      %dma_wait3A_234 = tpu.memref_slice %arg4[%dma_wait3A_232, %dma_wait3A_233] : memref<100000x128xf32, #tpu.memory_space<hbm>> -> memref<100000x128xf32, #tpu.memory_space<hbm>>
      tpu.wait_indirect_dma semaphore(%arg18 : memref<!tpu.dma_semaphore, #tpu.memory_space<semaphore_mem>>) src(%dma_wait3A_234 : memref<100000x128xf32, #tpu.memory_space<hbm>>) dst(%arg8 : memref<64x128xf32, #tpu.memory_space<vmem>>)
      %convert_element_type3A_235 = arith.extui %or3A_228 : i1 to i32
      %cond3A_236 = arith.constant 0 : i32
      %cond3A_237 = arith.cmpi ne, %convert_element_type3A_235, %cond3A_236 : i32
      scf.if %cond3A_237 {
        %scan3A_1487 = arith.constant 0 : i32
        %scan3A_1488 = arith.constant 0 : i32
        %scan3A_1489 = arith.constant 64 : i32
        %scan3A_1490 = arith.addi %scan3A_1488, %scan3A_1489 : i32
        %scan3A_1491 = arith.constant 1 : i32
        scf.for %scan3A_1493 = %scan3A_1488 to %scan3A_1490 step %scan3A_1491  : i32 {
          %add3A_1494 = arith.addi %mul3A_126, %scan3A_1493 : i32
          %broadcast_in_dim3A = vector.broadcast %add3A_1494 : i32 to vector<16xi32>
          %gather3A = tpu.vector_load_idx %arg6[%broadcast_in_dim3A] : memref<6400xi32, #tpu.memory_space<vmem>>[vector<16xi32>], vector<16xi32>,
          %gather3A_1495 = tpu.vector_load_idx %arg7[%broadcast_in_dim3A] : memref<6400xf32, #tpu.memory_space<vmem>>[vector<16xi32>], vector<16xf32>,
          %eq3A_1496 = arith.constant 0 : i32
          %eq3A_1497 = vector.broadcast %eq3A_1496 : i32 to vector<16xi32>
          %eq3A_1498 = arith.cmpi eq, %gather3A, %eq3A_1497 : vector<16xi32>
          %broadcast_in_dim3A_1499 = arith.constant 0.000000e+00 : f32
          %broadcast_in_dim3A_1500 = vector.broadcast %broadcast_in_dim3A_1499 : f32 to vector<16xf32>
          %select_n3A = arith.select %eq3A_1498, %broadcast_in_dim3A_1500, %gather3A_1495 : vector<16xi1>, vector<16xf32>
          %get3A_1501 = arith.index_cast %scan3A_1493 : i32 to index
          %get3A_1502 = arith.constant 0 : index
          %get3A_1503 = tpu.vector_load %arg8[%get3A_1501, %get3A_1502] {strides = array<i32>} : memref<64x128xf32, #tpu.memory_space<vmem>>, vector<16xf32>,
          %mul3A_1504 = arith.mulf %get3A_1503, %select_n3A : vector<16xf32>
          %swap3A = arith.index_cast %scan3A_1493 : i32 to index
          %swap3A_1505 = arith.constant 0 : index
          %swap3A_1506 = tpu.vector_load %arg8[%swap3A, %swap3A_1505] {strides = array<i32>} : memref<64x128xf32, #tpu.memory_space<vmem>>, vector<16xf32>,
          tpu.vector_store %arg8[%swap3A, %swap3A_1505], %mul3A_1504 {strides = array<i32>} : memref<64x128xf32, #tpu.memory_space<vmem>>, vector<16xf32>,
          %get3A_1507 = arith.index_cast %scan3A_1493 : i32 to index
          %get3A_1508 = arith.constant 16 : index
          %get3A_1509 = tpu.vector_load %arg8[%get3A_1507, %get3A_1508] {strides = array<i32>} : memref<64x128xf32, #tpu.memory_space<vmem>>, vector<16xf32>,
          %mul3A_1510 = arith.mulf %get3A_1509, %select_n3A : vector<16xf32>
          %swap3A_1511 = arith.index_cast %scan3A_1493 : i32 to index
          %swap3A_1512 = arith.constant 16 : index
          %swap3A_1513 = tpu.vector_load %arg8[%swap3A_1511, %swap3A_1512] {strides = array<i32>} : memref<64x128xf32, #tpu.memory_space<vmem>>, vector<16xf32>,
          tpu.vector_store %arg8[%swap3A_1511, %swap3A_1512], %mul3A_1510 {strides = array<i32>} : memref<64x128xf32, #tpu.memory_space<vmem>>, vector<16xf32>,
          %get3A_1514 = arith.index_cast %scan3A_1493 : i32 to index
          %get3A_1515 = arith.constant 32 : index
          %get3A_1516 = tpu.vector_load %arg8[%get3A_1514, %get3A_1515] {strides = array<i32>} : memref<64x128xf32, #tpu.memory_space<vmem>>, vector<16xf32>,
          %mul3A_1517 = arith.mulf %get3A_1516, %select_n3A : vector<16xf32>
          %swap3A_1518 = arith.index_cast %scan3A_1493 : i32 to index
          %swap3A_1519 = arith.constant 32 : index
          %swap3A_1520 = tpu.vector_load %arg8[%swap3A_1518, %swap3A_1519] {strides = array<i32>} : memref<64x128xf32, #tpu.memory_space<vmem>>, vector<16xf32>,
          tpu.vector_store %arg8[%swap3A_1518, %swap3A_1519], %mul3A_1517 {strides = array<i32>} : memref<64x128xf32, #tpu.memory_space<vmem>>, vector<16xf32>,
          %get3A_1521 = arith.index_cast %scan3A_1493 : i32 to index
          %get3A_1522 = arith.constant 48 : index
          %get3A_1523 = tpu.vector_load %arg8[%get3A_1521, %get3A_1522] {strides = array<i32>} : memref<64x128xf32, #tpu.memory_space<vmem>>, vector<16xf32>,
          %mul3A_1524 = arith.mulf %get3A_1523, %select_n3A : vector<16xf32>
          %swap3A_1525 = arith.index_cast %scan3A_1493 : i32 to index
          %swap3A_1526 = arith.constant 48 : index
          %swap3A_1527 = tpu.vector_load %arg8[%swap3A_1525, %swap3A_1526] {strides = array<i32>} : memref<64x128xf32, #tpu.memory_space<vmem>>, vector<16xf32>,
          tpu.vector_store %arg8[%swap3A_1525, %swap3A_1526], %mul3A_1524 {strides = array<i32>} : memref<64x128xf32, #tpu.memory_space<vmem>>, vector<16xf32>,
          %get3A_1528 = arith.index_cast %scan3A_1493 : i32 to index
          %get3A_1529 = arith.constant 64 : index
          %get3A_1530 = tpu.vector_load %arg8[%get3A_1528, %get3A_1529] {strides = array<i32>} : memref<64x128xf32, #tpu.memory_space<vmem>>, vector<16xf32>,
          %mul3A_1531 = arith.mulf %get3A_1530, %select_n3A : vector<16xf32>
          %swap3A_1532 = arith.index_cast %scan3A_1493 : i32 to index
          %swap3A_1533 = arith.constant 64 : index
          %swap3A_1534 = tpu.vector_load %arg8[%swap3A_1532, %swap3A_1533] {strides = array<i32>} : memref<64x128xf32, #tpu.memory_space<vmem>>, vector<16xf32>,
          tpu.vector_store %arg8[%swap3A_1532, %swap3A_1533], %mul3A_1531 {strides = array<i32>} : memref<64x128xf32, #tpu.memory_space<vmem>>, vector<16xf32>,
          %get3A_1535 = arith.index_cast %scan3A_1493 : i32 to index
          %get3A_1536 = arith.constant 80 : index
          %get3A_1537 = tpu.vector_load %arg8[%get3A_1535, %get3A_1536] {strides = array<i32>} : memref<64x128xf32, #tpu.memory_space<vmem>>, vector<16xf32>,
          %mul3A_1538 = arith.mulf %get3A_1537, %select_n3A : vector<16xf32>
          %swap3A_1539 = arith.index_cast %scan3A_1493 : i32 to index
          %swap3A_1540 = arith.constant 80 : index
          %swap3A_1541 = tpu.vector_load %arg8[%swap3A_1539, %swap3A_1540] {strides = array<i32>} : memref<64x128xf32, #tpu.memory_space<vmem>>, vector<16xf32>,
          tpu.vector_store %arg8[%swap3A_1539, %swap3A_1540], %mul3A_1538 {strides = array<i32>} : memref<64x128xf32, #tpu.memory_space<vmem>>, vector<16xf32>,
          %get3A_1542 = arith.index_cast %scan3A_1493 : i32 to index
          %get3A_1543 = arith.constant 96 : index
          %get3A_1544 = tpu.vector_load %arg8[%get3A_1542, %get3A_1543] {strides = array<i32>} : memref<64x128xf32, #tpu.memory_space<vmem>>, vector<16xf32>,
          %mul3A_1545 = arith.mulf %get3A_1544, %select_n3A : vector<16xf32>
          %swap3A_1546 = arith.index_cast %scan3A_1493 : i32 to index
          %swap3A_1547 = arith.constant 96 : index
          %swap3A_1548 = tpu.vector_load %arg8[%swap3A_1546, %swap3A_1547] {strides = array<i32>} : memref<64x128xf32, #tpu.memory_space<vmem>>, vector<16xf32>,
          tpu.vector_store %arg8[%swap3A_1546, %swap3A_1547], %mul3A_1545 {strides = array<i32>} : memref<64x128xf32, #tpu.memory_space<vmem>>, vector<16xf32>,
          %get3A_1549 = arith.index_cast %scan3A_1493 : i32 to index
          %get3A_1550 = arith.constant 112 : index
          %get3A_1551 = tpu.vector_load %arg8[%get3A_1549, %get3A_1550] {strides = array<i32>} : memref<64x128xf32, #tpu.memory_space<vmem>>, vector<16xf32>,
          %mul3A_1552 = arith.mulf %get3A_1551, %select_n3A : vector<16xf32>
          %swap3A_1553 = arith.index_cast %scan3A_1493 : i32 to index
          %swap3A_1554 = arith.constant 112 : index
          %swap3A_1555 = tpu.vector_load %arg8[%swap3A_1553, %swap3A_1554] {strides = array<i32>} : memref<64x128xf32, #tpu.memory_space<vmem>>, vector<16xf32>,
          tpu.vector_store %arg8[%swap3A_1553, %swap3A_1554], %mul3A_1552 {strides = array<i32>} : memref<64x128xf32, #tpu.memory_space<vmem>>, vector<16xf32>,
        }
        %scan3A_1492 = arith.constant 64 : i32
      } else {
      }
      %mul3A_238 = arith.constant 64 : i32
      %mul3A_239 = arith.muli %add3A_119, %mul3A_238 : i32
      %add3A_240 = arith.addi %mul3A_2, %mul3A_239 : i32
      %dma_start3A_241 = arith.constant 0 : i32
      %dma_start3A_242 = tpu.memref_slice %arg5[%add3A_240, %dma_start3A_241] : memref<204800x128xf32, #tpu.memory_space<hbm>> -> memref<64x128xf32, #tpu.memory_space<hbm>>
      %dma_start3A_243 = arith.constant 0 : i32
      %dma_start3A_244 = tpu.memref_slice %arg5[%add3A_240, %dma_start3A_243] : memref<204800x128xf32, #tpu.memory_space<hbm>> -> memref<64x128xf32, #tpu.memory_space<hbm>>
      tpu.enqueue_dma source(%arg8 : memref<64x128xf32, #tpu.memory_space<vmem>>) target(%dma_start3A_244 : memref<64x128xf32, #tpu.memory_space<hbm>>) target_semaphore(%arg28 : memref<!tpu.dma_semaphore, #tpu.memory_space<semaphore_mem>>)
      %mul3A_245 = arith.constant 10 : i32
      %mul3A_246 = arith.muli %scan3A_115, %mul3A_245 : i32
      %add3A_247 = arith.constant 1 : i32
      %add3A_248 = arith.addi %mul3A_246, %add3A_247 : i32
      %add3A_249 = arith.constant 10 : i32
      %add3A_250 = arith.addi %add3A_248, %add3A_249 : i32
      %sub3A_251 = arith.constant 1 : i32
      %sub3A_252 = arith.subi %add3A_250, %sub3A_251 : i32
      %lt3A_253 = arith.constant 100 : i32
      %lt3A_254 = arith.cmpi slt, %sub3A_252, %lt3A_253 : i32
      %convert_element_type3A_255 = arith.extui %lt3A_254 : i1 to i32
      %cond3A_256 = arith.constant 0 : i32
      %cond3A_257 = arith.cmpi ne, %convert_element_type3A_255, %cond3A_256 : i32
      scf.if %cond3A_257 {
        %ge3A = arith.constant 10 : i32
        %ge3A_1487 = arith.cmpi sge, %sub3A_252, %ge3A : i32
        %convert_element_type3A_1488 = arith.extui %ge3A_1487 : i1 to i32
        %cond3A_1489 = arith.constant 0 : i32
        %cond3A_1490 = arith.cmpi ne, %convert_element_type3A_1488, %cond3A_1489 : i32
        scf.if %cond3A_1490 {
          %sub3A_1497 = arith.constant 10 : i32
          %sub3A_1498 = arith.subi %sub3A_252, %sub3A_1497 : i32
          %mul3A_1499 = arith.constant 64 : i32
          %mul3A_1500 = arith.muli %sub3A_1498, %mul3A_1499 : i32
          %add3A_1501 = arith.addi %mul3A_2, %mul3A_1500 : i32
          %dma_wait3A_1502 = arith.constant 0 : i32
          %dma_wait3A_1503 = tpu.memref_slice %arg5[%add3A_1501, %dma_wait3A_1502] : memref<204800x128xf32, #tpu.memory_space<hbm>> -> memref<64x128xf32, #tpu.memory_space<hbm>>
          %dma_wait3A_1504 = arith.constant 0 : i32
          %dma_wait3A_1505 = tpu.memref_slice %arg5[%add3A_1501, %dma_wait3A_1504] : memref<204800x128xf32, #tpu.memory_space<hbm>> -> memref<64x128xf32, #tpu.memory_space<hbm>>
          tpu.wait_dma2 semaphore(%arg28 : memref<!tpu.dma_semaphore, #tpu.memory_space<semaphore_mem>>) src(%arg8 : memref<64x128xf32, #tpu.memory_space<vmem>>) dst(%dma_wait3A_1505 : memref<64x128xf32, #tpu.memory_space<hbm>>)
        } else {
        }
        %mul3A_1491 = arith.constant 64 : i32
        %mul3A_1492 = arith.muli %sub3A_252, %mul3A_1491 : i32
        %dma_start3A_1493 = tpu.memref_slice %arg6[%mul3A_1492] : memref<6400xi32, #tpu.memory_space<vmem>> -> memref<64xi32, #tpu.memory_space<vmem>>
        %dma_start3A_1494 = arith.constant 0 : i32
        %dma_start3A_1495 = arith.constant 0 : i32
        %dma_start3A_1496 = tpu.memref_slice %arg4[%dma_start3A_1494, %dma_start3A_1495] : memref<100000x128xf32, #tpu.memory_space<hbm>> -> memref<100000x128xf32, #tpu.memory_space<hbm>>
        tpu.enqueue_indirect_dma source(%dma_start3A_1496 : memref<100000x128xf32, #tpu.memory_space<hbm>>) target(%arg8 : memref<64x128xf32, #tpu.memory_space<vmem>>) offsets(%dma_start3A_1493 : memref<64xi32, #tpu.memory_space<vmem>>) semaphore(%arg18 : memref<!tpu.dma_semaphore, #tpu.memory_space<semaphore_mem>>)
      } else {
      }
      %mul3A_258 = arith.constant 64 : i32
      %mul3A_259 = arith.muli %add3A_248, %mul3A_258 : i32
      %add3A_260 = arith.constant 0 : i32
      %add3A_261 = arith.addi %mul3A_259, %add3A_260 : i32
      %get3A_262 = arith.index_cast %add3A_261 : i32 to index
      %get3A_263 = tpu.vector_load %arg6[%get3A_262] {strides = array<i32>} : memref<6400xi32, #tpu.memory_space<vmem>>, vector<16xi32>,
      %add3A_264 = arith.constant 0 : i32
      %add3A_265 = arith.addi %mul3A_259, %add3A_264 : i32
      %get3A_266 = arith.index_cast %add3A_265 : i32 to index
      %get3A_267 = tpu.vector_load %arg7[%get3A_266] {strides = array<i32>} : memref<6400xf32, #tpu.memory_space<vmem>>, vector<16xf32>,
      %eq3A_268 = arith.constant 0 : i32
      %eq3A_269 = vector.broadcast %eq3A_268 : i32 to vector<16xi32>
      %eq3A_270 = arith.cmpi eq, %get3A_263, %eq3A_269 : vector<16xi32>
      %ne3A_271 = arith.constant 1.000000e+00 : f32
      %ne3A_272 = vector.broadcast %ne3A_271 : f32 to vector<16xf32>
      %ne3A_273 = arith.cmpf one, %get3A_267, %ne3A_272 : vector<16xf32>
      %or3A_274 = arith.ori %eq3A_270, %ne3A_273 : vector<16xi1>
      %reduce_or3A_275 = arith.constant 1.000000e+00 : f32
      %reduce_or3A_276 = arith.constant 0.000000e+00 : f32
      %reduce_or3A_277 = vector.broadcast %reduce_or3A_275 : f32 to vector<16xf32>
      %reduce_or3A_278 = vector.broadcast %reduce_or3A_276 : f32 to vector<16xf32>
      %reduce_or3A_279 = arith.select %or3A_274, %reduce_or3A_277, %reduce_or3A_278 : vector<16xi1>, vector<16xf32>
      %reduce_or3A_280 = arith.constant true
      %reduce_or3A_281 = vector.broadcast %reduce_or3A_280 : i1 to vector<16xi1>
      %reduce_or3A_282 = tpu.scan <max>, %reduce_or3A_279 masked %reduce_or3A_281 : vector<16xf32>, vector<16xi1> -> vector<16xf32>
      %reduce_or3A_283 = vector.extract %reduce_or3A_282[15] : f32 from vector<16xf32>
      %reduce_or3A_284 = arith.constant 0.000000e+00 : f32
      %reduce_or3A_285 = arith.cmpf ogt, %reduce_or3A_283, %reduce_or3A_284 : f32
      %add3A_286 = arith.constant 16 : i32
      %add3A_287 = arith.addi %mul3A_259, %add3A_286 : i32
      %get3A_288 = arith.index_cast %add3A_287 : i32 to index
      %get3A_289 = tpu.vector_load %arg6[%get3A_288] {strides = array<i32>} : memref<6400xi32, #tpu.memory_space<vmem>>, vector<16xi32>,
      %add3A_290 = arith.constant 16 : i32
      %add3A_291 = arith.addi %mul3A_259, %add3A_290 : i32
      %get3A_292 = arith.index_cast %add3A_291 : i32 to index
      %get3A_293 = tpu.vector_load %arg7[%get3A_292] {strides = array<i32>} : memref<6400xf32, #tpu.memory_space<vmem>>, vector<16xf32>,
      %eq3A_294 = arith.constant 0 : i32
      %eq3A_295 = vector.broadcast %eq3A_294 : i32 to vector<16xi32>
      %eq3A_296 = arith.cmpi eq, %get3A_289, %eq3A_295 : vector<16xi32>
      %ne3A_297 = arith.constant 1.000000e+00 : f32
      %ne3A_298 = vector.broadcast %ne3A_297 : f32 to vector<16xf32>
      %ne3A_299 = arith.cmpf one, %get3A_293, %ne3A_298 : vector<16xf32>
      %or3A_300 = arith.ori %eq3A_296, %ne3A_299 : vector<16xi1>
      %reduce_or3A_301 = arith.constant 1.000000e+00 : f32
      %reduce_or3A_302 = arith.constant 0.000000e+00 : f32
      %reduce_or3A_303 = vector.broadcast %reduce_or3A_301 : f32 to vector<16xf32>
      %reduce_or3A_304 = vector.broadcast %reduce_or3A_302 : f32 to vector<16xf32>
      %reduce_or3A_305 = arith.select %or3A_300, %reduce_or3A_303, %reduce_or3A_304 : vector<16xi1>, vector<16xf32>
      %reduce_or3A_306 = arith.constant true
      %reduce_or3A_307 = vector.broadcast %reduce_or3A_306 : i1 to vector<16xi1>
      %reduce_or3A_308 = tpu.scan <max>, %reduce_or3A_305 masked %reduce_or3A_307 : vector<16xf32>, vector<16xi1> -> vector<16xf32>
      %reduce_or3A_309 = vector.extract %reduce_or3A_308[15] : f32 from vector<16xf32>
      %reduce_or3A_310 = arith.constant 0.000000e+00 : f32
      %reduce_or3A_311 = arith.cmpf ogt, %reduce_or3A_309, %reduce_or3A_310 : f32
      %add3A_312 = arith.constant 32 : i32
      %add3A_313 = arith.addi %mul3A_259, %add3A_312 : i32
      %get3A_314 = arith.index_cast %add3A_313 : i32 to index
      %get3A_315 = tpu.vector_load %arg6[%get3A_314] {strides = array<i32>} : memref<6400xi32, #tpu.memory_space<vmem>>, vector<16xi32>,
      %add3A_316 = arith.constant 32 : i32
      %add3A_317 = arith.addi %mul3A_259, %add3A_316 : i32
      %get3A_318 = arith.index_cast %add3A_317 : i32 to index
      %get3A_319 = tpu.vector_load %arg7[%get3A_318] {strides = array<i32>} : memref<6400xf32, #tpu.memory_space<vmem>>, vector<16xf32>,
      %eq3A_320 = arith.constant 0 : i32
      %eq3A_321 = vector.broadcast %eq3A_320 : i32 to vector<16xi32>
      %eq3A_322 = arith.cmpi eq, %get3A_315, %eq3A_321 : vector<16xi32>
      %ne3A_323 = arith.constant 1.000000e+00 : f32
      %ne3A_324 = vector.broadcast %ne3A_323 : f32 to vector<16xf32>
      %ne3A_325 = arith.cmpf one, %get3A_319, %ne3A_324 : vector<16xf32>
      %or3A_326 = arith.ori %eq3A_322, %ne3A_325 : vector<16xi1>
      %reduce_or3A_327 = arith.constant 1.000000e+00 : f32
      %reduce_or3A_328 = arith.constant 0.000000e+00 : f32
      %reduce_or3A_329 = vector.broadcast %reduce_or3A_327 : f32 to vector<16xf32>
      %reduce_or3A_330 = vector.broadcast %reduce_or3A_328 : f32 to vector<16xf32>
      %reduce_or3A_331 = arith.select %or3A_326, %reduce_or3A_329, %reduce_or3A_330 : vector<16xi1>, vector<16xf32>
      %reduce_or3A_332 = arith.constant true
      %reduce_or3A_333 = vector.broadcast %reduce_or3A_332 : i1 to vector<16xi1>
      %reduce_or3A_334 = tpu.scan <max>, %reduce_or3A_331 masked %reduce_or3A_333 : vector<16xf32>, vector<16xi1> -> vector<16xf32>
      %reduce_or3A_335 = vector.extract %reduce_or3A_334[15] : f32 from vector<16xf32>
      %reduce_or3A_336 = arith.constant 0.000000e+00 : f32
      %reduce_or3A_337 = arith.cmpf ogt, %reduce_or3A_335, %reduce_or3A_336 : f32
      %add3A_338 = arith.constant 48 : i32
      %add3A_339 = arith.addi %mul3A_259, %add3A_338 : i32
      %get3A_340 = arith.index_cast %add3A_339 : i32 to index
      %get3A_341 = tpu.vector_load %arg6[%get3A_340] {strides = array<i32>} : memref<6400xi32, #tpu.memory_space<vmem>>, vector<16xi32>,
      %add3A_342 = arith.constant 48 : i32
      %add3A_343 = arith.addi %mul3A_259, %add3A_342 : i32
      %get3A_344 = arith.index_cast %add3A_343 : i32 to index
      %get3A_345 = tpu.vector_load %arg7[%get3A_344] {strides = array<i32>} : memref<6400xf32, #tpu.memory_space<vmem>>, vector<16xf32>,
      %eq3A_346 = arith.constant 0 : i32
      %eq3A_347 = vector.broadcast %eq3A_346 : i32 to vector<16xi32>
      %eq3A_348 = arith.cmpi eq, %get3A_341, %eq3A_347 : vector<16xi32>
      %ne3A_349 = arith.constant 1.000000e+00 : f32
      %ne3A_350 = vector.broadcast %ne3A_349 : f32 to vector<16xf32>
      %ne3A_351 = arith.cmpf one, %get3A_345, %ne3A_350 : vector<16xf32>
      %or3A_352 = arith.ori %eq3A_348, %ne3A_351 : vector<16xi1>
      %reduce_or3A_353 = arith.constant 1.000000e+00 : f32
      %reduce_or3A_354 = arith.constant 0.000000e+00 : f32
      %reduce_or3A_355 = vector.broadcast %reduce_or3A_353 : f32 to vector<16xf32>
      %reduce_or3A_356 = vector.broadcast %reduce_or3A_354 : f32 to vector<16xf32>
      %reduce_or3A_357 = arith.select %or3A_352, %reduce_or3A_355, %reduce_or3A_356 : vector<16xi1>, vector<16xf32>
      %reduce_or3A_358 = arith.constant true
      %reduce_or3A_359 = vector.broadcast %reduce_or3A_358 : i1 to vector<16xi1>
      %reduce_or3A_360 = tpu.scan <max>, %reduce_or3A_357 masked %reduce_or3A_359 : vector<16xf32>, vector<16xi1> -> vector<16xf32>
      %reduce_or3A_361 = vector.extract %reduce_or3A_360[15] : f32 from vector<16xf32>
      %reduce_or3A_362 = arith.constant 0.000000e+00 : f32
      %reduce_or3A_363 = arith.cmpf ogt, %reduce_or3A_361, %reduce_or3A_362 : f32
      %or3A_364 = arith.ori %reduce_or3A_285, %reduce_or3A_311 : i1
      %or3A_365 = arith.ori %or3A_364, %reduce_or3A_337 : i1
      %or3A_366 = arith.ori %or3A_365, %reduce_or3A_363 : i1
      %mul3A_367 = arith.constant 64 : i32
      %mul3A_368 = arith.muli %add3A_248, %mul3A_367 : i32
      %dma_wait3A_369 = tpu.memref_slice %arg6[%mul3A_368] : memref<6400xi32, #tpu.memory_space<vmem>> -> memref<64xi32, #tpu.memory_space<vmem>>
      %dma_wait3A_370 = arith.constant 0 : i32
      %dma_wait3A_371 = arith.constant 0 : i32
      %dma_wait3A_372 = tpu.memref_slice %arg4[%dma_wait3A_370, %dma_wait3A_371] : memref<100000x128xf32, #tpu.memory_space<hbm>> -> memref<100000x128xf32, #tpu.memory_space<hbm>>
      tpu.wait_indirect_dma semaphore(%arg19 : memref<!tpu.dma_semaphore, #tpu.memory_space<semaphore_mem>>) src(%dma_wait3A_372 : memref<100000x128xf32, #tpu.memory_space<hbm>>) dst(%arg9 : memref<64x128xf32, #tpu.memory_space<vmem>>)
      %convert_element_type3A_373 = arith.extui %or3A_366 : i1 to i32
      %cond3A_374 = arith.constant 0 : i32
      %cond3A_375 = arith.cmpi ne, %convert_element_type3A_373, %cond3A_374 : i32
      scf.if %cond3A_375 {
        %scan3A_1487 = arith.constant 0 : i32
        %scan3A_1488 = arith.constant 0 : i32
        %scan3A_1489 = arith.constant 64 : i32
        %scan3A_1490 = arith.addi %scan3A_1488, %scan3A_1489 : i32
        %scan3A_1491 = arith.constant 1 : i32
        scf.for %scan3A_1493 = %scan3A_1488 to %scan3A_1490 step %scan3A_1491  : i32 {
          %add3A_1494 = arith.addi %mul3A_259, %scan3A_1493 : i32
          %broadcast_in_dim3A = vector.broadcast %add3A_1494 : i32 to vector<16xi32>
          %gather3A = tpu.vector_load_idx %arg6[%broadcast_in_dim3A] : memref<6400xi32, #tpu.memory_space<vmem>>[vector<16xi32>], vector<16xi32>,
          %gather3A_1495 = tpu.vector_load_idx %arg7[%broadcast_in_dim3A] : memref<6400xf32, #tpu.memory_space<vmem>>[vector<16xi32>], vector<16xf32>,
          %eq3A_1496 = arith.constant 0 : i32
          %eq3A_1497 = vector.broadcast %eq3A_1496 : i32 to vector<16xi32>
          %eq3A_1498 = arith.cmpi eq, %gather3A, %eq3A_1497 : vector<16xi32>
          %broadcast_in_dim3A_1499 = arith.constant 0.000000e+00 : f32
          %broadcast_in_dim3A_1500 = vector.broadcast %broadcast_in_dim3A_1499 : f32 to vector<16xf32>
          %select_n3A = arith.select %eq3A_1498, %broadcast_in_dim3A_1500, %gather3A_1495 : vector<16xi1>, vector<16xf32>
          %get3A_1501 = arith.index_cast %scan3A_1493 : i32 to index
          %get3A_1502 = arith.constant 0 : index
          %get3A_1503 = tpu.vector_load %arg9[%get3A_1501, %get3A_1502] {strides = array<i32>} : memref<64x128xf32, #tpu.memory_space<vmem>>, vector<16xf32>,
          %mul3A_1504 = arith.mulf %get3A_1503, %select_n3A : vector<16xf32>
          %swap3A = arith.index_cast %scan3A_1493 : i32 to index
          %swap3A_1505 = arith.constant 0 : index
          %swap3A_1506 = tpu.vector_load %arg9[%swap3A, %swap3A_1505] {strides = array<i32>} : memref<64x128xf32, #tpu.memory_space<vmem>>, vector<16xf32>,
          tpu.vector_store %arg9[%swap3A, %swap3A_1505], %mul3A_1504 {strides = array<i32>} : memref<64x128xf32, #tpu.memory_space<vmem>>, vector<16xf32>,
          %get3A_1507 = arith.index_cast %scan3A_1493 : i32 to index
          %get3A_1508 = arith.constant 16 : index
          %get3A_1509 = tpu.vector_load %arg9[%get3A_1507, %get3A_1508] {strides = array<i32>} : memref<64x128xf32, #tpu.memory_space<vmem>>, vector<16xf32>,
          %mul3A_1510 = arith.mulf %get3A_1509, %select_n3A : vector<16xf32>
          %swap3A_1511 = arith.index_cast %scan3A_1493 : i32 to index
          %swap3A_1512 = arith.constant 16 : index
          %swap3A_1513 = tpu.vector_load %arg9[%swap3A_1511, %swap3A_1512] {strides = array<i32>} : memref<64x128xf32, #tpu.memory_space<vmem>>, vector<16xf32>,
          tpu.vector_store %arg9[%swap3A_1511, %swap3A_1512], %mul3A_1510 {strides = array<i32>} : memref<64x128xf32, #tpu.memory_space<vmem>>, vector<16xf32>,
          %get3A_1514 = arith.index_cast %scan3A_1493 : i32 to index
          %get3A_1515 = arith.constant 32 : index
          %get3A_1516 = tpu.vector_load %arg9[%get3A_1514, %get3A_1515] {strides = array<i32>} : memref<64x128xf32, #tpu.memory_space<vmem>>, vector<16xf32>,
          %mul3A_1517 = arith.mulf %get3A_1516, %select_n3A : vector<16xf32>
          %swap3A_1518 = arith.index_cast %scan3A_1493 : i32 to index
          %swap3A_1519 = arith.constant 32 : index
          %swap3A_1520 = tpu.vector_load %arg9[%swap3A_1518, %swap3A_1519] {strides = array<i32>} : memref<64x128xf32, #tpu.memory_space<vmem>>, vector<16xf32>,
          tpu.vector_store %arg9[%swap3A_1518, %swap3A_1519], %mul3A_1517 {strides = array<i32>} : memref<64x128xf32, #tpu.memory_space<vmem>>, vector<16xf32>,
          %get3A_1521 = arith.index_cast %scan3A_1493 : i32 to index
          %get3A_1522 = arith.constant 48 : index
          %get3A_1523 = tpu.vector_load %arg9[%get3A_1521, %get3A_1522] {strides = array<i32>} : memref<64x128xf32, #tpu.memory_space<vmem>>, vector<16xf32>,
          %mul3A_1524 = arith.mulf %get3A_1523, %select_n3A : vector<16xf32>
          %swap3A_1525 = arith.index_cast %scan3A_1493 : i32 to index
          %swap3A_1526 = arith.constant 48 : index
          %swap3A_1527 = tpu.vector_load %arg9[%swap3A_1525, %swap3A_1526] {strides = array<i32>} : memref<64x128xf32, #tpu.memory_space<vmem>>, vector<16xf32>,
          tpu.vector_store %arg9[%swap3A_1525, %swap3A_1526], %mul3A_1524 {strides = array<i32>} : memref<64x128xf32, #tpu.memory_space<vmem>>, vector<16xf32>,
          %get3A_1528 = arith.index_cast %scan3A_1493 : i32 to index
          %get3A_1529 = arith.constant 64 : index
          %get3A_1530 = tpu.vector_load %arg9[%get3A_1528, %get3A_1529] {strides = array<i32>} : memref<64x128xf32, #tpu.memory_space<vmem>>, vector<16xf32>,
          %mul3A_1531 = arith.mulf %get3A_1530, %select_n3A : vector<16xf32>
          %swap3A_1532 = arith.index_cast %scan3A_1493 : i32 to index
          %swap3A_1533 = arith.constant 64 : index
          %swap3A_1534 = tpu.vector_load %arg9[%swap3A_1532, %swap3A_1533] {strides = array<i32>} : memref<64x128xf32, #tpu.memory_space<vmem>>, vector<16xf32>,
          tpu.vector_store %arg9[%swap3A_1532, %swap3A_1533], %mul3A_1531 {strides = array<i32>} : memref<64x128xf32, #tpu.memory_space<vmem>>, vector<16xf32>,
          %get3A_1535 = arith.index_cast %scan3A_1493 : i32 to index
          %get3A_1536 = arith.constant 80 : index
          %get3A_1537 = tpu.vector_load %arg9[%get3A_1535, %get3A_1536] {strides = array<i32>} : memref<64x128xf32, #tpu.memory_space<vmem>>, vector<16xf32>,
          %mul3A_1538 = arith.mulf %get3A_1537, %select_n3A : vector<16xf32>
          %swap3A_1539 = arith.index_cast %scan3A_1493 : i32 to index
          %swap3A_1540 = arith.constant 80 : index
          %swap3A_1541 = tpu.vector_load %arg9[%swap3A_1539, %swap3A_1540] {strides = array<i32>} : memref<64x128xf32, #tpu.memory_space<vmem>>, vector<16xf32>,
          tpu.vector_store %arg9[%swap3A_1539, %swap3A_1540], %mul3A_1538 {strides = array<i32>} : memref<64x128xf32, #tpu.memory_space<vmem>>, vector<16xf32>,
          %get3A_1542 = arith.index_cast %scan3A_1493 : i32 to index
          %get3A_1543 = arith.constant 96 : index
          %get3A_1544 = tpu.vector_load %arg9[%get3A_1542, %get3A_1543] {strides = array<i32>} : memref<64x128xf32, #tpu.memory_space<vmem>>, vector<16xf32>,
          %mul3A_1545 = arith.mulf %get3A_1544, %select_n3A : vector<16xf32>
          %swap3A_1546 = arith.index_cast %scan3A_1493 : i32 to index
          %swap3A_1547 = arith.constant 96 : index
          %swap3A_1548 = tpu.vector_load %arg9[%swap3A_1546, %swap3A_1547] {strides = array<i32>} : memref<64x128xf32, #tpu.memory_space<vmem>>, vector<16xf32>,
          tpu.vector_store %arg9[%swap3A_1546, %swap3A_1547], %mul3A_1545 {strides = array<i32>} : memref<64x128xf32, #tpu.memory_space<vmem>>, vector<16xf32>,
          %get3A_1549 = arith.index_cast %scan3A_1493 : i32 to index
          %get3A_1550 = arith.constant 112 : index
          %get3A_1551 = tpu.vector_load %arg9[%get3A_1549, %get3A_1550] {strides = array<i32>} : memref<64x128xf32, #tpu.memory_space<vmem>>, vector<16xf32>,
          %mul3A_1552 = arith.mulf %get3A_1551, %select_n3A : vector<16xf32>
          %swap3A_1553 = arith.index_cast %scan3A_1493 : i32 to index
          %swap3A_1554 = arith.constant 112 : index
          %swap3A_1555 = tpu.vector_load %arg9[%swap3A_1553, %swap3A_1554] {strides = array<i32>} : memref<64x128xf32, #tpu.memory_space<vmem>>, vector<16xf32>,
          tpu.vector_store %arg9[%swap3A_1553, %swap3A_1554], %mul3A_1552 {strides = array<i32>} : memref<64x128xf32, #tpu.memory_space<vmem>>, vector<16xf32>,
        }
        %scan3A_1492 = arith.constant 64 : i32
      } else {
      }
      %mul3A_376 = arith.constant 64 : i32
      %mul3A_377 = arith.muli %add3A_248, %mul3A_376 : i32
      %add3A_378 = arith.addi %mul3A_2, %mul3A_377 : i32
      %dma_start3A_379 = arith.constant 0 : i32
      %dma_start3A_380 = tpu.memref_slice %arg5[%add3A_378, %dma_start3A_379] : memref<204800x128xf32, #tpu.memory_space<hbm>> -> memref<64x128xf32, #tpu.memory_space<hbm>>
      %dma_start3A_381 = arith.constant 0 : i32
      %dma_start3A_382 = tpu.memref_slice %arg5[%add3A_378, %dma_start3A_381] : memref<204800x128xf32, #tpu.memory_space<hbm>> -> memref<64x128xf32, #tpu.memory_space<hbm>>
      tpu.enqueue_dma source(%arg9 : memref<64x128xf32, #tpu.memory_space<vmem>>) target(%dma_start3A_382 : memref<64x128xf32, #tpu.memory_space<hbm>>) target_semaphore(%arg29 : memref<!tpu.dma_semaphore, #tpu.memory_space<semaphore_mem>>)
      %mul3A_383 = arith.constant 10 : i32
      %mul3A_384 = arith.muli %scan3A_115, %mul3A_383 : i32
      %add3A_385 = arith.constant 2 : i32
      %add3A_386 = arith.addi %mul3A_384, %add3A_385 : i32
      %add3A_387 = arith.constant 10 : i32
      %add3A_388 = arith.addi %add3A_386, %add3A_387 : i32
      %sub3A_389 = arith.constant 1 : i32
      %sub3A_390 = arith.subi %add3A_388, %sub3A_389 : i32
      %lt3A_391 = arith.constant 100 : i32
      %lt3A_392 = arith.cmpi slt, %sub3A_390, %lt3A_391 : i32
      %convert_element_type3A_393 = arith.extui %lt3A_392 : i1 to i32
      %cond3A_394 = arith.constant 0 : i32
      %cond3A_395 = arith.cmpi ne, %convert_element_type3A_393, %cond3A_394 : i32
      scf.if %cond3A_395 {
        %ge3A = arith.constant 10 : i32
        %ge3A_1487 = arith.cmpi sge, %sub3A_390, %ge3A : i32
        %convert_element_type3A_1488 = arith.extui %ge3A_1487 : i1 to i32
        %cond3A_1489 = arith.constant 0 : i32
        %cond3A_1490 = arith.cmpi ne, %convert_element_type3A_1488, %cond3A_1489 : i32
        scf.if %cond3A_1490 {
          %sub3A_1497 = arith.constant 10 : i32
          %sub3A_1498 = arith.subi %sub3A_390, %sub3A_1497 : i32
          %mul3A_1499 = arith.constant 64 : i32
          %mul3A_1500 = arith.muli %sub3A_1498, %mul3A_1499 : i32
          %add3A_1501 = arith.addi %mul3A_2, %mul3A_1500 : i32
          %dma_wait3A_1502 = arith.constant 0 : i32
          %dma_wait3A_1503 = tpu.memref_slice %arg5[%add3A_1501, %dma_wait3A_1502] : memref<204800x128xf32, #tpu.memory_space<hbm>> -> memref<64x128xf32, #tpu.memory_space<hbm>>
          %dma_wait3A_1504 = arith.constant 0 : i32
          %dma_wait3A_1505 = tpu.memref_slice %arg5[%add3A_1501, %dma_wait3A_1504] : memref<204800x128xf32, #tpu.memory_space<hbm>> -> memref<64x128xf32, #tpu.memory_space<hbm>>
          tpu.wait_dma2 semaphore(%arg29 : memref<!tpu.dma_semaphore, #tpu.memory_space<semaphore_mem>>) src(%arg9 : memref<64x128xf32, #tpu.memory_space<vmem>>) dst(%dma_wait3A_1505 : memref<64x128xf32, #tpu.memory_space<hbm>>)
        } else {
        }
        %mul3A_1491 = arith.constant 64 : i32
        %mul3A_1492 = arith.muli %sub3A_390, %mul3A_1491 : i32
        %dma_start3A_1493 = tpu.memref_slice %arg6[%mul3A_1492] : memref<6400xi32, #tpu.memory_space<vmem>> -> memref<64xi32, #tpu.memory_space<vmem>>
        %dma_start3A_1494 = arith.constant 0 : i32
        %dma_start3A_1495 = arith.constant 0 : i32
        %dma_start3A_1496 = tpu.memref_slice %arg4[%dma_start3A_1494, %dma_start3A_1495] : memref<100000x128xf32, #tpu.memory_space<hbm>> -> memref<100000x128xf32, #tpu.memory_space<hbm>>
        tpu.enqueue_indirect_dma source(%dma_start3A_1496 : memref<100000x128xf32, #tpu.memory_space<hbm>>) target(%arg9 : memref<64x128xf32, #tpu.memory_space<vmem>>) offsets(%dma_start3A_1493 : memref<64xi32, #tpu.memory_space<vmem>>) semaphore(%arg19 : memref<!tpu.dma_semaphore, #tpu.memory_space<semaphore_mem>>)
      } else {
      }
      %mul3A_396 = arith.constant 64 : i32
      %mul3A_397 = arith.muli %add3A_386, %mul3A_396 : i32
      %add3A_398 = arith.constant 0 : i32
      %add3A_399 = arith.addi %mul3A_397, %add3A_398 : i32
      %get3A_400 = arith.index_cast %add3A_399 : i32 to index
      %get3A_401 = tpu.vector_load %arg6[%get3A_400] {strides = array<i32>} : memref<6400xi32, #tpu.memory_space<vmem>>, vector<16xi32>,
      %add3A_402 = arith.constant 0 : i32
      %add3A_403 = arith.addi %mul3A_397, %add3A_402 : i32
      %get3A_404 = arith.index_cast %add3A_403 : i32 to index
      %get3A_405 = tpu.vector_load %arg7[%get3A_404] {strides = array<i32>} : memref<6400xf32, #tpu.memory_space<vmem>>, vector<16xf32>,
      %eq3A_406 = arith.constant 0 : i32
      %eq3A_407 = vector.broadcast %eq3A_406 : i32 to vector<16xi32>
      %eq3A_408 = arith.cmpi eq, %get3A_401, %eq3A_407 : vector<16xi32>
      %ne3A_409 = arith.constant 1.000000e+00 : f32
      %ne3A_410 = vector.broadcast %ne3A_409 : f32 to vector<16xf32>
      %ne3A_411 = arith.cmpf one, %get3A_405, %ne3A_410 : vector<16xf32>
      %or3A_412 = arith.ori %eq3A_408, %ne3A_411 : vector<16xi1>
      %reduce_or3A_413 = arith.constant 1.000000e+00 : f32
      %reduce_or3A_414 = arith.constant 0.000000e+00 : f32
      %reduce_or3A_415 = vector.broadcast %reduce_or3A_413 : f32 to vector<16xf32>
      %reduce_or3A_416 = vector.broadcast %reduce_or3A_414 : f32 to vector<16xf32>
      %reduce_or3A_417 = arith.select %or3A_412, %reduce_or3A_415, %reduce_or3A_416 : vector<16xi1>, vector<16xf32>
      %reduce_or3A_418 = arith.constant true
      %reduce_or3A_419 = vector.broadcast %reduce_or3A_418 : i1 to vector<16xi1>
      %reduce_or3A_420 = tpu.scan <max>, %reduce_or3A_417 masked %reduce_or3A_419 : vector<16xf32>, vector<16xi1> -> vector<16xf32>
      %reduce_or3A_421 = vector.extract %reduce_or3A_420[15] : f32 from vector<16xf32>
      %reduce_or3A_422 = arith.constant 0.000000e+00 : f32
      %reduce_or3A_423 = arith.cmpf ogt, %reduce_or3A_421, %reduce_or3A_422 : f32
      %add3A_424 = arith.constant 16 : i32
      %add3A_425 = arith.addi %mul3A_397, %add3A_424 : i32
      %get3A_426 = arith.index_cast %add3A_425 : i32 to index
      %get3A_427 = tpu.vector_load %arg6[%get3A_426] {strides = array<i32>} : memref<6400xi32, #tpu.memory_space<vmem>>, vector<16xi32>,
      %add3A_428 = arith.constant 16 : i32
      %add3A_429 = arith.addi %mul3A_397, %add3A_428 : i32
      %get3A_430 = arith.index_cast %add3A_429 : i32 to index
      %get3A_431 = tpu.vector_load %arg7[%get3A_430] {strides = array<i32>} : memref<6400xf32, #tpu.memory_space<vmem>>, vector<16xf32>,
      %eq3A_432 = arith.constant 0 : i32
      %eq3A_433 = vector.broadcast %eq3A_432 : i32 to vector<16xi32>
      %eq3A_434 = arith.cmpi eq, %get3A_427, %eq3A_433 : vector<16xi32>
      %ne3A_435 = arith.constant 1.000000e+00 : f32
      %ne3A_436 = vector.broadcast %ne3A_435 : f32 to vector<16xf32>
      %ne3A_437 = arith.cmpf one, %get3A_431, %ne3A_436 : vector<16xf32>
      %or3A_438 = arith.ori %eq3A_434, %ne3A_437 : vector<16xi1>
      %reduce_or3A_439 = arith.constant 1.000000e+00 : f32
      %reduce_or3A_440 = arith.constant 0.000000e+00 : f32
      %reduce_or3A_441 = vector.broadcast %reduce_or3A_439 : f32 to vector<16xf32>
      %reduce_or3A_442 = vector.broadcast %reduce_or3A_440 : f32 to vector<16xf32>
      %reduce_or3A_443 = arith.select %or3A_438, %reduce_or3A_441, %reduce_or3A_442 : vector<16xi1>, vector<16xf32>
      %reduce_or3A_444 = arith.constant true
      %reduce_or3A_445 = vector.broadcast %reduce_or3A_444 : i1 to vector<16xi1>
      %reduce_or3A_446 = tpu.scan <max>, %reduce_or3A_443 masked %reduce_or3A_445 : vector<16xf32>, vector<16xi1> -> vector<16xf32>
      %reduce_or3A_447 = vector.extract %reduce_or3A_446[15] : f32 from vector<16xf32>
      %reduce_or3A_448 = arith.constant 0.000000e+00 : f32
      %reduce_or3A_449 = arith.cmpf ogt, %reduce_or3A_447, %reduce_or3A_448 : f32
      %add3A_450 = arith.constant 32 : i32
      %add3A_451 = arith.addi %mul3A_397, %add3A_450 : i32
      %get3A_452 = arith.index_cast %add3A_451 : i32 to index
      %get3A_453 = tpu.vector_load %arg6[%get3A_452] {strides = array<i32>} : memref<6400xi32, #tpu.memory_space<vmem>>, vector<16xi32>,
      %add3A_454 = arith.constant 32 : i32
      %add3A_455 = arith.addi %mul3A_397, %add3A_454 : i32
      %get3A_456 = arith.index_cast %add3A_455 : i32 to index
      %get3A_457 = tpu.vector_load %arg7[%get3A_456] {strides = array<i32>} : memref<6400xf32, #tpu.memory_space<vmem>>, vector<16xf32>,
      %eq3A_458 = arith.constant 0 : i32
      %eq3A_459 = vector.broadcast %eq3A_458 : i32 to vector<16xi32>
      %eq3A_460 = arith.cmpi eq, %get3A_453, %eq3A_459 : vector<16xi32>
      %ne3A_461 = arith.constant 1.000000e+00 : f32
      %ne3A_462 = vector.broadcast %ne3A_461 : f32 to vector<16xf32>
      %ne3A_463 = arith.cmpf one, %get3A_457, %ne3A_462 : vector<16xf32>
      %or3A_464 = arith.ori %eq3A_460, %ne3A_463 : vector<16xi1>
      %reduce_or3A_465 = arith.constant 1.000000e+00 : f32
      %reduce_or3A_466 = arith.constant 0.000000e+00 : f32
      %reduce_or3A_467 = vector.broadcast %reduce_or3A_465 : f32 to vector<16xf32>
      %reduce_or3A_468 = vector.broadcast %reduce_or3A_466 : f32 to vector<16xf32>
      %reduce_or3A_469 = arith.select %or3A_464, %reduce_or3A_467, %reduce_or3A_468 : vector<16xi1>, vector<16xf32>
      %reduce_or3A_470 = arith.constant true
      %reduce_or3A_471 = vector.broadcast %reduce_or3A_470 : i1 to vector<16xi1>
      %reduce_or3A_472 = tpu.scan <max>, %reduce_or3A_469 masked %reduce_or3A_471 : vector<16xf32>, vector<16xi1> -> vector<16xf32>
      %reduce_or3A_473 = vector.extract %reduce_or3A_472[15] : f32 from vector<16xf32>
      %reduce_or3A_474 = arith.constant 0.000000e+00 : f32
      %reduce_or3A_475 = arith.cmpf ogt, %reduce_or3A_473, %reduce_or3A_474 : f32
      %add3A_476 = arith.constant 48 : i32
      %add3A_477 = arith.addi %mul3A_397, %add3A_476 : i32
      %get3A_478 = arith.index_cast %add3A_477 : i32 to index
      %get3A_479 = tpu.vector_load %arg6[%get3A_478] {strides = array<i32>} : memref<6400xi32, #tpu.memory_space<vmem>>, vector<16xi32>,
      %add3A_480 = arith.constant 48 : i32
      %add3A_481 = arith.addi %mul3A_397, %add3A_480 : i32
      %get3A_482 = arith.index_cast %add3A_481 : i32 to index
      %get3A_483 = tpu.vector_load %arg7[%get3A_482] {strides = array<i32>} : memref<6400xf32, #tpu.memory_space<vmem>>, vector<16xf32>,
      %eq3A_484 = arith.constant 0 : i32
      %eq3A_485 = vector.broadcast %eq3A_484 : i32 to vector<16xi32>
      %eq3A_486 = arith.cmpi eq, %get3A_479, %eq3A_485 : vector<16xi32>
      %ne3A_487 = arith.constant 1.000000e+00 : f32
      %ne3A_488 = vector.broadcast %ne3A_487 : f32 to vector<16xf32>
      %ne3A_489 = arith.cmpf one, %get3A_483, %ne3A_488 : vector<16xf32>
      %or3A_490 = arith.ori %eq3A_486, %ne3A_489 : vector<16xi1>
      %reduce_or3A_491 = arith.constant 1.000000e+00 : f32
      %reduce_or3A_492 = arith.constant 0.000000e+00 : f32
      %reduce_or3A_493 = vector.broadcast %reduce_or3A_491 : f32 to vector<16xf32>
      %reduce_or3A_494 = vector.broadcast %reduce_or3A_492 : f32 to vector<16xf32>
      %reduce_or3A_495 = arith.select %or3A_490, %reduce_or3A_493, %reduce_or3A_494 : vector<16xi1>, vector<16xf32>
      %reduce_or3A_496 = arith.constant true
      %reduce_or3A_497 = vector.broadcast %reduce_or3A_496 : i1 to vector<16xi1>
      %reduce_or3A_498 = tpu.scan <max>, %reduce_or3A_495 masked %reduce_or3A_497 : vector<16xf32>, vector<16xi1> -> vector<16xf32>
      %reduce_or3A_499 = vector.extract %reduce_or3A_498[15] : f32 from vector<16xf32>
      %reduce_or3A_500 = arith.constant 0.000000e+00 : f32
      %reduce_or3A_501 = arith.cmpf ogt, %reduce_or3A_499, %reduce_or3A_500 : f32
      %or3A_502 = arith.ori %reduce_or3A_423, %reduce_or3A_449 : i1
      %or3A_503 = arith.ori %or3A_502, %reduce_or3A_475 : i1
      %or3A_504 = arith.ori %or3A_503, %reduce_or3A_501 : i1
      %mul3A_505 = arith.constant 64 : i32
      %mul3A_506 = arith.muli %add3A_386, %mul3A_505 : i32
      %dma_wait3A_507 = tpu.memref_slice %arg6[%mul3A_506] : memref<6400xi32, #tpu.memory_space<vmem>> -> memref<64xi32, #tpu.memory_space<vmem>>
      %dma_wait3A_508 = arith.constant 0 : i32
      %dma_wait3A_509 = arith.constant 0 : i32
      %dma_wait3A_510 = tpu.memref_slice %arg4[%dma_wait3A_508, %dma_wait3A_509] : memref<100000x128xf32, #tpu.memory_space<hbm>> -> memref<100000x128xf32, #tpu.memory_space<hbm>>
      tpu.wait_indirect_dma semaphore(%arg20 : memref<!tpu.dma_semaphore, #tpu.memory_space<semaphore_mem>>) src(%dma_wait3A_510 : memref<100000x128xf32, #tpu.memory_space<hbm>>) dst(%arg10 : memref<64x128xf32, #tpu.memory_space<vmem>>)
      %convert_element_type3A_511 = arith.extui %or3A_504 : i1 to i32
      %cond3A_512 = arith.constant 0 : i32
      %cond3A_513 = arith.cmpi ne, %convert_element_type3A_511, %cond3A_512 : i32
      scf.if %cond3A_513 {
        %scan3A_1487 = arith.constant 0 : i32
        %scan3A_1488 = arith.constant 0 : i32
        %scan3A_1489 = arith.constant 64 : i32
        %scan3A_1490 = arith.addi %scan3A_1488, %scan3A_1489 : i32
        %scan3A_1491 = arith.constant 1 : i32
        scf.for %scan3A_1493 = %scan3A_1488 to %scan3A_1490 step %scan3A_1491  : i32 {
          %add3A_1494 = arith.addi %mul3A_397, %scan3A_1493 : i32
          %broadcast_in_dim3A = vector.broadcast %add3A_1494 : i32 to vector<16xi32>
          %gather3A = tpu.vector_load_idx %arg6[%broadcast_in_dim3A] : memref<6400xi32, #tpu.memory_space<vmem>>[vector<16xi32>], vector<16xi32>,
          %gather3A_1495 = tpu.vector_load_idx %arg7[%broadcast_in_dim3A] : memref<6400xf32, #tpu.memory_space<vmem>>[vector<16xi32>], vector<16xf32>,
          %eq3A_1496 = arith.constant 0 : i32
          %eq3A_1497 = vector.broadcast %eq3A_1496 : i32 to vector<16xi32>
          %eq3A_1498 = arith.cmpi eq, %gather3A, %eq3A_1497 : vector<16xi32>
          %broadcast_in_dim3A_1499 = arith.constant 0.000000e+00 : f32
          %broadcast_in_dim3A_1500 = vector.broadcast %broadcast_in_dim3A_1499 : f32 to vector<16xf32>
          %select_n3A = arith.select %eq3A_1498, %broadcast_in_dim3A_1500, %gather3A_1495 : vector<16xi1>, vector<16xf32>
          %get3A_1501 = arith.index_cast %scan3A_1493 : i32 to index
          %get3A_1502 = arith.constant 0 : index
          %get3A_1503 = tpu.vector_load %arg10[%get3A_1501, %get3A_1502] {strides = array<i32>} : memref<64x128xf32, #tpu.memory_space<vmem>>, vector<16xf32>,
          %mul3A_1504 = arith.mulf %get3A_1503, %select_n3A : vector<16xf32>
          %swap3A = arith.index_cast %scan3A_1493 : i32 to index
          %swap3A_1505 = arith.constant 0 : index
          %swap3A_1506 = tpu.vector_load %arg10[%swap3A, %swap3A_1505] {strides = array<i32>} : memref<64x128xf32, #tpu.memory_space<vmem>>, vector<16xf32>,
          tpu.vector_store %arg10[%swap3A, %swap3A_1505], %mul3A_1504 {strides = array<i32>} : memref<64x128xf32, #tpu.memory_space<vmem>>, vector<16xf32>,
          %get3A_1507 = arith.index_cast %scan3A_1493 : i32 to index
          %get3A_1508 = arith.constant 16 : index
          %get3A_1509 = tpu.vector_load %arg10[%get3A_1507, %get3A_1508] {strides = array<i32>} : memref<64x128xf32, #tpu.memory_space<vmem>>, vector<16xf32>,
          %mul3A_1510 = arith.mulf %get3A_1509, %select_n3A : vector<16xf32>
          %swap3A_1511 = arith.index_cast %scan3A_1493 : i32 to index
          %swap3A_1512 = arith.constant 16 : index
          %swap3A_1513 = tpu.vector_load %arg10[%swap3A_1511, %swap3A_1512] {strides = array<i32>} : memref<64x128xf32, #tpu.memory_space<vmem>>, vector<16xf32>,
          tpu.vector_store %arg10[%swap3A_1511, %swap3A_1512], %mul3A_1510 {strides = array<i32>} : memref<64x128xf32, #tpu.memory_space<vmem>>, vector<16xf32>,
          %get3A_1514 = arith.index_cast %scan3A_1493 : i32 to index
          %get3A_1515 = arith.constant 32 : index
          %get3A_1516 = tpu.vector_load %arg10[%get3A_1514, %get3A_1515] {strides = array<i32>} : memref<64x128xf32, #tpu.memory_space<vmem>>, vector<16xf32>,
          %mul3A_1517 = arith.mulf %get3A_1516, %select_n3A : vector<16xf32>
          %swap3A_1518 = arith.index_cast %scan3A_1493 : i32 to index
          %swap3A_1519 = arith.constant 32 : index
          %swap3A_1520 = tpu.vector_load %arg10[%swap3A_1518, %swap3A_1519] {strides = array<i32>} : memref<64x128xf32, #tpu.memory_space<vmem>>, vector<16xf32>,
          tpu.vector_store %arg10[%swap3A_1518, %swap3A_1519], %mul3A_1517 {strides = array<i32>} : memref<64x128xf32, #tpu.memory_space<vmem>>, vector<16xf32>,
          %get3A_1521 = arith.index_cast %scan3A_1493 : i32 to index
          %get3A_1522 = arith.constant 48 : index
          %get3A_1523 = tpu.vector_load %arg10[%get3A_1521, %get3A_1522] {strides = array<i32>} : memref<64x128xf32, #tpu.memory_space<vmem>>, vector<16xf32>,
          %mul3A_1524 = arith.mulf %get3A_1523, %select_n3A : vector<16xf32>
          %swap3A_1525 = arith.index_cast %scan3A_1493 : i32 to index
          %swap3A_1526 = arith.constant 48 : index
          %swap3A_1527 = tpu.vector_load %arg10[%swap3A_1525, %swap3A_1526] {strides = array<i32>} : memref<64x128xf32, #tpu.memory_space<vmem>>, vector<16xf32>,
          tpu.vector_store %arg10[%swap3A_1525, %swap3A_1526], %mul3A_1524 {strides = array<i32>} : memref<64x128xf32, #tpu.memory_space<vmem>>, vector<16xf32>,
          %get3A_1528 = arith.index_cast %scan3A_1493 : i32 to index
          %get3A_1529 = arith.constant 64 : index
          %get3A_1530 = tpu.vector_load %arg10[%get3A_1528, %get3A_1529] {strides = array<i32>} : memref<64x128xf32, #tpu.memory_space<vmem>>, vector<16xf32>,
          %mul3A_1531 = arith.mulf %get3A_1530, %select_n3A : vector<16xf32>
          %swap3A_1532 = arith.index_cast %scan3A_1493 : i32 to index
          %swap3A_1533 = arith.constant 64 : index
          %swap3A_1534 = tpu.vector_load %arg10[%swap3A_1532, %swap3A_1533] {strides = array<i32>} : memref<64x128xf32, #tpu.memory_space<vmem>>, vector<16xf32>,
          tpu.vector_store %arg10[%swap3A_1532, %swap3A_1533], %mul3A_1531 {strides = array<i32>} : memref<64x128xf32, #tpu.memory_space<vmem>>, vector<16xf32>,
          %get3A_1535 = arith.index_cast %scan3A_1493 : i32 to index
          %get3A_1536 = arith.constant 80 : index
          %get3A_1537 = tpu.vector_load %arg10[%get3A_1535, %get3A_1536] {strides = array<i32>} : memref<64x128xf32, #tpu.memory_space<vmem>>, vector<16xf32>,
          %mul3A_1538 = arith.mulf %get3A_1537, %select_n3A : vector<16xf32>
          %swap3A_1539 = arith.index_cast %scan3A_1493 : i32 to index
          %swap3A_1540 = arith.constant 80 : index
          %swap3A_1541 = tpu.vector_load %arg10[%swap3A_1539, %swap3A_1540] {strides = array<i32>} : memref<64x128xf32, #tpu.memory_space<vmem>>, vector<16xf32>,
          tpu.vector_store %arg10[%swap3A_1539, %swap3A_1540], %mul3A_1538 {strides = array<i32>} : memref<64x128xf32, #tpu.memory_space<vmem>>, vector<16xf32>,
          %get3A_1542 = arith.index_cast %scan3A_1493 : i32 to index
          %get3A_1543 = arith.constant 96 : index
          %get3A_1544 = tpu.vector_load %arg10[%get3A_1542, %get3A_1543] {strides = array<i32>} : memref<64x128xf32, #tpu.memory_space<vmem>>, vector<16xf32>,
          %mul3A_1545 = arith.mulf %get3A_1544, %select_n3A : vector<16xf32>
          %swap3A_1546 = arith.index_cast %scan3A_1493 : i32 to index
          %swap3A_1547 = arith.constant 96 : index
          %swap3A_1548 = tpu.vector_load %arg10[%swap3A_1546, %swap3A_1547] {strides = array<i32>} : memref<64x128xf32, #tpu.memory_space<vmem>>, vector<16xf32>,
          tpu.vector_store %arg10[%swap3A_1546, %swap3A_1547], %mul3A_1545 {strides = array<i32>} : memref<64x128xf32, #tpu.memory_space<vmem>>, vector<16xf32>,
          %get3A_1549 = arith.index_cast %scan3A_1493 : i32 to index
          %get3A_1550 = arith.constant 112 : index
          %get3A_1551 = tpu.vector_load %arg10[%get3A_1549, %get3A_1550] {strides = array<i32>} : memref<64x128xf32, #tpu.memory_space<vmem>>, vector<16xf32>,
          %mul3A_1552 = arith.mulf %get3A_1551, %select_n3A : vector<16xf32>
          %swap3A_1553 = arith.index_cast %scan3A_1493 : i32 to index
          %swap3A_1554 = arith.constant 112 : index
          %swap3A_1555 = tpu.vector_load %arg10[%swap3A_1553, %swap3A_1554] {strides = array<i32>} : memref<64x128xf32, #tpu.memory_space<vmem>>, vector<16xf32>,
          tpu.vector_store %arg10[%swap3A_1553, %swap3A_1554], %mul3A_1552 {strides = array<i32>} : memref<64x128xf32, #tpu.memory_space<vmem>>, vector<16xf32>,
        }
        %scan3A_1492 = arith.constant 64 : i32
      } else {
      }
      %mul3A_514 = arith.constant 64 : i32
      %mul3A_515 = arith.muli %add3A_386, %mul3A_514 : i32
      %add3A_516 = arith.addi %mul3A_2, %mul3A_515 : i32
      %dma_start3A_517 = arith.constant 0 : i32
      %dma_start3A_518 = tpu.memref_slice %arg5[%add3A_516, %dma_start3A_517] : memref<204800x128xf32, #tpu.memory_space<hbm>> -> memref<64x128xf32, #tpu.memory_space<hbm>>
      %dma_start3A_519 = arith.constant 0 : i32
      %dma_start3A_520 = tpu.memref_slice %arg5[%add3A_516, %dma_start3A_519] : memref<204800x128xf32, #tpu.memory_space<hbm>> -> memref<64x128xf32, #tpu.memory_space<hbm>>
      tpu.enqueue_dma source(%arg10 : memref<64x128xf32, #tpu.memory_space<vmem>>) target(%dma_start3A_520 : memref<64x128xf32, #tpu.memory_space<hbm>>) target_semaphore(%arg30 : memref<!tpu.dma_semaphore, #tpu.memory_space<semaphore_mem>>)
      %mul3A_521 = arith.constant 10 : i32
      %mul3A_522 = arith.muli %scan3A_115, %mul3A_521 : i32
      %add3A_523 = arith.constant 3 : i32
      %add3A_524 = arith.addi %mul3A_522, %add3A_523 : i32
      %add3A_525 = arith.constant 10 : i32
      %add3A_526 = arith.addi %add3A_524, %add3A_525 : i32
      %sub3A_527 = arith.constant 1 : i32
      %sub3A_528 = arith.subi %add3A_526, %sub3A_527 : i32
      %lt3A_529 = arith.constant 100 : i32
      %lt3A_530 = arith.cmpi slt, %sub3A_528, %lt3A_529 : i32
      %convert_element_type3A_531 = arith.extui %lt3A_530 : i1 to i32
      %cond3A_532 = arith.constant 0 : i32
      %cond3A_533 = arith.cmpi ne, %convert_element_type3A_531, %cond3A_532 : i32
      scf.if %cond3A_533 {
        %ge3A = arith.constant 10 : i32
        %ge3A_1487 = arith.cmpi sge, %sub3A_528, %ge3A : i32
        %convert_element_type3A_1488 = arith.extui %ge3A_1487 : i1 to i32
        %cond3A_1489 = arith.constant 0 : i32
        %cond3A_1490 = arith.cmpi ne, %convert_element_type3A_1488, %cond3A_1489 : i32
        scf.if %cond3A_1490 {
          %sub3A_1497 = arith.constant 10 : i32
          %sub3A_1498 = arith.subi %sub3A_528, %sub3A_1497 : i32
          %mul3A_1499 = arith.constant 64 : i32
          %mul3A_1500 = arith.muli %sub3A_1498, %mul3A_1499 : i32
          %add3A_1501 = arith.addi %mul3A_2, %mul3A_1500 : i32
          %dma_wait3A_1502 = arith.constant 0 : i32
          %dma_wait3A_1503 = tpu.memref_slice %arg5[%add3A_1501, %dma_wait3A_1502] : memref<204800x128xf32, #tpu.memory_space<hbm>> -> memref<64x128xf32, #tpu.memory_space<hbm>>
          %dma_wait3A_1504 = arith.constant 0 : i32
          %dma_wait3A_1505 = tpu.memref_slice %arg5[%add3A_1501, %dma_wait3A_1504] : memref<204800x128xf32, #tpu.memory_space<hbm>> -> memref<64x128xf32, #tpu.memory_space<hbm>>
          tpu.wait_dma2 semaphore(%arg30 : memref<!tpu.dma_semaphore, #tpu.memory_space<semaphore_mem>>) src(%arg10 : memref<64x128xf32, #tpu.memory_space<vmem>>) dst(%dma_wait3A_1505 : memref<64x128xf32, #tpu.memory_space<hbm>>)
        } else {
        }
        %mul3A_1491 = arith.constant 64 : i32
        %mul3A_1492 = arith.muli %sub3A_528, %mul3A_1491 : i32
        %dma_start3A_1493 = tpu.memref_slice %arg6[%mul3A_1492] : memref<6400xi32, #tpu.memory_space<vmem>> -> memref<64xi32, #tpu.memory_space<vmem>>
        %dma_start3A_1494 = arith.constant 0 : i32
        %dma_start3A_1495 = arith.constant 0 : i32
        %dma_start3A_1496 = tpu.memref_slice %arg4[%dma_start3A_1494, %dma_start3A_1495] : memref<100000x128xf32, #tpu.memory_space<hbm>> -> memref<100000x128xf32, #tpu.memory_space<hbm>>
        tpu.enqueue_indirect_dma source(%dma_start3A_1496 : memref<100000x128xf32, #tpu.memory_space<hbm>>) target(%arg10 : memref<64x128xf32, #tpu.memory_space<vmem>>) offsets(%dma_start3A_1493 : memref<64xi32, #tpu.memory_space<vmem>>) semaphore(%arg20 : memref<!tpu.dma_semaphore, #tpu.memory_space<semaphore_mem>>)
      } else {
      }
      %mul3A_534 = arith.constant 64 : i32
      %mul3A_535 = arith.muli %add3A_524, %mul3A_534 : i32
      %add3A_536 = arith.constant 0 : i32
      %add3A_537 = arith.addi %mul3A_535, %add3A_536 : i32
      %get3A_538 = arith.index_cast %add3A_537 : i32 to index
      %get3A_539 = tpu.vector_load %arg6[%get3A_538] {strides = array<i32>} : memref<6400xi32, #tpu.memory_space<vmem>>, vector<16xi32>,
      %add3A_540 = arith.constant 0 : i32
      %add3A_541 = arith.addi %mul3A_535, %add3A_540 : i32
      %get3A_542 = arith.index_cast %add3A_541 : i32 to index
      %get3A_543 = tpu.vector_load %arg7[%get3A_542] {strides = array<i32>} : memref<6400xf32, #tpu.memory_space<vmem>>, vector<16xf32>,
      %eq3A_544 = arith.constant 0 : i32
      %eq3A_545 = vector.broadcast %eq3A_544 : i32 to vector<16xi32>
      %eq3A_546 = arith.cmpi eq, %get3A_539, %eq3A_545 : vector<16xi32>
      %ne3A_547 = arith.constant 1.000000e+00 : f32
      %ne3A_548 = vector.broadcast %ne3A_547 : f32 to vector<16xf32>
      %ne3A_549 = arith.cmpf one, %get3A_543, %ne3A_548 : vector<16xf32>
      %or3A_550 = arith.ori %eq3A_546, %ne3A_549 : vector<16xi1>
      %reduce_or3A_551 = arith.constant 1.000000e+00 : f32
      %reduce_or3A_552 = arith.constant 0.000000e+00 : f32
      %reduce_or3A_553 = vector.broadcast %reduce_or3A_551 : f32 to vector<16xf32>
      %reduce_or3A_554 = vector.broadcast %reduce_or3A_552 : f32 to vector<16xf32>
      %reduce_or3A_555 = arith.select %or3A_550, %reduce_or3A_553, %reduce_or3A_554 : vector<16xi1>, vector<16xf32>
      %reduce_or3A_556 = arith.constant true
      %reduce_or3A_557 = vector.broadcast %reduce_or3A_556 : i1 to vector<16xi1>
      %reduce_or3A_558 = tpu.scan <max>, %reduce_or3A_555 masked %reduce_or3A_557 : vector<16xf32>, vector<16xi1> -> vector<16xf32>
      %reduce_or3A_559 = vector.extract %reduce_or3A_558[15] : f32 from vector<16xf32>
      %reduce_or3A_560 = arith.constant 0.000000e+00 : f32
      %reduce_or3A_561 = arith.cmpf ogt, %reduce_or3A_559, %reduce_or3A_560 : f32
      %add3A_562 = arith.constant 16 : i32
      %add3A_563 = arith.addi %mul3A_535, %add3A_562 : i32
      %get3A_564 = arith.index_cast %add3A_563 : i32 to index
      %get3A_565 = tpu.vector_load %arg6[%get3A_564] {strides = array<i32>} : memref<6400xi32, #tpu.memory_space<vmem>>, vector<16xi32>,
      %add3A_566 = arith.constant 16 : i32
      %add3A_567 = arith.addi %mul3A_535, %add3A_566 : i32
      %get3A_568 = arith.index_cast %add3A_567 : i32 to index
      %get3A_569 = tpu.vector_load %arg7[%get3A_568] {strides = array<i32>} : memref<6400xf32, #tpu.memory_space<vmem>>, vector<16xf32>,
      %eq3A_570 = arith.constant 0 : i32
      %eq3A_571 = vector.broadcast %eq3A_570 : i32 to vector<16xi32>
      %eq3A_572 = arith.cmpi eq, %get3A_565, %eq3A_571 : vector<16xi32>
      %ne3A_573 = arith.constant 1.000000e+00 : f32
      %ne3A_574 = vector.broadcast %ne3A_573 : f32 to vector<16xf32>
      %ne3A_575 = arith.cmpf one, %get3A_569, %ne3A_574 : vector<16xf32>
      %or3A_576 = arith.ori %eq3A_572, %ne3A_575 : vector<16xi1>
      %reduce_or3A_577 = arith.constant 1.000000e+00 : f32
      %reduce_or3A_578 = arith.constant 0.000000e+00 : f32
      %reduce_or3A_579 = vector.broadcast %reduce_or3A_577 : f32 to vector<16xf32>
      %reduce_or3A_580 = vector.broadcast %reduce_or3A_578 : f32 to vector<16xf32>
      %reduce_or3A_581 = arith.select %or3A_576, %reduce_or3A_579, %reduce_or3A_580 : vector<16xi1>, vector<16xf32>
      %reduce_or3A_582 = arith.constant true
      %reduce_or3A_583 = vector.broadcast %reduce_or3A_582 : i1 to vector<16xi1>
      %reduce_or3A_584 = tpu.scan <max>, %reduce_or3A_581 masked %reduce_or3A_583 : vector<16xf32>, vector<16xi1> -> vector<16xf32>
      %reduce_or3A_585 = vector.extract %reduce_or3A_584[15] : f32 from vector<16xf32>
      %reduce_or3A_586 = arith.constant 0.000000e+00 : f32
      %reduce_or3A_587 = arith.cmpf ogt, %reduce_or3A_585, %reduce_or3A_586 : f32
      %add3A_588 = arith.constant 32 : i32
      %add3A_589 = arith.addi %mul3A_535, %add3A_588 : i32
      %get3A_590 = arith.index_cast %add3A_589 : i32 to index
      %get3A_591 = tpu.vector_load %arg6[%get3A_590] {strides = array<i32>} : memref<6400xi32, #tpu.memory_space<vmem>>, vector<16xi32>,
      %add3A_592 = arith.constant 32 : i32
      %add3A_593 = arith.addi %mul3A_535, %add3A_592 : i32
      %get3A_594 = arith.index_cast %add3A_593 : i32 to index
      %get3A_595 = tpu.vector_load %arg7[%get3A_594] {strides = array<i32>} : memref<6400xf32, #tpu.memory_space<vmem>>, vector<16xf32>,
      %eq3A_596 = arith.constant 0 : i32
      %eq3A_597 = vector.broadcast %eq3A_596 : i32 to vector<16xi32>
      %eq3A_598 = arith.cmpi eq, %get3A_591, %eq3A_597 : vector<16xi32>
      %ne3A_599 = arith.constant 1.000000e+00 : f32
      %ne3A_600 = vector.broadcast %ne3A_599 : f32 to vector<16xf32>
      %ne3A_601 = arith.cmpf one, %get3A_595, %ne3A_600 : vector<16xf32>
      %or3A_602 = arith.ori %eq3A_598, %ne3A_601 : vector<16xi1>
      %reduce_or3A_603 = arith.constant 1.000000e+00 : f32
      %reduce_or3A_604 = arith.constant 0.000000e+00 : f32
      %reduce_or3A_605 = vector.broadcast %reduce_or3A_603 : f32 to vector<16xf32>
      %reduce_or3A_606 = vector.broadcast %reduce_or3A_604 : f32 to vector<16xf32>
      %reduce_or3A_607 = arith.select %or3A_602, %reduce_or3A_605, %reduce_or3A_606 : vector<16xi1>, vector<16xf32>
      %reduce_or3A_608 = arith.constant true
      %reduce_or3A_609 = vector.broadcast %reduce_or3A_608 : i1 to vector<16xi1>
      %reduce_or3A_610 = tpu.scan <max>, %reduce_or3A_607 masked %reduce_or3A_609 : vector<16xf32>, vector<16xi1> -> vector<16xf32>
      %reduce_or3A_611 = vector.extract %reduce_or3A_610[15] : f32 from vector<16xf32>
      %reduce_or3A_612 = arith.constant 0.000000e+00 : f32
      %reduce_or3A_613 = arith.cmpf ogt, %reduce_or3A_611, %reduce_or3A_612 : f32
      %add3A_614 = arith.constant 48 : i32
      %add3A_615 = arith.addi %mul3A_535, %add3A_614 : i32
      %get3A_616 = arith.index_cast %add3A_615 : i32 to index
      %get3A_617 = tpu.vector_load %arg6[%get3A_616] {strides = array<i32>} : memref<6400xi32, #tpu.memory_space<vmem>>, vector<16xi32>,
      %add3A_618 = arith.constant 48 : i32
      %add3A_619 = arith.addi %mul3A_535, %add3A_618 : i32
      %get3A_620 = arith.index_cast %add3A_619 : i32 to index
      %get3A_621 = tpu.vector_load %arg7[%get3A_620] {strides = array<i32>} : memref<6400xf32, #tpu.memory_space<vmem>>, vector<16xf32>,
      %eq3A_622 = arith.constant 0 : i32
      %eq3A_623 = vector.broadcast %eq3A_622 : i32 to vector<16xi32>
      %eq3A_624 = arith.cmpi eq, %get3A_617, %eq3A_623 : vector<16xi32>
      %ne3A_625 = arith.constant 1.000000e+00 : f32
      %ne3A_626 = vector.broadcast %ne3A_625 : f32 to vector<16xf32>
      %ne3A_627 = arith.cmpf one, %get3A_621, %ne3A_626 : vector<16xf32>
      %or3A_628 = arith.ori %eq3A_624, %ne3A_627 : vector<16xi1>
      %reduce_or3A_629 = arith.constant 1.000000e+00 : f32
      %reduce_or3A_630 = arith.constant 0.000000e+00 : f32
      %reduce_or3A_631 = vector.broadcast %reduce_or3A_629 : f32 to vector<16xf32>
      %reduce_or3A_632 = vector.broadcast %reduce_or3A_630 : f32 to vector<16xf32>
      %reduce_or3A_633 = arith.select %or3A_628, %reduce_or3A_631, %reduce_or3A_632 : vector<16xi1>, vector<16xf32>
      %reduce_or3A_634 = arith.constant true
      %reduce_or3A_635 = vector.broadcast %reduce_or3A_634 : i1 to vector<16xi1>
      %reduce_or3A_636 = tpu.scan <max>, %reduce_or3A_633 masked %reduce_or3A_635 : vector<16xf32>, vector<16xi1> -> vector<16xf32>
      %reduce_or3A_637 = vector.extract %reduce_or3A_636[15] : f32 from vector<16xf32>
      %reduce_or3A_638 = arith.constant 0.000000e+00 : f32
      %reduce_or3A_639 = arith.cmpf ogt, %reduce_or3A_637, %reduce_or3A_638 : f32
      %or3A_640 = arith.ori %reduce_or3A_561, %reduce_or3A_587 : i1
      %or3A_641 = arith.ori %or3A_640, %reduce_or3A_613 : i1
      %or3A_642 = arith.ori %or3A_641, %reduce_or3A_639 : i1
      %mul3A_643 = arith.constant 64 : i32
      %mul3A_644 = arith.muli %add3A_524, %mul3A_643 : i32
      %dma_wait3A_645 = tpu.memref_slice %arg6[%mul3A_644] : memref<6400xi32, #tpu.memory_space<vmem>> -> memref<64xi32, #tpu.memory_space<vmem>>
      %dma_wait3A_646 = arith.constant 0 : i32
      %dma_wait3A_647 = arith.constant 0 : i32
      %dma_wait3A_648 = tpu.memref_slice %arg4[%dma_wait3A_646, %dma_wait3A_647] : memref<100000x128xf32, #tpu.memory_space<hbm>> -> memref<100000x128xf32, #tpu.memory_space<hbm>>
      tpu.wait_indirect_dma semaphore(%arg21 : memref<!tpu.dma_semaphore, #tpu.memory_space<semaphore_mem>>) src(%dma_wait3A_648 : memref<100000x128xf32, #tpu.memory_space<hbm>>) dst(%arg11 : memref<64x128xf32, #tpu.memory_space<vmem>>)
      %convert_element_type3A_649 = arith.extui %or3A_642 : i1 to i32
      %cond3A_650 = arith.constant 0 : i32
      %cond3A_651 = arith.cmpi ne, %convert_element_type3A_649, %cond3A_650 : i32
      scf.if %cond3A_651 {
        %scan3A_1487 = arith.constant 0 : i32
        %scan3A_1488 = arith.constant 0 : i32
        %scan3A_1489 = arith.constant 64 : i32
        %scan3A_1490 = arith.addi %scan3A_1488, %scan3A_1489 : i32
        %scan3A_1491 = arith.constant 1 : i32
        scf.for %scan3A_1493 = %scan3A_1488 to %scan3A_1490 step %scan3A_1491  : i32 {
          %add3A_1494 = arith.addi %mul3A_535, %scan3A_1493 : i32
          %broadcast_in_dim3A = vector.broadcast %add3A_1494 : i32 to vector<16xi32>
          %gather3A = tpu.vector_load_idx %arg6[%broadcast_in_dim3A] : memref<6400xi32, #tpu.memory_space<vmem>>[vector<16xi32>], vector<16xi32>,
          %gather3A_1495 = tpu.vector_load_idx %arg7[%broadcast_in_dim3A] : memref<6400xf32, #tpu.memory_space<vmem>>[vector<16xi32>], vector<16xf32>,
          %eq3A_1496 = arith.constant 0 : i32
          %eq3A_1497 = vector.broadcast %eq3A_1496 : i32 to vector<16xi32>
          %eq3A_1498 = arith.cmpi eq, %gather3A, %eq3A_1497 : vector<16xi32>
          %broadcast_in_dim3A_1499 = arith.constant 0.000000e+00 : f32
          %broadcast_in_dim3A_1500 = vector.broadcast %broadcast_in_dim3A_1499 : f32 to vector<16xf32>
          %select_n3A = arith.select %eq3A_1498, %broadcast_in_dim3A_1500, %gather3A_1495 : vector<16xi1>, vector<16xf32>
          %get3A_1501 = arith.index_cast %scan3A_1493 : i32 to index
          %get3A_1502 = arith.constant 0 : index
          %get3A_1503 = tpu.vector_load %arg11[%get3A_1501, %get3A_1502] {strides = array<i32>} : memref<64x128xf32, #tpu.memory_space<vmem>>, vector<16xf32>,
          %mul3A_1504 = arith.mulf %get3A_1503, %select_n3A : vector<16xf32>
          %swap3A = arith.index_cast %scan3A_1493 : i32 to index
          %swap3A_1505 = arith.constant 0 : index
          %swap3A_1506 = tpu.vector_load %arg11[%swap3A, %swap3A_1505] {strides = array<i32>} : memref<64x128xf32, #tpu.memory_space<vmem>>, vector<16xf32>,
          tpu.vector_store %arg11[%swap3A, %swap3A_1505], %mul3A_1504 {strides = array<i32>} : memref<64x128xf32, #tpu.memory_space<vmem>>, vector<16xf32>,
          %get3A_1507 = arith.index_cast %scan3A_1493 : i32 to index
          %get3A_1508 = arith.constant 16 : index
          %get3A_1509 = tpu.vector_load %arg11[%get3A_1507, %get3A_1508] {strides = array<i32>} : memref<64x128xf32, #tpu.memory_space<vmem>>, vector<16xf32>,
          %mul3A_1510 = arith.mulf %get3A_1509, %select_n3A : vector<16xf32>
          %swap3A_1511 = arith.index_cast %scan3A_1493 : i32 to index
          %swap3A_1512 = arith.constant 16 : index
          %swap3A_1513 = tpu.vector_load %arg11[%swap3A_1511, %swap3A_1512] {strides = array<i32>} : memref<64x128xf32, #tpu.memory_space<vmem>>, vector<16xf32>,
          tpu.vector_store %arg11[%swap3A_1511, %swap3A_1512], %mul3A_1510 {strides = array<i32>} : memref<64x128xf32, #tpu.memory_space<vmem>>, vector<16xf32>,
          %get3A_1514 = arith.index_cast %scan3A_1493 : i32 to index
          %get3A_1515 = arith.constant 32 : index
          %get3A_1516 = tpu.vector_load %arg11[%get3A_1514, %get3A_1515] {strides = array<i32>} : memref<64x128xf32, #tpu.memory_space<vmem>>, vector<16xf32>,
          %mul3A_1517 = arith.mulf %get3A_1516, %select_n3A : vector<16xf32>
          %swap3A_1518 = arith.index_cast %scan3A_1493 : i32 to index
          %swap3A_1519 = arith.constant 32 : index
          %swap3A_1520 = tpu.vector_load %arg11[%swap3A_1518, %swap3A_1519] {strides = array<i32>} : memref<64x128xf32, #tpu.memory_space<vmem>>, vector<16xf32>,
          tpu.vector_store %arg11[%swap3A_1518, %swap3A_1519], %mul3A_1517 {strides = array<i32>} : memref<64x128xf32, #tpu.memory_space<vmem>>, vector<16xf32>,
          %get3A_1521 = arith.index_cast %scan3A_1493 : i32 to index
          %get3A_1522 = arith.constant 48 : index
          %get3A_1523 = tpu.vector_load %arg11[%get3A_1521, %get3A_1522] {strides = array<i32>} : memref<64x128xf32, #tpu.memory_space<vmem>>, vector<16xf32>,
          %mul3A_1524 = arith.mulf %get3A_1523, %select_n3A : vector<16xf32>
          %swap3A_1525 = arith.index_cast %scan3A_1493 : i32 to index
          %swap3A_1526 = arith.constant 48 : index
          %swap3A_1527 = tpu.vector_load %arg11[%swap3A_1525, %swap3A_1526] {strides = array<i32>} : memref<64x128xf32, #tpu.memory_space<vmem>>, vector<16xf32>,
          tpu.vector_store %arg11[%swap3A_1525, %swap3A_1526], %mul3A_1524 {strides = array<i32>} : memref<64x128xf32, #tpu.memory_space<vmem>>, vector<16xf32>,
          %get3A_1528 = arith.index_cast %scan3A_1493 : i32 to index
          %get3A_1529 = arith.constant 64 : index
          %get3A_1530 = tpu.vector_load %arg11[%get3A_1528, %get3A_1529] {strides = array<i32>} : memref<64x128xf32, #tpu.memory_space<vmem>>, vector<16xf32>,
          %mul3A_1531 = arith.mulf %get3A_1530, %select_n3A : vector<16xf32>
          %swap3A_1532 = arith.index_cast %scan3A_1493 : i32 to index
          %swap3A_1533 = arith.constant 64 : index
          %swap3A_1534 = tpu.vector_load %arg11[%swap3A_1532, %swap3A_1533] {strides = array<i32>} : memref<64x128xf32, #tpu.memory_space<vmem>>, vector<16xf32>,
          tpu.vector_store %arg11[%swap3A_1532, %swap3A_1533], %mul3A_1531 {strides = array<i32>} : memref<64x128xf32, #tpu.memory_space<vmem>>, vector<16xf32>,
          %get3A_1535 = arith.index_cast %scan3A_1493 : i32 to index
          %get3A_1536 = arith.constant 80 : index
          %get3A_1537 = tpu.vector_load %arg11[%get3A_1535, %get3A_1536] {strides = array<i32>} : memref<64x128xf32, #tpu.memory_space<vmem>>, vector<16xf32>,
          %mul3A_1538 = arith.mulf %get3A_1537, %select_n3A : vector<16xf32>
          %swap3A_1539 = arith.index_cast %scan3A_1493 : i32 to index
          %swap3A_1540 = arith.constant 80 : index
          %swap3A_1541 = tpu.vector_load %arg11[%swap3A_1539, %swap3A_1540] {strides = array<i32>} : memref<64x128xf32, #tpu.memory_space<vmem>>, vector<16xf32>,
          tpu.vector_store %arg11[%swap3A_1539, %swap3A_1540], %mul3A_1538 {strides = array<i32>} : memref<64x128xf32, #tpu.memory_space<vmem>>, vector<16xf32>,
          %get3A_1542 = arith.index_cast %scan3A_1493 : i32 to index
          %get3A_1543 = arith.constant 96 : index
          %get3A_1544 = tpu.vector_load %arg11[%get3A_1542, %get3A_1543] {strides = array<i32>} : memref<64x128xf32, #tpu.memory_space<vmem>>, vector<16xf32>,
          %mul3A_1545 = arith.mulf %get3A_1544, %select_n3A : vector<16xf32>
          %swap3A_1546 = arith.index_cast %scan3A_1493 : i32 to index
          %swap3A_1547 = arith.constant 96 : index
          %swap3A_1548 = tpu.vector_load %arg11[%swap3A_1546, %swap3A_1547] {strides = array<i32>} : memref<64x128xf32, #tpu.memory_space<vmem>>, vector<16xf32>,
          tpu.vector_store %arg11[%swap3A_1546, %swap3A_1547], %mul3A_1545 {strides = array<i32>} : memref<64x128xf32, #tpu.memory_space<vmem>>, vector<16xf32>,
          %get3A_1549 = arith.index_cast %scan3A_1493 : i32 to index
          %get3A_1550 = arith.constant 112 : index
          %get3A_1551 = tpu.vector_load %arg11[%get3A_1549, %get3A_1550] {strides = array<i32>} : memref<64x128xf32, #tpu.memory_space<vmem>>, vector<16xf32>,
          %mul3A_1552 = arith.mulf %get3A_1551, %select_n3A : vector<16xf32>
          %swap3A_1553 = arith.index_cast %scan3A_1493 : i32 to index
          %swap3A_1554 = arith.constant 112 : index
          %swap3A_1555 = tpu.vector_load %arg11[%swap3A_1553, %swap3A_1554] {strides = array<i32>} : memref<64x128xf32, #tpu.memory_space<vmem>>, vector<16xf32>,
          tpu.vector_store %arg11[%swap3A_1553, %swap3A_1554], %mul3A_1552 {strides = array<i32>} : memref<64x128xf32, #tpu.memory_space<vmem>>, vector<16xf32>,
        }
        %scan3A_1492 = arith.constant 64 : i32
      } else {
      }
      %mul3A_652 = arith.constant 64 : i32
      %mul3A_653 = arith.muli %add3A_524, %mul3A_652 : i32
      %add3A_654 = arith.addi %mul3A_2, %mul3A_653 : i32
      %dma_start3A_655 = arith.constant 0 : i32
      %dma_start3A_656 = tpu.memref_slice %arg5[%add3A_654, %dma_start3A_655] : memref<204800x128xf32, #tpu.memory_space<hbm>> -> memref<64x128xf32, #tpu.memory_space<hbm>>
      %dma_start3A_657 = arith.constant 0 : i32
      %dma_start3A_658 = tpu.memref_slice %arg5[%add3A_654, %dma_start3A_657] : memref<204800x128xf32, #tpu.memory_space<hbm>> -> memref<64x128xf32, #tpu.memory_space<hbm>>
      tpu.enqueue_dma source(%arg11 : memref<64x128xf32, #tpu.memory_space<vmem>>) target(%dma_start3A_658 : memref<64x128xf32, #tpu.memory_space<hbm>>) target_semaphore(%arg31 : memref<!tpu.dma_semaphore, #tpu.memory_space<semaphore_mem>>)
      %mul3A_659 = arith.constant 10 : i32
      %mul3A_660 = arith.muli %scan3A_115, %mul3A_659 : i32
      %add3A_661 = arith.constant 4 : i32
      %add3A_662 = arith.addi %mul3A_660, %add3A_661 : i32
      %add3A_663 = arith.constant 10 : i32
      %add3A_664 = arith.addi %add3A_662, %add3A_663 : i32
      %sub3A_665 = arith.constant 1 : i32
      %sub3A_666 = arith.subi %add3A_664, %sub3A_665 : i32
      %lt3A_667 = arith.constant 100 : i32
      %lt3A_668 = arith.cmpi slt, %sub3A_666, %lt3A_667 : i32
      %convert_element_type3A_669 = arith.extui %lt3A_668 : i1 to i32
      %cond3A_670 = arith.constant 0 : i32
      %cond3A_671 = arith.cmpi ne, %convert_element_type3A_669, %cond3A_670 : i32
      scf.if %cond3A_671 {
        %ge3A = arith.constant 10 : i32
        %ge3A_1487 = arith.cmpi sge, %sub3A_666, %ge3A : i32
        %convert_element_type3A_1488 = arith.extui %ge3A_1487 : i1 to i32
        %cond3A_1489 = arith.constant 0 : i32
        %cond3A_1490 = arith.cmpi ne, %convert_element_type3A_1488, %cond3A_1489 : i32
        scf.if %cond3A_1490 {
          %sub3A_1497 = arith.constant 10 : i32
          %sub3A_1498 = arith.subi %sub3A_666, %sub3A_1497 : i32
          %mul3A_1499 = arith.constant 64 : i32
          %mul3A_1500 = arith.muli %sub3A_1498, %mul3A_1499 : i32
          %add3A_1501 = arith.addi %mul3A_2, %mul3A_1500 : i32
          %dma_wait3A_1502 = arith.constant 0 : i32
          %dma_wait3A_1503 = tpu.memref_slice %arg5[%add3A_1501, %dma_wait3A_1502] : memref<204800x128xf32, #tpu.memory_space<hbm>> -> memref<64x128xf32, #tpu.memory_space<hbm>>
          %dma_wait3A_1504 = arith.constant 0 : i32
          %dma_wait3A_1505 = tpu.memref_slice %arg5[%add3A_1501, %dma_wait3A_1504] : memref<204800x128xf32, #tpu.memory_space<hbm>> -> memref<64x128xf32, #tpu.memory_space<hbm>>
          tpu.wait_dma2 semaphore(%arg31 : memref<!tpu.dma_semaphore, #tpu.memory_space<semaphore_mem>>) src(%arg11 : memref<64x128xf32, #tpu.memory_space<vmem>>) dst(%dma_wait3A_1505 : memref<64x128xf32, #tpu.memory_space<hbm>>)
        } else {
        }
        %mul3A_1491 = arith.constant 64 : i32
        %mul3A_1492 = arith.muli %sub3A_666, %mul3A_1491 : i32
        %dma_start3A_1493 = tpu.memref_slice %arg6[%mul3A_1492] : memref<6400xi32, #tpu.memory_space<vmem>> -> memref<64xi32, #tpu.memory_space<vmem>>
        %dma_start3A_1494 = arith.constant 0 : i32
        %dma_start3A_1495 = arith.constant 0 : i32
        %dma_start3A_1496 = tpu.memref_slice %arg4[%dma_start3A_1494, %dma_start3A_1495] : memref<100000x128xf32, #tpu.memory_space<hbm>> -> memref<100000x128xf32, #tpu.memory_space<hbm>>
        tpu.enqueue_indirect_dma source(%dma_start3A_1496 : memref<100000x128xf32, #tpu.memory_space<hbm>>) target(%arg11 : memref<64x128xf32, #tpu.memory_space<vmem>>) offsets(%dma_start3A_1493 : memref<64xi32, #tpu.memory_space<vmem>>) semaphore(%arg21 : memref<!tpu.dma_semaphore, #tpu.memory_space<semaphore_mem>>)
      } else {
      }
      %mul3A_672 = arith.constant 64 : i32
      %mul3A_673 = arith.muli %add3A_662, %mul3A_672 : i32
      %add3A_674 = arith.constant 0 : i32
      %add3A_675 = arith.addi %mul3A_673, %add3A_674 : i32
      %get3A_676 = arith.index_cast %add3A_675 : i32 to index
      %get3A_677 = tpu.vector_load %arg6[%get3A_676] {strides = array<i32>} : memref<6400xi32, #tpu.memory_space<vmem>>, vector<16xi32>,
      %add3A_678 = arith.constant 0 : i32
      %add3A_679 = arith.addi %mul3A_673, %add3A_678 : i32
      %get3A_680 = arith.index_cast %add3A_679 : i32 to index
      %get3A_681 = tpu.vector_load %arg7[%get3A_680] {strides = array<i32>} : memref<6400xf32, #tpu.memory_space<vmem>>, vector<16xf32>,
      %eq3A_682 = arith.constant 0 : i32
      %eq3A_683 = vector.broadcast %eq3A_682 : i32 to vector<16xi32>
      %eq3A_684 = arith.cmpi eq, %get3A_677, %eq3A_683 : vector<16xi32>
      %ne3A_685 = arith.constant 1.000000e+00 : f32
      %ne3A_686 = vector.broadcast %ne3A_685 : f32 to vector<16xf32>
      %ne3A_687 = arith.cmpf one, %get3A_681, %ne3A_686 : vector<16xf32>
      %or3A_688 = arith.ori %eq3A_684, %ne3A_687 : vector<16xi1>
      %reduce_or3A_689 = arith.constant 1.000000e+00 : f32
      %reduce_or3A_690 = arith.constant 0.000000e+00 : f32
      %reduce_or3A_691 = vector.broadcast %reduce_or3A_689 : f32 to vector<16xf32>
      %reduce_or3A_692 = vector.broadcast %reduce_or3A_690 : f32 to vector<16xf32>
      %reduce_or3A_693 = arith.select %or3A_688, %reduce_or3A_691, %reduce_or3A_692 : vector<16xi1>, vector<16xf32>
      %reduce_or3A_694 = arith.constant true
      %reduce_or3A_695 = vector.broadcast %reduce_or3A_694 : i1 to vector<16xi1>
      %reduce_or3A_696 = tpu.scan <max>, %reduce_or3A_693 masked %reduce_or3A_695 : vector<16xf32>, vector<16xi1> -> vector<16xf32>
      %reduce_or3A_697 = vector.extract %reduce_or3A_696[15] : f32 from vector<16xf32>
      %reduce_or3A_698 = arith.constant 0.000000e+00 : f32
      %reduce_or3A_699 = arith.cmpf ogt, %reduce_or3A_697, %reduce_or3A_698 : f32
      %add3A_700 = arith.constant 16 : i32
      %add3A_701 = arith.addi %mul3A_673, %add3A_700 : i32
      %get3A_702 = arith.index_cast %add3A_701 : i32 to index
      %get3A_703 = tpu.vector_load %arg6[%get3A_702] {strides = array<i32>} : memref<6400xi32, #tpu.memory_space<vmem>>, vector<16xi32>,
      %add3A_704 = arith.constant 16 : i32
      %add3A_705 = arith.addi %mul3A_673, %add3A_704 : i32
      %get3A_706 = arith.index_cast %add3A_705 : i32 to index
      %get3A_707 = tpu.vector_load %arg7[%get3A_706] {strides = array<i32>} : memref<6400xf32, #tpu.memory_space<vmem>>, vector<16xf32>,
      %eq3A_708 = arith.constant 0 : i32
      %eq3A_709 = vector.broadcast %eq3A_708 : i32 to vector<16xi32>
      %eq3A_710 = arith.cmpi eq, %get3A_703, %eq3A_709 : vector<16xi32>
      %ne3A_711 = arith.constant 1.000000e+00 : f32
      %ne3A_712 = vector.broadcast %ne3A_711 : f32 to vector<16xf32>
      %ne3A_713 = arith.cmpf one, %get3A_707, %ne3A_712 : vector<16xf32>
      %or3A_714 = arith.ori %eq3A_710, %ne3A_713 : vector<16xi1>
      %reduce_or3A_715 = arith.constant 1.000000e+00 : f32
      %reduce_or3A_716 = arith.constant 0.000000e+00 : f32
      %reduce_or3A_717 = vector.broadcast %reduce_or3A_715 : f32 to vector<16xf32>
      %reduce_or3A_718 = vector.broadcast %reduce_or3A_716 : f32 to vector<16xf32>
      %reduce_or3A_719 = arith.select %or3A_714, %reduce_or3A_717, %reduce_or3A_718 : vector<16xi1>, vector<16xf32>
      %reduce_or3A_720 = arith.constant true
      %reduce_or3A_721 = vector.broadcast %reduce_or3A_720 : i1 to vector<16xi1>
      %reduce_or3A_722 = tpu.scan <max>, %reduce_or3A_719 masked %reduce_or3A_721 : vector<16xf32>, vector<16xi1> -> vector<16xf32>
      %reduce_or3A_723 = vector.extract %reduce_or3A_722[15] : f32 from vector<16xf32>
      %reduce_or3A_724 = arith.constant 0.000000e+00 : f32
      %reduce_or3A_725 = arith.cmpf ogt, %reduce_or3A_723, %reduce_or3A_724 : f32
      %add3A_726 = arith.constant 32 : i32
      %add3A_727 = arith.addi %mul3A_673, %add3A_726 : i32
      %get3A_728 = arith.index_cast %add3A_727 : i32 to index
      %get3A_729 = tpu.vector_load %arg6[%get3A_728] {strides = array<i32>} : memref<6400xi32, #tpu.memory_space<vmem>>, vector<16xi32>,
      %add3A_730 = arith.constant 32 : i32
      %add3A_731 = arith.addi %mul3A_673, %add3A_730 : i32
      %get3A_732 = arith.index_cast %add3A_731 : i32 to index
      %get3A_733 = tpu.vector_load %arg7[%get3A_732] {strides = array<i32>} : memref<6400xf32, #tpu.memory_space<vmem>>, vector<16xf32>,
      %eq3A_734 = arith.constant 0 : i32
      %eq3A_735 = vector.broadcast %eq3A_734 : i32 to vector<16xi32>
      %eq3A_736 = arith.cmpi eq, %get3A_729, %eq3A_735 : vector<16xi32>
      %ne3A_737 = arith.constant 1.000000e+00 : f32
      %ne3A_738 = vector.broadcast %ne3A_737 : f32 to vector<16xf32>
      %ne3A_739 = arith.cmpf one, %get3A_733, %ne3A_738 : vector<16xf32>
      %or3A_740 = arith.ori %eq3A_736, %ne3A_739 : vector<16xi1>
      %reduce_or3A_741 = arith.constant 1.000000e+00 : f32
      %reduce_or3A_742 = arith.constant 0.000000e+00 : f32
      %reduce_or3A_743 = vector.broadcast %reduce_or3A_741 : f32 to vector<16xf32>
      %reduce_or3A_744 = vector.broadcast %reduce_or3A_742 : f32 to vector<16xf32>
      %reduce_or3A_745 = arith.select %or3A_740, %reduce_or3A_743, %reduce_or3A_744 : vector<16xi1>, vector<16xf32>
      %reduce_or3A_746 = arith.constant true
      %reduce_or3A_747 = vector.broadcast %reduce_or3A_746 : i1 to vector<16xi1>
      %reduce_or3A_748 = tpu.scan <max>, %reduce_or3A_745 masked %reduce_or3A_747 : vector<16xf32>, vector<16xi1> -> vector<16xf32>
      %reduce_or3A_749 = vector.extract %reduce_or3A_748[15] : f32 from vector<16xf32>
      %reduce_or3A_750 = arith.constant 0.000000e+00 : f32
      %reduce_or3A_751 = arith.cmpf ogt, %reduce_or3A_749, %reduce_or3A_750 : f32
      %add3A_752 = arith.constant 48 : i32
      %add3A_753 = arith.addi %mul3A_673, %add3A_752 : i32
      %get3A_754 = arith.index_cast %add3A_753 : i32 to index
      %get3A_755 = tpu.vector_load %arg6[%get3A_754] {strides = array<i32>} : memref<6400xi32, #tpu.memory_space<vmem>>, vector<16xi32>,
      %add3A_756 = arith.constant 48 : i32
      %add3A_757 = arith.addi %mul3A_673, %add3A_756 : i32
      %get3A_758 = arith.index_cast %add3A_757 : i32 to index
      %get3A_759 = tpu.vector_load %arg7[%get3A_758] {strides = array<i32>} : memref<6400xf32, #tpu.memory_space<vmem>>, vector<16xf32>,
      %eq3A_760 = arith.constant 0 : i32
      %eq3A_761 = vector.broadcast %eq3A_760 : i32 to vector<16xi32>
      %eq3A_762 = arith.cmpi eq, %get3A_755, %eq3A_761 : vector<16xi32>
      %ne3A_763 = arith.constant 1.000000e+00 : f32
      %ne3A_764 = vector.broadcast %ne3A_763 : f32 to vector<16xf32>
      %ne3A_765 = arith.cmpf one, %get3A_759, %ne3A_764 : vector<16xf32>
      %or3A_766 = arith.ori %eq3A_762, %ne3A_765 : vector<16xi1>
      %reduce_or3A_767 = arith.constant 1.000000e+00 : f32
      %reduce_or3A_768 = arith.constant 0.000000e+00 : f32
      %reduce_or3A_769 = vector.broadcast %reduce_or3A_767 : f32 to vector<16xf32>
      %reduce_or3A_770 = vector.broadcast %reduce_or3A_768 : f32 to vector<16xf32>
      %reduce_or3A_771 = arith.select %or3A_766, %reduce_or3A_769, %reduce_or3A_770 : vector<16xi1>, vector<16xf32>
      %reduce_or3A_772 = arith.constant true
      %reduce_or3A_773 = vector.broadcast %reduce_or3A_772 : i1 to vector<16xi1>
      %reduce_or3A_774 = tpu.scan <max>, %reduce_or3A_771 masked %reduce_or3A_773 : vector<16xf32>, vector<16xi1> -> vector<16xf32>
      %reduce_or3A_775 = vector.extract %reduce_or3A_774[15] : f32 from vector<16xf32>
      %reduce_or3A_776 = arith.constant 0.000000e+00 : f32
      %reduce_or3A_777 = arith.cmpf ogt, %reduce_or3A_775, %reduce_or3A_776 : f32
      %or3A_778 = arith.ori %reduce_or3A_699, %reduce_or3A_725 : i1
      %or3A_779 = arith.ori %or3A_778, %reduce_or3A_751 : i1
      %or3A_780 = arith.ori %or3A_779, %reduce_or3A_777 : i1
      %mul3A_781 = arith.constant 64 : i32
      %mul3A_782 = arith.muli %add3A_662, %mul3A_781 : i32
      %dma_wait3A_783 = tpu.memref_slice %arg6[%mul3A_782] : memref<6400xi32, #tpu.memory_space<vmem>> -> memref<64xi32, #tpu.memory_space<vmem>>
      %dma_wait3A_784 = arith.constant 0 : i32
      %dma_wait3A_785 = arith.constant 0 : i32
      %dma_wait3A_786 = tpu.memref_slice %arg4[%dma_wait3A_784, %dma_wait3A_785] : memref<100000x128xf32, #tpu.memory_space<hbm>> -> memref<100000x128xf32, #tpu.memory_space<hbm>>
      tpu.wait_indirect_dma semaphore(%arg22 : memref<!tpu.dma_semaphore, #tpu.memory_space<semaphore_mem>>) src(%dma_wait3A_786 : memref<100000x128xf32, #tpu.memory_space<hbm>>) dst(%arg12 : memref<64x128xf32, #tpu.memory_space<vmem>>)
      %convert_element_type3A_787 = arith.extui %or3A_780 : i1 to i32
      %cond3A_788 = arith.constant 0 : i32
      %cond3A_789 = arith.cmpi ne, %convert_element_type3A_787, %cond3A_788 : i32
      scf.if %cond3A_789 {
        %scan3A_1487 = arith.constant 0 : i32
        %scan3A_1488 = arith.constant 0 : i32
        %scan3A_1489 = arith.constant 64 : i32
        %scan3A_1490 = arith.addi %scan3A_1488, %scan3A_1489 : i32
        %scan3A_1491 = arith.constant 1 : i32
        scf.for %scan3A_1493 = %scan3A_1488 to %scan3A_1490 step %scan3A_1491  : i32 {
          %add3A_1494 = arith.addi %mul3A_673, %scan3A_1493 : i32
          %broadcast_in_dim3A = vector.broadcast %add3A_1494 : i32 to vector<16xi32>
          %gather3A = tpu.vector_load_idx %arg6[%broadcast_in_dim3A] : memref<6400xi32, #tpu.memory_space<vmem>>[vector<16xi32>], vector<16xi32>,
          %gather3A_1495 = tpu.vector_load_idx %arg7[%broadcast_in_dim3A] : memref<6400xf32, #tpu.memory_space<vmem>>[vector<16xi32>], vector<16xf32>,
          %eq3A_1496 = arith.constant 0 : i32
          %eq3A_1497 = vector.broadcast %eq3A_1496 : i32 to vector<16xi32>
          %eq3A_1498 = arith.cmpi eq, %gather3A, %eq3A_1497 : vector<16xi32>
          %broadcast_in_dim3A_1499 = arith.constant 0.000000e+00 : f32
          %broadcast_in_dim3A_1500 = vector.broadcast %broadcast_in_dim3A_1499 : f32 to vector<16xf32>
          %select_n3A = arith.select %eq3A_1498, %broadcast_in_dim3A_1500, %gather3A_1495 : vector<16xi1>, vector<16xf32>
          %get3A_1501 = arith.index_cast %scan3A_1493 : i32 to index
          %get3A_1502 = arith.constant 0 : index
          %get3A_1503 = tpu.vector_load %arg12[%get3A_1501, %get3A_1502] {strides = array<i32>} : memref<64x128xf32, #tpu.memory_space<vmem>>, vector<16xf32>,
          %mul3A_1504 = arith.mulf %get3A_1503, %select_n3A : vector<16xf32>
          %swap3A = arith.index_cast %scan3A_1493 : i32 to index
          %swap3A_1505 = arith.constant 0 : index
          %swap3A_1506 = tpu.vector_load %arg12[%swap3A, %swap3A_1505] {strides = array<i32>} : memref<64x128xf32, #tpu.memory_space<vmem>>, vector<16xf32>,
          tpu.vector_store %arg12[%swap3A, %swap3A_1505], %mul3A_1504 {strides = array<i32>} : memref<64x128xf32, #tpu.memory_space<vmem>>, vector<16xf32>,
          %get3A_1507 = arith.index_cast %scan3A_1493 : i32 to index
          %get3A_1508 = arith.constant 16 : index
          %get3A_1509 = tpu.vector_load %arg12[%get3A_1507, %get3A_1508] {strides = array<i32>} : memref<64x128xf32, #tpu.memory_space<vmem>>, vector<16xf32>,
          %mul3A_1510 = arith.mulf %get3A_1509, %select_n3A : vector<16xf32>
          %swap3A_1511 = arith.index_cast %scan3A_1493 : i32 to index
          %swap3A_1512 = arith.constant 16 : index
          %swap3A_1513 = tpu.vector_load %arg12[%swap3A_1511, %swap3A_1512] {strides = array<i32>} : memref<64x128xf32, #tpu.memory_space<vmem>>, vector<16xf32>,
          tpu.vector_store %arg12[%swap3A_1511, %swap3A_1512], %mul3A_1510 {strides = array<i32>} : memref<64x128xf32, #tpu.memory_space<vmem>>, vector<16xf32>,
          %get3A_1514 = arith.index_cast %scan3A_1493 : i32 to index
          %get3A_1515 = arith.constant 32 : index
          %get3A_1516 = tpu.vector_load %arg12[%get3A_1514, %get3A_1515] {strides = array<i32>} : memref<64x128xf32, #tpu.memory_space<vmem>>, vector<16xf32>,
          %mul3A_1517 = arith.mulf %get3A_1516, %select_n3A : vector<16xf32>
          %swap3A_1518 = arith.index_cast %scan3A_1493 : i32 to index
          %swap3A_1519 = arith.constant 32 : index
          %swap3A_1520 = tpu.vector_load %arg12[%swap3A_1518, %swap3A_1519] {strides = array<i32>} : memref<64x128xf32, #tpu.memory_space<vmem>>, vector<16xf32>,
          tpu.vector_store %arg12[%swap3A_1518, %swap3A_1519], %mul3A_1517 {strides = array<i32>} : memref<64x128xf32, #tpu.memory_space<vmem>>, vector<16xf32>,
          %get3A_1521 = arith.index_cast %scan3A_1493 : i32 to index
          %get3A_1522 = arith.constant 48 : index
          %get3A_1523 = tpu.vector_load %arg12[%get3A_1521, %get3A_1522] {strides = array<i32>} : memref<64x128xf32, #tpu.memory_space<vmem>>, vector<16xf32>,
          %mul3A_1524 = arith.mulf %get3A_1523, %select_n3A : vector<16xf32>
          %swap3A_1525 = arith.index_cast %scan3A_1493 : i32 to index
          %swap3A_1526 = arith.constant 48 : index
          %swap3A_1527 = tpu.vector_load %arg12[%swap3A_1525, %swap3A_1526] {strides = array<i32>} : memref<64x128xf32, #tpu.memory_space<vmem>>, vector<16xf32>,
          tpu.vector_store %arg12[%swap3A_1525, %swap3A_1526], %mul3A_1524 {strides = array<i32>} : memref<64x128xf32, #tpu.memory_space<vmem>>, vector<16xf32>,
          %get3A_1528 = arith.index_cast %scan3A_1493 : i32 to index
          %get3A_1529 = arith.constant 64 : index
          %get3A_1530 = tpu.vector_load %arg12[%get3A_1528, %get3A_1529] {strides = array<i32>} : memref<64x128xf32, #tpu.memory_space<vmem>>, vector<16xf32>,
          %mul3A_1531 = arith.mulf %get3A_1530, %select_n3A : vector<16xf32>
          %swap3A_1532 = arith.index_cast %scan3A_1493 : i32 to index
          %swap3A_1533 = arith.constant 64 : index
          %swap3A_1534 = tpu.vector_load %arg12[%swap3A_1532, %swap3A_1533] {strides = array<i32>} : memref<64x128xf32, #tpu.memory_space<vmem>>, vector<16xf32>,
          tpu.vector_store %arg12[%swap3A_1532, %swap3A_1533], %mul3A_1531 {strides = array<i32>} : memref<64x128xf32, #tpu.memory_space<vmem>>, vector<16xf32>,
          %get3A_1535 = arith.index_cast %scan3A_1493 : i32 to index
          %get3A_1536 = arith.constant 80 : index
          %get3A_1537 = tpu.vector_load %arg12[%get3A_1535, %get3A_1536] {strides = array<i32>} : memref<64x128xf32, #tpu.memory_space<vmem>>, vector<16xf32>,
          %mul3A_1538 = arith.mulf %get3A_1537, %select_n3A : vector<16xf32>
          %swap3A_1539 = arith.index_cast %scan3A_1493 : i32 to index
          %swap3A_1540 = arith.constant 80 : index
          %swap3A_1541 = tpu.vector_load %arg12[%swap3A_1539, %swap3A_1540] {strides = array<i32>} : memref<64x128xf32, #tpu.memory_space<vmem>>, vector<16xf32>,
          tpu.vector_store %arg12[%swap3A_1539, %swap3A_1540], %mul3A_1538 {strides = array<i32>} : memref<64x128xf32, #tpu.memory_space<vmem>>, vector<16xf32>,
          %get3A_1542 = arith.index_cast %scan3A_1493 : i32 to index
          %get3A_1543 = arith.constant 96 : index
          %get3A_1544 = tpu.vector_load %arg12[%get3A_1542, %get3A_1543] {strides = array<i32>} : memref<64x128xf32, #tpu.memory_space<vmem>>, vector<16xf32>,
          %mul3A_1545 = arith.mulf %get3A_1544, %select_n3A : vector<16xf32>
          %swap3A_1546 = arith.index_cast %scan3A_1493 : i32 to index
          %swap3A_1547 = arith.constant 96 : index
          %swap3A_1548 = tpu.vector_load %arg12[%swap3A_1546, %swap3A_1547] {strides = array<i32>} : memref<64x128xf32, #tpu.memory_space<vmem>>, vector<16xf32>,
          tpu.vector_store %arg12[%swap3A_1546, %swap3A_1547], %mul3A_1545 {strides = array<i32>} : memref<64x128xf32, #tpu.memory_space<vmem>>, vector<16xf32>,
          %get3A_1549 = arith.index_cast %scan3A_1493 : i32 to index
          %get3A_1550 = arith.constant 112 : index
          %get3A_1551 = tpu.vector_load %arg12[%get3A_1549, %get3A_1550] {strides = array<i32>} : memref<64x128xf32, #tpu.memory_space<vmem>>, vector<16xf32>,
          %mul3A_1552 = arith.mulf %get3A_1551, %select_n3A : vector<16xf32>
          %swap3A_1553 = arith.index_cast %scan3A_1493 : i32 to index
          %swap3A_1554 = arith.constant 112 : index
          %swap3A_1555 = tpu.vector_load %arg12[%swap3A_1553, %swap3A_1554] {strides = array<i32>} : memref<64x128xf32, #tpu.memory_space<vmem>>, vector<16xf32>,
          tpu.vector_store %arg12[%swap3A_1553, %swap3A_1554], %mul3A_1552 {strides = array<i32>} : memref<64x128xf32, #tpu.memory_space<vmem>>, vector<16xf32>,
        }
        %scan3A_1492 = arith.constant 64 : i32
      } else {
      }
      %mul3A_790 = arith.constant 64 : i32
      %mul3A_791 = arith.muli %add3A_662, %mul3A_790 : i32
      %add3A_792 = arith.addi %mul3A_2, %mul3A_791 : i32
      %dma_start3A_793 = arith.constant 0 : i32
      %dma_start3A_794 = tpu.memref_slice %arg5[%add3A_792, %dma_start3A_793] : memref<204800x128xf32, #tpu.memory_space<hbm>> -> memref<64x128xf32, #tpu.memory_space<hbm>>
      %dma_start3A_795 = arith.constant 0 : i32
      %dma_start3A_796 = tpu.memref_slice %arg5[%add3A_792, %dma_start3A_795] : memref<204800x128xf32, #tpu.memory_space<hbm>> -> memref<64x128xf32, #tpu.memory_space<hbm>>
      tpu.enqueue_dma source(%arg12 : memref<64x128xf32, #tpu.memory_space<vmem>>) target(%dma_start3A_796 : memref<64x128xf32, #tpu.memory_space<hbm>>) target_semaphore(%arg32 : memref<!tpu.dma_semaphore, #tpu.memory_space<semaphore_mem>>)
      %mul3A_797 = arith.constant 10 : i32
      %mul3A_798 = arith.muli %scan3A_115, %mul3A_797 : i32
      %add3A_799 = arith.constant 5 : i32
      %add3A_800 = arith.addi %mul3A_798, %add3A_799 : i32
      %add3A_801 = arith.constant 10 : i32
      %add3A_802 = arith.addi %add3A_800, %add3A_801 : i32
      %sub3A_803 = arith.constant 1 : i32
      %sub3A_804 = arith.subi %add3A_802, %sub3A_803 : i32
      %lt3A_805 = arith.constant 100 : i32
      %lt3A_806 = arith.cmpi slt, %sub3A_804, %lt3A_805 : i32
      %convert_element_type3A_807 = arith.extui %lt3A_806 : i1 to i32
      %cond3A_808 = arith.constant 0 : i32
      %cond3A_809 = arith.cmpi ne, %convert_element_type3A_807, %cond3A_808 : i32
      scf.if %cond3A_809 {
        %ge3A = arith.constant 10 : i32
        %ge3A_1487 = arith.cmpi sge, %sub3A_804, %ge3A : i32
        %convert_element_type3A_1488 = arith.extui %ge3A_1487 : i1 to i32
        %cond3A_1489 = arith.constant 0 : i32
        %cond3A_1490 = arith.cmpi ne, %convert_element_type3A_1488, %cond3A_1489 : i32
        scf.if %cond3A_1490 {
          %sub3A_1497 = arith.constant 10 : i32
          %sub3A_1498 = arith.subi %sub3A_804, %sub3A_1497 : i32
          %mul3A_1499 = arith.constant 64 : i32
          %mul3A_1500 = arith.muli %sub3A_1498, %mul3A_1499 : i32
          %add3A_1501 = arith.addi %mul3A_2, %mul3A_1500 : i32
          %dma_wait3A_1502 = arith.constant 0 : i32
          %dma_wait3A_1503 = tpu.memref_slice %arg5[%add3A_1501, %dma_wait3A_1502] : memref<204800x128xf32, #tpu.memory_space<hbm>> -> memref<64x128xf32, #tpu.memory_space<hbm>>
          %dma_wait3A_1504 = arith.constant 0 : i32
          %dma_wait3A_1505 = tpu.memref_slice %arg5[%add3A_1501, %dma_wait3A_1504] : memref<204800x128xf32, #tpu.memory_space<hbm>> -> memref<64x128xf32, #tpu.memory_space<hbm>>
          tpu.wait_dma2 semaphore(%arg32 : memref<!tpu.dma_semaphore, #tpu.memory_space<semaphore_mem>>) src(%arg12 : memref<64x128xf32, #tpu.memory_space<vmem>>) dst(%dma_wait3A_1505 : memref<64x128xf32, #tpu.memory_space<hbm>>)
        } else {
        }
        %mul3A_1491 = arith.constant 64 : i32
        %mul3A_1492 = arith.muli %sub3A_804, %mul3A_1491 : i32
        %dma_start3A_1493 = tpu.memref_slice %arg6[%mul3A_1492] : memref<6400xi32, #tpu.memory_space<vmem>> -> memref<64xi32, #tpu.memory_space<vmem>>
        %dma_start3A_1494 = arith.constant 0 : i32
        %dma_start3A_1495 = arith.constant 0 : i32
        %dma_start3A_1496 = tpu.memref_slice %arg4[%dma_start3A_1494, %dma_start3A_1495] : memref<100000x128xf32, #tpu.memory_space<hbm>> -> memref<100000x128xf32, #tpu.memory_space<hbm>>
        tpu.enqueue_indirect_dma source(%dma_start3A_1496 : memref<100000x128xf32, #tpu.memory_space<hbm>>) target(%arg12 : memref<64x128xf32, #tpu.memory_space<vmem>>) offsets(%dma_start3A_1493 : memref<64xi32, #tpu.memory_space<vmem>>) semaphore(%arg22 : memref<!tpu.dma_semaphore, #tpu.memory_space<semaphore_mem>>)
      } else {
      }
      %mul3A_810 = arith.constant 64 : i32
      %mul3A_811 = arith.muli %add3A_800, %mul3A_810 : i32
      %add3A_812 = arith.constant 0 : i32
      %add3A_813 = arith.addi %mul3A_811, %add3A_812 : i32
      %get3A_814 = arith.index_cast %add3A_813 : i32 to index
      %get3A_815 = tpu.vector_load %arg6[%get3A_814] {strides = array<i32>} : memref<6400xi32, #tpu.memory_space<vmem>>, vector<16xi32>,
      %add3A_816 = arith.constant 0 : i32
      %add3A_817 = arith.addi %mul3A_811, %add3A_816 : i32
      %get3A_818 = arith.index_cast %add3A_817 : i32 to index
      %get3A_819 = tpu.vector_load %arg7[%get3A_818] {strides = array<i32>} : memref<6400xf32, #tpu.memory_space<vmem>>, vector<16xf32>,
      %eq3A_820 = arith.constant 0 : i32
      %eq3A_821 = vector.broadcast %eq3A_820 : i32 to vector<16xi32>
      %eq3A_822 = arith.cmpi eq, %get3A_815, %eq3A_821 : vector<16xi32>
      %ne3A_823 = arith.constant 1.000000e+00 : f32
      %ne3A_824 = vector.broadcast %ne3A_823 : f32 to vector<16xf32>
      %ne3A_825 = arith.cmpf one, %get3A_819, %ne3A_824 : vector<16xf32>
      %or3A_826 = arith.ori %eq3A_822, %ne3A_825 : vector<16xi1>
      %reduce_or3A_827 = arith.constant 1.000000e+00 : f32
      %reduce_or3A_828 = arith.constant 0.000000e+00 : f32
      %reduce_or3A_829 = vector.broadcast %reduce_or3A_827 : f32 to vector<16xf32>
      %reduce_or3A_830 = vector.broadcast %reduce_or3A_828 : f32 to vector<16xf32>
      %reduce_or3A_831 = arith.select %or3A_826, %reduce_or3A_829, %reduce_or3A_830 : vector<16xi1>, vector<16xf32>
      %reduce_or3A_832 = arith.constant true
      %reduce_or3A_833 = vector.broadcast %reduce_or3A_832 : i1 to vector<16xi1>
      %reduce_or3A_834 = tpu.scan <max>, %reduce_or3A_831 masked %reduce_or3A_833 : vector<16xf32>, vector<16xi1> -> vector<16xf32>
      %reduce_or3A_835 = vector.extract %reduce_or3A_834[15] : f32 from vector<16xf32>
      %reduce_or3A_836 = arith.constant 0.000000e+00 : f32
      %reduce_or3A_837 = arith.cmpf ogt, %reduce_or3A_835, %reduce_or3A_836 : f32
      %add3A_838 = arith.constant 16 : i32
      %add3A_839 = arith.addi %mul3A_811, %add3A_838 : i32
      %get3A_840 = arith.index_cast %add3A_839 : i32 to index
      %get3A_841 = tpu.vector_load %arg6[%get3A_840] {strides = array<i32>} : memref<6400xi32, #tpu.memory_space<vmem>>, vector<16xi32>,
      %add3A_842 = arith.constant 16 : i32
      %add3A_843 = arith.addi %mul3A_811, %add3A_842 : i32
      %get3A_844 = arith.index_cast %add3A_843 : i32 to index
      %get3A_845 = tpu.vector_load %arg7[%get3A_844] {strides = array<i32>} : memref<6400xf32, #tpu.memory_space<vmem>>, vector<16xf32>,
      %eq3A_846 = arith.constant 0 : i32
      %eq3A_847 = vector.broadcast %eq3A_846 : i32 to vector<16xi32>
      %eq3A_848 = arith.cmpi eq, %get3A_841, %eq3A_847 : vector<16xi32>
      %ne3A_849 = arith.constant 1.000000e+00 : f32
      %ne3A_850 = vector.broadcast %ne3A_849 : f32 to vector<16xf32>
      %ne3A_851 = arith.cmpf one, %get3A_845, %ne3A_850 : vector<16xf32>
      %or3A_852 = arith.ori %eq3A_848, %ne3A_851 : vector<16xi1>
      %reduce_or3A_853 = arith.constant 1.000000e+00 : f32
      %reduce_or3A_854 = arith.constant 0.000000e+00 : f32
      %reduce_or3A_855 = vector.broadcast %reduce_or3A_853 : f32 to vector<16xf32>
      %reduce_or3A_856 = vector.broadcast %reduce_or3A_854 : f32 to vector<16xf32>
      %reduce_or3A_857 = arith.select %or3A_852, %reduce_or3A_855, %reduce_or3A_856 : vector<16xi1>, vector<16xf32>
      %reduce_or3A_858 = arith.constant true
      %reduce_or3A_859 = vector.broadcast %reduce_or3A_858 : i1 to vector<16xi1>
      %reduce_or3A_860 = tpu.scan <max>, %reduce_or3A_857 masked %reduce_or3A_859 : vector<16xf32>, vector<16xi1> -> vector<16xf32>
      %reduce_or3A_861 = vector.extract %reduce_or3A_860[15] : f32 from vector<16xf32>
      %reduce_or3A_862 = arith.constant 0.000000e+00 : f32
      %reduce_or3A_863 = arith.cmpf ogt, %reduce_or3A_861, %reduce_or3A_862 : f32
      %add3A_864 = arith.constant 32 : i32
      %add3A_865 = arith.addi %mul3A_811, %add3A_864 : i32
      %get3A_866 = arith.index_cast %add3A_865 : i32 to index
      %get3A_867 = tpu.vector_load %arg6[%get3A_866] {strides = array<i32>} : memref<6400xi32, #tpu.memory_space<vmem>>, vector<16xi32>,
      %add3A_868 = arith.constant 32 : i32
      %add3A_869 = arith.addi %mul3A_811, %add3A_868 : i32
      %get3A_870 = arith.index_cast %add3A_869 : i32 to index
      %get3A_871 = tpu.vector_load %arg7[%get3A_870] {strides = array<i32>} : memref<6400xf32, #tpu.memory_space<vmem>>, vector<16xf32>,
      %eq3A_872 = arith.constant 0 : i32
      %eq3A_873 = vector.broadcast %eq3A_872 : i32 to vector<16xi32>
      %eq3A_874 = arith.cmpi eq, %get3A_867, %eq3A_873 : vector<16xi32>
      %ne3A_875 = arith.constant 1.000000e+00 : f32
      %ne3A_876 = vector.broadcast %ne3A_875 : f32 to vector<16xf32>
      %ne3A_877 = arith.cmpf one, %get3A_871, %ne3A_876 : vector<16xf32>
      %or3A_878 = arith.ori %eq3A_874, %ne3A_877 : vector<16xi1>
      %reduce_or3A_879 = arith.constant 1.000000e+00 : f32
      %reduce_or3A_880 = arith.constant 0.000000e+00 : f32
      %reduce_or3A_881 = vector.broadcast %reduce_or3A_879 : f32 to vector<16xf32>
      %reduce_or3A_882 = vector.broadcast %reduce_or3A_880 : f32 to vector<16xf32>
      %reduce_or3A_883 = arith.select %or3A_878, %reduce_or3A_881, %reduce_or3A_882 : vector<16xi1>, vector<16xf32>
      %reduce_or3A_884 = arith.constant true
      %reduce_or3A_885 = vector.broadcast %reduce_or3A_884 : i1 to vector<16xi1>
      %reduce_or3A_886 = tpu.scan <max>, %reduce_or3A_883 masked %reduce_or3A_885 : vector<16xf32>, vector<16xi1> -> vector<16xf32>
      %reduce_or3A_887 = vector.extract %reduce_or3A_886[15] : f32 from vector<16xf32>
      %reduce_or3A_888 = arith.constant 0.000000e+00 : f32
      %reduce_or3A_889 = arith.cmpf ogt, %reduce_or3A_887, %reduce_or3A_888 : f32
      %add3A_890 = arith.constant 48 : i32
      %add3A_891 = arith.addi %mul3A_811, %add3A_890 : i32
      %get3A_892 = arith.index_cast %add3A_891 : i32 to index
      %get3A_893 = tpu.vector_load %arg6[%get3A_892] {strides = array<i32>} : memref<6400xi32, #tpu.memory_space<vmem>>, vector<16xi32>,
      %add3A_894 = arith.constant 48 : i32
      %add3A_895 = arith.addi %mul3A_811, %add3A_894 : i32
      %get3A_896 = arith.index_cast %add3A_895 : i32 to index
      %get3A_897 = tpu.vector_load %arg7[%get3A_896] {strides = array<i32>} : memref<6400xf32, #tpu.memory_space<vmem>>, vector<16xf32>,
      %eq3A_898 = arith.constant 0 : i32
      %eq3A_899 = vector.broadcast %eq3A_898 : i32 to vector<16xi32>
      %eq3A_900 = arith.cmpi eq, %get3A_893, %eq3A_899 : vector<16xi32>
      %ne3A_901 = arith.constant 1.000000e+00 : f32
      %ne3A_902 = vector.broadcast %ne3A_901 : f32 to vector<16xf32>
      %ne3A_903 = arith.cmpf one, %get3A_897, %ne3A_902 : vector<16xf32>
      %or3A_904 = arith.ori %eq3A_900, %ne3A_903 : vector<16xi1>
      %reduce_or3A_905 = arith.constant 1.000000e+00 : f32
      %reduce_or3A_906 = arith.constant 0.000000e+00 : f32
      %reduce_or3A_907 = vector.broadcast %reduce_or3A_905 : f32 to vector<16xf32>
      %reduce_or3A_908 = vector.broadcast %reduce_or3A_906 : f32 to vector<16xf32>
      %reduce_or3A_909 = arith.select %or3A_904, %reduce_or3A_907, %reduce_or3A_908 : vector<16xi1>, vector<16xf32>
      %reduce_or3A_910 = arith.constant true
      %reduce_or3A_911 = vector.broadcast %reduce_or3A_910 : i1 to vector<16xi1>
      %reduce_or3A_912 = tpu.scan <max>, %reduce_or3A_909 masked %reduce_or3A_911 : vector<16xf32>, vector<16xi1> -> vector<16xf32>
      %reduce_or3A_913 = vector.extract %reduce_or3A_912[15] : f32 from vector<16xf32>
      %reduce_or3A_914 = arith.constant 0.000000e+00 : f32
      %reduce_or3A_915 = arith.cmpf ogt, %reduce_or3A_913, %reduce_or3A_914 : f32
      %or3A_916 = arith.ori %reduce_or3A_837, %reduce_or3A_863 : i1
      %or3A_917 = arith.ori %or3A_916, %reduce_or3A_889 : i1
      %or3A_918 = arith.ori %or3A_917, %reduce_or3A_915 : i1
      %mul3A_919 = arith.constant 64 : i32
      %mul3A_920 = arith.muli %add3A_800, %mul3A_919 : i32
      %dma_wait3A_921 = tpu.memref_slice %arg6[%mul3A_920] : memref<6400xi32, #tpu.memory_space<vmem>> -> memref<64xi32, #tpu.memory_space<vmem>>
      %dma_wait3A_922 = arith.constant 0 : i32
      %dma_wait3A_923 = arith.constant 0 : i32
      %dma_wait3A_924 = tpu.memref_slice %arg4[%dma_wait3A_922, %dma_wait3A_923] : memref<100000x128xf32, #tpu.memory_space<hbm>> -> memref<100000x128xf32, #tpu.memory_space<hbm>>
      tpu.wait_indirect_dma semaphore(%arg23 : memref<!tpu.dma_semaphore, #tpu.memory_space<semaphore_mem>>) src(%dma_wait3A_924 : memref<100000x128xf32, #tpu.memory_space<hbm>>) dst(%arg13 : memref<64x128xf32, #tpu.memory_space<vmem>>)
      %convert_element_type3A_925 = arith.extui %or3A_918 : i1 to i32
      %cond3A_926 = arith.constant 0 : i32
      %cond3A_927 = arith.cmpi ne, %convert_element_type3A_925, %cond3A_926 : i32
      scf.if %cond3A_927 {
        %scan3A_1487 = arith.constant 0 : i32
        %scan3A_1488 = arith.constant 0 : i32
        %scan3A_1489 = arith.constant 64 : i32
        %scan3A_1490 = arith.addi %scan3A_1488, %scan3A_1489 : i32
        %scan3A_1491 = arith.constant 1 : i32
        scf.for %scan3A_1493 = %scan3A_1488 to %scan3A_1490 step %scan3A_1491  : i32 {
          %add3A_1494 = arith.addi %mul3A_811, %scan3A_1493 : i32
          %broadcast_in_dim3A = vector.broadcast %add3A_1494 : i32 to vector<16xi32>
          %gather3A = tpu.vector_load_idx %arg6[%broadcast_in_dim3A] : memref<6400xi32, #tpu.memory_space<vmem>>[vector<16xi32>], vector<16xi32>,
          %gather3A_1495 = tpu.vector_load_idx %arg7[%broadcast_in_dim3A] : memref<6400xf32, #tpu.memory_space<vmem>>[vector<16xi32>], vector<16xf32>,
          %eq3A_1496 = arith.constant 0 : i32
          %eq3A_1497 = vector.broadcast %eq3A_1496 : i32 to vector<16xi32>
          %eq3A_1498 = arith.cmpi eq, %gather3A, %eq3A_1497 : vector<16xi32>
          %broadcast_in_dim3A_1499 = arith.constant 0.000000e+00 : f32
          %broadcast_in_dim3A_1500 = vector.broadcast %broadcast_in_dim3A_1499 : f32 to vector<16xf32>
          %select_n3A = arith.select %eq3A_1498, %broadcast_in_dim3A_1500, %gather3A_1495 : vector<16xi1>, vector<16xf32>
          %get3A_1501 = arith.index_cast %scan3A_1493 : i32 to index
          %get3A_1502 = arith.constant 0 : index
          %get3A_1503 = tpu.vector_load %arg13[%get3A_1501, %get3A_1502] {strides = array<i32>} : memref<64x128xf32, #tpu.memory_space<vmem>>, vector<16xf32>,
          %mul3A_1504 = arith.mulf %get3A_1503, %select_n3A : vector<16xf32>
          %swap3A = arith.index_cast %scan3A_1493 : i32 to index
          %swap3A_1505 = arith.constant 0 : index
          %swap3A_1506 = tpu.vector_load %arg13[%swap3A, %swap3A_1505] {strides = array<i32>} : memref<64x128xf32, #tpu.memory_space<vmem>>, vector<16xf32>,
          tpu.vector_store %arg13[%swap3A, %swap3A_1505], %mul3A_1504 {strides = array<i32>} : memref<64x128xf32, #tpu.memory_space<vmem>>, vector<16xf32>,
          %get3A_1507 = arith.index_cast %scan3A_1493 : i32 to index
          %get3A_1508 = arith.constant 16 : index
          %get3A_1509 = tpu.vector_load %arg13[%get3A_1507, %get3A_1508] {strides = array<i32>} : memref<64x128xf32, #tpu.memory_space<vmem>>, vector<16xf32>,
          %mul3A_1510 = arith.mulf %get3A_1509, %select_n3A : vector<16xf32>
          %swap3A_1511 = arith.index_cast %scan3A_1493 : i32 to index
          %swap3A_1512 = arith.constant 16 : index
          %swap3A_1513 = tpu.vector_load %arg13[%swap3A_1511, %swap3A_1512] {strides = array<i32>} : memref<64x128xf32, #tpu.memory_space<vmem>>, vector<16xf32>,
          tpu.vector_store %arg13[%swap3A_1511, %swap3A_1512], %mul3A_1510 {strides = array<i32>} : memref<64x128xf32, #tpu.memory_space<vmem>>, vector<16xf32>,
          %get3A_1514 = arith.index_cast %scan3A_1493 : i32 to index
          %get3A_1515 = arith.constant 32 : index
          %get3A_1516 = tpu.vector_load %arg13[%get3A_1514, %get3A_1515] {strides = array<i32>} : memref<64x128xf32, #tpu.memory_space<vmem>>, vector<16xf32>,
          %mul3A_1517 = arith.mulf %get3A_1516, %select_n3A : vector<16xf32>
          %swap3A_1518 = arith.index_cast %scan3A_1493 : i32 to index
          %swap3A_1519 = arith.constant 32 : index
          %swap3A_1520 = tpu.vector_load %arg13[%swap3A_1518, %swap3A_1519] {strides = array<i32>} : memref<64x128xf32, #tpu.memory_space<vmem>>, vector<16xf32>,
          tpu.vector_store %arg13[%swap3A_1518, %swap3A_1519], %mul3A_1517 {strides = array<i32>} : memref<64x128xf32, #tpu.memory_space<vmem>>, vector<16xf32>,
          %get3A_1521 = arith.index_cast %scan3A_1493 : i32 to index
          %get3A_1522 = arith.constant 48 : index
          %get3A_1523 = tpu.vector_load %arg13[%get3A_1521, %get3A_1522] {strides = array<i32>} : memref<64x128xf32, #tpu.memory_space<vmem>>, vector<16xf32>,
          %mul3A_1524 = arith.mulf %get3A_1523, %select_n3A : vector<16xf32>
          %swap3A_1525 = arith.index_cast %scan3A_1493 : i32 to index
          %swap3A_1526 = arith.constant 48 : index
          %swap3A_1527 = tpu.vector_load %arg13[%swap3A_1525, %swap3A_1526] {strides = array<i32>} : memref<64x128xf32, #tpu.memory_space<vmem>>, vector<16xf32>,
          tpu.vector_store %arg13[%swap3A_1525, %swap3A_1526], %mul3A_1524 {strides = array<i32>} : memref<64x128xf32, #tpu.memory_space<vmem>>, vector<16xf32>,
          %get3A_1528 = arith.index_cast %scan3A_1493 : i32 to index
          %get3A_1529 = arith.constant 64 : index
          %get3A_1530 = tpu.vector_load %arg13[%get3A_1528, %get3A_1529] {strides = array<i32>} : memref<64x128xf32, #tpu.memory_space<vmem>>, vector<16xf32>,
          %mul3A_1531 = arith.mulf %get3A_1530, %select_n3A : vector<16xf32>
          %swap3A_1532 = arith.index_cast %scan3A_1493 : i32 to index
          %swap3A_1533 = arith.constant 64 : index
          %swap3A_1534 = tpu.vector_load %arg13[%swap3A_1532, %swap3A_1533] {strides = array<i32>} : memref<64x128xf32, #tpu.memory_space<vmem>>, vector<16xf32>,
          tpu.vector_store %arg13[%swap3A_1532, %swap3A_1533], %mul3A_1531 {strides = array<i32>} : memref<64x128xf32, #tpu.memory_space<vmem>>, vector<16xf32>,
          %get3A_1535 = arith.index_cast %scan3A_1493 : i32 to index
          %get3A_1536 = arith.constant 80 : index
          %get3A_1537 = tpu.vector_load %arg13[%get3A_1535, %get3A_1536] {strides = array<i32>} : memref<64x128xf32, #tpu.memory_space<vmem>>, vector<16xf32>,
          %mul3A_1538 = arith.mulf %get3A_1537, %select_n3A : vector<16xf32>
          %swap3A_1539 = arith.index_cast %scan3A_1493 : i32 to index
          %swap3A_1540 = arith.constant 80 : index
          %swap3A_1541 = tpu.vector_load %arg13[%swap3A_1539, %swap3A_1540] {strides = array<i32>} : memref<64x128xf32, #tpu.memory_space<vmem>>, vector<16xf32>,
          tpu.vector_store %arg13[%swap3A_1539, %swap3A_1540], %mul3A_1538 {strides = array<i32>} : memref<64x128xf32, #tpu.memory_space<vmem>>, vector<16xf32>,
          %get3A_1542 = arith.index_cast %scan3A_1493 : i32 to index
          %get3A_1543 = arith.constant 96 : index
          %get3A_1544 = tpu.vector_load %arg13[%get3A_1542, %get3A_1543] {strides = array<i32>} : memref<64x128xf32, #tpu.memory_space<vmem>>, vector<16xf32>,
          %mul3A_1545 = arith.mulf %get3A_1544, %select_n3A : vector<16xf32>
          %swap3A_1546 = arith.index_cast %scan3A_1493 : i32 to index
          %swap3A_1547 = arith.constant 96 : index
          %swap3A_1548 = tpu.vector_load %arg13[%swap3A_1546, %swap3A_1547] {strides = array<i32>} : memref<64x128xf32, #tpu.memory_space<vmem>>, vector<16xf32>,
          tpu.vector_store %arg13[%swap3A_1546, %swap3A_1547], %mul3A_1545 {strides = array<i32>} : memref<64x128xf32, #tpu.memory_space<vmem>>, vector<16xf32>,
          %get3A_1549 = arith.index_cast %scan3A_1493 : i32 to index
          %get3A_1550 = arith.constant 112 : index
          %get3A_1551 = tpu.vector_load %arg13[%get3A_1549, %get3A_1550] {strides = array<i32>} : memref<64x128xf32, #tpu.memory_space<vmem>>, vector<16xf32>,
          %mul3A_1552 = arith.mulf %get3A_1551, %select_n3A : vector<16xf32>
          %swap3A_1553 = arith.index_cast %scan3A_1493 : i32 to index
          %swap3A_1554 = arith.constant 112 : index
          %swap3A_1555 = tpu.vector_load %arg13[%swap3A_1553, %swap3A_1554] {strides = array<i32>} : memref<64x128xf32, #tpu.memory_space<vmem>>, vector<16xf32>,
          tpu.vector_store %arg13[%swap3A_1553, %swap3A_1554], %mul3A_1552 {strides = array<i32>} : memref<64x128xf32, #tpu.memory_space<vmem>>, vector<16xf32>,
        }
        %scan3A_1492 = arith.constant 64 : i32
      } else {
      }
      %mul3A_928 = arith.constant 64 : i32
      %mul3A_929 = arith.muli %add3A_800, %mul3A_928 : i32
      %add3A_930 = arith.addi %mul3A_2, %mul3A_929 : i32
      %dma_start3A_931 = arith.constant 0 : i32
      %dma_start3A_932 = tpu.memref_slice %arg5[%add3A_930, %dma_start3A_931] : memref<204800x128xf32, #tpu.memory_space<hbm>> -> memref<64x128xf32, #tpu.memory_space<hbm>>
      %dma_start3A_933 = arith.constant 0 : i32
      %dma_start3A_934 = tpu.memref_slice %arg5[%add3A_930, %dma_start3A_933] : memref<204800x128xf32, #tpu.memory_space<hbm>> -> memref<64x128xf32, #tpu.memory_space<hbm>>
      tpu.enqueue_dma source(%arg13 : memref<64x128xf32, #tpu.memory_space<vmem>>) target(%dma_start3A_934 : memref<64x128xf32, #tpu.memory_space<hbm>>) target_semaphore(%arg33 : memref<!tpu.dma_semaphore, #tpu.memory_space<semaphore_mem>>)
      %mul3A_935 = arith.constant 10 : i32
      %mul3A_936 = arith.muli %scan3A_115, %mul3A_935 : i32
      %add3A_937 = arith.constant 6 : i32
      %add3A_938 = arith.addi %mul3A_936, %add3A_937 : i32
      %add3A_939 = arith.constant 10 : i32
      %add3A_940 = arith.addi %add3A_938, %add3A_939 : i32
      %sub3A_941 = arith.constant 1 : i32
      %sub3A_942 = arith.subi %add3A_940, %sub3A_941 : i32
      %lt3A_943 = arith.constant 100 : i32
      %lt3A_944 = arith.cmpi slt, %sub3A_942, %lt3A_943 : i32
      %convert_element_type3A_945 = arith.extui %lt3A_944 : i1 to i32
      %cond3A_946 = arith.constant 0 : i32
      %cond3A_947 = arith.cmpi ne, %convert_element_type3A_945, %cond3A_946 : i32
      scf.if %cond3A_947 {
        %ge3A = arith.constant 10 : i32
        %ge3A_1487 = arith.cmpi sge, %sub3A_942, %ge3A : i32
        %convert_element_type3A_1488 = arith.extui %ge3A_1487 : i1 to i32
        %cond3A_1489 = arith.constant 0 : i32
        %cond3A_1490 = arith.cmpi ne, %convert_element_type3A_1488, %cond3A_1489 : i32
        scf.if %cond3A_1490 {
          %sub3A_1497 = arith.constant 10 : i32
          %sub3A_1498 = arith.subi %sub3A_942, %sub3A_1497 : i32
          %mul3A_1499 = arith.constant 64 : i32
          %mul3A_1500 = arith.muli %sub3A_1498, %mul3A_1499 : i32
          %add3A_1501 = arith.addi %mul3A_2, %mul3A_1500 : i32
          %dma_wait3A_1502 = arith.constant 0 : i32
          %dma_wait3A_1503 = tpu.memref_slice %arg5[%add3A_1501, %dma_wait3A_1502] : memref<204800x128xf32, #tpu.memory_space<hbm>> -> memref<64x128xf32, #tpu.memory_space<hbm>>
          %dma_wait3A_1504 = arith.constant 0 : i32
          %dma_wait3A_1505 = tpu.memref_slice %arg5[%add3A_1501, %dma_wait3A_1504] : memref<204800x128xf32, #tpu.memory_space<hbm>> -> memref<64x128xf32, #tpu.memory_space<hbm>>
          tpu.wait_dma2 semaphore(%arg33 : memref<!tpu.dma_semaphore, #tpu.memory_space<semaphore_mem>>) src(%arg13 : memref<64x128xf32, #tpu.memory_space<vmem>>) dst(%dma_wait3A_1505 : memref<64x128xf32, #tpu.memory_space<hbm>>)
        } else {
        }
        %mul3A_1491 = arith.constant 64 : i32
        %mul3A_1492 = arith.muli %sub3A_942, %mul3A_1491 : i32
        %dma_start3A_1493 = tpu.memref_slice %arg6[%mul3A_1492] : memref<6400xi32, #tpu.memory_space<vmem>> -> memref<64xi32, #tpu.memory_space<vmem>>
        %dma_start3A_1494 = arith.constant 0 : i32
        %dma_start3A_1495 = arith.constant 0 : i32
        %dma_start3A_1496 = tpu.memref_slice %arg4[%dma_start3A_1494, %dma_start3A_1495] : memref<100000x128xf32, #tpu.memory_space<hbm>> -> memref<100000x128xf32, #tpu.memory_space<hbm>>
        tpu.enqueue_indirect_dma source(%dma_start3A_1496 : memref<100000x128xf32, #tpu.memory_space<hbm>>) target(%arg13 : memref<64x128xf32, #tpu.memory_space<vmem>>) offsets(%dma_start3A_1493 : memref<64xi32, #tpu.memory_space<vmem>>) semaphore(%arg23 : memref<!tpu.dma_semaphore, #tpu.memory_space<semaphore_mem>>)
      } else {
      }
      %mul3A_948 = arith.constant 64 : i32
      %mul3A_949 = arith.muli %add3A_938, %mul3A_948 : i32
      %add3A_950 = arith.constant 0 : i32
      %add3A_951 = arith.addi %mul3A_949, %add3A_950 : i32
      %get3A_952 = arith.index_cast %add3A_951 : i32 to index
      %get3A_953 = tpu.vector_load %arg6[%get3A_952] {strides = array<i32>} : memref<6400xi32, #tpu.memory_space<vmem>>, vector<16xi32>,
      %add3A_954 = arith.constant 0 : i32
      %add3A_955 = arith.addi %mul3A_949, %add3A_954 : i32
      %get3A_956 = arith.index_cast %add3A_955 : i32 to index
      %get3A_957 = tpu.vector_load %arg7[%get3A_956] {strides = array<i32>} : memref<6400xf32, #tpu.memory_space<vmem>>, vector<16xf32>,
      %eq3A_958 = arith.constant 0 : i32
      %eq3A_959 = vector.broadcast %eq3A_958 : i32 to vector<16xi32>
      %eq3A_960 = arith.cmpi eq, %get3A_953, %eq3A_959 : vector<16xi32>
      %ne3A_961 = arith.constant 1.000000e+00 : f32
      %ne3A_962 = vector.broadcast %ne3A_961 : f32 to vector<16xf32>
      %ne3A_963 = arith.cmpf one, %get3A_957, %ne3A_962 : vector<16xf32>
      %or3A_964 = arith.ori %eq3A_960, %ne3A_963 : vector<16xi1>
      %reduce_or3A_965 = arith.constant 1.000000e+00 : f32
      %reduce_or3A_966 = arith.constant 0.000000e+00 : f32
      %reduce_or3A_967 = vector.broadcast %reduce_or3A_965 : f32 to vector<16xf32>
      %reduce_or3A_968 = vector.broadcast %reduce_or3A_966 : f32 to vector<16xf32>
      %reduce_or3A_969 = arith.select %or3A_964, %reduce_or3A_967, %reduce_or3A_968 : vector<16xi1>, vector<16xf32>
      %reduce_or3A_970 = arith.constant true
      %reduce_or3A_971 = vector.broadcast %reduce_or3A_970 : i1 to vector<16xi1>
      %reduce_or3A_972 = tpu.scan <max>, %reduce_or3A_969 masked %reduce_or3A_971 : vector<16xf32>, vector<16xi1> -> vector<16xf32>
      %reduce_or3A_973 = vector.extract %reduce_or3A_972[15] : f32 from vector<16xf32>
      %reduce_or3A_974 = arith.constant 0.000000e+00 : f32
      %reduce_or3A_975 = arith.cmpf ogt, %reduce_or3A_973, %reduce_or3A_974 : f32
      %add3A_976 = arith.constant 16 : i32
      %add3A_977 = arith.addi %mul3A_949, %add3A_976 : i32
      %get3A_978 = arith.index_cast %add3A_977 : i32 to index
      %get3A_979 = tpu.vector_load %arg6[%get3A_978] {strides = array<i32>} : memref<6400xi32, #tpu.memory_space<vmem>>, vector<16xi32>,
      %add3A_980 = arith.constant 16 : i32
      %add3A_981 = arith.addi %mul3A_949, %add3A_980 : i32
      %get3A_982 = arith.index_cast %add3A_981 : i32 to index
      %get3A_983 = tpu.vector_load %arg7[%get3A_982] {strides = array<i32>} : memref<6400xf32, #tpu.memory_space<vmem>>, vector<16xf32>,
      %eq3A_984 = arith.constant 0 : i32
      %eq3A_985 = vector.broadcast %eq3A_984 : i32 to vector<16xi32>
      %eq3A_986 = arith.cmpi eq, %get3A_979, %eq3A_985 : vector<16xi32>
      %ne3A_987 = arith.constant 1.000000e+00 : f32
      %ne3A_988 = vector.broadcast %ne3A_987 : f32 to vector<16xf32>
      %ne3A_989 = arith.cmpf one, %get3A_983, %ne3A_988 : vector<16xf32>
      %or3A_990 = arith.ori %eq3A_986, %ne3A_989 : vector<16xi1>
      %reduce_or3A_991 = arith.constant 1.000000e+00 : f32
      %reduce_or3A_992 = arith.constant 0.000000e+00 : f32
      %reduce_or3A_993 = vector.broadcast %reduce_or3A_991 : f32 to vector<16xf32>
      %reduce_or3A_994 = vector.broadcast %reduce_or3A_992 : f32 to vector<16xf32>
      %reduce_or3A_995 = arith.select %or3A_990, %reduce_or3A_993, %reduce_or3A_994 : vector<16xi1>, vector<16xf32>
      %reduce_or3A_996 = arith.constant true
      %reduce_or3A_997 = vector.broadcast %reduce_or3A_996 : i1 to vector<16xi1>
      %reduce_or3A_998 = tpu.scan <max>, %reduce_or3A_995 masked %reduce_or3A_997 : vector<16xf32>, vector<16xi1> -> vector<16xf32>
      %reduce_or3A_999 = vector.extract %reduce_or3A_998[15] : f32 from vector<16xf32>
      %reduce_or3A_1000 = arith.constant 0.000000e+00 : f32
      %reduce_or3A_1001 = arith.cmpf ogt, %reduce_or3A_999, %reduce_or3A_1000 : f32
      %add3A_1002 = arith.constant 32 : i32
      %add3A_1003 = arith.addi %mul3A_949, %add3A_1002 : i32
      %get3A_1004 = arith.index_cast %add3A_1003 : i32 to index
      %get3A_1005 = tpu.vector_load %arg6[%get3A_1004] {strides = array<i32>} : memref<6400xi32, #tpu.memory_space<vmem>>, vector<16xi32>,
      %add3A_1006 = arith.constant 32 : i32
      %add3A_1007 = arith.addi %mul3A_949, %add3A_1006 : i32
      %get3A_1008 = arith.index_cast %add3A_1007 : i32 to index
      %get3A_1009 = tpu.vector_load %arg7[%get3A_1008] {strides = array<i32>} : memref<6400xf32, #tpu.memory_space<vmem>>, vector<16xf32>,
      %eq3A_1010 = arith.constant 0 : i32
      %eq3A_1011 = vector.broadcast %eq3A_1010 : i32 to vector<16xi32>
      %eq3A_1012 = arith.cmpi eq, %get3A_1005, %eq3A_1011 : vector<16xi32>
      %ne3A_1013 = arith.constant 1.000000e+00 : f32
      %ne3A_1014 = vector.broadcast %ne3A_1013 : f32 to vector<16xf32>
      %ne3A_1015 = arith.cmpf one, %get3A_1009, %ne3A_1014 : vector<16xf32>
      %or3A_1016 = arith.ori %eq3A_1012, %ne3A_1015 : vector<16xi1>
      %reduce_or3A_1017 = arith.constant 1.000000e+00 : f32
      %reduce_or3A_1018 = arith.constant 0.000000e+00 : f32
      %reduce_or3A_1019 = vector.broadcast %reduce_or3A_1017 : f32 to vector<16xf32>
      %reduce_or3A_1020 = vector.broadcast %reduce_or3A_1018 : f32 to vector<16xf32>
      %reduce_or3A_1021 = arith.select %or3A_1016, %reduce_or3A_1019, %reduce_or3A_1020 : vector<16xi1>, vector<16xf32>
      %reduce_or3A_1022 = arith.constant true
      %reduce_or3A_1023 = vector.broadcast %reduce_or3A_1022 : i1 to vector<16xi1>
      %reduce_or3A_1024 = tpu.scan <max>, %reduce_or3A_1021 masked %reduce_or3A_1023 : vector<16xf32>, vector<16xi1> -> vector<16xf32>
      %reduce_or3A_1025 = vector.extract %reduce_or3A_1024[15] : f32 from vector<16xf32>
      %reduce_or3A_1026 = arith.constant 0.000000e+00 : f32
      %reduce_or3A_1027 = arith.cmpf ogt, %reduce_or3A_1025, %reduce_or3A_1026 : f32
      %add3A_1028 = arith.constant 48 : i32
      %add3A_1029 = arith.addi %mul3A_949, %add3A_1028 : i32
      %get3A_1030 = arith.index_cast %add3A_1029 : i32 to index
      %get3A_1031 = tpu.vector_load %arg6[%get3A_1030] {strides = array<i32>} : memref<6400xi32, #tpu.memory_space<vmem>>, vector<16xi32>,
      %add3A_1032 = arith.constant 48 : i32
      %add3A_1033 = arith.addi %mul3A_949, %add3A_1032 : i32
      %get3A_1034 = arith.index_cast %add3A_1033 : i32 to index
      %get3A_1035 = tpu.vector_load %arg7[%get3A_1034] {strides = array<i32>} : memref<6400xf32, #tpu.memory_space<vmem>>, vector<16xf32>,
      %eq3A_1036 = arith.constant 0 : i32
      %eq3A_1037 = vector.broadcast %eq3A_1036 : i32 to vector<16xi32>
      %eq3A_1038 = arith.cmpi eq, %get3A_1031, %eq3A_1037 : vector<16xi32>
      %ne3A_1039 = arith.constant 1.000000e+00 : f32
      %ne3A_1040 = vector.broadcast %ne3A_1039 : f32 to vector<16xf32>
      %ne3A_1041 = arith.cmpf one, %get3A_1035, %ne3A_1040 : vector<16xf32>
      %or3A_1042 = arith.ori %eq3A_1038, %ne3A_1041 : vector<16xi1>
      %reduce_or3A_1043 = arith.constant 1.000000e+00 : f32
      %reduce_or3A_1044 = arith.constant 0.000000e+00 : f32
      %reduce_or3A_1045 = vector.broadcast %reduce_or3A_1043 : f32 to vector<16xf32>
      %reduce_or3A_1046 = vector.broadcast %reduce_or3A_1044 : f32 to vector<16xf32>
      %reduce_or3A_1047 = arith.select %or3A_1042, %reduce_or3A_1045, %reduce_or3A_1046 : vector<16xi1>, vector<16xf32>
      %reduce_or3A_1048 = arith.constant true
      %reduce_or3A_1049 = vector.broadcast %reduce_or3A_1048 : i1 to vector<16xi1>
      %reduce_or3A_1050 = tpu.scan <max>, %reduce_or3A_1047 masked %reduce_or3A_1049 : vector<16xf32>, vector<16xi1> -> vector<16xf32>
      %reduce_or3A_1051 = vector.extract %reduce_or3A_1050[15] : f32 from vector<16xf32>
      %reduce_or3A_1052 = arith.constant 0.000000e+00 : f32
      %reduce_or3A_1053 = arith.cmpf ogt, %reduce_or3A_1051, %reduce_or3A_1052 : f32
      %or3A_1054 = arith.ori %reduce_or3A_975, %reduce_or3A_1001 : i1
      %or3A_1055 = arith.ori %or3A_1054, %reduce_or3A_1027 : i1
      %or3A_1056 = arith.ori %or3A_1055, %reduce_or3A_1053 : i1
      %mul3A_1057 = arith.constant 64 : i32
      %mul3A_1058 = arith.muli %add3A_938, %mul3A_1057 : i32
      %dma_wait3A_1059 = tpu.memref_slice %arg6[%mul3A_1058] : memref<6400xi32, #tpu.memory_space<vmem>> -> memref<64xi32, #tpu.memory_space<vmem>>
      %dma_wait3A_1060 = arith.constant 0 : i32
      %dma_wait3A_1061 = arith.constant 0 : i32
      %dma_wait3A_1062 = tpu.memref_slice %arg4[%dma_wait3A_1060, %dma_wait3A_1061] : memref<100000x128xf32, #tpu.memory_space<hbm>> -> memref<100000x128xf32, #tpu.memory_space<hbm>>
      tpu.wait_indirect_dma semaphore(%arg24 : memref<!tpu.dma_semaphore, #tpu.memory_space<semaphore_mem>>) src(%dma_wait3A_1062 : memref<100000x128xf32, #tpu.memory_space<hbm>>) dst(%arg14 : memref<64x128xf32, #tpu.memory_space<vmem>>)
      %convert_element_type3A_1063 = arith.extui %or3A_1056 : i1 to i32
      %cond3A_1064 = arith.constant 0 : i32
      %cond3A_1065 = arith.cmpi ne, %convert_element_type3A_1063, %cond3A_1064 : i32
      scf.if %cond3A_1065 {
        %scan3A_1487 = arith.constant 0 : i32
        %scan3A_1488 = arith.constant 0 : i32
        %scan3A_1489 = arith.constant 64 : i32
        %scan3A_1490 = arith.addi %scan3A_1488, %scan3A_1489 : i32
        %scan3A_1491 = arith.constant 1 : i32
        scf.for %scan3A_1493 = %scan3A_1488 to %scan3A_1490 step %scan3A_1491  : i32 {
          %add3A_1494 = arith.addi %mul3A_949, %scan3A_1493 : i32
          %broadcast_in_dim3A = vector.broadcast %add3A_1494 : i32 to vector<16xi32>
          %gather3A = tpu.vector_load_idx %arg6[%broadcast_in_dim3A] : memref<6400xi32, #tpu.memory_space<vmem>>[vector<16xi32>], vector<16xi32>,
          %gather3A_1495 = tpu.vector_load_idx %arg7[%broadcast_in_dim3A] : memref<6400xf32, #tpu.memory_space<vmem>>[vector<16xi32>], vector<16xf32>,
          %eq3A_1496 = arith.constant 0 : i32
          %eq3A_1497 = vector.broadcast %eq3A_1496 : i32 to vector<16xi32>
          %eq3A_1498 = arith.cmpi eq, %gather3A, %eq3A_1497 : vector<16xi32>
          %broadcast_in_dim3A_1499 = arith.constant 0.000000e+00 : f32
          %broadcast_in_dim3A_1500 = vector.broadcast %broadcast_in_dim3A_1499 : f32 to vector<16xf32>
          %select_n3A = arith.select %eq3A_1498, %broadcast_in_dim3A_1500, %gather3A_1495 : vector<16xi1>, vector<16xf32>
          %get3A_1501 = arith.index_cast %scan3A_1493 : i32 to index
          %get3A_1502 = arith.constant 0 : index
          %get3A_1503 = tpu.vector_load %arg14[%get3A_1501, %get3A_1502] {strides = array<i32>} : memref<64x128xf32, #tpu.memory_space<vmem>>, vector<16xf32>,
          %mul3A_1504 = arith.mulf %get3A_1503, %select_n3A : vector<16xf32>
          %swap3A = arith.index_cast %scan3A_1493 : i32 to index
          %swap3A_1505 = arith.constant 0 : index
          %swap3A_1506 = tpu.vector_load %arg14[%swap3A, %swap3A_1505] {strides = array<i32>} : memref<64x128xf32, #tpu.memory_space<vmem>>, vector<16xf32>,
          tpu.vector_store %arg14[%swap3A, %swap3A_1505], %mul3A_1504 {strides = array<i32>} : memref<64x128xf32, #tpu.memory_space<vmem>>, vector<16xf32>,
          %get3A_1507 = arith.index_cast %scan3A_1493 : i32 to index
          %get3A_1508 = arith.constant 16 : index
          %get3A_1509 = tpu.vector_load %arg14[%get3A_1507, %get3A_1508] {strides = array<i32>} : memref<64x128xf32, #tpu.memory_space<vmem>>, vector<16xf32>,
          %mul3A_1510 = arith.mulf %get3A_1509, %select_n3A : vector<16xf32>
          %swap3A_1511 = arith.index_cast %scan3A_1493 : i32 to index
          %swap3A_1512 = arith.constant 16 : index
          %swap3A_1513 = tpu.vector_load %arg14[%swap3A_1511, %swap3A_1512] {strides = array<i32>} : memref<64x128xf32, #tpu.memory_space<vmem>>, vector<16xf32>,
          tpu.vector_store %arg14[%swap3A_1511, %swap3A_1512], %mul3A_1510 {strides = array<i32>} : memref<64x128xf32, #tpu.memory_space<vmem>>, vector<16xf32>,
          %get3A_1514 = arith.index_cast %scan3A_1493 : i32 to index
          %get3A_1515 = arith.constant 32 : index
          %get3A_1516 = tpu.vector_load %arg14[%get3A_1514, %get3A_1515] {strides = array<i32>} : memref<64x128xf32, #tpu.memory_space<vmem>>, vector<16xf32>,
          %mul3A_1517 = arith.mulf %get3A_1516, %select_n3A : vector<16xf32>
          %swap3A_1518 = arith.index_cast %scan3A_1493 : i32 to index
          %swap3A_1519 = arith.constant 32 : index
          %swap3A_1520 = tpu.vector_load %arg14[%swap3A_1518, %swap3A_1519] {strides = array<i32>} : memref<64x128xf32, #tpu.memory_space<vmem>>, vector<16xf32>,
          tpu.vector_store %arg14[%swap3A_1518, %swap3A_1519], %mul3A_1517 {strides = array<i32>} : memref<64x128xf32, #tpu.memory_space<vmem>>, vector<16xf32>,
          %get3A_1521 = arith.index_cast %scan3A_1493 : i32 to index
          %get3A_1522 = arith.constant 48 : index
          %get3A_1523 = tpu.vector_load %arg14[%get3A_1521, %get3A_1522] {strides = array<i32>} : memref<64x128xf32, #tpu.memory_space<vmem>>, vector<16xf32>,
          %mul3A_1524 = arith.mulf %get3A_1523, %select_n3A : vector<16xf32>
          %swap3A_1525 = arith.index_cast %scan3A_1493 : i32 to index
          %swap3A_1526 = arith.constant 48 : index
          %swap3A_1527 = tpu.vector_load %arg14[%swap3A_1525, %swap3A_1526] {strides = array<i32>} : memref<64x128xf32, #tpu.memory_space<vmem>>, vector<16xf32>,
          tpu.vector_store %arg14[%swap3A_1525, %swap3A_1526], %mul3A_1524 {strides = array<i32>} : memref<64x128xf32, #tpu.memory_space<vmem>>, vector<16xf32>,
          %get3A_1528 = arith.index_cast %scan3A_1493 : i32 to index
          %get3A_1529 = arith.constant 64 : index
          %get3A_1530 = tpu.vector_load %arg14[%get3A_1528, %get3A_1529] {strides = array<i32>} : memref<64x128xf32, #tpu.memory_space<vmem>>, vector<16xf32>,
          %mul3A_1531 = arith.mulf %get3A_1530, %select_n3A : vector<16xf32>
          %swap3A_1532 = arith.index_cast %scan3A_1493 : i32 to index
          %swap3A_1533 = arith.constant 64 : index
          %swap3A_1534 = tpu.vector_load %arg14[%swap3A_1532, %swap3A_1533] {strides = array<i32>} : memref<64x128xf32, #tpu.memory_space<vmem>>, vector<16xf32>,
          tpu.vector_store %arg14[%swap3A_1532, %swap3A_1533], %mul3A_1531 {strides = array<i32>} : memref<64x128xf32, #tpu.memory_space<vmem>>, vector<16xf32>,
          %get3A_1535 = arith.index_cast %scan3A_1493 : i32 to index
          %get3A_1536 = arith.constant 80 : index
          %get3A_1537 = tpu.vector_load %arg14[%get3A_1535, %get3A_1536] {strides = array<i32>} : memref<64x128xf32, #tpu.memory_space<vmem>>, vector<16xf32>,
          %mul3A_1538 = arith.mulf %get3A_1537, %select_n3A : vector<16xf32>
          %swap3A_1539 = arith.index_cast %scan3A_1493 : i32 to index
          %swap3A_1540 = arith.constant 80 : index
          %swap3A_1541 = tpu.vector_load %arg14[%swap3A_1539, %swap3A_1540] {strides = array<i32>} : memref<64x128xf32, #tpu.memory_space<vmem>>, vector<16xf32>,
          tpu.vector_store %arg14[%swap3A_1539, %swap3A_1540], %mul3A_1538 {strides = array<i32>} : memref<64x128xf32, #tpu.memory_space<vmem>>, vector<16xf32>,
          %get3A_1542 = arith.index_cast %scan3A_1493 : i32 to index
          %get3A_1543 = arith.constant 96 : index
          %get3A_1544 = tpu.vector_load %arg14[%get3A_1542, %get3A_1543] {strides = array<i32>} : memref<64x128xf32, #tpu.memory_space<vmem>>, vector<16xf32>,
          %mul3A_1545 = arith.mulf %get3A_1544, %select_n3A : vector<16xf32>
          %swap3A_1546 = arith.index_cast %scan3A_1493 : i32 to index
          %swap3A_1547 = arith.constant 96 : index
          %swap3A_1548 = tpu.vector_load %arg14[%swap3A_1546, %swap3A_1547] {strides = array<i32>} : memref<64x128xf32, #tpu.memory_space<vmem>>, vector<16xf32>,
          tpu.vector_store %arg14[%swap3A_1546, %swap3A_1547], %mul3A_1545 {strides = array<i32>} : memref<64x128xf32, #tpu.memory_space<vmem>>, vector<16xf32>,
          %get3A_1549 = arith.index_cast %scan3A_1493 : i32 to index
          %get3A_1550 = arith.constant 112 : index
          %get3A_1551 = tpu.vector_load %arg14[%get3A_1549, %get3A_1550] {strides = array<i32>} : memref<64x128xf32, #tpu.memory_space<vmem>>, vector<16xf32>,
          %mul3A_1552 = arith.mulf %get3A_1551, %select_n3A : vector<16xf32>
          %swap3A_1553 = arith.index_cast %scan3A_1493 : i32 to index
          %swap3A_1554 = arith.constant 112 : index
          %swap3A_1555 = tpu.vector_load %arg14[%swap3A_1553, %swap3A_1554] {strides = array<i32>} : memref<64x128xf32, #tpu.memory_space<vmem>>, vector<16xf32>,
          tpu.vector_store %arg14[%swap3A_1553, %swap3A_1554], %mul3A_1552 {strides = array<i32>} : memref<64x128xf32, #tpu.memory_space<vmem>>, vector<16xf32>,
        }
        %scan3A_1492 = arith.constant 64 : i32
      } else {
      }
      %mul3A_1066 = arith.constant 64 : i32
      %mul3A_1067 = arith.muli %add3A_938, %mul3A_1066 : i32
      %add3A_1068 = arith.addi %mul3A_2, %mul3A_1067 : i32
      %dma_start3A_1069 = arith.constant 0 : i32
      %dma_start3A_1070 = tpu.memref_slice %arg5[%add3A_1068, %dma_start3A_1069] : memref<204800x128xf32, #tpu.memory_space<hbm>> -> memref<64x128xf32, #tpu.memory_space<hbm>>
      %dma_start3A_1071 = arith.constant 0 : i32
      %dma_start3A_1072 = tpu.memref_slice %arg5[%add3A_1068, %dma_start3A_1071] : memref<204800x128xf32, #tpu.memory_space<hbm>> -> memref<64x128xf32, #tpu.memory_space<hbm>>
      tpu.enqueue_dma source(%arg14 : memref<64x128xf32, #tpu.memory_space<vmem>>) target(%dma_start3A_1072 : memref<64x128xf32, #tpu.memory_space<hbm>>) target_semaphore(%arg34 : memref<!tpu.dma_semaphore, #tpu.memory_space<semaphore_mem>>)
      %mul3A_1073 = arith.constant 10 : i32
      %mul3A_1074 = arith.muli %scan3A_115, %mul3A_1073 : i32
      %add3A_1075 = arith.constant 7 : i32
      %add3A_1076 = arith.addi %mul3A_1074, %add3A_1075 : i32
      %add3A_1077 = arith.constant 10 : i32
      %add3A_1078 = arith.addi %add3A_1076, %add3A_1077 : i32
      %sub3A_1079 = arith.constant 1 : i32
      %sub3A_1080 = arith.subi %add3A_1078, %sub3A_1079 : i32
      %lt3A_1081 = arith.constant 100 : i32
      %lt3A_1082 = arith.cmpi slt, %sub3A_1080, %lt3A_1081 : i32
      %convert_element_type3A_1083 = arith.extui %lt3A_1082 : i1 to i32
      %cond3A_1084 = arith.constant 0 : i32
      %cond3A_1085 = arith.cmpi ne, %convert_element_type3A_1083, %cond3A_1084 : i32
      scf.if %cond3A_1085 {
        %ge3A = arith.constant 10 : i32
        %ge3A_1487 = arith.cmpi sge, %sub3A_1080, %ge3A : i32
        %convert_element_type3A_1488 = arith.extui %ge3A_1487 : i1 to i32
        %cond3A_1489 = arith.constant 0 : i32
        %cond3A_1490 = arith.cmpi ne, %convert_element_type3A_1488, %cond3A_1489 : i32
        scf.if %cond3A_1490 {
          %sub3A_1497 = arith.constant 10 : i32
          %sub3A_1498 = arith.subi %sub3A_1080, %sub3A_1497 : i32
          %mul3A_1499 = arith.constant 64 : i32
          %mul3A_1500 = arith.muli %sub3A_1498, %mul3A_1499 : i32
          %add3A_1501 = arith.addi %mul3A_2, %mul3A_1500 : i32
          %dma_wait3A_1502 = arith.constant 0 : i32
          %dma_wait3A_1503 = tpu.memref_slice %arg5[%add3A_1501, %dma_wait3A_1502] : memref<204800x128xf32, #tpu.memory_space<hbm>> -> memref<64x128xf32, #tpu.memory_space<hbm>>
          %dma_wait3A_1504 = arith.constant 0 : i32
          %dma_wait3A_1505 = tpu.memref_slice %arg5[%add3A_1501, %dma_wait3A_1504] : memref<204800x128xf32, #tpu.memory_space<hbm>> -> memref<64x128xf32, #tpu.memory_space<hbm>>
          tpu.wait_dma2 semaphore(%arg34 : memref<!tpu.dma_semaphore, #tpu.memory_space<semaphore_mem>>) src(%arg14 : memref<64x128xf32, #tpu.memory_space<vmem>>) dst(%dma_wait3A_1505 : memref<64x128xf32, #tpu.memory_space<hbm>>)
        } else {
        }
        %mul3A_1491 = arith.constant 64 : i32
        %mul3A_1492 = arith.muli %sub3A_1080, %mul3A_1491 : i32
        %dma_start3A_1493 = tpu.memref_slice %arg6[%mul3A_1492] : memref<6400xi32, #tpu.memory_space<vmem>> -> memref<64xi32, #tpu.memory_space<vmem>>
        %dma_start3A_1494 = arith.constant 0 : i32
        %dma_start3A_1495 = arith.constant 0 : i32
        %dma_start3A_1496 = tpu.memref_slice %arg4[%dma_start3A_1494, %dma_start3A_1495] : memref<100000x128xf32, #tpu.memory_space<hbm>> -> memref<100000x128xf32, #tpu.memory_space<hbm>>
        tpu.enqueue_indirect_dma source(%dma_start3A_1496 : memref<100000x128xf32, #tpu.memory_space<hbm>>) target(%arg14 : memref<64x128xf32, #tpu.memory_space<vmem>>) offsets(%dma_start3A_1493 : memref<64xi32, #tpu.memory_space<vmem>>) semaphore(%arg24 : memref<!tpu.dma_semaphore, #tpu.memory_space<semaphore_mem>>)
      } else {
      }
      %mul3A_1086 = arith.constant 64 : i32
      %mul3A_1087 = arith.muli %add3A_1076, %mul3A_1086 : i32
      %add3A_1088 = arith.constant 0 : i32
      %add3A_1089 = arith.addi %mul3A_1087, %add3A_1088 : i32
      %get3A_1090 = arith.index_cast %add3A_1089 : i32 to index
      %get3A_1091 = tpu.vector_load %arg6[%get3A_1090] {strides = array<i32>} : memref<6400xi32, #tpu.memory_space<vmem>>, vector<16xi32>,
      %add3A_1092 = arith.constant 0 : i32
      %add3A_1093 = arith.addi %mul3A_1087, %add3A_1092 : i32
      %get3A_1094 = arith.index_cast %add3A_1093 : i32 to index
      %get3A_1095 = tpu.vector_load %arg7[%get3A_1094] {strides = array<i32>} : memref<6400xf32, #tpu.memory_space<vmem>>, vector<16xf32>,
      %eq3A_1096 = arith.constant 0 : i32
      %eq3A_1097 = vector.broadcast %eq3A_1096 : i32 to vector<16xi32>
      %eq3A_1098 = arith.cmpi eq, %get3A_1091, %eq3A_1097 : vector<16xi32>
      %ne3A_1099 = arith.constant 1.000000e+00 : f32
      %ne3A_1100 = vector.broadcast %ne3A_1099 : f32 to vector<16xf32>
      %ne3A_1101 = arith.cmpf one, %get3A_1095, %ne3A_1100 : vector<16xf32>
      %or3A_1102 = arith.ori %eq3A_1098, %ne3A_1101 : vector<16xi1>
      %reduce_or3A_1103 = arith.constant 1.000000e+00 : f32
      %reduce_or3A_1104 = arith.constant 0.000000e+00 : f32
      %reduce_or3A_1105 = vector.broadcast %reduce_or3A_1103 : f32 to vector<16xf32>
      %reduce_or3A_1106 = vector.broadcast %reduce_or3A_1104 : f32 to vector<16xf32>
      %reduce_or3A_1107 = arith.select %or3A_1102, %reduce_or3A_1105, %reduce_or3A_1106 : vector<16xi1>, vector<16xf32>
      %reduce_or3A_1108 = arith.constant true
      %reduce_or3A_1109 = vector.broadcast %reduce_or3A_1108 : i1 to vector<16xi1>
      %reduce_or3A_1110 = tpu.scan <max>, %reduce_or3A_1107 masked %reduce_or3A_1109 : vector<16xf32>, vector<16xi1> -> vector<16xf32>
      %reduce_or3A_1111 = vector.extract %reduce_or3A_1110[15] : f32 from vector<16xf32>
      %reduce_or3A_1112 = arith.constant 0.000000e+00 : f32
      %reduce_or3A_1113 = arith.cmpf ogt, %reduce_or3A_1111, %reduce_or3A_1112 : f32
      %add3A_1114 = arith.constant 16 : i32
      %add3A_1115 = arith.addi %mul3A_1087, %add3A_1114 : i32
      %get3A_1116 = arith.index_cast %add3A_1115 : i32 to index
      %get3A_1117 = tpu.vector_load %arg6[%get3A_1116] {strides = array<i32>} : memref<6400xi32, #tpu.memory_space<vmem>>, vector<16xi32>,
      %add3A_1118 = arith.constant 16 : i32
      %add3A_1119 = arith.addi %mul3A_1087, %add3A_1118 : i32
      %get3A_1120 = arith.index_cast %add3A_1119 : i32 to index
      %get3A_1121 = tpu.vector_load %arg7[%get3A_1120] {strides = array<i32>} : memref<6400xf32, #tpu.memory_space<vmem>>, vector<16xf32>,
      %eq3A_1122 = arith.constant 0 : i32
      %eq3A_1123 = vector.broadcast %eq3A_1122 : i32 to vector<16xi32>
      %eq3A_1124 = arith.cmpi eq, %get3A_1117, %eq3A_1123 : vector<16xi32>
      %ne3A_1125 = arith.constant 1.000000e+00 : f32
      %ne3A_1126 = vector.broadcast %ne3A_1125 : f32 to vector<16xf32>
      %ne3A_1127 = arith.cmpf one, %get3A_1121, %ne3A_1126 : vector<16xf32>
      %or3A_1128 = arith.ori %eq3A_1124, %ne3A_1127 : vector<16xi1>
      %reduce_or3A_1129 = arith.constant 1.000000e+00 : f32
      %reduce_or3A_1130 = arith.constant 0.000000e+00 : f32
      %reduce_or3A_1131 = vector.broadcast %reduce_or3A_1129 : f32 to vector<16xf32>
      %reduce_or3A_1132 = vector.broadcast %reduce_or3A_1130 : f32 to vector<16xf32>
      %reduce_or3A_1133 = arith.select %or3A_1128, %reduce_or3A_1131, %reduce_or3A_1132 : vector<16xi1>, vector<16xf32>
      %reduce_or3A_1134 = arith.constant true
      %reduce_or3A_1135 = vector.broadcast %reduce_or3A_1134 : i1 to vector<16xi1>
      %reduce_or3A_1136 = tpu.scan <max>, %reduce_or3A_1133 masked %reduce_or3A_1135 : vector<16xf32>, vector<16xi1> -> vector<16xf32>
      %reduce_or3A_1137 = vector.extract %reduce_or3A_1136[15] : f32 from vector<16xf32>
      %reduce_or3A_1138 = arith.constant 0.000000e+00 : f32
      %reduce_or3A_1139 = arith.cmpf ogt, %reduce_or3A_1137, %reduce_or3A_1138 : f32
      %add3A_1140 = arith.constant 32 : i32
      %add3A_1141 = arith.addi %mul3A_1087, %add3A_1140 : i32
      %get3A_1142 = arith.index_cast %add3A_1141 : i32 to index
      %get3A_1143 = tpu.vector_load %arg6[%get3A_1142] {strides = array<i32>} : memref<6400xi32, #tpu.memory_space<vmem>>, vector<16xi32>,
      %add3A_1144 = arith.constant 32 : i32
      %add3A_1145 = arith.addi %mul3A_1087, %add3A_1144 : i32
      %get3A_1146 = arith.index_cast %add3A_1145 : i32 to index
      %get3A_1147 = tpu.vector_load %arg7[%get3A_1146] {strides = array<i32>} : memref<6400xf32, #tpu.memory_space<vmem>>, vector<16xf32>,
      %eq3A_1148 = arith.constant 0 : i32
      %eq3A_1149 = vector.broadcast %eq3A_1148 : i32 to vector<16xi32>
      %eq3A_1150 = arith.cmpi eq, %get3A_1143, %eq3A_1149 : vector<16xi32>
      %ne3A_1151 = arith.constant 1.000000e+00 : f32
      %ne3A_1152 = vector.broadcast %ne3A_1151 : f32 to vector<16xf32>
      %ne3A_1153 = arith.cmpf one, %get3A_1147, %ne3A_1152 : vector<16xf32>
      %or3A_1154 = arith.ori %eq3A_1150, %ne3A_1153 : vector<16xi1>
      %reduce_or3A_1155 = arith.constant 1.000000e+00 : f32
      %reduce_or3A_1156 = arith.constant 0.000000e+00 : f32
      %reduce_or3A_1157 = vector.broadcast %reduce_or3A_1155 : f32 to vector<16xf32>
      %reduce_or3A_1158 = vector.broadcast %reduce_or3A_1156 : f32 to vector<16xf32>
      %reduce_or3A_1159 = arith.select %or3A_1154, %reduce_or3A_1157, %reduce_or3A_1158 : vector<16xi1>, vector<16xf32>
      %reduce_or3A_1160 = arith.constant true
      %reduce_or3A_1161 = vector.broadcast %reduce_or3A_1160 : i1 to vector<16xi1>
      %reduce_or3A_1162 = tpu.scan <max>, %reduce_or3A_1159 masked %reduce_or3A_1161 : vector<16xf32>, vector<16xi1> -> vector<16xf32>
      %reduce_or3A_1163 = vector.extract %reduce_or3A_1162[15] : f32 from vector<16xf32>
      %reduce_or3A_1164 = arith.constant 0.000000e+00 : f32
      %reduce_or3A_1165 = arith.cmpf ogt, %reduce_or3A_1163, %reduce_or3A_1164 : f32
      %add3A_1166 = arith.constant 48 : i32
      %add3A_1167 = arith.addi %mul3A_1087, %add3A_1166 : i32
      %get3A_1168 = arith.index_cast %add3A_1167 : i32 to index
      %get3A_1169 = tpu.vector_load %arg6[%get3A_1168] {strides = array<i32>} : memref<6400xi32, #tpu.memory_space<vmem>>, vector<16xi32>,
      %add3A_1170 = arith.constant 48 : i32
      %add3A_1171 = arith.addi %mul3A_1087, %add3A_1170 : i32
      %get3A_1172 = arith.index_cast %add3A_1171 : i32 to index
      %get3A_1173 = tpu.vector_load %arg7[%get3A_1172] {strides = array<i32>} : memref<6400xf32, #tpu.memory_space<vmem>>, vector<16xf32>,
      %eq3A_1174 = arith.constant 0 : i32
      %eq3A_1175 = vector.broadcast %eq3A_1174 : i32 to vector<16xi32>
      %eq3A_1176 = arith.cmpi eq, %get3A_1169, %eq3A_1175 : vector<16xi32>
      %ne3A_1177 = arith.constant 1.000000e+00 : f32
      %ne3A_1178 = vector.broadcast %ne3A_1177 : f32 to vector<16xf32>
      %ne3A_1179 = arith.cmpf one, %get3A_1173, %ne3A_1178 : vector<16xf32>
      %or3A_1180 = arith.ori %eq3A_1176, %ne3A_1179 : vector<16xi1>
      %reduce_or3A_1181 = arith.constant 1.000000e+00 : f32
      %reduce_or3A_1182 = arith.constant 0.000000e+00 : f32
      %reduce_or3A_1183 = vector.broadcast %reduce_or3A_1181 : f32 to vector<16xf32>
      %reduce_or3A_1184 = vector.broadcast %reduce_or3A_1182 : f32 to vector<16xf32>
      %reduce_or3A_1185 = arith.select %or3A_1180, %reduce_or3A_1183, %reduce_or3A_1184 : vector<16xi1>, vector<16xf32>
      %reduce_or3A_1186 = arith.constant true
      %reduce_or3A_1187 = vector.broadcast %reduce_or3A_1186 : i1 to vector<16xi1>
      %reduce_or3A_1188 = tpu.scan <max>, %reduce_or3A_1185 masked %reduce_or3A_1187 : vector<16xf32>, vector<16xi1> -> vector<16xf32>
      %reduce_or3A_1189 = vector.extract %reduce_or3A_1188[15] : f32 from vector<16xf32>
      %reduce_or3A_1190 = arith.constant 0.000000e+00 : f32
      %reduce_or3A_1191 = arith.cmpf ogt, %reduce_or3A_1189, %reduce_or3A_1190 : f32
      %or3A_1192 = arith.ori %reduce_or3A_1113, %reduce_or3A_1139 : i1
      %or3A_1193 = arith.ori %or3A_1192, %reduce_or3A_1165 : i1
      %or3A_1194 = arith.ori %or3A_1193, %reduce_or3A_1191 : i1
      %mul3A_1195 = arith.constant 64 : i32
      %mul3A_1196 = arith.muli %add3A_1076, %mul3A_1195 : i32
      %dma_wait3A_1197 = tpu.memref_slice %arg6[%mul3A_1196] : memref<6400xi32, #tpu.memory_space<vmem>> -> memref<64xi32, #tpu.memory_space<vmem>>
      %dma_wait3A_1198 = arith.constant 0 : i32
      %dma_wait3A_1199 = arith.constant 0 : i32
      %dma_wait3A_1200 = tpu.memref_slice %arg4[%dma_wait3A_1198, %dma_wait3A_1199] : memref<100000x128xf32, #tpu.memory_space<hbm>> -> memref<100000x128xf32, #tpu.memory_space<hbm>>
      tpu.wait_indirect_dma semaphore(%arg25 : memref<!tpu.dma_semaphore, #tpu.memory_space<semaphore_mem>>) src(%dma_wait3A_1200 : memref<100000x128xf32, #tpu.memory_space<hbm>>) dst(%arg15 : memref<64x128xf32, #tpu.memory_space<vmem>>)
      %convert_element_type3A_1201 = arith.extui %or3A_1194 : i1 to i32
      %cond3A_1202 = arith.constant 0 : i32
      %cond3A_1203 = arith.cmpi ne, %convert_element_type3A_1201, %cond3A_1202 : i32
      scf.if %cond3A_1203 {
        %scan3A_1487 = arith.constant 0 : i32
        %scan3A_1488 = arith.constant 0 : i32
        %scan3A_1489 = arith.constant 64 : i32
        %scan3A_1490 = arith.addi %scan3A_1488, %scan3A_1489 : i32
        %scan3A_1491 = arith.constant 1 : i32
        scf.for %scan3A_1493 = %scan3A_1488 to %scan3A_1490 step %scan3A_1491  : i32 {
          %add3A_1494 = arith.addi %mul3A_1087, %scan3A_1493 : i32
          %broadcast_in_dim3A = vector.broadcast %add3A_1494 : i32 to vector<16xi32>
          %gather3A = tpu.vector_load_idx %arg6[%broadcast_in_dim3A] : memref<6400xi32, #tpu.memory_space<vmem>>[vector<16xi32>], vector<16xi32>,
          %gather3A_1495 = tpu.vector_load_idx %arg7[%broadcast_in_dim3A] : memref<6400xf32, #tpu.memory_space<vmem>>[vector<16xi32>], vector<16xf32>,
          %eq3A_1496 = arith.constant 0 : i32
          %eq3A_1497 = vector.broadcast %eq3A_1496 : i32 to vector<16xi32>
          %eq3A_1498 = arith.cmpi eq, %gather3A, %eq3A_1497 : vector<16xi32>
          %broadcast_in_dim3A_1499 = arith.constant 0.000000e+00 : f32
          %broadcast_in_dim3A_1500 = vector.broadcast %broadcast_in_dim3A_1499 : f32 to vector<16xf32>
          %select_n3A = arith.select %eq3A_1498, %broadcast_in_dim3A_1500, %gather3A_1495 : vector<16xi1>, vector<16xf32>
          %get3A_1501 = arith.index_cast %scan3A_1493 : i32 to index
          %get3A_1502 = arith.constant 0 : index
          %get3A_1503 = tpu.vector_load %arg15[%get3A_1501, %get3A_1502] {strides = array<i32>} : memref<64x128xf32, #tpu.memory_space<vmem>>, vector<16xf32>,
          %mul3A_1504 = arith.mulf %get3A_1503, %select_n3A : vector<16xf32>
          %swap3A = arith.index_cast %scan3A_1493 : i32 to index
          %swap3A_1505 = arith.constant 0 : index
          %swap3A_1506 = tpu.vector_load %arg15[%swap3A, %swap3A_1505] {strides = array<i32>} : memref<64x128xf32, #tpu.memory_space<vmem>>, vector<16xf32>,
          tpu.vector_store %arg15[%swap3A, %swap3A_1505], %mul3A_1504 {strides = array<i32>} : memref<64x128xf32, #tpu.memory_space<vmem>>, vector<16xf32>,
          %get3A_1507 = arith.index_cast %scan3A_1493 : i32 to index
          %get3A_1508 = arith.constant 16 : index
          %get3A_1509 = tpu.vector_load %arg15[%get3A_1507, %get3A_1508] {strides = array<i32>} : memref<64x128xf32, #tpu.memory_space<vmem>>, vector<16xf32>,
          %mul3A_1510 = arith.mulf %get3A_1509, %select_n3A : vector<16xf32>
          %swap3A_1511 = arith.index_cast %scan3A_1493 : i32 to index
          %swap3A_1512 = arith.constant 16 : index
          %swap3A_1513 = tpu.vector_load %arg15[%swap3A_1511, %swap3A_1512] {strides = array<i32>} : memref<64x128xf32, #tpu.memory_space<vmem>>, vector<16xf32>,
          tpu.vector_store %arg15[%swap3A_1511, %swap3A_1512], %mul3A_1510 {strides = array<i32>} : memref<64x128xf32, #tpu.memory_space<vmem>>, vector<16xf32>,
          %get3A_1514 = arith.index_cast %scan3A_1493 : i32 to index
          %get3A_1515 = arith.constant 32 : index
          %get3A_1516 = tpu.vector_load %arg15[%get3A_1514, %get3A_1515] {strides = array<i32>} : memref<64x128xf32, #tpu.memory_space<vmem>>, vector<16xf32>,
          %mul3A_1517 = arith.mulf %get3A_1516, %select_n3A : vector<16xf32>
          %swap3A_1518 = arith.index_cast %scan3A_1493 : i32 to index
          %swap3A_1519 = arith.constant 32 : index
          %swap3A_1520 = tpu.vector_load %arg15[%swap3A_1518, %swap3A_1519] {strides = array<i32>} : memref<64x128xf32, #tpu.memory_space<vmem>>, vector<16xf32>,
          tpu.vector_store %arg15[%swap3A_1518, %swap3A_1519], %mul3A_1517 {strides = array<i32>} : memref<64x128xf32, #tpu.memory_space<vmem>>, vector<16xf32>,
          %get3A_1521 = arith.index_cast %scan3A_1493 : i32 to index
          %get3A_1522 = arith.constant 48 : index
          %get3A_1523 = tpu.vector_load %arg15[%get3A_1521, %get3A_1522] {strides = array<i32>} : memref<64x128xf32, #tpu.memory_space<vmem>>, vector<16xf32>,
          %mul3A_1524 = arith.mulf %get3A_1523, %select_n3A : vector<16xf32>
          %swap3A_1525 = arith.index_cast %scan3A_1493 : i32 to index
          %swap3A_1526 = arith.constant 48 : index
          %swap3A_1527 = tpu.vector_load %arg15[%swap3A_1525, %swap3A_1526] {strides = array<i32>} : memref<64x128xf32, #tpu.memory_space<vmem>>, vector<16xf32>,
          tpu.vector_store %arg15[%swap3A_1525, %swap3A_1526], %mul3A_1524 {strides = array<i32>} : memref<64x128xf32, #tpu.memory_space<vmem>>, vector<16xf32>,
          %get3A_1528 = arith.index_cast %scan3A_1493 : i32 to index
          %get3A_1529 = arith.constant 64 : index
          %get3A_1530 = tpu.vector_load %arg15[%get3A_1528, %get3A_1529] {strides = array<i32>} : memref<64x128xf32, #tpu.memory_space<vmem>>, vector<16xf32>,
          %mul3A_1531 = arith.mulf %get3A_1530, %select_n3A : vector<16xf32>
          %swap3A_1532 = arith.index_cast %scan3A_1493 : i32 to index
          %swap3A_1533 = arith.constant 64 : index
          %swap3A_1534 = tpu.vector_load %arg15[%swap3A_1532, %swap3A_1533] {strides = array<i32>} : memref<64x128xf32, #tpu.memory_space<vmem>>, vector<16xf32>,
          tpu.vector_store %arg15[%swap3A_1532, %swap3A_1533], %mul3A_1531 {strides = array<i32>} : memref<64x128xf32, #tpu.memory_space<vmem>>, vector<16xf32>,
          %get3A_1535 = arith.index_cast %scan3A_1493 : i32 to index
          %get3A_1536 = arith.constant 80 : index
          %get3A_1537 = tpu.vector_load %arg15[%get3A_1535, %get3A_1536] {strides = array<i32>} : memref<64x128xf32, #tpu.memory_space<vmem>>, vector<16xf32>,
          %mul3A_1538 = arith.mulf %get3A_1537, %select_n3A : vector<16xf32>
          %swap3A_1539 = arith.index_cast %scan3A_1493 : i32 to index
          %swap3A_1540 = arith.constant 80 : index
          %swap3A_1541 = tpu.vector_load %arg15[%swap3A_1539, %swap3A_1540] {strides = array<i32>} : memref<64x128xf32, #tpu.memory_space<vmem>>, vector<16xf32>,
          tpu.vector_store %arg15[%swap3A_1539, %swap3A_1540], %mul3A_1538 {strides = array<i32>} : memref<64x128xf32, #tpu.memory_space<vmem>>, vector<16xf32>,
          %get3A_1542 = arith.index_cast %scan3A_1493 : i32 to index
          %get3A_1543 = arith.constant 96 : index
          %get3A_1544 = tpu.vector_load %arg15[%get3A_1542, %get3A_1543] {strides = array<i32>} : memref<64x128xf32, #tpu.memory_space<vmem>>, vector<16xf32>,
          %mul3A_1545 = arith.mulf %get3A_1544, %select_n3A : vector<16xf32>
          %swap3A_1546 = arith.index_cast %scan3A_1493 : i32 to index
          %swap3A_1547 = arith.constant 96 : index
          %swap3A_1548 = tpu.vector_load %arg15[%swap3A_1546, %swap3A_1547] {strides = array<i32>} : memref<64x128xf32, #tpu.memory_space<vmem>>, vector<16xf32>,
          tpu.vector_store %arg15[%swap3A_1546, %swap3A_1547], %mul3A_1545 {strides = array<i32>} : memref<64x128xf32, #tpu.memory_space<vmem>>, vector<16xf32>,
          %get3A_1549 = arith.index_cast %scan3A_1493 : i32 to index
          %get3A_1550 = arith.constant 112 : index
          %get3A_1551 = tpu.vector_load %arg15[%get3A_1549, %get3A_1550] {strides = array<i32>} : memref<64x128xf32, #tpu.memory_space<vmem>>, vector<16xf32>,
          %mul3A_1552 = arith.mulf %get3A_1551, %select_n3A : vector<16xf32>
          %swap3A_1553 = arith.index_cast %scan3A_1493 : i32 to index
          %swap3A_1554 = arith.constant 112 : index
          %swap3A_1555 = tpu.vector_load %arg15[%swap3A_1553, %swap3A_1554] {strides = array<i32>} : memref<64x128xf32, #tpu.memory_space<vmem>>, vector<16xf32>,
          tpu.vector_store %arg15[%swap3A_1553, %swap3A_1554], %mul3A_1552 {strides = array<i32>} : memref<64x128xf32, #tpu.memory_space<vmem>>, vector<16xf32>,
        }
        %scan3A_1492 = arith.constant 64 : i32
      } else {
      }
      %mul3A_1204 = arith.constant 64 : i32
      %mul3A_1205 = arith.muli %add3A_1076, %mul3A_1204 : i32
      %add3A_1206 = arith.addi %mul3A_2, %mul3A_1205 : i32
      %dma_start3A_1207 = arith.constant 0 : i32
      %dma_start3A_1208 = tpu.memref_slice %arg5[%add3A_1206, %dma_start3A_1207] : memref<204800x128xf32, #tpu.memory_space<hbm>> -> memref<64x128xf32, #tpu.memory_space<hbm>>
      %dma_start3A_1209 = arith.constant 0 : i32
      %dma_start3A_1210 = tpu.memref_slice %arg5[%add3A_1206, %dma_start3A_1209] : memref<204800x128xf32, #tpu.memory_space<hbm>> -> memref<64x128xf32, #tpu.memory_space<hbm>>
      tpu.enqueue_dma source(%arg15 : memref<64x128xf32, #tpu.memory_space<vmem>>) target(%dma_start3A_1210 : memref<64x128xf32, #tpu.memory_space<hbm>>) target_semaphore(%arg35 : memref<!tpu.dma_semaphore, #tpu.memory_space<semaphore_mem>>)
      %mul3A_1211 = arith.constant 10 : i32
      %mul3A_1212 = arith.muli %scan3A_115, %mul3A_1211 : i32
      %add3A_1213 = arith.constant 8 : i32
      %add3A_1214 = arith.addi %mul3A_1212, %add3A_1213 : i32
      %add3A_1215 = arith.constant 10 : i32
      %add3A_1216 = arith.addi %add3A_1214, %add3A_1215 : i32
      %sub3A_1217 = arith.constant 1 : i32
      %sub3A_1218 = arith.subi %add3A_1216, %sub3A_1217 : i32
      %lt3A_1219 = arith.constant 100 : i32
      %lt3A_1220 = arith.cmpi slt, %sub3A_1218, %lt3A_1219 : i32
      %convert_element_type3A_1221 = arith.extui %lt3A_1220 : i1 to i32
      %cond3A_1222 = arith.constant 0 : i32
      %cond3A_1223 = arith.cmpi ne, %convert_element_type3A_1221, %cond3A_1222 : i32
      scf.if %cond3A_1223 {
        %ge3A = arith.constant 10 : i32
        %ge3A_1487 = arith.cmpi sge, %sub3A_1218, %ge3A : i32
        %convert_element_type3A_1488 = arith.extui %ge3A_1487 : i1 to i32
        %cond3A_1489 = arith.constant 0 : i32
        %cond3A_1490 = arith.cmpi ne, %convert_element_type3A_1488, %cond3A_1489 : i32
        scf.if %cond3A_1490 {
          %sub3A_1497 = arith.constant 10 : i32
          %sub3A_1498 = arith.subi %sub3A_1218, %sub3A_1497 : i32
          %mul3A_1499 = arith.constant 64 : i32
          %mul3A_1500 = arith.muli %sub3A_1498, %mul3A_1499 : i32
          %add3A_1501 = arith.addi %mul3A_2, %mul3A_1500 : i32
          %dma_wait3A_1502 = arith.constant 0 : i32
          %dma_wait3A_1503 = tpu.memref_slice %arg5[%add3A_1501, %dma_wait3A_1502] : memref<204800x128xf32, #tpu.memory_space<hbm>> -> memref<64x128xf32, #tpu.memory_space<hbm>>
          %dma_wait3A_1504 = arith.constant 0 : i32
          %dma_wait3A_1505 = tpu.memref_slice %arg5[%add3A_1501, %dma_wait3A_1504] : memref<204800x128xf32, #tpu.memory_space<hbm>> -> memref<64x128xf32, #tpu.memory_space<hbm>>
          tpu.wait_dma2 semaphore(%arg35 : memref<!tpu.dma_semaphore, #tpu.memory_space<semaphore_mem>>) src(%arg15 : memref<64x128xf32, #tpu.memory_space<vmem>>) dst(%dma_wait3A_1505 : memref<64x128xf32, #tpu.memory_space<hbm>>)
        } else {
        }
        %mul3A_1491 = arith.constant 64 : i32
        %mul3A_1492 = arith.muli %sub3A_1218, %mul3A_1491 : i32
        %dma_start3A_1493 = tpu.memref_slice %arg6[%mul3A_1492] : memref<6400xi32, #tpu.memory_space<vmem>> -> memref<64xi32, #tpu.memory_space<vmem>>
        %dma_start3A_1494 = arith.constant 0 : i32
        %dma_start3A_1495 = arith.constant 0 : i32
        %dma_start3A_1496 = tpu.memref_slice %arg4[%dma_start3A_1494, %dma_start3A_1495] : memref<100000x128xf32, #tpu.memory_space<hbm>> -> memref<100000x128xf32, #tpu.memory_space<hbm>>
        tpu.enqueue_indirect_dma source(%dma_start3A_1496 : memref<100000x128xf32, #tpu.memory_space<hbm>>) target(%arg15 : memref<64x128xf32, #tpu.memory_space<vmem>>) offsets(%dma_start3A_1493 : memref<64xi32, #tpu.memory_space<vmem>>) semaphore(%arg25 : memref<!tpu.dma_semaphore, #tpu.memory_space<semaphore_mem>>)
      } else {
      }
      %mul3A_1224 = arith.constant 64 : i32
      %mul3A_1225 = arith.muli %add3A_1214, %mul3A_1224 : i32
      %add3A_1226 = arith.constant 0 : i32
      %add3A_1227 = arith.addi %mul3A_1225, %add3A_1226 : i32
      %get3A_1228 = arith.index_cast %add3A_1227 : i32 to index
      %get3A_1229 = tpu.vector_load %arg6[%get3A_1228] {strides = array<i32>} : memref<6400xi32, #tpu.memory_space<vmem>>, vector<16xi32>,
      %add3A_1230 = arith.constant 0 : i32
      %add3A_1231 = arith.addi %mul3A_1225, %add3A_1230 : i32
      %get3A_1232 = arith.index_cast %add3A_1231 : i32 to index
      %get3A_1233 = tpu.vector_load %arg7[%get3A_1232] {strides = array<i32>} : memref<6400xf32, #tpu.memory_space<vmem>>, vector<16xf32>,
      %eq3A_1234 = arith.constant 0 : i32
      %eq3A_1235 = vector.broadcast %eq3A_1234 : i32 to vector<16xi32>
      %eq3A_1236 = arith.cmpi eq, %get3A_1229, %eq3A_1235 : vector<16xi32>
      %ne3A_1237 = arith.constant 1.000000e+00 : f32
      %ne3A_1238 = vector.broadcast %ne3A_1237 : f32 to vector<16xf32>
      %ne3A_1239 = arith.cmpf one, %get3A_1233, %ne3A_1238 : vector<16xf32>
      %or3A_1240 = arith.ori %eq3A_1236, %ne3A_1239 : vector<16xi1>
      %reduce_or3A_1241 = arith.constant 1.000000e+00 : f32
      %reduce_or3A_1242 = arith.constant 0.000000e+00 : f32
      %reduce_or3A_1243 = vector.broadcast %reduce_or3A_1241 : f32 to vector<16xf32>
      %reduce_or3A_1244 = vector.broadcast %reduce_or3A_1242 : f32 to vector<16xf32>
      %reduce_or3A_1245 = arith.select %or3A_1240, %reduce_or3A_1243, %reduce_or3A_1244 : vector<16xi1>, vector<16xf32>
      %reduce_or3A_1246 = arith.constant true
      %reduce_or3A_1247 = vector.broadcast %reduce_or3A_1246 : i1 to vector<16xi1>
      %reduce_or3A_1248 = tpu.scan <max>, %reduce_or3A_1245 masked %reduce_or3A_1247 : vector<16xf32>, vector<16xi1> -> vector<16xf32>
      %reduce_or3A_1249 = vector.extract %reduce_or3A_1248[15] : f32 from vector<16xf32>
      %reduce_or3A_1250 = arith.constant 0.000000e+00 : f32
      %reduce_or3A_1251 = arith.cmpf ogt, %reduce_or3A_1249, %reduce_or3A_1250 : f32
      %add3A_1252 = arith.constant 16 : i32
      %add3A_1253 = arith.addi %mul3A_1225, %add3A_1252 : i32
      %get3A_1254 = arith.index_cast %add3A_1253 : i32 to index
      %get3A_1255 = tpu.vector_load %arg6[%get3A_1254] {strides = array<i32>} : memref<6400xi32, #tpu.memory_space<vmem>>, vector<16xi32>,
      %add3A_1256 = arith.constant 16 : i32
      %add3A_1257 = arith.addi %mul3A_1225, %add3A_1256 : i32
      %get3A_1258 = arith.index_cast %add3A_1257 : i32 to index
      %get3A_1259 = tpu.vector_load %arg7[%get3A_1258] {strides = array<i32>} : memref<6400xf32, #tpu.memory_space<vmem>>, vector<16xf32>,
      %eq3A_1260 = arith.constant 0 : i32
      %eq3A_1261 = vector.broadcast %eq3A_1260 : i32 to vector<16xi32>
      %eq3A_1262 = arith.cmpi eq, %get3A_1255, %eq3A_1261 : vector<16xi32>
      %ne3A_1263 = arith.constant 1.000000e+00 : f32
      %ne3A_1264 = vector.broadcast %ne3A_1263 : f32 to vector<16xf32>
      %ne3A_1265 = arith.cmpf one, %get3A_1259, %ne3A_1264 : vector<16xf32>
      %or3A_1266 = arith.ori %eq3A_1262, %ne3A_1265 : vector<16xi1>
      %reduce_or3A_1267 = arith.constant 1.000000e+00 : f32
      %reduce_or3A_1268 = arith.constant 0.000000e+00 : f32
      %reduce_or3A_1269 = vector.broadcast %reduce_or3A_1267 : f32 to vector<16xf32>
      %reduce_or3A_1270 = vector.broadcast %reduce_or3A_1268 : f32 to vector<16xf32>
      %reduce_or3A_1271 = arith.select %or3A_1266, %reduce_or3A_1269, %reduce_or3A_1270 : vector<16xi1>, vector<16xf32>
      %reduce_or3A_1272 = arith.constant true
      %reduce_or3A_1273 = vector.broadcast %reduce_or3A_1272 : i1 to vector<16xi1>
      %reduce_or3A_1274 = tpu.scan <max>, %reduce_or3A_1271 masked %reduce_or3A_1273 : vector<16xf32>, vector<16xi1> -> vector<16xf32>
      %reduce_or3A_1275 = vector.extract %reduce_or3A_1274[15] : f32 from vector<16xf32>
      %reduce_or3A_1276 = arith.constant 0.000000e+00 : f32
      %reduce_or3A_1277 = arith.cmpf ogt, %reduce_or3A_1275, %reduce_or3A_1276 : f32
      %add3A_1278 = arith.constant 32 : i32
      %add3A_1279 = arith.addi %mul3A_1225, %add3A_1278 : i32
      %get3A_1280 = arith.index_cast %add3A_1279 : i32 to index
      %get3A_1281 = tpu.vector_load %arg6[%get3A_1280] {strides = array<i32>} : memref<6400xi32, #tpu.memory_space<vmem>>, vector<16xi32>,
      %add3A_1282 = arith.constant 32 : i32
      %add3A_1283 = arith.addi %mul3A_1225, %add3A_1282 : i32
      %get3A_1284 = arith.index_cast %add3A_1283 : i32 to index
      %get3A_1285 = tpu.vector_load %arg7[%get3A_1284] {strides = array<i32>} : memref<6400xf32, #tpu.memory_space<vmem>>, vector<16xf32>,
      %eq3A_1286 = arith.constant 0 : i32
      %eq3A_1287 = vector.broadcast %eq3A_1286 : i32 to vector<16xi32>
      %eq3A_1288 = arith.cmpi eq, %get3A_1281, %eq3A_1287 : vector<16xi32>
      %ne3A_1289 = arith.constant 1.000000e+00 : f32
      %ne3A_1290 = vector.broadcast %ne3A_1289 : f32 to vector<16xf32>
      %ne3A_1291 = arith.cmpf one, %get3A_1285, %ne3A_1290 : vector<16xf32>
      %or3A_1292 = arith.ori %eq3A_1288, %ne3A_1291 : vector<16xi1>
      %reduce_or3A_1293 = arith.constant 1.000000e+00 : f32
      %reduce_or3A_1294 = arith.constant 0.000000e+00 : f32
      %reduce_or3A_1295 = vector.broadcast %reduce_or3A_1293 : f32 to vector<16xf32>
      %reduce_or3A_1296 = vector.broadcast %reduce_or3A_1294 : f32 to vector<16xf32>
      %reduce_or3A_1297 = arith.select %or3A_1292, %reduce_or3A_1295, %reduce_or3A_1296 : vector<16xi1>, vector<16xf32>
      %reduce_or3A_1298 = arith.constant true
      %reduce_or3A_1299 = vector.broadcast %reduce_or3A_1298 : i1 to vector<16xi1>
      %reduce_or3A_1300 = tpu.scan <max>, %reduce_or3A_1297 masked %reduce_or3A_1299 : vector<16xf32>, vector<16xi1> -> vector<16xf32>
      %reduce_or3A_1301 = vector.extract %reduce_or3A_1300[15] : f32 from vector<16xf32>
      %reduce_or3A_1302 = arith.constant 0.000000e+00 : f32
      %reduce_or3A_1303 = arith.cmpf ogt, %reduce_or3A_1301, %reduce_or3A_1302 : f32
      %add3A_1304 = arith.constant 48 : i32
      %add3A_1305 = arith.addi %mul3A_1225, %add3A_1304 : i32
      %get3A_1306 = arith.index_cast %add3A_1305 : i32 to index
      %get3A_1307 = tpu.vector_load %arg6[%get3A_1306] {strides = array<i32>} : memref<6400xi32, #tpu.memory_space<vmem>>, vector<16xi32>,
      %add3A_1308 = arith.constant 48 : i32
      %add3A_1309 = arith.addi %mul3A_1225, %add3A_1308 : i32
      %get3A_1310 = arith.index_cast %add3A_1309 : i32 to index
      %get3A_1311 = tpu.vector_load %arg7[%get3A_1310] {strides = array<i32>} : memref<6400xf32, #tpu.memory_space<vmem>>, vector<16xf32>,
      %eq3A_1312 = arith.constant 0 : i32
      %eq3A_1313 = vector.broadcast %eq3A_1312 : i32 to vector<16xi32>
      %eq3A_1314 = arith.cmpi eq, %get3A_1307, %eq3A_1313 : vector<16xi32>
      %ne3A_1315 = arith.constant 1.000000e+00 : f32
      %ne3A_1316 = vector.broadcast %ne3A_1315 : f32 to vector<16xf32>
      %ne3A_1317 = arith.cmpf one, %get3A_1311, %ne3A_1316 : vector<16xf32>
      %or3A_1318 = arith.ori %eq3A_1314, %ne3A_1317 : vector<16xi1>
      %reduce_or3A_1319 = arith.constant 1.000000e+00 : f32
      %reduce_or3A_1320 = arith.constant 0.000000e+00 : f32
      %reduce_or3A_1321 = vector.broadcast %reduce_or3A_1319 : f32 to vector<16xf32>
      %reduce_or3A_1322 = vector.broadcast %reduce_or3A_1320 : f32 to vector<16xf32>
      %reduce_or3A_1323 = arith.select %or3A_1318, %reduce_or3A_1321, %reduce_or3A_1322 : vector<16xi1>, vector<16xf32>
      %reduce_or3A_1324 = arith.constant true
      %reduce_or3A_1325 = vector.broadcast %reduce_or3A_1324 : i1 to vector<16xi1>
      %reduce_or3A_1326 = tpu.scan <max>, %reduce_or3A_1323 masked %reduce_or3A_1325 : vector<16xf32>, vector<16xi1> -> vector<16xf32>
      %reduce_or3A_1327 = vector.extract %reduce_or3A_1326[15] : f32 from vector<16xf32>
      %reduce_or3A_1328 = arith.constant 0.000000e+00 : f32
      %reduce_or3A_1329 = arith.cmpf ogt, %reduce_or3A_1327, %reduce_or3A_1328 : f32
      %or3A_1330 = arith.ori %reduce_or3A_1251, %reduce_or3A_1277 : i1
      %or3A_1331 = arith.ori %or3A_1330, %reduce_or3A_1303 : i1
      %or3A_1332 = arith.ori %or3A_1331, %reduce_or3A_1329 : i1
      %mul3A_1333 = arith.constant 64 : i32
      %mul3A_1334 = arith.muli %add3A_1214, %mul3A_1333 : i32
      %dma_wait3A_1335 = tpu.memref_slice %arg6[%mul3A_1334] : memref<6400xi32, #tpu.memory_space<vmem>> -> memref<64xi32, #tpu.memory_space<vmem>>
      %dma_wait3A_1336 = arith.constant 0 : i32
      %dma_wait3A_1337 = arith.constant 0 : i32
      %dma_wait3A_1338 = tpu.memref_slice %arg4[%dma_wait3A_1336, %dma_wait3A_1337] : memref<100000x128xf32, #tpu.memory_space<hbm>> -> memref<100000x128xf32, #tpu.memory_space<hbm>>
      tpu.wait_indirect_dma semaphore(%arg26 : memref<!tpu.dma_semaphore, #tpu.memory_space<semaphore_mem>>) src(%dma_wait3A_1338 : memref<100000x128xf32, #tpu.memory_space<hbm>>) dst(%arg16 : memref<64x128xf32, #tpu.memory_space<vmem>>)
      %convert_element_type3A_1339 = arith.extui %or3A_1332 : i1 to i32
      %cond3A_1340 = arith.constant 0 : i32
      %cond3A_1341 = arith.cmpi ne, %convert_element_type3A_1339, %cond3A_1340 : i32
      scf.if %cond3A_1341 {
        %scan3A_1487 = arith.constant 0 : i32
        %scan3A_1488 = arith.constant 0 : i32
        %scan3A_1489 = arith.constant 64 : i32
        %scan3A_1490 = arith.addi %scan3A_1488, %scan3A_1489 : i32
        %scan3A_1491 = arith.constant 1 : i32
        scf.for %scan3A_1493 = %scan3A_1488 to %scan3A_1490 step %scan3A_1491  : i32 {
          %add3A_1494 = arith.addi %mul3A_1225, %scan3A_1493 : i32
          %broadcast_in_dim3A = vector.broadcast %add3A_1494 : i32 to vector<16xi32>
          %gather3A = tpu.vector_load_idx %arg6[%broadcast_in_dim3A] : memref<6400xi32, #tpu.memory_space<vmem>>[vector<16xi32>], vector<16xi32>,
          %gather3A_1495 = tpu.vector_load_idx %arg7[%broadcast_in_dim3A] : memref<6400xf32, #tpu.memory_space<vmem>>[vector<16xi32>], vector<16xf32>,
          %eq3A_1496 = arith.constant 0 : i32
          %eq3A_1497 = vector.broadcast %eq3A_1496 : i32 to vector<16xi32>
          %eq3A_1498 = arith.cmpi eq, %gather3A, %eq3A_1497 : vector<16xi32>
          %broadcast_in_dim3A_1499 = arith.constant 0.000000e+00 : f32
          %broadcast_in_dim3A_1500 = vector.broadcast %broadcast_in_dim3A_1499 : f32 to vector<16xf32>
          %select_n3A = arith.select %eq3A_1498, %broadcast_in_dim3A_1500, %gather3A_1495 : vector<16xi1>, vector<16xf32>
          %get3A_1501 = arith.index_cast %scan3A_1493 : i32 to index
          %get3A_1502 = arith.constant 0 : index
          %get3A_1503 = tpu.vector_load %arg16[%get3A_1501, %get3A_1502] {strides = array<i32>} : memref<64x128xf32, #tpu.memory_space<vmem>>, vector<16xf32>,
          %mul3A_1504 = arith.mulf %get3A_1503, %select_n3A : vector<16xf32>
          %swap3A = arith.index_cast %scan3A_1493 : i32 to index
          %swap3A_1505 = arith.constant 0 : index
          %swap3A_1506 = tpu.vector_load %arg16[%swap3A, %swap3A_1505] {strides = array<i32>} : memref<64x128xf32, #tpu.memory_space<vmem>>, vector<16xf32>,
          tpu.vector_store %arg16[%swap3A, %swap3A_1505], %mul3A_1504 {strides = array<i32>} : memref<64x128xf32, #tpu.memory_space<vmem>>, vector<16xf32>,
          %get3A_1507 = arith.index_cast %scan3A_1493 : i32 to index
          %get3A_1508 = arith.constant 16 : index
          %get3A_1509 = tpu.vector_load %arg16[%get3A_1507, %get3A_1508] {strides = array<i32>} : memref<64x128xf32, #tpu.memory_space<vmem>>, vector<16xf32>,
          %mul3A_1510 = arith.mulf %get3A_1509, %select_n3A : vector<16xf32>
          %swap3A_1511 = arith.index_cast %scan3A_1493 : i32 to index
          %swap3A_1512 = arith.constant 16 : index
          %swap3A_1513 = tpu.vector_load %arg16[%swap3A_1511, %swap3A_1512] {strides = array<i32>} : memref<64x128xf32, #tpu.memory_space<vmem>>, vector<16xf32>,
          tpu.vector_store %arg16[%swap3A_1511, %swap3A_1512], %mul3A_1510 {strides = array<i32>} : memref<64x128xf32, #tpu.memory_space<vmem>>, vector<16xf32>,
          %get3A_1514 = arith.index_cast %scan3A_1493 : i32 to index
          %get3A_1515 = arith.constant 32 : index
          %get3A_1516 = tpu.vector_load %arg16[%get3A_1514, %get3A_1515] {strides = array<i32>} : memref<64x128xf32, #tpu.memory_space<vmem>>, vector<16xf32>,
          %mul3A_1517 = arith.mulf %get3A_1516, %select_n3A : vector<16xf32>
          %swap3A_1518 = arith.index_cast %scan3A_1493 : i32 to index
          %swap3A_1519 = arith.constant 32 : index
          %swap3A_1520 = tpu.vector_load %arg16[%swap3A_1518, %swap3A_1519] {strides = array<i32>} : memref<64x128xf32, #tpu.memory_space<vmem>>, vector<16xf32>,
          tpu.vector_store %arg16[%swap3A_1518, %swap3A_1519], %mul3A_1517 {strides = array<i32>} : memref<64x128xf32, #tpu.memory_space<vmem>>, vector<16xf32>,
          %get3A_1521 = arith.index_cast %scan3A_1493 : i32 to index
          %get3A_1522 = arith.constant 48 : index
          %get3A_1523 = tpu.vector_load %arg16[%get3A_1521, %get3A_1522] {strides = array<i32>} : memref<64x128xf32, #tpu.memory_space<vmem>>, vector<16xf32>,
          %mul3A_1524 = arith.mulf %get3A_1523, %select_n3A : vector<16xf32>
          %swap3A_1525 = arith.index_cast %scan3A_1493 : i32 to index
          %swap3A_1526 = arith.constant 48 : index
          %swap3A_1527 = tpu.vector_load %arg16[%swap3A_1525, %swap3A_1526] {strides = array<i32>} : memref<64x128xf32, #tpu.memory_space<vmem>>, vector<16xf32>,
          tpu.vector_store %arg16[%swap3A_1525, %swap3A_1526], %mul3A_1524 {strides = array<i32>} : memref<64x128xf32, #tpu.memory_space<vmem>>, vector<16xf32>,
          %get3A_1528 = arith.index_cast %scan3A_1493 : i32 to index
          %get3A_1529 = arith.constant 64 : index
          %get3A_1530 = tpu.vector_load %arg16[%get3A_1528, %get3A_1529] {strides = array<i32>} : memref<64x128xf32, #tpu.memory_space<vmem>>, vector<16xf32>,
          %mul3A_1531 = arith.mulf %get3A_1530, %select_n3A : vector<16xf32>
          %swap3A_1532 = arith.index_cast %scan3A_1493 : i32 to index
          %swap3A_1533 = arith.constant 64 : index
          %swap3A_1534 = tpu.vector_load %arg16[%swap3A_1532, %swap3A_1533] {strides = array<i32>} : memref<64x128xf32, #tpu.memory_space<vmem>>, vector<16xf32>,
          tpu.vector_store %arg16[%swap3A_1532, %swap3A_1533], %mul3A_1531 {strides = array<i32>} : memref<64x128xf32, #tpu.memory_space<vmem>>, vector<16xf32>,
          %get3A_1535 = arith.index_cast %scan3A_1493 : i32 to index
          %get3A_1536 = arith.constant 80 : index
          %get3A_1537 = tpu.vector_load %arg16[%get3A_1535, %get3A_1536] {strides = array<i32>} : memref<64x128xf32, #tpu.memory_space<vmem>>, vector<16xf32>,
          %mul3A_1538 = arith.mulf %get3A_1537, %select_n3A : vector<16xf32>
          %swap3A_1539 = arith.index_cast %scan3A_1493 : i32 to index
          %swap3A_1540 = arith.constant 80 : index
          %swap3A_1541 = tpu.vector_load %arg16[%swap3A_1539, %swap3A_1540] {strides = array<i32>} : memref<64x128xf32, #tpu.memory_space<vmem>>, vector<16xf32>,
          tpu.vector_store %arg16[%swap3A_1539, %swap3A_1540], %mul3A_1538 {strides = array<i32>} : memref<64x128xf32, #tpu.memory_space<vmem>>, vector<16xf32>,
          %get3A_1542 = arith.index_cast %scan3A_1493 : i32 to index
          %get3A_1543 = arith.constant 96 : index
          %get3A_1544 = tpu.vector_load %arg16[%get3A_1542, %get3A_1543] {strides = array<i32>} : memref<64x128xf32, #tpu.memory_space<vmem>>, vector<16xf32>,
          %mul3A_1545 = arith.mulf %get3A_1544, %select_n3A : vector<16xf32>
          %swap3A_1546 = arith.index_cast %scan3A_1493 : i32 to index
          %swap3A_1547 = arith.constant 96 : index
          %swap3A_1548 = tpu.vector_load %arg16[%swap3A_1546, %swap3A_1547] {strides = array<i32>} : memref<64x128xf32, #tpu.memory_space<vmem>>, vector<16xf32>,
          tpu.vector_store %arg16[%swap3A_1546, %swap3A_1547], %mul3A_1545 {strides = array<i32>} : memref<64x128xf32, #tpu.memory_space<vmem>>, vector<16xf32>,
          %get3A_1549 = arith.index_cast %scan3A_1493 : i32 to index
          %get3A_1550 = arith.constant 112 : index
          %get3A_1551 = tpu.vector_load %arg16[%get3A_1549, %get3A_1550] {strides = array<i32>} : memref<64x128xf32, #tpu.memory_space<vmem>>, vector<16xf32>,
          %mul3A_1552 = arith.mulf %get3A_1551, %select_n3A : vector<16xf32>
          %swap3A_1553 = arith.index_cast %scan3A_1493 : i32 to index
          %swap3A_1554 = arith.constant 112 : index
          %swap3A_1555 = tpu.vector_load %arg16[%swap3A_1553, %swap3A_1554] {strides = array<i32>} : memref<64x128xf32, #tpu.memory_space<vmem>>, vector<16xf32>,
          tpu.vector_store %arg16[%swap3A_1553, %swap3A_1554], %mul3A_1552 {strides = array<i32>} : memref<64x128xf32, #tpu.memory_space<vmem>>, vector<16xf32>,
        }
        %scan3A_1492 = arith.constant 64 : i32
      } else {
      }
      %mul3A_1342 = arith.constant 64 : i32
      %mul3A_1343 = arith.muli %add3A_1214, %mul3A_1342 : i32
      %add3A_1344 = arith.addi %mul3A_2, %mul3A_1343 : i32
      %dma_start3A_1345 = arith.constant 0 : i32
      %dma_start3A_1346 = tpu.memref_slice %arg5[%add3A_1344, %dma_start3A_1345] : memref<204800x128xf32, #tpu.memory_space<hbm>> -> memref<64x128xf32, #tpu.memory_space<hbm>>
      %dma_start3A_1347 = arith.constant 0 : i32
      %dma_start3A_1348 = tpu.memref_slice %arg5[%add3A_1344, %dma_start3A_1347] : memref<204800x128xf32, #tpu.memory_space<hbm>> -> memref<64x128xf32, #tpu.memory_space<hbm>>
      tpu.enqueue_dma source(%arg16 : memref<64x128xf32, #tpu.memory_space<vmem>>) target(%dma_start3A_1348 : memref<64x128xf32, #tpu.memory_space<hbm>>) target_semaphore(%arg36 : memref<!tpu.dma_semaphore, #tpu.memory_space<semaphore_mem>>)
      %mul3A_1349 = arith.constant 10 : i32
      %mul3A_1350 = arith.muli %scan3A_115, %mul3A_1349 : i32
      %add3A_1351 = arith.constant 9 : i32
      %add3A_1352 = arith.addi %mul3A_1350, %add3A_1351 : i32
      %add3A_1353 = arith.constant 10 : i32
      %add3A_1354 = arith.addi %add3A_1352, %add3A_1353 : i32
      %sub3A_1355 = arith.constant 1 : i32
      %sub3A_1356 = arith.subi %add3A_1354, %sub3A_1355 : i32
      %lt3A_1357 = arith.constant 100 : i32
      %lt3A_1358 = arith.cmpi slt, %sub3A_1356, %lt3A_1357 : i32
      %convert_element_type3A_1359 = arith.extui %lt3A_1358 : i1 to i32
      %cond3A_1360 = arith.constant 0 : i32
      %cond3A_1361 = arith.cmpi ne, %convert_element_type3A_1359, %cond3A_1360 : i32
      scf.if %cond3A_1361 {
        %ge3A = arith.constant 10 : i32
        %ge3A_1487 = arith.cmpi sge, %sub3A_1356, %ge3A : i32
        %convert_element_type3A_1488 = arith.extui %ge3A_1487 : i1 to i32
        %cond3A_1489 = arith.constant 0 : i32
        %cond3A_1490 = arith.cmpi ne, %convert_element_type3A_1488, %cond3A_1489 : i32
        scf.if %cond3A_1490 {
          %sub3A_1497 = arith.constant 10 : i32
          %sub3A_1498 = arith.subi %sub3A_1356, %sub3A_1497 : i32
          %mul3A_1499 = arith.constant 64 : i32
          %mul3A_1500 = arith.muli %sub3A_1498, %mul3A_1499 : i32
          %add3A_1501 = arith.addi %mul3A_2, %mul3A_1500 : i32
          %dma_wait3A_1502 = arith.constant 0 : i32
          %dma_wait3A_1503 = tpu.memref_slice %arg5[%add3A_1501, %dma_wait3A_1502] : memref<204800x128xf32, #tpu.memory_space<hbm>> -> memref<64x128xf32, #tpu.memory_space<hbm>>
          %dma_wait3A_1504 = arith.constant 0 : i32
          %dma_wait3A_1505 = tpu.memref_slice %arg5[%add3A_1501, %dma_wait3A_1504] : memref<204800x128xf32, #tpu.memory_space<hbm>> -> memref<64x128xf32, #tpu.memory_space<hbm>>
          tpu.wait_dma2 semaphore(%arg36 : memref<!tpu.dma_semaphore, #tpu.memory_space<semaphore_mem>>) src(%arg16 : memref<64x128xf32, #tpu.memory_space<vmem>>) dst(%dma_wait3A_1505 : memref<64x128xf32, #tpu.memory_space<hbm>>)
        } else {
        }
        %mul3A_1491 = arith.constant 64 : i32
        %mul3A_1492 = arith.muli %sub3A_1356, %mul3A_1491 : i32
        %dma_start3A_1493 = tpu.memref_slice %arg6[%mul3A_1492] : memref<6400xi32, #tpu.memory_space<vmem>> -> memref<64xi32, #tpu.memory_space<vmem>>
        %dma_start3A_1494 = arith.constant 0 : i32
        %dma_start3A_1495 = arith.constant 0 : i32
        %dma_start3A_1496 = tpu.memref_slice %arg4[%dma_start3A_1494, %dma_start3A_1495] : memref<100000x128xf32, #tpu.memory_space<hbm>> -> memref<100000x128xf32, #tpu.memory_space<hbm>>
        tpu.enqueue_indirect_dma source(%dma_start3A_1496 : memref<100000x128xf32, #tpu.memory_space<hbm>>) target(%arg16 : memref<64x128xf32, #tpu.memory_space<vmem>>) offsets(%dma_start3A_1493 : memref<64xi32, #tpu.memory_space<vmem>>) semaphore(%arg26 : memref<!tpu.dma_semaphore, #tpu.memory_space<semaphore_mem>>)
      } else {
      }
      %mul3A_1362 = arith.constant 64 : i32
      %mul3A_1363 = arith.muli %add3A_1352, %mul3A_1362 : i32
      %add3A_1364 = arith.constant 0 : i32
      %add3A_1365 = arith.addi %mul3A_1363, %add3A_1364 : i32
      %get3A_1366 = arith.index_cast %add3A_1365 : i32 to index
      %get3A_1367 = tpu.vector_load %arg6[%get3A_1366] {strides = array<i32>} : memref<6400xi32, #tpu.memory_space<vmem>>, vector<16xi32>,
      %add3A_1368 = arith.constant 0 : i32
      %add3A_1369 = arith.addi %mul3A_1363, %add3A_1368 : i32
      %get3A_1370 = arith.index_cast %add3A_1369 : i32 to index
      %get3A_1371 = tpu.vector_load %arg7[%get3A_1370] {strides = array<i32>} : memref<6400xf32, #tpu.memory_space<vmem>>, vector<16xf32>,
      %eq3A_1372 = arith.constant 0 : i32
      %eq3A_1373 = vector.broadcast %eq3A_1372 : i32 to vector<16xi32>
      %eq3A_1374 = arith.cmpi eq, %get3A_1367, %eq3A_1373 : vector<16xi32>
      %ne3A_1375 = arith.constant 1.000000e+00 : f32
      %ne3A_1376 = vector.broadcast %ne3A_1375 : f32 to vector<16xf32>
      %ne3A_1377 = arith.cmpf one, %get3A_1371, %ne3A_1376 : vector<16xf32>
      %or3A_1378 = arith.ori %eq3A_1374, %ne3A_1377 : vector<16xi1>
      %reduce_or3A_1379 = arith.constant 1.000000e+00 : f32
      %reduce_or3A_1380 = arith.constant 0.000000e+00 : f32
      %reduce_or3A_1381 = vector.broadcast %reduce_or3A_1379 : f32 to vector<16xf32>
      %reduce_or3A_1382 = vector.broadcast %reduce_or3A_1380 : f32 to vector<16xf32>
      %reduce_or3A_1383 = arith.select %or3A_1378, %reduce_or3A_1381, %reduce_or3A_1382 : vector<16xi1>, vector<16xf32>
      %reduce_or3A_1384 = arith.constant true
      %reduce_or3A_1385 = vector.broadcast %reduce_or3A_1384 : i1 to vector<16xi1>
      %reduce_or3A_1386 = tpu.scan <max>, %reduce_or3A_1383 masked %reduce_or3A_1385 : vector<16xf32>, vector<16xi1> -> vector<16xf32>
      %reduce_or3A_1387 = vector.extract %reduce_or3A_1386[15] : f32 from vector<16xf32>
      %reduce_or3A_1388 = arith.constant 0.000000e+00 : f32
      %reduce_or3A_1389 = arith.cmpf ogt, %reduce_or3A_1387, %reduce_or3A_1388 : f32
      %add3A_1390 = arith.constant 16 : i32
      %add3A_1391 = arith.addi %mul3A_1363, %add3A_1390 : i32
      %get3A_1392 = arith.index_cast %add3A_1391 : i32 to index
      %get3A_1393 = tpu.vector_load %arg6[%get3A_1392] {strides = array<i32>} : memref<6400xi32, #tpu.memory_space<vmem>>, vector<16xi32>,
      %add3A_1394 = arith.constant 16 : i32
      %add3A_1395 = arith.addi %mul3A_1363, %add3A_1394 : i32
      %get3A_1396 = arith.index_cast %add3A_1395 : i32 to index
      %get3A_1397 = tpu.vector_load %arg7[%get3A_1396] {strides = array<i32>} : memref<6400xf32, #tpu.memory_space<vmem>>, vector<16xf32>,
      %eq3A_1398 = arith.constant 0 : i32
      %eq3A_1399 = vector.broadcast %eq3A_1398 : i32 to vector<16xi32>
      %eq3A_1400 = arith.cmpi eq, %get3A_1393, %eq3A_1399 : vector<16xi32>
      %ne3A_1401 = arith.constant 1.000000e+00 : f32
      %ne3A_1402 = vector.broadcast %ne3A_1401 : f32 to vector<16xf32>
      %ne3A_1403 = arith.cmpf one, %get3A_1397, %ne3A_1402 : vector<16xf32>
      %or3A_1404 = arith.ori %eq3A_1400, %ne3A_1403 : vector<16xi1>
      %reduce_or3A_1405 = arith.constant 1.000000e+00 : f32
      %reduce_or3A_1406 = arith.constant 0.000000e+00 : f32
      %reduce_or3A_1407 = vector.broadcast %reduce_or3A_1405 : f32 to vector<16xf32>
      %reduce_or3A_1408 = vector.broadcast %reduce_or3A_1406 : f32 to vector<16xf32>
      %reduce_or3A_1409 = arith.select %or3A_1404, %reduce_or3A_1407, %reduce_or3A_1408 : vector<16xi1>, vector<16xf32>
      %reduce_or3A_1410 = arith.constant true
      %reduce_or3A_1411 = vector.broadcast %reduce_or3A_1410 : i1 to vector<16xi1>
      %reduce_or3A_1412 = tpu.scan <max>, %reduce_or3A_1409 masked %reduce_or3A_1411 : vector<16xf32>, vector<16xi1> -> vector<16xf32>
      %reduce_or3A_1413 = vector.extract %reduce_or3A_1412[15] : f32 from vector<16xf32>
      %reduce_or3A_1414 = arith.constant 0.000000e+00 : f32
      %reduce_or3A_1415 = arith.cmpf ogt, %reduce_or3A_1413, %reduce_or3A_1414 : f32
      %add3A_1416 = arith.constant 32 : i32
      %add3A_1417 = arith.addi %mul3A_1363, %add3A_1416 : i32
      %get3A_1418 = arith.index_cast %add3A_1417 : i32 to index
      %get3A_1419 = tpu.vector_load %arg6[%get3A_1418] {strides = array<i32>} : memref<6400xi32, #tpu.memory_space<vmem>>, vector<16xi32>,
      %add3A_1420 = arith.constant 32 : i32
      %add3A_1421 = arith.addi %mul3A_1363, %add3A_1420 : i32
      %get3A_1422 = arith.index_cast %add3A_1421 : i32 to index
      %get3A_1423 = tpu.vector_load %arg7[%get3A_1422] {strides = array<i32>} : memref<6400xf32, #tpu.memory_space<vmem>>, vector<16xf32>,
      %eq3A_1424 = arith.constant 0 : i32
      %eq3A_1425 = vector.broadcast %eq3A_1424 : i32 to vector<16xi32>
      %eq3A_1426 = arith.cmpi eq, %get3A_1419, %eq3A_1425 : vector<16xi32>
      %ne3A_1427 = arith.constant 1.000000e+00 : f32
      %ne3A_1428 = vector.broadcast %ne3A_1427 : f32 to vector<16xf32>
      %ne3A_1429 = arith.cmpf one, %get3A_1423, %ne3A_1428 : vector<16xf32>
      %or3A_1430 = arith.ori %eq3A_1426, %ne3A_1429 : vector<16xi1>
      %reduce_or3A_1431 = arith.constant 1.000000e+00 : f32
      %reduce_or3A_1432 = arith.constant 0.000000e+00 : f32
      %reduce_or3A_1433 = vector.broadcast %reduce_or3A_1431 : f32 to vector<16xf32>
      %reduce_or3A_1434 = vector.broadcast %reduce_or3A_1432 : f32 to vector<16xf32>
      %reduce_or3A_1435 = arith.select %or3A_1430, %reduce_or3A_1433, %reduce_or3A_1434 : vector<16xi1>, vector<16xf32>
      %reduce_or3A_1436 = arith.constant true
      %reduce_or3A_1437 = vector.broadcast %reduce_or3A_1436 : i1 to vector<16xi1>
      %reduce_or3A_1438 = tpu.scan <max>, %reduce_or3A_1435 masked %reduce_or3A_1437 : vector<16xf32>, vector<16xi1> -> vector<16xf32>
      %reduce_or3A_1439 = vector.extract %reduce_or3A_1438[15] : f32 from vector<16xf32>
      %reduce_or3A_1440 = arith.constant 0.000000e+00 : f32
      %reduce_or3A_1441 = arith.cmpf ogt, %reduce_or3A_1439, %reduce_or3A_1440 : f32
      %add3A_1442 = arith.constant 48 : i32
      %add3A_1443 = arith.addi %mul3A_1363, %add3A_1442 : i32
      %get3A_1444 = arith.index_cast %add3A_1443 : i32 to index
      %get3A_1445 = tpu.vector_load %arg6[%get3A_1444] {strides = array<i32>} : memref<6400xi32, #tpu.memory_space<vmem>>, vector<16xi32>,
      %add3A_1446 = arith.constant 48 : i32
      %add3A_1447 = arith.addi %mul3A_1363, %add3A_1446 : i32
      %get3A_1448 = arith.index_cast %add3A_1447 : i32 to index
      %get3A_1449 = tpu.vector_load %arg7[%get3A_1448] {strides = array<i32>} : memref<6400xf32, #tpu.memory_space<vmem>>, vector<16xf32>,
      %eq3A_1450 = arith.constant 0 : i32
      %eq3A_1451 = vector.broadcast %eq3A_1450 : i32 to vector<16xi32>
      %eq3A_1452 = arith.cmpi eq, %get3A_1445, %eq3A_1451 : vector<16xi32>
      %ne3A_1453 = arith.constant 1.000000e+00 : f32
      %ne3A_1454 = vector.broadcast %ne3A_1453 : f32 to vector<16xf32>
      %ne3A_1455 = arith.cmpf one, %get3A_1449, %ne3A_1454 : vector<16xf32>
      %or3A_1456 = arith.ori %eq3A_1452, %ne3A_1455 : vector<16xi1>
      %reduce_or3A_1457 = arith.constant 1.000000e+00 : f32
      %reduce_or3A_1458 = arith.constant 0.000000e+00 : f32
      %reduce_or3A_1459 = vector.broadcast %reduce_or3A_1457 : f32 to vector<16xf32>
      %reduce_or3A_1460 = vector.broadcast %reduce_or3A_1458 : f32 to vector<16xf32>
      %reduce_or3A_1461 = arith.select %or3A_1456, %reduce_or3A_1459, %reduce_or3A_1460 : vector<16xi1>, vector<16xf32>
      %reduce_or3A_1462 = arith.constant true
      %reduce_or3A_1463 = vector.broadcast %reduce_or3A_1462 : i1 to vector<16xi1>
      %reduce_or3A_1464 = tpu.scan <max>, %reduce_or3A_1461 masked %reduce_or3A_1463 : vector<16xf32>, vector<16xi1> -> vector<16xf32>
      %reduce_or3A_1465 = vector.extract %reduce_or3A_1464[15] : f32 from vector<16xf32>
      %reduce_or3A_1466 = arith.constant 0.000000e+00 : f32
      %reduce_or3A_1467 = arith.cmpf ogt, %reduce_or3A_1465, %reduce_or3A_1466 : f32
      %or3A_1468 = arith.ori %reduce_or3A_1389, %reduce_or3A_1415 : i1
      %or3A_1469 = arith.ori %or3A_1468, %reduce_or3A_1441 : i1
      %or3A_1470 = arith.ori %or3A_1469, %reduce_or3A_1467 : i1
      %mul3A_1471 = arith.constant 64 : i32
      %mul3A_1472 = arith.muli %add3A_1352, %mul3A_1471 : i32
      %dma_wait3A_1473 = tpu.memref_slice %arg6[%mul3A_1472] : memref<6400xi32, #tpu.memory_space<vmem>> -> memref<64xi32, #tpu.memory_space<vmem>>
      %dma_wait3A_1474 = arith.constant 0 : i32
      %dma_wait3A_1475 = arith.constant 0 : i32
      %dma_wait3A_1476 = tpu.memref_slice %arg4[%dma_wait3A_1474, %dma_wait3A_1475] : memref<100000x128xf32, #tpu.memory_space<hbm>> -> memref<100000x128xf32, #tpu.memory_space<hbm>>
      tpu.wait_indirect_dma semaphore(%arg27 : memref<!tpu.dma_semaphore, #tpu.memory_space<semaphore_mem>>) src(%dma_wait3A_1476 : memref<100000x128xf32, #tpu.memory_space<hbm>>) dst(%arg17 : memref<64x128xf32, #tpu.memory_space<vmem>>)
      %convert_element_type3A_1477 = arith.extui %or3A_1470 : i1 to i32
      %cond3A_1478 = arith.constant 0 : i32
      %cond3A_1479 = arith.cmpi ne, %convert_element_type3A_1477, %cond3A_1478 : i32
      scf.if %cond3A_1479 {
        %scan3A_1487 = arith.constant 0 : i32
        %scan3A_1488 = arith.constant 0 : i32
        %scan3A_1489 = arith.constant 64 : i32
        %scan3A_1490 = arith.addi %scan3A_1488, %scan3A_1489 : i32
        %scan3A_1491 = arith.constant 1 : i32
        scf.for %scan3A_1493 = %scan3A_1488 to %scan3A_1490 step %scan3A_1491  : i32 {
          %add3A_1494 = arith.addi %mul3A_1363, %scan3A_1493 : i32
          %broadcast_in_dim3A = vector.broadcast %add3A_1494 : i32 to vector<16xi32>
          %gather3A = tpu.vector_load_idx %arg6[%broadcast_in_dim3A] : memref<6400xi32, #tpu.memory_space<vmem>>[vector<16xi32>], vector<16xi32>,
          %gather3A_1495 = tpu.vector_load_idx %arg7[%broadcast_in_dim3A] : memref<6400xf32, #tpu.memory_space<vmem>>[vector<16xi32>], vector<16xf32>,
          %eq3A_1496 = arith.constant 0 : i32
          %eq3A_1497 = vector.broadcast %eq3A_1496 : i32 to vector<16xi32>
          %eq3A_1498 = arith.cmpi eq, %gather3A, %eq3A_1497 : vector<16xi32>
          %broadcast_in_dim3A_1499 = arith.constant 0.000000e+00 : f32
          %broadcast_in_dim3A_1500 = vector.broadcast %broadcast_in_dim3A_1499 : f32 to vector<16xf32>
          %select_n3A = arith.select %eq3A_1498, %broadcast_in_dim3A_1500, %gather3A_1495 : vector<16xi1>, vector<16xf32>
          %get3A_1501 = arith.index_cast %scan3A_1493 : i32 to index
          %get3A_1502 = arith.constant 0 : index
          %get3A_1503 = tpu.vector_load %arg17[%get3A_1501, %get3A_1502] {strides = array<i32>} : memref<64x128xf32, #tpu.memory_space<vmem>>, vector<16xf32>,
          %mul3A_1504 = arith.mulf %get3A_1503, %select_n3A : vector<16xf32>
          %swap3A = arith.index_cast %scan3A_1493 : i32 to index
          %swap3A_1505 = arith.constant 0 : index
          %swap3A_1506 = tpu.vector_load %arg17[%swap3A, %swap3A_1505] {strides = array<i32>} : memref<64x128xf32, #tpu.memory_space<vmem>>, vector<16xf32>,
          tpu.vector_store %arg17[%swap3A, %swap3A_1505], %mul3A_1504 {strides = array<i32>} : memref<64x128xf32, #tpu.memory_space<vmem>>, vector<16xf32>,
          %get3A_1507 = arith.index_cast %scan3A_1493 : i32 to index
          %get3A_1508 = arith.constant 16 : index
          %get3A_1509 = tpu.vector_load %arg17[%get3A_1507, %get3A_1508] {strides = array<i32>} : memref<64x128xf32, #tpu.memory_space<vmem>>, vector<16xf32>,
          %mul3A_1510 = arith.mulf %get3A_1509, %select_n3A : vector<16xf32>
          %swap3A_1511 = arith.index_cast %scan3A_1493 : i32 to index
          %swap3A_1512 = arith.constant 16 : index
          %swap3A_1513 = tpu.vector_load %arg17[%swap3A_1511, %swap3A_1512] {strides = array<i32>} : memref<64x128xf32, #tpu.memory_space<vmem>>, vector<16xf32>,
          tpu.vector_store %arg17[%swap3A_1511, %swap3A_1512], %mul3A_1510 {strides = array<i32>} : memref<64x128xf32, #tpu.memory_space<vmem>>, vector<16xf32>,
          %get3A_1514 = arith.index_cast %scan3A_1493 : i32 to index
          %get3A_1515 = arith.constant 32 : index
          %get3A_1516 = tpu.vector_load %arg17[%get3A_1514, %get3A_1515] {strides = array<i32>} : memref<64x128xf32, #tpu.memory_space<vmem>>, vector<16xf32>,
          %mul3A_1517 = arith.mulf %get3A_1516, %select_n3A : vector<16xf32>
          %swap3A_1518 = arith.index_cast %scan3A_1493 : i32 to index
          %swap3A_1519 = arith.constant 32 : index
          %swap3A_1520 = tpu.vector_load %arg17[%swap3A_1518, %swap3A_1519] {strides = array<i32>} : memref<64x128xf32, #tpu.memory_space<vmem>>, vector<16xf32>,
          tpu.vector_store %arg17[%swap3A_1518, %swap3A_1519], %mul3A_1517 {strides = array<i32>} : memref<64x128xf32, #tpu.memory_space<vmem>>, vector<16xf32>,
          %get3A_1521 = arith.index_cast %scan3A_1493 : i32 to index
          %get3A_1522 = arith.constant 48 : index
          %get3A_1523 = tpu.vector_load %arg17[%get3A_1521, %get3A_1522] {strides = array<i32>} : memref<64x128xf32, #tpu.memory_space<vmem>>, vector<16xf32>,
          %mul3A_1524 = arith.mulf %get3A_1523, %select_n3A : vector<16xf32>
          %swap3A_1525 = arith.index_cast %scan3A_1493 : i32 to index
          %swap3A_1526 = arith.constant 48 : index
          %swap3A_1527 = tpu.vector_load %arg17[%swap3A_1525, %swap3A_1526] {strides = array<i32>} : memref<64x128xf32, #tpu.memory_space<vmem>>, vector<16xf32>,
          tpu.vector_store %arg17[%swap3A_1525, %swap3A_1526], %mul3A_1524 {strides = array<i32>} : memref<64x128xf32, #tpu.memory_space<vmem>>, vector<16xf32>,
          %get3A_1528 = arith.index_cast %scan3A_1493 : i32 to index
          %get3A_1529 = arith.constant 64 : index
          %get3A_1530 = tpu.vector_load %arg17[%get3A_1528, %get3A_1529] {strides = array<i32>} : memref<64x128xf32, #tpu.memory_space<vmem>>, vector<16xf32>,
          %mul3A_1531 = arith.mulf %get3A_1530, %select_n3A : vector<16xf32>
          %swap3A_1532 = arith.index_cast %scan3A_1493 : i32 to index
          %swap3A_1533 = arith.constant 64 : index
          %swap3A_1534 = tpu.vector_load %arg17[%swap3A_1532, %swap3A_1533] {strides = array<i32>} : memref<64x128xf32, #tpu.memory_space<vmem>>, vector<16xf32>,
          tpu.vector_store %arg17[%swap3A_1532, %swap3A_1533], %mul3A_1531 {strides = array<i32>} : memref<64x128xf32, #tpu.memory_space<vmem>>, vector<16xf32>,
          %get3A_1535 = arith.index_cast %scan3A_1493 : i32 to index
          %get3A_1536 = arith.constant 80 : index
          %get3A_1537 = tpu.vector_load %arg17[%get3A_1535, %get3A_1536] {strides = array<i32>} : memref<64x128xf32, #tpu.memory_space<vmem>>, vector<16xf32>,
          %mul3A_1538 = arith.mulf %get3A_1537, %select_n3A : vector<16xf32>
          %swap3A_1539 = arith.index_cast %scan3A_1493 : i32 to index
          %swap3A_1540 = arith.constant 80 : index
          %swap3A_1541 = tpu.vector_load %arg17[%swap3A_1539, %swap3A_1540] {strides = array<i32>} : memref<64x128xf32, #tpu.memory_space<vmem>>, vector<16xf32>,
          tpu.vector_store %arg17[%swap3A_1539, %swap3A_1540], %mul3A_1538 {strides = array<i32>} : memref<64x128xf32, #tpu.memory_space<vmem>>, vector<16xf32>,
          %get3A_1542 = arith.index_cast %scan3A_1493 : i32 to index
          %get3A_1543 = arith.constant 96 : index
          %get3A_1544 = tpu.vector_load %arg17[%get3A_1542, %get3A_1543] {strides = array<i32>} : memref<64x128xf32, #tpu.memory_space<vmem>>, vector<16xf32>,
          %mul3A_1545 = arith.mulf %get3A_1544, %select_n3A : vector<16xf32>
          %swap3A_1546 = arith.index_cast %scan3A_1493 : i32 to index
          %swap3A_1547 = arith.constant 96 : index
          %swap3A_1548 = tpu.vector_load %arg17[%swap3A_1546, %swap3A_1547] {strides = array<i32>} : memref<64x128xf32, #tpu.memory_space<vmem>>, vector<16xf32>,
          tpu.vector_store %arg17[%swap3A_1546, %swap3A_1547], %mul3A_1545 {strides = array<i32>} : memref<64x128xf32, #tpu.memory_space<vmem>>, vector<16xf32>,
          %get3A_1549 = arith.index_cast %scan3A_1493 : i32 to index
          %get3A_1550 = arith.constant 112 : index
          %get3A_1551 = tpu.vector_load %arg17[%get3A_1549, %get3A_1550] {strides = array<i32>} : memref<64x128xf32, #tpu.memory_space<vmem>>, vector<16xf32>,
          %mul3A_1552 = arith.mulf %get3A_1551, %select_n3A : vector<16xf32>
          %swap3A_1553 = arith.index_cast %scan3A_1493 : i32 to index
          %swap3A_1554 = arith.constant 112 : index
          %swap3A_1555 = tpu.vector_load %arg17[%swap3A_1553, %swap3A_1554] {strides = array<i32>} : memref<64x128xf32, #tpu.memory_space<vmem>>, vector<16xf32>,
          tpu.vector_store %arg17[%swap3A_1553, %swap3A_1554], %mul3A_1552 {strides = array<i32>} : memref<64x128xf32, #tpu.memory_space<vmem>>, vector<16xf32>,
        }
        %scan3A_1492 = arith.constant 64 : i32
      } else {
      }
      %mul3A_1480 = arith.constant 64 : i32
      %mul3A_1481 = arith.muli %add3A_1352, %mul3A_1480 : i32
      %add3A_1482 = arith.addi %mul3A_2, %mul3A_1481 : i32
      %dma_start3A_1483 = arith.constant 0 : i32
      %dma_start3A_1484 = tpu.memref_slice %arg5[%add3A_1482, %dma_start3A_1483] : memref<204800x128xf32, #tpu.memory_space<hbm>> -> memref<64x128xf32, #tpu.memory_space<hbm>>
      %dma_start3A_1485 = arith.constant 0 : i32
      %dma_start3A_1486 = tpu.memref_slice %arg5[%add3A_1482, %dma_start3A_1485] : memref<204800x128xf32, #tpu.memory_space<hbm>> -> memref<64x128xf32, #tpu.memory_space<hbm>>
      tpu.enqueue_dma source(%arg17 : memref<64x128xf32, #tpu.memory_space<vmem>>) target(%dma_start3A_1486 : memref<64x128xf32, #tpu.memory_space<hbm>>) target_semaphore(%arg37 : memref<!tpu.dma_semaphore, #tpu.memory_space<semaphore_mem>>)
    }
    %scan3A_54 = arith.constant 10 : i32
    %add3A_55 = arith.constant 5760 : i32
    %add3A_56 = arith.addi %mul3A_2, %add3A_55 : i32
    %dma_wait3A_57 = arith.constant 0 : i32
    %dma_wait3A_58 = tpu.memref_slice %arg5[%add3A_56, %dma_wait3A_57] : memref<204800x128xf32, #tpu.memory_space<hbm>> -> memref<64x128xf32, #tpu.memory_space<hbm>>
    %dma_wait3A_59 = arith.constant 0 : i32
    %dma_wait3A_60 = tpu.memref_slice %arg5[%add3A_56, %dma_wait3A_59] : memref<204800x128xf32, #tpu.memory_space<hbm>> -> memref<64x128xf32, #tpu.memory_space<hbm>>
    tpu.wait_dma2 semaphore(%arg28 : memref<!tpu.dma_semaphore, #tpu.memory_space<semaphore_mem>>) src(%arg8 : memref<64x128xf32, #tpu.memory_space<vmem>>) dst(%dma_wait3A_60 : memref<64x128xf32, #tpu.memory_space<hbm>>)
    %add3A_61 = arith.constant 5824 : i32
    %add3A_62 = arith.addi %mul3A_2, %add3A_61 : i32
    %dma_wait3A_63 = arith.constant 0 : i32
    %dma_wait3A_64 = tpu.memref_slice %arg5[%add3A_62, %dma_wait3A_63] : memref<204800x128xf32, #tpu.memory_space<hbm>> -> memref<64x128xf32, #tpu.memory_space<hbm>>
    %dma_wait3A_65 = arith.constant 0 : i32
    %dma_wait3A_66 = tpu.memref_slice %arg5[%add3A_62, %dma_wait3A_65] : memref<204800x128xf32, #tpu.memory_space<hbm>> -> memref<64x128xf32, #tpu.memory_space<hbm>>
    tpu.wait_dma2 semaphore(%arg29 : memref<!tpu.dma_semaphore, #tpu.memory_space<semaphore_mem>>) src(%arg9 : memref<64x128xf32, #tpu.memory_space<vmem>>) dst(%dma_wait3A_66 : memref<64x128xf32, #tpu.memory_space<hbm>>)
    %add3A_67 = arith.constant 5888 : i32
    %add3A_68 = arith.addi %mul3A_2, %add3A_67 : i32
    %dma_wait3A_69 = arith.constant 0 : i32
    %dma_wait3A_70 = tpu.memref_slice %arg5[%add3A_68, %dma_wait3A_69] : memref<204800x128xf32, #tpu.memory_space<hbm>> -> memref<64x128xf32, #tpu.memory_space<hbm>>
    %dma_wait3A_71 = arith.constant 0 : i32
    %dma_wait3A_72 = tpu.memref_slice %arg5[%add3A_68, %dma_wait3A_71] : memref<204800x128xf32, #tpu.memory_space<hbm>> -> memref<64x128xf32, #tpu.memory_space<hbm>>
    tpu.wait_dma2 semaphore(%arg30 : memref<!tpu.dma_semaphore, #tpu.memory_space<semaphore_mem>>) src(%arg10 : memref<64x128xf32, #tpu.memory_space<vmem>>) dst(%dma_wait3A_72 : memref<64x128xf32, #tpu.memory_space<hbm>>)
    %add3A_73 = arith.constant 5952 : i32
    %add3A_74 = arith.addi %mul3A_2, %add3A_73 : i32
    %dma_wait3A_75 = arith.constant 0 : i32
    %dma_wait3A_76 = tpu.memref_slice %arg5[%add3A_74, %dma_wait3A_75] : memref<204800x128xf32, #tpu.memory_space<hbm>> -> memref<64x128xf32, #tpu.memory_space<hbm>>
    %dma_wait3A_77 = arith.constant 0 : i32
    %dma_wait3A_78 = tpu.memref_slice %arg5[%add3A_74, %dma_wait3A_77] : memref<204800x128xf32, #tpu.memory_space<hbm>> -> memref<64x128xf32, #tpu.memory_space<hbm>>
    tpu.wait_dma2 semaphore(%arg31 : memref<!tpu.dma_semaphore, #tpu.memory_space<semaphore_mem>>) src(%arg11 : memref<64x128xf32, #tpu.memory_space<vmem>>) dst(%dma_wait3A_78 : memref<64x128xf32, #tpu.memory_space<hbm>>)
    %add3A_79 = arith.constant 6016 : i32
    %add3A_80 = arith.addi %mul3A_2, %add3A_79 : i32
    %dma_wait3A_81 = arith.constant 0 : i32
    %dma_wait3A_82 = tpu.memref_slice %arg5[%add3A_80, %dma_wait3A_81] : memref<204800x128xf32, #tpu.memory_space<hbm>> -> memref<64x128xf32, #tpu.memory_space<hbm>>
    %dma_wait3A_83 = arith.constant 0 : i32
    %dma_wait3A_84 = tpu.memref_slice %arg5[%add3A_80, %dma_wait3A_83] : memref<204800x128xf32, #tpu.memory_space<hbm>> -> memref<64x128xf32, #tpu.memory_space<hbm>>
    tpu.wait_dma2 semaphore(%arg32 : memref<!tpu.dma_semaphore, #tpu.memory_space<semaphore_mem>>) src(%arg12 : memref<64x128xf32, #tpu.memory_space<vmem>>) dst(%dma_wait3A_84 : memref<64x128xf32, #tpu.memory_space<hbm>>)
    %add3A_85 = arith.constant 6080 : i32
    %add3A_86 = arith.addi %mul3A_2, %add3A_85 : i32
    %dma_wait3A_87 = arith.constant 0 : i32
    %dma_wait3A_88 = tpu.memref_slice %arg5[%add3A_86, %dma_wait3A_87] : memref<204800x128xf32, #tpu.memory_space<hbm>> -> memref<64x128xf32, #tpu.memory_space<hbm>>
    %dma_wait3A_89 = arith.constant 0 : i32
    %dma_wait3A_90 = tpu.memref_slice %arg5[%add3A_86, %dma_wait3A_89] : memref<204800x128xf32, #tpu.memory_space<hbm>> -> memref<64x128xf32, #tpu.memory_space<hbm>>
    tpu.wait_dma2 semaphore(%arg33 : memref<!tpu.dma_semaphore, #tpu.memory_space<semaphore_mem>>) src(%arg13 : memref<64x128xf32, #tpu.memory_space<vmem>>) dst(%dma_wait3A_90 : memref<64x128xf32, #tpu.memory_space<hbm>>)
    %add3A_91 = arith.constant 6144 : i32
    %add3A_92 = arith.addi %mul3A_2, %add3A_91 : i32
    %dma_wait3A_93 = arith.constant 0 : i32
    %dma_wait3A_94 = tpu.memref_slice %arg5[%add3A_92, %dma_wait3A_93] : memref<204800x128xf32, #tpu.memory_space<hbm>> -> memref<64x128xf32, #tpu.memory_space<hbm>>
    %dma_wait3A_95 = arith.constant 0 : i32
    %dma_wait3A_96 = tpu.memref_slice %arg5[%add3A_92, %dma_wait3A_95] : memref<204800x128xf32, #tpu.memory_space<hbm>> -> memref<64x128xf32, #tpu.memory_space<hbm>>
    tpu.wait_dma2 semaphore(%arg34 : memref<!tpu.dma_semaphore, #tpu.memory_space<semaphore_mem>>) src(%arg14 : memref<64x128xf32, #tpu.memory_space<vmem>>) dst(%dma_wait3A_96 : memref<64x128xf32, #tpu.memory_space<hbm>>)
    %add3A_97 = arith.constant 6208 : i32
    %add3A_98 = arith.addi %mul3A_2, %add3A_97 : i32
    %dma_wait3A_99 = arith.constant 0 : i32
    %dma_wait3A_100 = tpu.memref_slice %arg5[%add3A_98, %dma_wait3A_99] : memref<204800x128xf32, #tpu.memory_space<hbm>> -> memref<64x128xf32, #tpu.memory_space<hbm>>
    %dma_wait3A_101 = arith.constant 0 : i32
    %dma_wait3A_102 = tpu.memref_slice %arg5[%add3A_98, %dma_wait3A_101] : memref<204800x128xf32, #tpu.memory_space<hbm>> -> memref<64x128xf32, #tpu.memory_space<hbm>>
    tpu.wait_dma2 semaphore(%arg35 : memref<!tpu.dma_semaphore, #tpu.memory_space<semaphore_mem>>) src(%arg15 : memref<64x128xf32, #tpu.memory_space<vmem>>) dst(%dma_wait3A_102 : memref<64x128xf32, #tpu.memory_space<hbm>>)
    %add3A_103 = arith.constant 6272 : i32
    %add3A_104 = arith.addi %mul3A_2, %add3A_103 : i32
    %dma_wait3A_105 = arith.constant 0 : i32
    %dma_wait3A_106 = tpu.memref_slice %arg5[%add3A_104, %dma_wait3A_105] : memref<204800x128xf32, #tpu.memory_space<hbm>> -> memref<64x128xf32, #tpu.memory_space<hbm>>
    %dma_wait3A_107 = arith.constant 0 : i32
    %dma_wait3A_108 = tpu.memref_slice %arg5[%add3A_104, %dma_wait3A_107] : memref<204800x128xf32, #tpu.memory_space<hbm>> -> memref<64x128xf32, #tpu.memory_space<hbm>>
    tpu.wait_dma2 semaphore(%arg36 : memref<!tpu.dma_semaphore, #tpu.memory_space<semaphore_mem>>) src(%arg16 : memref<64x128xf32, #tpu.memory_space<vmem>>) dst(%dma_wait3A_108 : memref<64x128xf32, #tpu.memory_space<hbm>>)
    %add3A_109 = arith.constant 6336 : i32
    %add3A_110 = arith.addi %mul3A_2, %add3A_109 : i32
    %dma_wait3A_111 = arith.constant 0 : i32
    %dma_wait3A_112 = tpu.memref_slice %arg5[%add3A_110, %dma_wait3A_111] : memref<204800x128xf32, #tpu.memory_space<hbm>> -> memref<64x128xf32, #tpu.memory_space<hbm>>
    %dma_wait3A_113 = arith.constant 0 : i32
    %dma_wait3A_114 = tpu.memref_slice %arg5[%add3A_110, %dma_wait3A_113] : memref<204800x128xf32, #tpu.memory_space<hbm>> -> memref<64x128xf32, #tpu.memory_space<hbm>>
    tpu.wait_dma2 semaphore(%arg37 : memref<!tpu.dma_semaphore, #tpu.memory_space<semaphore_mem>>) src(%arg17 : memref<64x128xf32, #tpu.memory_space<vmem>>) dst(%dma_wait3A_114 : memref<64x128xf32, #tpu.memory_space<hbm>>)
    return
  }
}

</mosaic_0001>

<sc_bundles>
// kernel: _emb_call.3.cloned.1.call-start
scs
__scs_entry_jumppad:
0x0: {  	(pc) =	sbr.rel $0x88, $3  }
0x1: {  	(tag) =	ssettag $0x0;
	lr =	simm.s32 $0x1  }
0x2: {  	[smem:$0x3F9E] =	sst lr;
	_ =	strace $0xD0000000  }
0x3: {  	_ = 	snop  }
0x4: {  	_ = 	snop  }
0x5: {  	_ = 	snop  }
0x6: {  	_ = 	snop  }
0x7: {  	_ = 	snop  }
__scs_overlays_trampoline_lowered:
0x8: {  	[smem:$0x3FAD] =	sst s0  }
0x9: {  	[smem:$0x3FAE] =	sst s1  }
0xa: {  	[smem:$0x3FAF] =	sst s2  }
0xb: {  	[smem:$0x3FB0] =	sst s3  }
0xc: {  	[smem:$0x3FB1] =	sst s4  }
0xd: {  	[smem:$0x3FB2] =	sst s5  }
0xe: {  	[smem:$0x3FB3] =	sst s6  }
0xf: {  	[smem:$0x3FB4] =	sst s7  }
0x10: {  	[smem:$0x3FB5] =	sst s8  }
0x11: {  	[smem:$0x3FB6] =	sst s9;
	s0 =	simm.s32 @!p0 $0x0  }
0x12: {  	s1 =	sld [smem:$0x3F9C];
	s0 =	simm.s32 @p0 $0x1  }
0x13: {  	[smem:$0x3FB7] =	sst s0;
	s0 =	simm.s32 @!p1 $0x0  }
0x14: {  	s2 =	sld [smem:$0x3F9B];
	s0 =	simm.s32 @p1 $0x1  }
0x15: {  	[smem:$0x3FB8] =	sst s0;
	s0 =	simm.s32 @!p2 $0x0  }
0x16: {  	s3 =	sld [smem:$0x3FDB];
	s0 =	simm.s32 @p2 $0x1  }
0x17: {  	s4 =	simm.s32 $0x1BF5;
	[smem:$0x3FBA] =	sst s0  }
0x18: {  	s0 =	sld [smem:$0x3F9D];
	_ =	swait.ge [sflag:s4], $0x0  }
0x19: {  	s7 =	sld [smem:$0x3F9E]  }
0x1a: {  	s8 =	sadd.s32 $0xFFFFE003, lr  }
0x1b: {  	s9 =	sadd.s32 $0xFFFFFEF7, lr;
	s5 =	simm.s32 $0xFFFFFFFF;
	p2 =	slt.u32 s8, $0xFFFFF086  }
0x1c: {  	p1 =	slt.u32 s9, $0xF7A;
	s5 =	simm.s32 @!p2 $0x0  }
0x1d: {  	s5 =	simm.s32 @p1 $0x1;
	p0 =	seq.s32 s7, s2  }
0x1e: {  	s7 =	smul.u32 @!p0 $0xF7A, s2;
	p2 =	seq.s32 @!p0 s5, $0x0  }
0x1f: {  	s9 =	smul.u32 $0xF7A, s1;
	s8 =	simm.s32 @!p0 $0x1BF5;
	p2 =	por !p2, p0  }
0x20: {  	[sflag:s8] =	ssyncset.s32 @!p0 $0xFFFFF086;
	s6 =	sadd.s32 @!p0 s3, s7;
	s7 =	simm.s32 @!p0 $0x108  }
0x21: {  	s3 =	sadd.s32 s3, s9;
	s6 =	sadd.s32 @!p0 $0x88, s6;
	s7 =	simm.s32 @p2 $0x1082  }
0x22: {  	[simem:s7], [sflag:s8] =	dma.local @!p0 [hbm:s6], $0xF7A  }
0x23: {  	s9 =	sor.u32 $0xD0000000, s2;
	s6 =	simm.s32 $0x108;
	_ =	swait.ge @!p0 [sflag:s8], $0x0  }
0x24: {  	s3 =	sadd.s32 $0x88, s3;
	s6 =	simm.s32 @!p1 $0x1082;
	[sflag:s4] =	ssyncset.s32 $0xFFFFF086  }
0x25: {  	[simem:s6], [sflag:s4] =	dma.local [hbm:s3], $0xF7A  }
0x26: {  	[smem:$0x3F9E] =	sst s1;
	(tag) =	ssettag s2;
	_ =	strace s9  }
0x27: {  	s1 =	sld [smem:$0x3FAE]  }
0x28: {  	s2 =	sld [smem:$0x3FAF]  }
0x29: {  	s4 =	sld [smem:$0x3FB1]  }
0x2a: {  	p0 =	seq.s32 s5, $0x0;
	s5 =	sld [smem:$0x3FB2]  }
0x2b: {  	s6 =	sld [smem:$0x3FB3]  }
0x2c: {  	s7 =	sld [smem:$0x3FB4]  }
0x2d: {  	s3 =	simm.s32 $0x108;
	s8 =	sld [smem:$0x3FB5]  }
0x2e: {  	s3 =	simm.s32 @!p0 $0x1082;
	s9 =	sld [smem:$0x3FB6]  }
0x2f: {  	lr =	sadd.s32 s0, s3;
	s0 =	sld [smem:$0x3FAD]  }
0x30: {  	s3 =	sld [smem:$0x3FB0]  }
0x31: {  	[smem:$0x3FB9] =	sst s10  }
0x32: {  	s10 =	sld [smem:$0x3FB7];
	_ =	sdelay $0x3  }
0x33: {  	p0 =	seq.s32 s10, $0x1;
	s10 =	sld [smem:$0x3FB9];
	_ =	sdelay $0x3  }
0x34: {  	[smem:$0x3FB9] =	sst s10  }
0x35: {  	s10 =	sld [smem:$0x3FB8];
	_ =	sdelay $0x3  }
0x36: {  	p1 =	seq.s32 s10, $0x1;
	s10 =	sld [smem:$0x3FB9];
	_ =	sdelay $0x3  }
0x37: {  	[smem:$0x3FB9] =	sst s10  }
0x38: {  	s10 =	sld [smem:$0x3FBA]  }
0x39: {  	_ = 	snop;
	(pc) =	sbr.ind lr, $3  }
0x3a: {  	_ = 	snop  }
0x3b: {  	_ = 	snop  }
0x3c: {  	p2 =	seq.s32 s10, $0x1;
	s10 =	sld [smem:$0x3FB9]  }
0x3d: {  	_ =	shalt  }
0x3e: {  	_ =	shalt  }
0x3f: {  	_ =	shalt  }
0x40: {  	_ =	shalt  }
0x41: {  	_ =	shalt  }
0x42: {  	_ =	shalt  }
0x43: {  	_ =	shalt  }
0x44: {  	_ =	shalt  }
0x45: {  	_ =	shalt  }
0x46: {  	_ =	shalt  }
0x47: {  	_ =	shalt  }
0x48: {  	_ =	shalt  }
0x49: {  	_ =	shalt  }
0x4a: {  	_ =	shalt  }
0x4b: {  	_ =	shalt  }
0x4c: {  	_ =	shalt  }
0x4d: {  	_ =	shalt  }
0x4e: {  	_ =	shalt  }
0x4f: {  	_ =	shalt  }
0x50: {  	_ =	shalt  }
0x51: {  	_ =	shalt  }
0x52: {  	_ =	shalt  }
0x53: {  	_ =	shalt  }
0x54: {  	_ =	shalt  }
0x55: {  	_ =	shalt  }
0x56: {  	_ =	shalt  }
0x57: {  	_ =	shalt  }
0x58: {  	_ =	shalt  }
0x59: {  	_ =	shalt  }
0x5a: {  	_ =	shalt  }
0x5b: {  	_ =	shalt  }
0x5c: {  	_ =	shalt  }
0x5d: {  	_ =	shalt  }
0x5e: {  	_ =	shalt  }
0x5f: {  	_ =	shalt  }
0x60: {  	_ =	shalt  }
0x61: {  	_ =	shalt  }
0x62: {  	_ =	shalt  }
0x63: {  	_ =	shalt  }
0x64: {  	_ =	shalt  }
0x65: {  	_ =	shalt  }
0x66: {  	_ =	shalt  }
0x67: {  	_ =	shalt  }
0x68: {  	_ =	shalt  }
0x69: {  	_ =	shalt  }
0x6a: {  	_ =	shalt  }
0x6b: {  	_ =	shalt  }
0x6c: {  	_ =	shalt  }
0x6d: {  	_ =	shalt  }
0x6e: {  	_ =	shalt  }
0x6f: {  	_ =	shalt  }
0x70: {  	_ =	shalt  }
0x71: {  	_ =	shalt  }
0x72: {  	_ =	shalt  }
0x73: {  	_ =	shalt  }
0x74: {  	_ =	shalt  }
0x75: {  	_ =	shalt  }
0x76: {  	_ =	shalt  }
0x77: {  	_ =	shalt  }
0x78: {  	_ =	shalt  }
0x79: {  	_ =	shalt  }
0x7a: {  	_ =	shalt  }
0x7b: {  	_ =	shalt  }
0x7c: {  	_ =	shalt  }
0x7d: {  	_ =	shalt  }
0x7e: {  	_ =	shalt  }
0x7f: {  	_ =	shalt  }
0x80: {  	_ =	shalt  }
0x81: {  	_ =	shalt  }
0x82: {  	_ =	shalt  }
0x83: {  	_ =	shalt  }
0x84: {  	_ =	shalt  }
0x85: {  	_ =	shalt  }
0x86: {  	_ =	shalt  }
0x87: {  	_ =	shalt  }
.Lfunc_end0:
.L_simem_size_0:
called_computation_lowered:
.L_overlay_start_0:
0x88: {  	s2 =	sld [smem:$0x3FD9]  }
0x89: {  	s3 =	sld [smem:$0x3FFE];
	_ =	sdelay $0x1  }
0x8a: {  	s1 =	srdreg.scid  }
0x8b: {  	s0 =	sand.u32 $0x1, s1  }
0x8c: {  	s18 =	sshll.u32 s0, $0xA;
	s2 =	sadd.s32 s3, s2  }
0x8d: {  	s2 =	sadd.s32 s2, s18  }
0x8e: {  	[smem:$0x3FC5] =	sst s2  }
0x8f: {  	_ = 	snop  }
0x90: {  	s2 =	sld [smem:$0x3FC9]  }
0x91: {  	s19 =	sld [smem:$0x3FC8]  }
0x92: {  	s4 =	sld [smem:$0x3FC7]  }
0x93: {  	s5 =	sld [smem:$0x3FD0];
	(tm) =	ssettm $0x1  }
0x94: {  	s6 =	sld [smem:$0x3FFB];
	_ =	sdelay $0x3  }
0x95: {  	_ =	strace s6  }
0x96: {  	s6 =	sld [smem:$0x3FFC];
	_ =	sdelay $0x3  }
0x97: {  	_ =	strace s6  }
0x98: {  	s6 =	sld [smem:$0x3FFD];
	_ =	sdelay $0x3  }
0x99: {  	_ =	strace s6  }
0x9a: {  	_ =	strace $0x8FFFFFFF  }
0x9b: {  	s20 =	sld [smem:$0x3FDB];
	_ =	sdelay $0x1  }
0x9c: {  	s7 =	simm.s32 $_scs_section_size  }
0x9d: {  	s8 =	simm.s32 $_size__tile_overlayer_lowered;
	s9 =	simm.s32 $_tile_overlayer_lowered  }
0x9e: {  	s23 =	simm.s32 $0x1BFF;
	s22 =	sshll.u32 s9, $0x1;
	s6 =	sadd.s32 s7, s20  }
0x9f: {  	s10 =	simm.s32 $0x0;
	s21 =	sshll.u32 s8, $0x1;
	s8 =	sadd.s32 s22, s6  }
0xa0: {  	[timem:s10], [sflag:s23] =	dma.local [hbm:s8], s21  }
0xa1: {  	_ =	swait.ge [sflag:s23], s21  }
0xa2: {  	s7 =	ssub.s32 $0x0, s21;
	[sflag:s23] =	ssyncset.done $0x0  }
0xa3: {  	[sflag:s23] =	ssyncadd.s32 s7;
	_ =	sdelay $0x1  }
0xa4: {  	s24 =	simm.s32 $0x1B8B  }
0xa5: {  	_ =	swait.ge [sflag:s24], $0x1  }
0xa6: {  	[sflag:s24] =	ssyncset.done $0x0  }
0xa7: {  	s25 =	simm.s32 $0x1B8E;
	[sflag:s24] =	ssyncadd.s32 $0xFFFFFFFF  }
0xa8: {  	s26 =	simm.s32 $execute0_lowered;
	[smem:$0x3FD2] =	sst s25  }
0xa9: {  	s7 =	sshll.u32 s26, $0x1;
	_ =	strace $0x80000046;
	[dreg:$0x1] =	wrdreg $0xFFFFFFFF  }
0xaa: {  	s28 =	simm.s32 $_size_execute0_lowered;
	s6 =	sadd.s32 s6, s7;
	[dreg:$0x0] =	wrdreg $0x0  }
0xab: {  	s7 =	sshll.u32 s28, $0x1;
	[dreg:$0x2] =	wrdreg s6  }
0xac: {  	[dreg:$0x3] =	wrdreg s7  }
0xad: {  	[dreg:$0x4] =	wrdreg $0xC0  }
0xae: {  	_ =	task [dreg:s10], $0x5FFFF  }
0xaf: {  	[dreg:$0x1] =	wrdreg $0xFFFFFFFF  }
0xb0: {  	[dreg:$0x0] =	wrdreg $0x60  }
0xb1: {  	[dreg:$0x2] =	wrdreg s2  }
0xb2: {  	[dreg:$0x3] =	wrdreg s19  }
0xb3: {  	[dreg:$0x4] =	wrdreg s4  }
0xb4: {  	[dreg:$0x5] =	wrdreg s5  }
0xb5: {  	[dreg:$0x6] =	wrdreg $0x9  }
0xb6: {  	_ =	task.clear_ibuf [dreg:s10], $0x7FFFF;
	_ =	strace $0x90000046  }
0xb7: {  	s29 =	simm.s32 $0x9;
	_ =	strace $0x80000048  }
0xb8: {  	_ =	swait.ge [sflag:s29], $0x1  }
0xb9: {  	[sflag:s29] =	ssyncadd.s32 $0xFFFFFFFF  }
0xba: {  	_ =	strace $0x90000048  }
0xbb: {  	_ =	sfence  }
0xbc: {  	s30 =	sld [smem:$0x0];
	_ =	sdelay $0x2  }
0xbd: {  	s31 =	sshll.u32 s1, $0xD;
	s1 =	sshrl.u32 s1, $0x2  }
0xbe: {  	s3 =	sand.u32 $0x4000, s31;
	s1 =	sadd.s32 s1, s30  }
0xbf: {  	s0 =	sor.u32 s3, s0;
	s1 =	sshll.u32 s1, $0x11  }
0xc0: {  	s0 =	sor.u32 s1, s0  }
0xc1: {  	s0 =	sadd.s32 $0x8F2B, s0  }
0xc2: {  	[sflag:s0] =	ssyncadd.remote.s32 $0x1  }
0xc3: {  	_ =	sfence.sel $0xFFFF  }
0xc4: {  	[dreg:$0x0] =	wrdreg $0xFFFFFFFF;
	(pc) =	sbr.abs _section_cstart, $3  }
0xc5: {  	[dreg:$0x1] =	wrdreg $0xFFFFFFFF  }
0xc6: {  	_ =	task.clear_ibuf [dreg:s10], $0x2FFFF;
	_ =	strace $0x9FFFFFFF  }
0xc7: {  	(tm) =	ssettm $0x7FFFFFFF  }
tec
execute0_lowered:
.L_overlay_start_1:
0x0: {  	(tag) =	ssettag $0x1  }
0x1: {  	s0 =	rddreg [dreg:$0x0]  }
0x2: {  	s1 =	rddreg [dreg:$0x1]  }
0x3: {  	s3 =	srdreg.scid;
	s4 =	stileid.u32  }
0x4: {  	s2 =	rddreg [dreg:$0x2];
	s10 =	simm.s32 $0x1900;
	s22 =	simm.s32 $0x15200  }
0x5: {  	s28 =	simm.s32 $0x5;
	s29 =	simm.s32 $0x6;
	s30 =	simm.s32 $0x7  }
0x6: {  	s31 =	simm.s32 $0x8;
	s6 =	sand.u32 $0x1, s3;
	s4 =	sshll.u32 s4, $0x1  }
0x7: {  	s3 =	rddreg [dreg:$0x3];
	s5 =	sor.u32 s6, s4;
	s6 =	ssub.s32 $0x2, s6  }
0x8: {  	s4 =	simm.s32 $0x0;
	s5 =	smul.u32 $0x1900, s5;
	s7 =	sshrl.u32 s6, $0x1  }
.Ltmp0:
0x9: {  	[smem:$0x7FF] =	sst s4;
	s6 =	ssub.s32 s6, s7;
	(pc) =	sbr.rel .LBB2_1-.Ltmp0, $4  }
0xa: {  	_ =	strace $0x80000047;
	s8 =	sshrl.u32 s5, $0x3;
	s26 =	smax.u32 s6, $0x1  }
0xb: {  	s0 =	sadd.s32 s0, s8;
	s25 =	sadd.s32 s1, s8;
	[dreg:$0x7] =	wrdreg s26  }
0xc: {  	s26 =	simm.s32 $0x3200;
	s1 =	simm.s32 $0x9;
	[dreg:$0x5] =	wrdreg s0  }
0xd: {  	v0 =	vimm.f32 $0.0e+00;
	s8 =	simm.s32 $0x0;
	[dreg:$0x6] =	wrdreg s25;
	s0 =	simm.s32 $0xA  }
.LBB2_43:
0xe: {  	s6 =	simm.s32 $0xB  }
0xf: {  	_ =	swait.ge [sflag:s6], $0x2000  }
0x10: {  	[sflag:s6] =	ssyncset.done $0x0  }
0x11: {  	s16 =	simm.s32 $0xC;
	[sflag:s6] =	ssyncadd.s32 $0xFFFFE000  }
0x12: {  	_ =	swait.ge [sflag:s16], $0x2000  }
0x13: {  	[sflag:s16] =	ssyncset.done $0x0  }
0x14: {  	s17 =	simm.s32 $0xD;
	[sflag:s16] =	ssyncadd.s32 $0xFFFFE000  }
0x15: {  	_ =	swait.ge [sflag:s17], $0x2000  }
0x16: {  	[sflag:s17] =	ssyncset.done $0x0  }
0x17: {  	s18 =	simm.s32 $0xE;
	[sflag:s17] =	ssyncadd.s32 $0xFFFFE000  }
0x18: {  	_ =	swait.ge [sflag:s18], $0x2000  }
0x19: {  	[sflag:s18] =	ssyncset.done $0x0  }
0x1a: {  	s19 =	simm.s32 $0xF;
	[sflag:s18] =	ssyncadd.s32 $0xFFFFE000  }
0x1b: {  	_ =	swait.ge [sflag:s19], $0x2000  }
0x1c: {  	[sflag:s19] =	ssyncset.done $0x0  }
0x1d: {  	s20 =	simm.s32 $0x10;
	[sflag:s19] =	ssyncadd.s32 $0xFFFFE000  }
0x1e: {  	_ =	swait.ge [sflag:s20], $0x2000  }
0x1f: {  	[sflag:s20] =	ssyncset.done $0x0  }
0x20: {  	s21 =	simm.s32 $0x11;
	[sflag:s20] =	ssyncadd.s32 $0xFFFFE000  }
0x21: {  	_ =	swait.ge [sflag:s21], $0x2000  }
0x22: {  	[sflag:s21] =	ssyncset.done $0x0  }
0x23: {  	s23 =	simm.s32 $0x12;
	[sflag:s21] =	ssyncadd.s32 $0xFFFFE000  }
0x24: {  	_ =	swait.ge [sflag:s23], $0x2000  }
0x25: {  	[sflag:s23] =	ssyncset.done $0x0  }
0x26: {  	s24 =	simm.s32 $0x13;
	[sflag:s23] =	ssyncadd.s32 $0xFFFFE000  }
0x27: {  	_ =	swait.ge [sflag:s24], $0x2000  }
0x28: {  	[sflag:s24] =	ssyncset.done $0x0  }
0x29: {  	s7 =	simm.s32 $0x14;
	[sflag:s24] =	ssyncadd.s32 $0xFFFFE000  }
0x2a: {  	_ =	swait.ge [sflag:s7], $0x2000  }
0x2b: {  	s8 =	rddreg [dreg:$0x8]  }
0x2c: {  	s25 =	rddreg [dreg:$0x7];
	s8 =	sadd.s32 $0x1, s8  }
0x2d: {  	p0 =	sne.s32 s8, s25  }
.Ltmp1:
0x2e: {  	_ = 	snop;
	(pc) =	sbr.rel @!p0 .LBB2_44-.Ltmp1, $3  }
0x2f: {  	_ =	sdelay $0x1  }
0x30: {  	[sflag:s7] =	ssyncset.done $0x0  }
0x31: {  	[sflag:s7] =	ssyncadd.s32 $0xFFFFE000  }
.LBB2_1:
0x32: {  	[dreg:$0x8] =	wrdreg s8  }
0x33: {  	s6 =	rddreg [dreg:$0x5];
	s17 =	simm.s32 $0x16  }
0x34: {  	[tilespmem:s4], [sflag:$0x16] =	stream.linear.gather [hbm4b:s6+s4], $0x1900, $0x38;
	[tilespmem:$0x17200] =	vst v63  }
0x35: {  	_ =	swait.ge [sflag:s17], $0x1900  }
0x36: {  	[sflag:s17] =	ssyncset.done $0x0  }
0x37: {  	s18 =	rddreg [dreg:$0x6];
	[sflag:s17] =	ssyncadd.s32 $0xFFFFE700  }
0x38: {  	[tilespmem:s10], [sflag:$0x15] =	stream.linear.gather [hbm4b:s18+s4], $0x1900, $0x38;
	[tilespmem:$0x17200] =	vst v63  }
0x39: {  	s14 =	simm.s32 $0x40  }
0x3a: {  	[tilespmem:s26], [sflag:$0x1] =	stream.indirect.gather [hbm4b:s2+s14], $0x80, s4, s14, $0xb8;
	[tilespmem:$0x17200] =	vst v63  }
0x3b: {  	s19 =	simm.s32 $0x5200  }
0x3c: {  	[tilespmem:s19], [sflag:$0x2] =	stream.indirect.gather [hbm4b:s2+s14], $0x80, s14, s14, $0xb8;
	[tilespmem:$0x17200] =	vst v63  }
0x3d: {  	s7 =	simm.s32 $0x80;
	s20 =	simm.s32 $0x7200  }
0x3e: {  	[tilespmem:s20], [sflag:$0x3] =	stream.indirect.gather [hbm4b:s2+s14], $0x80, s7, s14, $0xb8;
	[tilespmem:$0x17200] =	vst v63  }
0x3f: {  	s8 =	simm.s32 $0xC0;
	s21 =	simm.s32 $0x9200  }
0x40: {  	[tilespmem:s21], [sflag:$0x4] =	stream.indirect.gather [hbm4b:s2+s14], $0x80, s8, s14, $0xb8;
	[tilespmem:$0x17200] =	vst v63  }
0x41: {  	s9 =	simm.s32 $0x100;
	s23 =	simm.s32 $0xB200  }
0x42: {  	[tilespmem:s23], [sflag:$0x5] =	stream.indirect.gather [hbm4b:s2+s14], $0x80, s9, s14, $0xb8;
	[tilespmem:$0x17200] =	vst v63  }
0x43: {  	s24 =	simm.s32 $0xD200;
	s20 =	simm.s32 $0x140  }
0x44: {  	[tilespmem:s24], [sflag:$0x6] =	stream.indirect.gather [hbm4b:s2+s14], $0x80, s20, s14, $0xb8;
	[tilespmem:$0x17200] =	vst v63  }
0x45: {  	s11 =	simm.s32 $0xF200;
	s6 =	simm.s32 $0x180  }
0x46: {  	[tilespmem:s11], [sflag:$0x7] =	stream.indirect.gather [hbm4b:s2+s14], $0x80, s6, s14, $0xb8;
	[tilespmem:$0x17200] =	vst v63  }
0x47: {  	s12 =	simm.s32 $0x11200;
	s13 =	simm.s32 $0x13200;
	s11 =	simm.s32 $0x1C0  }
0x48: {  	[tilespmem:s12], [sflag:$0x8] =	stream.indirect.gather [hbm4b:s2+s14], $0x80, s11, s14, $0xb8;
	[tilespmem:$0x17200] =	vst v63  }
.Ltmp2:
0x49: {  	s25 =	simm.s32 $0x15;
	s12 =	simm.s32 $0x200;
	(pc) =	sbr.rel .LBB2_2-.Ltmp2, $4  }
0x4a: {  	[tilespmem:s13], [sflag:$0x9] =	stream.indirect.gather [hbm4b:s2+s14], $0x80, s12, s14, $0xb8;
	[tilespmem:$0x17200] =	vst v63  }
0x4b: {  	_ =	swait.ge [sflag:s25], $0x1900  }
0x4c: {  	s15 =	simm.s32 $0x0;
	s16 =	simm.s32 $0x0;
	[sflag:s25] =	ssyncset.done $0x0  }
0x4d: {  	s13 =	simm.s32 $0x240;
	s14 =	simm.s32 $0x40;
	[sflag:s25] =	ssyncadd.s32 $0xFFFFE700  }
.LBB2_41:
0x4e: {  	[tilespmem:s18+$0x30] =	vst v9  }
0x4f: {  	[tilespmem:s18+$0xFFFFFFC0] =	vst v7  }
0x50: {  	v1 =	vmul.f32 v1, v2;
	[tilespmem:s18+$0x10] =	vst v8  }
0x51: {  	v5 =	vmul.f32 v5, v2;
	[tilespmem:s18+$0xFFFFFFE0] =	vst v6  }
0x52: {  	v3 =	vmul.f32 v3, v2;
	[tilespmem:s18+$0xFFFFFFF0] =	vst v1  }
0x53: {  	v1 =	vmul.f32 v4, v2;
	[tilespmem:s18+$0x0] =	vst v5  }
0x54: {  	[tilespmem:s18+$0x20] =	vst v3  }
0x55: {  	[tilespmem:s18+$0xFFFFFFD0] =	vst v1  }
.LBB2_42:
0x56: {  	s17 =	sadd.s32 s5, s17;
	s16 =	sadd.s32 $0x1, s16  }
0x57: {  	s22 =	simm.s32 $0x15200;
	s15 =	sadd.s32 $0x280, s15;
	p0 =	sne.s32 s16, $0xA  }
.Ltmp3:
0x58: {  	s14 =	sadd.s32 $0x280, s14;
	s7 =	sadd.s32 $0x280, s7;
	(pc) =	sbr.rel @!p0 .LBB2_43-.Ltmp3, $4  }
0x59: {  	s8 =	sadd.s32 $0x280, s8;
	s9 =	sadd.s32 $0x280, s9;
	s20 =	sadd.s32 $0x280, s20  }
0x5a: {  	s6 =	sadd.s32 $0x280, s6;
	s11 =	sadd.s32 $0x280, s11;
	s17 =	sshll.u32 s17, $0x4  }
0x5b: {  	s12 =	sadd.s32 $0x280, s12;
	s13 =	sadd.s32 $0x280, s13;
	s17 =	sadd.s32 s3, s17  }
0x5c: {  	[hbm4b:s17+s4] =	stream.linear.scatter [tilespmem:s22], [sflag:$0x14], $0x2000, $0x38;
	[tilespmem:$0x17200] =	vst v63  }
.LBB2_2:
0x5d: {  	s17 =	smul.u32 $0xA, s16;
	p0 =	seq.s32 s16, $0x0  }
0x5e: {  	s18 =	simm.s32 @!p0 $0x14  }
0x5f: {  	s17 =	sadd.s32 $0x9, s17;
	_ =	swait.ge @!p0 [sflag:s18], $0x2000  }
0x60: {  	s21 =	simm.s32 $0x40;
	[sflag:s18] =	ssyncset.done @!p0 $0x0;
	s17 =	sshll.u32 s17, $0x6  }
0x61: {  	[sflag:s18] =	ssyncadd.s32 @!p0 $0xFFFFE000;
	s19 =	sand.u32 $0x3FFFFFC0, s17;
	s18 =	smul.u32 $0x280, s16  }
0x62: {  	[tilespmem:s22], [sflag:$0xA] =	stream.indirect.gather [hbm4b:s2+s21], $0x80, s19, s21, $0xb8;
	[tilespmem:$0x17200] =	vst v63  }
0x63: {  	v1 =	vld [tilespmem:s18+$0x1900]  }
0x64: {  	v2 =	vld [tilespmem:s18+$0x0];
	_ =	sdelay $0x1  }
0x65: {  	v3 =	vld [tilespmem:s18+$0x1910]  }
0x66: {  	v4 =	vld [tilespmem:s18+$0x10]  }
0x67: {  	vm0 =	vlt.f32 v1, $1.000000000e+00;
	vm1 =	vgt.f32 v1, $1.000000000e+00;
	v1 =	vld [tilespmem:s18+$0x1920]  }
0x68: {  	vm2 =	veq.s32 v2, $0x0;
	v2 =	vld [tilespmem:s18+$0x20]  }
0x69: {  	vm0 =	vmor vm1, vm0  }
0x6a: {  	vm7 =	vlt.f32 v3, $1.000000000e+00;
	vm8 =	vgt.f32 v3, $1.000000000e+00;
	vm0 =	vmor vm2, vm0  }
0x6b: {  	v63 =	vld [tilespmem:s18+$0x1930];
	vm9 =	veq.s32 v4, $0x0;
	vm1 =	vmor vm8, vm7;
	v3 =	vsel vm0, $0x3F800000, v0  }
0x6c: {  	vm0 =	vmor vm9, vm1;
	(xrf0) =	vmax.scan.msk.f32 $0xffff, v3;
	v3 =	vld [tilespmem:s18+$0x30];
	vm10 =	vlt.f32 v1, $1.000000000e+00;
	vm11 =	vgt.f32 v1, $1.000000000e+00  }
0x6d: {  	v1 =	vsel vm0, $0x3F800000, v0;
	vm12 =	veq.s32 v2, $0x0;
	vm1 =	vmor vm11, vm10  }
0x6e: {  	(xrf0) =	vmax.scan.msk.f32 $0xffff, v1;
	vm0 =	vmor vm12, vm1  }
0x6f: {  	v1 =	vsel vm0, $0x3F800000, v0  }
0x70: {  	vm13 =	vlt.f32 v63, $1.000000000e+00;
	vm14 =	vgt.f32 v63, $1.000000000e+00  }
0x71: {  	vm1 =	vmor vm14, vm13;
	(xrf0) =	vmax.scan.msk.f32 $0xffff, v1;
	vm15 =	veq.s32 v3, $0x0  }
0x72: {  	vm0 =	vmor vm15, vm1;
	v1, _, _ =	vpop (xrf0)  }
0x73: {  	(v2sf) =	vpush v1, $0xF;
	v1 =	vsel vm0, $0x3F800000, v0  }
0x74: {  	v2, _, _ =	vpop (xrf0);
	(xrf0) =	vmax.scan.msk.f32 $0xffff, v1  }
0x75: {  	(v2sf) =	vpush v2, $0xF;
	_ =	sdelay $0x1  }
0x76: {  	v1, _, _ =	vpop (xrf0)  }
0x77: {  	(v2sf) =	vpush v1, $0xF;
	_ =	sdelay $0x1  }
0x78: {  	v1, _, _ =	vpop (xrf0)  }
0x79: {  	(v2sf) =	vpush v1, $0xF;
	_ =	sdelay $0x6  }
0x7a: {  	s24 =	spop (v2sf)  }
0x7b: {  	p0 =	sgt.f32 s24, $0.0e+00  }
0x7c: {  	s19 =	spop (v2sf)  }
0x7d: {  	p1 =	sgt.f32 @!p0 s19, $0.0e+00;
	_ =	sdelay $0x1  }
0x7e: {  	s19 =	spop (v2sf);
	p1 =	por p0, p1  }
0x7f: {  	p2 =	sgt.f32 @!p1 s19, $0.0e+00;
	_ =	sdelay $0x1  }
0x80: {  	s19 =	spop (v2sf);
	p2 =	por p1, p2  }
0x81: {  	p3 =	sgt.f32 @!p2 s19, $0.0e+00;
	_ =	sdelay $0x1  }
0x82: {  	p3 =	por p2, p3  }
.Ltmp4:
0x83: {  	_ = 	snop;
	(pc) =	sbr.rel @!p3 .LBB2_6-.Ltmp4, $4  }
0x84: {  	s25 =	simm.s32 $0x1  }
0x85: {  	_ =	swait.ge [sflag:s25], $0x2000  }
0x86: {  	[sflag:s25] =	ssyncset.done $0x0  }
0x87: {  	[sflag:s25] =	ssyncadd.s32 $0xFFFFE000  }
0x88: {  	s21 =	simm.s32 $0x0  }
0x89: {  	s21 =	simm.s32 @p0 $0x0  }
0x8a: {  	s21 =	simm.s32 @!p1 $0x0  }
0x8b: {  	s21 =	simm.s32 @!p2 $0x0  }
0x8c: {  	s19 =	simm.s32 $0x3240;
	s22 =	sadd.s32 s21, s15  }
0x8d: {  	s19 =	simm.s32 @p0 $0x3240;
	v1 =	vmov s22  }
0x8e: {  	s19 =	simm.s32 @!p1 $0x3240  }
0x8f: {  	s19 =	simm.s32 @!p2 $0x3240  }
0x90: {  	v5 =	vld [tilespmem:s19+$0x30]  }
0x91: {  	v8 =	vld [tilespmem:s19+$0x10]  }
0x92: {  	v2 =	vld.idx.msk [tilespmem:v1+s4+$0x0], $0xffff  }
0x93: {  	v4 =	vld.idx.msk [tilespmem:v1+s10+$0x0], $0xffff  }
0x94: {  	v6 =	vld [tilespmem:s19+$0xFFFFFFC0]  }
0x95: {  	v10 =	vld [tilespmem:s19+$0xFFFFFFE0]  }
0x96: {  	v3 =	vld [tilespmem:s19+$0x20];
	p0 =	sne.s32 s21, $0x3F  }
.Ltmp5:
0x97: {  	v1 =	vld [tilespmem:s19+$0xFFFFFFF0];
	vm0 =	veq.s32 v2, $0x0;
	(pc) =	sbr.rel @!p0 .LBB2_5-.Ltmp5, $4  }
0x98: {  	v2 =	vsel vm0, $0x0, v4;
	v4 =	vld [tilespmem:s19+$0xFFFFFFD0]  }
0x99: {  	v9 =	vmul.f32 v5, v2;
	v5 =	vld [tilespmem:s19+$0x0]  }
0x9a: {  	v7 =	vmul.f32 v2, v6  }
0x9b: {  	s21 =	sadd.s32 $0x1, s21;
	s22 =	smov.u32 s19;
	v6 =	vmul.f32 v10, v2;
	v8 =	vmul.f32 v8, v2  }
.LBB2_4:
0x9c: {  	p0 =	sne.s32 s21, $0x3F  }
0x9d: {  	v4 =	vmul.f32 v4, v2;
	v3 =	vmul.f32 v3, v2;
	[tilespmem:s19+$0x30] =	vst v9;
	s22 =	sadd.s32 $0x80, s22;
	s23 =	smov.u32 s21;
	s21 =	sadd.s32 $0x1, s21  }
0x9e: {  	v1 =	vmul.f32 v1, v2;
	[tilespmem:s19+$0xFFFFFFC0] =	vst v7;
	v2 =	vmul.f32 v5, v2  }
0x9f: {  	s23 =	sadd.s32 s23, s15;
	[tilespmem:s19+$0x10] =	vst v8  }
0xa0: {  	v5 =	vmov s23;
	[tilespmem:s19+$0xFFFFFFE0] =	vst v6  }
0xa1: {  	[tilespmem:s19+$0xFFFFFFF0] =	vst v1  }
0xa2: {  	v1 =	vld [tilespmem:s22+$0xFFFFFFF0];
	[tilespmem:s19+$0x0] =	vst v2  }
0xa3: {  	v6 =	vld [tilespmem:s22+$0x30];
	[tilespmem:s19+$0x20] =	vst v3  }
0xa4: {  	v8 =	vld [tilespmem:s22+$0x10];
	[tilespmem:s19+$0xFFFFFFD0] =	vst v4;
	s19 =	smov.u32 s22  }
0xa5: {  	v2 =	vld.idx.msk [tilespmem:v5+s4+$0x0], $0xffff  }
0xa6: {  	v7 =	vld.idx.msk [tilespmem:v5+s10+$0x0], $0xffff  }
0xa7: {  	v9 =	vld [tilespmem:s22+$0xFFFFFFC0]  }
0xa8: {  	v10 =	vld [tilespmem:s22+$0xFFFFFFE0]  }
0xa9: {  	v3 =	vld [tilespmem:s22+$0x20]  }
.Ltmp6:
0xaa: {  	v4 =	vld [tilespmem:s22+$0xFFFFFFD0];
	(pc) =	sbr.rel @p0 .LBB2_4-.Ltmp6, $4  }
0xab: {  	vm0 =	veq.s32 v2, $0x0;
	v5 =	vld [tilespmem:s22+$0x0]  }
0xac: {  	v2 =	vsel vm0, $0x0, v7  }
0xad: {  	v7 =	vmul.f32 v2, v9;
	v9 =	vmul.f32 v6, v2  }
0xae: {  	v8 =	vmul.f32 v8, v2;
	v6 =	vmul.f32 v10, v2  }
.LBB2_5:
0xaf: {  	[tilespmem:s19+$0x30] =	vst v9  }
0xb0: {  	[tilespmem:s19+$0xFFFFFFC0] =	vst v7  }
0xb1: {  	v1 =	vmul.f32 v1, v2;
	[tilespmem:s19+$0x10] =	vst v8  }
0xb2: {  	v3 =	vmul.f32 v3, v2;
	[tilespmem:s19+$0xFFFFFFE0] =	vst v6  }
0xb3: {  	v5 =	vmul.f32 v5, v2;
	[tilespmem:s19+$0xFFFFFFF0] =	vst v1  }
0xb4: {  	v1 =	vmul.f32 v4, v2;
	[tilespmem:s19+$0x20] =	vst v3  }
0xb5: {  	[tilespmem:s19+$0x0] =	vst v5  }
0xb6: {  	[tilespmem:s19+$0xFFFFFFD0] =	vst v1  }
.LBB2_6:
0xb7: {  	s19 =	sadd.s32 s5, s18  }
0xb8: {  	s19 =	sshll.u32 s19, $0x4  }
0xb9: {  	p0 =	seq.s32 s16, $0x9;
	s19 =	sadd.s32 s3, s19  }
0xba: {  	[hbm4b:s19+s4] =	stream.linear.scatter [tilespmem:s26], [sflag:$0xB], $0x2000, $0x38;
	[tilespmem:$0x17200] =	vst v63  }
0xbb: {  	s19 =	simm.s32 @!p0 $0xB  }
0xbc: {  	s21 =	smul.u32 @!p0 $0xA00, s16;
	_ =	swait.ge @!p0 [sflag:s19], $0x2000  }
0xbd: {  	[sflag:s19] =	ssyncset.done @!p0 $0x0  }
0xbe: {  	[sflag:s19] =	ssyncadd.s32 @!p0 $0xFFFFE000;
	s19 =	sshra.s32 @!p0 s21, $0x2  }
0xbf: {  	s23 =	simm.s32 @!p0 $0x3200;
	s21 =	simm.s32 @!p0 $0x40;
	s22 =	sadd.s32 @!p0 $0x280, s19  }
0xc0: {  	[tilespmem:s23], [sflag:$0x1] =	stream.indirect.gather @!p0 [hbm4b:s2+s21], $0x80, s22, s21, $0xb8;
	[tilespmem:$0x17200] =	vst v63  }
0xc1: {  	s22 =	sor.u32 $0x40, s18;
	v1 =	vld [tilespmem:s18+$0x1940]  }
0xc2: {  	v2 =	vld [tilespmem:s22+$0x0];
	_ =	sdelay $0x1  }
0xc3: {  	s25 =	sor.u32 $0x50, s18;
	v3 =	vld [tilespmem:s18+$0x1950]  }
0xc4: {  	v4 =	vld [tilespmem:s25+$0x0]  }
0xc5: {  	s24 =	sor.u32 $0x60, s18;
	vm0 =	vlt.f32 v1, $1.000000000e+00;
	vm1 =	vgt.f32 v1, $1.000000000e+00;
	v1 =	vld [tilespmem:s18+$0x1960]  }
0xc6: {  	vm2 =	veq.s32 v2, $0x0;
	v2 =	vld [tilespmem:s24+$0x0]  }
0xc7: {  	vm0 =	vmor vm1, vm0  }
0xc8: {  	vm7 =	vlt.f32 v3, $1.000000000e+00;
	vm8 =	vgt.f32 v3, $1.000000000e+00;
	vm0 =	vmor vm2, vm0  }
0xc9: {  	s25 =	sor.u32 $0x70, s18;
	v63 =	vld [tilespmem:s18+$0x1970];
	vm9 =	veq.s32 v4, $0x0;
	vm1 =	vmor vm8, vm7;
	v3 =	vsel vm0, $0x3F800000, v0  }
0xca: {  	vm0 =	vmor vm9, vm1;
	(xrf0) =	vmax.scan.msk.f32 $0xffff, v3;
	v3 =	vld [tilespmem:s25+$0x0];
	vm10 =	vlt.f32 v1, $1.000000000e+00;
	vm11 =	vgt.f32 v1, $1.000000000e+00  }
0xcb: {  	v1 =	vsel vm0, $0x3F800000, v0;
	vm12 =	veq.s32 v2, $0x0;
	vm1 =	vmor vm11, vm10  }
0xcc: {  	(xrf0) =	vmax.scan.msk.f32 $0xffff, v1;
	vm0 =	vmor vm12, vm1  }
0xcd: {  	v1 =	vsel vm0, $0x3F800000, v0  }
0xce: {  	vm13 =	vlt.f32 v63, $1.000000000e+00;
	vm14 =	vgt.f32 v63, $1.000000000e+00  }
0xcf: {  	vm1 =	vmor vm14, vm13;
	(xrf0) =	vmax.scan.msk.f32 $0xffff, v1;
	vm15 =	veq.s32 v3, $0x0  }
0xd0: {  	vm0 =	vmor vm15, vm1;
	v1, _, _ =	vpop (xrf0)  }
0xd1: {  	(v2sf) =	vpush v1, $0xF;
	v1 =	vsel vm0, $0x3F800000, v0  }
0xd2: {  	v2, _, _ =	vpop (xrf0);
	(xrf0) =	vmax.scan.msk.f32 $0xffff, v1  }
0xd3: {  	(v2sf) =	vpush v2, $0xF;
	_ =	sdelay $0x1  }
0xd4: {  	v1, _, _ =	vpop (xrf0)  }
0xd5: {  	(v2sf) =	vpush v1, $0xF;
	_ =	sdelay $0x1  }
0xd6: {  	v1, _, _ =	vpop (xrf0)  }
0xd7: {  	(v2sf) =	vpush v1, $0xF;
	_ =	sdelay $0x6  }
0xd8: {  	s24 =	spop (v2sf)  }
0xd9: {  	p1 =	sgt.f32 s24, $0.0e+00  }
0xda: {  	s23 =	spop (v2sf)  }
0xdb: {  	p2 =	sgt.f32 @!p1 s23, $0.0e+00;
	_ =	sdelay $0x1  }
0xdc: {  	s23 =	spop (v2sf);
	p2 =	por p1, p2  }
0xdd: {  	p3 =	sgt.f32 @!p2 s23, $0.0e+00;
	_ =	sdelay $0x1  }
0xde: {  	s23 =	spop (v2sf);
	p3 =	por p2, p3  }
0xdf: {  	p4 =	sgt.f32 @!p3 s23, $0.0e+00;
	_ =	sdelay $0x1  }
0xe0: {  	p4 =	por p3, p4  }
.Ltmp7:
0xe1: {  	_ = 	snop;
	(pc) =	sbr.rel @!p4 .LBB2_10-.Ltmp7, $4  }
0xe2: {  	s25 =	simm.s32 $0x2  }
0xe3: {  	_ =	swait.ge [sflag:s25], $0x2000  }
0xe4: {  	[sflag:s25] =	ssyncset.done $0x0  }
0xe5: {  	[sflag:s25] =	ssyncadd.s32 $0xFFFFE000  }
0xe6: {  	s23 =	simm.s32 $0x0  }
0xe7: {  	s23 =	simm.s32 @p1 $0x0  }
0xe8: {  	s23 =	simm.s32 @!p2 $0x0  }
0xe9: {  	s23 =	simm.s32 @!p3 $0x0  }
0xea: {  	s25 =	simm.s32 $0x5240;
	s24 =	sadd.s32 s23, s14  }
0xeb: {  	s25 =	simm.s32 @p1 $0x5240;
	v1 =	vmov s24  }
0xec: {  	s25 =	simm.s32 @!p2 $0x5240  }
0xed: {  	s25 =	simm.s32 @!p3 $0x5240  }
0xee: {  	v5 =	vld [tilespmem:s25+$0x30]  }
0xef: {  	v8 =	vld [tilespmem:s25+$0x10]  }
0xf0: {  	v2 =	vld.idx.msk [tilespmem:v1+s4+$0x0], $0xffff  }
0xf1: {  	v4 =	vld.idx.msk [tilespmem:v1+s10+$0x0], $0xffff  }
0xf2: {  	v6 =	vld [tilespmem:s25+$0xFFFFFFC0]  }
0xf3: {  	v10 =	vld [tilespmem:s25+$0xFFFFFFE0]  }
0xf4: {  	v3 =	vld [tilespmem:s25+$0x20];
	p1 =	sne.s32 s23, $0x3F  }
.Ltmp8:
0xf5: {  	v1 =	vld [tilespmem:s25+$0xFFFFFFF0];
	vm0 =	veq.s32 v2, $0x0;
	(pc) =	sbr.rel @!p1 .LBB2_9-.Ltmp8, $4  }
0xf6: {  	v2 =	vsel vm0, $0x0, v4;
	v4 =	vld [tilespmem:s25+$0xFFFFFFD0]  }
0xf7: {  	v9 =	vmul.f32 v5, v2;
	v5 =	vld [tilespmem:s25+$0x0]  }
0xf8: {  	v7 =	vmul.f32 v2, v6  }
0xf9: {  	s24 =	sadd.s32 $0x1, s23;
	s23 =	smov.u32 s25;
	v6 =	vmul.f32 v10, v2;
	v8 =	vmul.f32 v8, v2  }
.LBB2_8:
0xfa: {  	p1 =	sne.s32 s24, $0x3F  }
0xfb: {  	v4 =	vmul.f32 v4, v2;
	v3 =	vmul.f32 v3, v2;
	[tilespmem:s25+$0x30] =	vst v9;
	s23 =	sadd.s32 $0x80, s23;
	s26 =	smov.u32 s24;
	s24 =	sadd.s32 $0x1, s24  }
0xfc: {  	v1 =	vmul.f32 v1, v2;
	[tilespmem:s25+$0xFFFFFFC0] =	vst v7;
	v2 =	vmul.f32 v5, v2  }
0xfd: {  	s26 =	sadd.s32 s26, s14;
	[tilespmem:s25+$0x10] =	vst v8  }
0xfe: {  	v5 =	vmov s26;
	[tilespmem:s25+$0xFFFFFFE0] =	vst v6  }
0xff: {  	[tilespmem:s25+$0xFFFFFFF0] =	vst v1  }
0x100: {  	v1 =	vld [tilespmem:s23+$0xFFFFFFF0];
	[tilespmem:s25+$0x0] =	vst v2  }
0x101: {  	v6 =	vld [tilespmem:s23+$0x30];
	[tilespmem:s25+$0x20] =	vst v3  }
0x102: {  	v8 =	vld [tilespmem:s23+$0x10];
	[tilespmem:s25+$0xFFFFFFD0] =	vst v4;
	s25 =	smov.u32 s23  }
0x103: {  	v2 =	vld.idx.msk [tilespmem:v5+s4+$0x0], $0xffff  }
0x104: {  	v7 =	vld.idx.msk [tilespmem:v5+s10+$0x0], $0xffff  }
0x105: {  	v9 =	vld [tilespmem:s23+$0xFFFFFFC0]  }
0x106: {  	v10 =	vld [tilespmem:s23+$0xFFFFFFE0]  }
0x107: {  	v3 =	vld [tilespmem:s23+$0x20]  }
.Ltmp9:
0x108: {  	v4 =	vld [tilespmem:s23+$0xFFFFFFD0];
	(pc) =	sbr.rel @p1 .LBB2_8-.Ltmp9, $4  }
0x109: {  	vm0 =	veq.s32 v2, $0x0;
	v5 =	vld [tilespmem:s23+$0x0]  }
0x10a: {  	v2 =	vsel vm0, $0x0, v7  }
0x10b: {  	v7 =	vmul.f32 v2, v9;
	v9 =	vmul.f32 v6, v2  }
0x10c: {  	v8 =	vmul.f32 v8, v2;
	v6 =	vmul.f32 v10, v2  }
.LBB2_9:
0x10d: {  	[tilespmem:s25+$0x30] =	vst v9  }
0x10e: {  	[tilespmem:s25+$0xFFFFFFC0] =	vst v7  }
0x10f: {  	v1 =	vmul.f32 v1, v2;
	[tilespmem:s25+$0x10] =	vst v8  }
0x110: {  	v3 =	vmul.f32 v3, v2;
	[tilespmem:s25+$0xFFFFFFE0] =	vst v6  }
0x111: {  	v5 =	vmul.f32 v5, v2;
	[tilespmem:s25+$0xFFFFFFF0] =	vst v1  }
0x112: {  	v1 =	vmul.f32 v4, v2;
	[tilespmem:s25+$0x20] =	vst v3  }
0x113: {  	[tilespmem:s25+$0x0] =	vst v5  }
0x114: {  	s26 =	simm.s32 $0x3200;
	[tilespmem:s25+$0xFFFFFFD0] =	vst v1  }
.LBB2_10:
0x115: {  	s22 =	sadd.s32 s5, s22  }
0x116: {  	s22 =	sshll.u32 s22, $0x4  }
0x117: {  	s23 =	simm.s32 $0x5200;
	s22 =	sadd.s32 s3, s22  }
0x118: {  	[hbm4b:s22+s4] =	stream.linear.scatter [tilespmem:s23], [sflag:$0xC], $0x2000, $0x38;
	[tilespmem:$0x17200] =	vst v63  }
0x119: {  	s22 =	simm.s32 @!p0 $0xC  }
0x11a: {  	_ =	swait.ge @!p0 [sflag:s22], $0x2000  }
0x11b: {  	[sflag:s22] =	ssyncset.done @!p0 $0x0  }
0x11c: {  	s23 =	simm.s32 @!p0 $0x5200;
	[sflag:s22] =	ssyncadd.s32 @!p0 $0xFFFFE000;
	s22 =	sadd.s32 @!p0 $0x2C0, s19  }
0x11d: {  	[tilespmem:s23], [sflag:$0x2] =	stream.indirect.gather @!p0 [hbm4b:s2+s21], $0x80, s22, s21, $0xb8;
	[tilespmem:$0x17200] =	vst v63  }
0x11e: {  	v1 =	vld [tilespmem:s18+$0x1980]  }
0x11f: {  	v2 =	vld [tilespmem:s18+$0x80];
	_ =	sdelay $0x1  }
0x120: {  	v3 =	vld [tilespmem:s18+$0x1990]  }
0x121: {  	v4 =	vld [tilespmem:s18+$0x90]  }
0x122: {  	vm0 =	vlt.f32 v1, $1.000000000e+00;
	vm1 =	vgt.f32 v1, $1.000000000e+00;
	v1 =	vld [tilespmem:s18+$0x19A0]  }
0x123: {  	vm2 =	veq.s32 v2, $0x0;
	v2 =	vld [tilespmem:s18+$0xA0]  }
0x124: {  	vm0 =	vmor vm1, vm0  }
0x125: {  	vm7 =	vlt.f32 v3, $1.000000000e+00;
	vm8 =	vgt.f32 v3, $1.000000000e+00;
	vm0 =	vmor vm2, vm0  }
0x126: {  	v63 =	vld [tilespmem:s18+$0x19B0];
	vm9 =	veq.s32 v4, $0x0;
	vm1 =	vmor vm8, vm7;
	v3 =	vsel vm0, $0x3F800000, v0  }
0x127: {  	vm0 =	vmor vm9, vm1;
	(xrf0) =	vmax.scan.msk.f32 $0xffff, v3;
	v3 =	vld [tilespmem:s18+$0xB0];
	vm10 =	vlt.f32 v1, $1.000000000e+00;
	vm11 =	vgt.f32 v1, $1.000000000e+00  }
0x128: {  	v1 =	vsel vm0, $0x3F800000, v0;
	vm12 =	veq.s32 v2, $0x0;
	vm1 =	vmor vm11, vm10  }
0x129: {  	(xrf0) =	vmax.scan.msk.f32 $0xffff, v1;
	vm0 =	vmor vm12, vm1  }
0x12a: {  	v1 =	vsel vm0, $0x3F800000, v0  }
0x12b: {  	vm13 =	vlt.f32 v63, $1.000000000e+00;
	vm14 =	vgt.f32 v63, $1.000000000e+00  }
0x12c: {  	vm1 =	vmor vm14, vm13;
	(xrf0) =	vmax.scan.msk.f32 $0xffff, v1;
	vm15 =	veq.s32 v3, $0x0  }
0x12d: {  	vm0 =	vmor vm15, vm1;
	v1, _, _ =	vpop (xrf0)  }
0x12e: {  	(v2sf) =	vpush v1, $0xF;
	v1 =	vsel vm0, $0x3F800000, v0  }
0x12f: {  	v2, _, _ =	vpop (xrf0);
	(xrf0) =	vmax.scan.msk.f32 $0xffff, v1  }
0x130: {  	(v2sf) =	vpush v2, $0xF;
	_ =	sdelay $0x1  }
0x131: {  	v1, _, _ =	vpop (xrf0)  }
0x132: {  	(v2sf) =	vpush v1, $0xF;
	_ =	sdelay $0x1  }
0x133: {  	v1, _, _ =	vpop (xrf0)  }
0x134: {  	(v2sf) =	vpush v1, $0xF;
	_ =	sdelay $0x6  }
0x135: {  	s24 =	spop (v2sf)  }
0x136: {  	p1 =	sgt.f32 s24, $0.0e+00  }
0x137: {  	s21 =	spop (v2sf)  }
0x138: {  	p2 =	sgt.f32 @!p1 s21, $0.0e+00;
	_ =	sdelay $0x1  }
0x139: {  	s21 =	spop (v2sf);
	p2 =	por p1, p2  }
0x13a: {  	p3 =	sgt.f32 @!p2 s21, $0.0e+00;
	_ =	sdelay $0x1  }
0x13b: {  	s21 =	spop (v2sf);
	p3 =	por p2, p3  }
0x13c: {  	p4 =	sgt.f32 @!p3 s21, $0.0e+00;
	_ =	sdelay $0x1  }
0x13d: {  	p4 =	por p3, p4  }
.Ltmp10:
0x13e: {  	_ = 	snop;
	(pc) =	sbr.rel @!p4 .LBB2_14-.Ltmp10, $4  }
0x13f: {  	s25 =	simm.s32 $0x3  }
0x140: {  	_ =	swait.ge [sflag:s25], $0x2000  }
0x141: {  	[sflag:s25] =	ssyncset.done $0x0  }
0x142: {  	[sflag:s25] =	ssyncadd.s32 $0xFFFFE000  }
0x143: {  	s22 =	simm.s32 $0x0  }
0x144: {  	s22 =	simm.s32 @p1 $0x0  }
0x145: {  	s22 =	simm.s32 @!p2 $0x0  }
0x146: {  	s22 =	simm.s32 @!p3 $0x0  }
0x147: {  	s21 =	simm.s32 $0x7240;
	s23 =	sadd.s32 s22, s7  }
0x148: {  	s21 =	simm.s32 @p1 $0x7240;
	v1 =	vmov s23  }
0x149: {  	s21 =	simm.s32 @!p2 $0x7240  }
0x14a: {  	s21 =	simm.s32 @!p3 $0x7240  }
0x14b: {  	v5 =	vld [tilespmem:s21+$0x30]  }
0x14c: {  	v8 =	vld [tilespmem:s21+$0x10]  }
0x14d: {  	v2 =	vld.idx.msk [tilespmem:v1+s4+$0x0], $0xffff  }
0x14e: {  	v4 =	vld.idx.msk [tilespmem:v1+s10+$0x0], $0xffff  }
0x14f: {  	v6 =	vld [tilespmem:s21+$0xFFFFFFC0]  }
0x150: {  	v10 =	vld [tilespmem:s21+$0xFFFFFFE0]  }
0x151: {  	v3 =	vld [tilespmem:s21+$0x20];
	p1 =	sne.s32 s22, $0x3F  }
.Ltmp11:
0x152: {  	v1 =	vld [tilespmem:s21+$0xFFFFFFF0];
	vm0 =	veq.s32 v2, $0x0;
	(pc) =	sbr.rel @!p1 .LBB2_13-.Ltmp11, $4  }
0x153: {  	v2 =	vsel vm0, $0x0, v4;
	v4 =	vld [tilespmem:s21+$0xFFFFFFD0]  }
0x154: {  	v9 =	vmul.f32 v5, v2;
	v5 =	vld [tilespmem:s21+$0x0]  }
0x155: {  	v7 =	vmul.f32 v2, v6  }
0x156: {  	s22 =	sadd.s32 $0x1, s22;
	s23 =	smov.u32 s21;
	v6 =	vmul.f32 v10, v2;
	v8 =	vmul.f32 v8, v2  }
.LBB2_12:
0x157: {  	p1 =	sne.s32 s22, $0x3F  }
0x158: {  	v4 =	vmul.f32 v4, v2;
	v3 =	vmul.f32 v3, v2;
	[tilespmem:s21+$0x30] =	vst v9;
	s23 =	sadd.s32 $0x80, s23;
	s24 =	smov.u32 s22;
	s22 =	sadd.s32 $0x1, s22  }
0x159: {  	v1 =	vmul.f32 v1, v2;
	[tilespmem:s21+$0xFFFFFFC0] =	vst v7;
	v2 =	vmul.f32 v5, v2  }
0x15a: {  	s24 =	sadd.s32 s24, s7;
	[tilespmem:s21+$0x10] =	vst v8  }
0x15b: {  	v5 =	vmov s24;
	[tilespmem:s21+$0xFFFFFFE0] =	vst v6  }
0x15c: {  	[tilespmem:s21+$0xFFFFFFF0] =	vst v1  }
0x15d: {  	v1 =	vld [tilespmem:s23+$0xFFFFFFF0];
	[tilespmem:s21+$0x0] =	vst v2  }
0x15e: {  	v6 =	vld [tilespmem:s23+$0x30];
	[tilespmem:s21+$0x20] =	vst v3  }
0x15f: {  	v8 =	vld [tilespmem:s23+$0x10];
	[tilespmem:s21+$0xFFFFFFD0] =	vst v4;
	s21 =	smov.u32 s23  }
0x160: {  	v2 =	vld.idx.msk [tilespmem:v5+s4+$0x0], $0xffff  }
0x161: {  	v7 =	vld.idx.msk [tilespmem:v5+s10+$0x0], $0xffff  }
0x162: {  	v9 =	vld [tilespmem:s23+$0xFFFFFFC0]  }
0x163: {  	v10 =	vld [tilespmem:s23+$0xFFFFFFE0]  }
0x164: {  	v3 =	vld [tilespmem:s23+$0x20]  }
.Ltmp12:
0x165: {  	v4 =	vld [tilespmem:s23+$0xFFFFFFD0];
	(pc) =	sbr.rel @p1 .LBB2_12-.Ltmp12, $4  }
0x166: {  	vm0 =	veq.s32 v2, $0x0;
	v5 =	vld [tilespmem:s23+$0x0]  }
0x167: {  	v2 =	vsel vm0, $0x0, v7  }
0x168: {  	v7 =	vmul.f32 v2, v9;
	v9 =	vmul.f32 v6, v2  }
0x169: {  	v8 =	vmul.f32 v8, v2;
	v6 =	vmul.f32 v10, v2  }
.LBB2_13:
0x16a: {  	[tilespmem:s21+$0x30] =	vst v9  }
0x16b: {  	[tilespmem:s21+$0xFFFFFFC0] =	vst v7  }
0x16c: {  	v1 =	vmul.f32 v1, v2;
	[tilespmem:s21+$0x10] =	vst v8  }
0x16d: {  	v3 =	vmul.f32 v3, v2;
	[tilespmem:s21+$0xFFFFFFE0] =	vst v6  }
0x16e: {  	v5 =	vmul.f32 v5, v2;
	[tilespmem:s21+$0xFFFFFFF0] =	vst v1  }
0x16f: {  	v1 =	vmul.f32 v4, v2;
	[tilespmem:s21+$0x20] =	vst v3  }
0x170: {  	[tilespmem:s21+$0x0] =	vst v5  }
0x171: {  	[tilespmem:s21+$0xFFFFFFD0] =	vst v1  }
.LBB2_14:
0x172: {  	s21 =	sadd.s32 $0x80, s18  }
0x173: {  	s21 =	sadd.s32 s5, s21  }
0x174: {  	s21 =	sshll.u32 s21, $0x4  }
0x175: {  	s22 =	simm.s32 $0x7200;
	s21 =	sadd.s32 s3, s21  }
0x176: {  	[hbm4b:s21+s4] =	stream.linear.scatter [tilespmem:s22], [sflag:$0xD], $0x2000, $0x38;
	[tilespmem:$0x17200] =	vst v63  }
0x177: {  	s21 =	simm.s32 @!p0 $0xD  }
0x178: {  	_ =	swait.ge @!p0 [sflag:s21], $0x2000  }
0x179: {  	s23 =	simm.s32 @!p0 $0x7200;
	[sflag:s21] =	ssyncset.done @!p0 $0x0  }
0x17a: {  	s22 =	sadd.s32 @!p0 $0x300, s19;
	[sflag:s21] =	ssyncadd.s32 @!p0 $0xFFFFE000;
	s21 =	simm.s32 @!p0 $0x40  }
0x17b: {  	[tilespmem:s23], [sflag:$0x3] =	stream.indirect.gather @!p0 [hbm4b:s2+s21], $0x80, s22, s21, $0xb8;
	[tilespmem:$0x17200] =	vst v63  }
0x17c: {  	v1 =	vld [tilespmem:s18+$0x19C0]  }
0x17d: {  	v2 =	vld [tilespmem:s18+$0xC0];
	_ =	sdelay $0x1  }
0x17e: {  	v3 =	vld [tilespmem:s18+$0x19D0]  }
0x17f: {  	v4 =	vld [tilespmem:s18+$0xD0]  }
0x180: {  	vm0 =	vlt.f32 v1, $1.000000000e+00;
	vm1 =	vgt.f32 v1, $1.000000000e+00;
	v1 =	vld [tilespmem:s18+$0x19E0]  }
0x181: {  	vm2 =	veq.s32 v2, $0x0;
	v2 =	vld [tilespmem:s18+$0xE0]  }
0x182: {  	vm0 =	vmor vm1, vm0  }
0x183: {  	vm7 =	vlt.f32 v3, $1.000000000e+00;
	vm8 =	vgt.f32 v3, $1.000000000e+00;
	vm0 =	vmor vm2, vm0  }
0x184: {  	v63 =	vld [tilespmem:s18+$0x19F0];
	vm9 =	veq.s32 v4, $0x0;
	vm1 =	vmor vm8, vm7;
	v3 =	vsel vm0, $0x3F800000, v0  }
0x185: {  	vm0 =	vmor vm9, vm1;
	(xrf0) =	vmax.scan.msk.f32 $0xffff, v3;
	v3 =	vld [tilespmem:s18+$0xF0];
	vm10 =	vlt.f32 v1, $1.000000000e+00;
	vm11 =	vgt.f32 v1, $1.000000000e+00  }
0x186: {  	v1 =	vsel vm0, $0x3F800000, v0;
	vm12 =	veq.s32 v2, $0x0;
	vm1 =	vmor vm11, vm10  }
0x187: {  	(xrf0) =	vmax.scan.msk.f32 $0xffff, v1;
	vm0 =	vmor vm12, vm1  }
0x188: {  	v1 =	vsel vm0, $0x3F800000, v0  }
0x189: {  	vm13 =	vlt.f32 v63, $1.000000000e+00;
	vm14 =	vgt.f32 v63, $1.000000000e+00  }
0x18a: {  	vm1 =	vmor vm14, vm13;
	(xrf0) =	vmax.scan.msk.f32 $0xffff, v1;
	vm15 =	veq.s32 v3, $0x0  }
0x18b: {  	vm0 =	vmor vm15, vm1;
	v1, _, _ =	vpop (xrf0)  }
0x18c: {  	(v2sf) =	vpush v1, $0xF;
	v1 =	vsel vm0, $0x3F800000, v0  }
0x18d: {  	v2, _, _ =	vpop (xrf0);
	(xrf0) =	vmax.scan.msk.f32 $0xffff, v1  }
0x18e: {  	(v2sf) =	vpush v2, $0xF;
	_ =	sdelay $0x1  }
0x18f: {  	v1, _, _ =	vpop (xrf0)  }
0x190: {  	(v2sf) =	vpush v1, $0xF;
	_ =	sdelay $0x1  }
0x191: {  	v1, _, _ =	vpop (xrf0)  }
0x192: {  	(v2sf) =	vpush v1, $0xF;
	_ =	sdelay $0x6  }
0x193: {  	s24 =	spop (v2sf)  }
0x194: {  	p1 =	sgt.f32 s24, $0.0e+00  }
0x195: {  	s22 =	spop (v2sf)  }
0x196: {  	p2 =	sgt.f32 @!p1 s22, $0.0e+00;
	_ =	sdelay $0x1  }
0x197: {  	s22 =	spop (v2sf);
	p2 =	por p1, p2  }
0x198: {  	p3 =	sgt.f32 @!p2 s22, $0.0e+00;
	_ =	sdelay $0x1  }
0x199: {  	s22 =	spop (v2sf);
	p3 =	por p2, p3  }
0x19a: {  	p4 =	sgt.f32 @!p3 s22, $0.0e+00;
	_ =	sdelay $0x1  }
0x19b: {  	p4 =	por p3, p4  }
.Ltmp13:
0x19c: {  	_ = 	snop;
	(pc) =	sbr.rel @!p4 .LBB2_18-.Ltmp13, $4  }
0x19d: {  	s25 =	simm.s32 $0x4  }
0x19e: {  	_ =	swait.ge [sflag:s25], $0x2000  }
0x19f: {  	[sflag:s25] =	ssyncset.done $0x0  }
0x1a0: {  	[sflag:s25] =	ssyncadd.s32 $0xFFFFE000  }
0x1a1: {  	s23 =	simm.s32 $0x0  }
0x1a2: {  	s23 =	simm.s32 @p1 $0x0  }
0x1a3: {  	s23 =	simm.s32 @!p2 $0x0  }
0x1a4: {  	s23 =	simm.s32 @!p3 $0x0  }
0x1a5: {  	s22 =	simm.s32 $0x9240;
	s24 =	sadd.s32 s23, s8  }
0x1a6: {  	s22 =	simm.s32 @p1 $0x9240;
	v1 =	vmov s24  }
0x1a7: {  	s22 =	simm.s32 @!p2 $0x9240  }
0x1a8: {  	s22 =	simm.s32 @!p3 $0x9240  }
0x1a9: {  	v5 =	vld [tilespmem:s22+$0x30]  }
0x1aa: {  	v8 =	vld [tilespmem:s22+$0x10]  }
0x1ab: {  	v2 =	vld.idx.msk [tilespmem:v1+s4+$0x0], $0xffff  }
0x1ac: {  	v4 =	vld.idx.msk [tilespmem:v1+s10+$0x0], $0xffff  }
0x1ad: {  	v6 =	vld [tilespmem:s22+$0xFFFFFFC0]  }
0x1ae: {  	v10 =	vld [tilespmem:s22+$0xFFFFFFE0]  }
0x1af: {  	v3 =	vld [tilespmem:s22+$0x20];
	p1 =	sne.s32 s23, $0x3F  }
.Ltmp14:
0x1b0: {  	v1 =	vld [tilespmem:s22+$0xFFFFFFF0];
	vm0 =	veq.s32 v2, $0x0;
	(pc) =	sbr.rel @!p1 .LBB2_17-.Ltmp14, $4  }
0x1b1: {  	v2 =	vsel vm0, $0x0, v4;
	v4 =	vld [tilespmem:s22+$0xFFFFFFD0]  }
0x1b2: {  	v9 =	vmul.f32 v5, v2;
	v5 =	vld [tilespmem:s22+$0x0]  }
0x1b3: {  	v7 =	vmul.f32 v2, v6  }
0x1b4: {  	s23 =	sadd.s32 $0x1, s23;
	s24 =	smov.u32 s22;
	v6 =	vmul.f32 v10, v2;
	v8 =	vmul.f32 v8, v2  }
.LBB2_16:
0x1b5: {  	p1 =	sne.s32 s23, $0x3F  }
0x1b6: {  	v4 =	vmul.f32 v4, v2;
	v3 =	vmul.f32 v3, v2;
	[tilespmem:s22+$0x30] =	vst v9;
	s24 =	sadd.s32 $0x80, s24;
	s25 =	smov.u32 s23;
	s23 =	sadd.s32 $0x1, s23  }
0x1b7: {  	v1 =	vmul.f32 v1, v2;
	[tilespmem:s22+$0xFFFFFFC0] =	vst v7;
	v2 =	vmul.f32 v5, v2  }
0x1b8: {  	s25 =	sadd.s32 s25, s8;
	[tilespmem:s22+$0x10] =	vst v8  }
0x1b9: {  	v5 =	vmov s25;
	[tilespmem:s22+$0xFFFFFFE0] =	vst v6  }
0x1ba: {  	[tilespmem:s22+$0xFFFFFFF0] =	vst v1  }
0x1bb: {  	v1 =	vld [tilespmem:s24+$0xFFFFFFF0];
	[tilespmem:s22+$0x0] =	vst v2  }
0x1bc: {  	v6 =	vld [tilespmem:s24+$0x30];
	[tilespmem:s22+$0x20] =	vst v3  }
0x1bd: {  	v8 =	vld [tilespmem:s24+$0x10];
	[tilespmem:s22+$0xFFFFFFD0] =	vst v4;
	s22 =	smov.u32 s24  }
0x1be: {  	v2 =	vld.idx.msk [tilespmem:v5+s4+$0x0], $0xffff  }
0x1bf: {  	v7 =	vld.idx.msk [tilespmem:v5+s10+$0x0], $0xffff  }
0x1c0: {  	v9 =	vld [tilespmem:s24+$0xFFFFFFC0]  }
0x1c1: {  	v10 =	vld [tilespmem:s24+$0xFFFFFFE0]  }
0x1c2: {  	v3 =	vld [tilespmem:s24+$0x20]  }
.Ltmp15:
0x1c3: {  	v4 =	vld [tilespmem:s24+$0xFFFFFFD0];
	(pc) =	sbr.rel @p1 .LBB2_16-.Ltmp15, $4  }
0x1c4: {  	vm0 =	veq.s32 v2, $0x0;
	v5 =	vld [tilespmem:s24+$0x0]  }
0x1c5: {  	v2 =	vsel vm0, $0x0, v7  }
0x1c6: {  	v7 =	vmul.f32 v2, v9;
	v9 =	vmul.f32 v6, v2  }
0x1c7: {  	v8 =	vmul.f32 v8, v2;
	v6 =	vmul.f32 v10, v2  }
.LBB2_17:
0x1c8: {  	[tilespmem:s22+$0x30] =	vst v9  }
0x1c9: {  	[tilespmem:s22+$0xFFFFFFC0] =	vst v7  }
0x1ca: {  	v1 =	vmul.f32 v1, v2;
	[tilespmem:s22+$0x10] =	vst v8  }
0x1cb: {  	v3 =	vmul.f32 v3, v2;
	[tilespmem:s22+$0xFFFFFFE0] =	vst v6  }
0x1cc: {  	v5 =	vmul.f32 v5, v2;
	[tilespmem:s22+$0xFFFFFFF0] =	vst v1  }
0x1cd: {  	v1 =	vmul.f32 v4, v2;
	[tilespmem:s22+$0x20] =	vst v3  }
0x1ce: {  	[tilespmem:s22+$0x0] =	vst v5  }
0x1cf: {  	[tilespmem:s22+$0xFFFFFFD0] =	vst v1  }
.LBB2_18:
0x1d0: {  	s22 =	sadd.s32 $0xC0, s18  }
0x1d1: {  	s22 =	sadd.s32 s5, s22  }
0x1d2: {  	s22 =	sshll.u32 s22, $0x4  }
0x1d3: {  	s23 =	simm.s32 $0x9200;
	s22 =	sadd.s32 s3, s22  }
0x1d4: {  	[hbm4b:s22+s4] =	stream.linear.scatter [tilespmem:s23], [sflag:$0xE], $0x2000, $0x38;
	[tilespmem:$0x17200] =	vst v63  }
0x1d5: {  	s22 =	simm.s32 @!p0 $0xE  }
0x1d6: {  	_ =	swait.ge @!p0 [sflag:s22], $0x2000  }
0x1d7: {  	[sflag:s22] =	ssyncset.done @!p0 $0x0  }
0x1d8: {  	s23 =	simm.s32 @!p0 $0x9200;
	[sflag:s22] =	ssyncadd.s32 @!p0 $0xFFFFE000;
	s22 =	sadd.s32 @!p0 $0x340, s19  }
0x1d9: {  	[tilespmem:s23], [sflag:$0x4] =	stream.indirect.gather @!p0 [hbm4b:s2+s21], $0x80, s22, s21, $0xb8;
	[tilespmem:$0x17200] =	vst v63  }
0x1da: {  	v1 =	vld [tilespmem:s18+$0x1A00]  }
0x1db: {  	v2 =	vld [tilespmem:s18+$0x100];
	_ =	sdelay $0x1  }
0x1dc: {  	v3 =	vld [tilespmem:s18+$0x1A10]  }
0x1dd: {  	v4 =	vld [tilespmem:s18+$0x110]  }
0x1de: {  	vm0 =	vlt.f32 v1, $1.000000000e+00;
	vm1 =	vgt.f32 v1, $1.000000000e+00;
	v1 =	vld [tilespmem:s18+$0x1A20]  }
0x1df: {  	vm2 =	veq.s32 v2, $0x0;
	v2 =	vld [tilespmem:s18+$0x120]  }
0x1e0: {  	vm0 =	vmor vm1, vm0  }
0x1e1: {  	vm7 =	vlt.f32 v3, $1.000000000e+00;
	vm8 =	vgt.f32 v3, $1.000000000e+00;
	vm0 =	vmor vm2, vm0  }
0x1e2: {  	v63 =	vld [tilespmem:s18+$0x1A30];
	vm9 =	veq.s32 v4, $0x0;
	vm1 =	vmor vm8, vm7;
	v3 =	vsel vm0, $0x3F800000, v0  }
0x1e3: {  	vm0 =	vmor vm9, vm1;
	(xrf0) =	vmax.scan.msk.f32 $0xffff, v3;
	v3 =	vld [tilespmem:s18+$0x130];
	vm10 =	vlt.f32 v1, $1.000000000e+00;
	vm11 =	vgt.f32 v1, $1.000000000e+00  }
0x1e4: {  	v1 =	vsel vm0, $0x3F800000, v0;
	vm12 =	veq.s32 v2, $0x0;
	vm1 =	vmor vm11, vm10  }
0x1e5: {  	(xrf0) =	vmax.scan.msk.f32 $0xffff, v1;
	vm0 =	vmor vm12, vm1  }
0x1e6: {  	v1 =	vsel vm0, $0x3F800000, v0  }
0x1e7: {  	vm13 =	vlt.f32 v63, $1.000000000e+00;
	vm14 =	vgt.f32 v63, $1.000000000e+00  }
0x1e8: {  	vm1 =	vmor vm14, vm13;
	(xrf0) =	vmax.scan.msk.f32 $0xffff, v1;
	vm15 =	veq.s32 v3, $0x0  }
0x1e9: {  	vm0 =	vmor vm15, vm1;
	v1, _, _ =	vpop (xrf0)  }
0x1ea: {  	(v2sf) =	vpush v1, $0xF;
	v1 =	vsel vm0, $0x3F800000, v0  }
0x1eb: {  	v2, _, _ =	vpop (xrf0);
	(xrf0) =	vmax.scan.msk.f32 $0xffff, v1  }
0x1ec: {  	(v2sf) =	vpush v2, $0xF;
	_ =	sdelay $0x1  }
0x1ed: {  	v1, _, _ =	vpop (xrf0)  }
0x1ee: {  	(v2sf) =	vpush v1, $0xF;
	_ =	sdelay $0x1  }
0x1ef: {  	v1, _, _ =	vpop (xrf0)  }
0x1f0: {  	(v2sf) =	vpush v1, $0xF;
	_ =	sdelay $0x6  }
0x1f1: {  	s25 =	spop (v2sf)  }
0x1f2: {  	p1 =	sgt.f32 s25, $0.0e+00  }
0x1f3: {  	s21 =	spop (v2sf)  }
0x1f4: {  	p2 =	sgt.f32 @!p1 s21, $0.0e+00;
	_ =	sdelay $0x1  }
0x1f5: {  	s21 =	spop (v2sf);
	p2 =	por p1, p2  }
0x1f6: {  	p3 =	sgt.f32 @!p2 s21, $0.0e+00;
	_ =	sdelay $0x1  }
0x1f7: {  	s21 =	spop (v2sf);
	p3 =	por p2, p3  }
0x1f8: {  	p4 =	sgt.f32 @!p3 s21, $0.0e+00;
	_ =	sdelay $0x1  }
0x1f9: {  	p4 =	por p3, p4  }
.Ltmp16:
0x1fa: {  	_ = 	snop;
	(pc) =	sbr.rel @!p4 .LBB2_22-.Ltmp16, $4  }
0x1fb: {  	_ = 	snop  }
0x1fc: {  	_ =	swait.ge [sflag:s28], $0x2000  }
0x1fd: {  	[sflag:s28] =	ssyncset.done $0x0  }
0x1fe: {  	[sflag:s28] =	ssyncadd.s32 $0xFFFFE000  }
0x1ff: {  	s22 =	simm.s32 $0x0  }
0x200: {  	s22 =	simm.s32 @p1 $0x0  }
0x201: {  	s22 =	simm.s32 @!p2 $0x0  }
0x202: {  	s22 =	simm.s32 @!p3 $0x0  }
0x203: {  	s21 =	simm.s32 $0xB240;
	s23 =	sadd.s32 s22, s9  }
0x204: {  	s21 =	simm.s32 @p1 $0xB240;
	v1 =	vmov s23  }
0x205: {  	s21 =	simm.s32 @!p2 $0xB240  }
0x206: {  	s21 =	simm.s32 @!p3 $0xB240  }
0x207: {  	v5 =	vld [tilespmem:s21+$0x30]  }
0x208: {  	v8 =	vld [tilespmem:s21+$0x10]  }
0x209: {  	v2 =	vld.idx.msk [tilespmem:v1+s4+$0x0], $0xffff  }
0x20a: {  	v4 =	vld.idx.msk [tilespmem:v1+s10+$0x0], $0xffff  }
0x20b: {  	v6 =	vld [tilespmem:s21+$0xFFFFFFC0]  }
0x20c: {  	v10 =	vld [tilespmem:s21+$0xFFFFFFE0]  }
0x20d: {  	v3 =	vld [tilespmem:s21+$0x20];
	p1 =	sne.s32 s22, $0x3F  }
.Ltmp17:
0x20e: {  	v1 =	vld [tilespmem:s21+$0xFFFFFFF0];
	vm0 =	veq.s32 v2, $0x0;
	(pc) =	sbr.rel @!p1 .LBB2_21-.Ltmp17, $4  }
0x20f: {  	v2 =	vsel vm0, $0x0, v4;
	v4 =	vld [tilespmem:s21+$0xFFFFFFD0]  }
0x210: {  	v9 =	vmul.f32 v5, v2;
	v5 =	vld [tilespmem:s21+$0x0]  }
0x211: {  	v7 =	vmul.f32 v2, v6  }
0x212: {  	s22 =	sadd.s32 $0x1, s22;
	s23 =	smov.u32 s21;
	v6 =	vmul.f32 v10, v2;
	v8 =	vmul.f32 v8, v2  }
.LBB2_20:
0x213: {  	p1 =	sne.s32 s22, $0x3F  }
0x214: {  	v4 =	vmul.f32 v4, v2;
	v3 =	vmul.f32 v3, v2;
	[tilespmem:s21+$0x30] =	vst v9;
	s23 =	sadd.s32 $0x80, s23;
	s24 =	smov.u32 s22;
	s22 =	sadd.s32 $0x1, s22  }
0x215: {  	v1 =	vmul.f32 v1, v2;
	[tilespmem:s21+$0xFFFFFFC0] =	vst v7;
	v2 =	vmul.f32 v5, v2  }
0x216: {  	s24 =	sadd.s32 s24, s9;
	[tilespmem:s21+$0x10] =	vst v8  }
0x217: {  	v5 =	vmov s24;
	[tilespmem:s21+$0xFFFFFFE0] =	vst v6  }
0x218: {  	[tilespmem:s21+$0xFFFFFFF0] =	vst v1  }
0x219: {  	v1 =	vld [tilespmem:s23+$0xFFFFFFF0];
	[tilespmem:s21+$0x0] =	vst v2  }
0x21a: {  	v6 =	vld [tilespmem:s23+$0x30];
	[tilespmem:s21+$0x20] =	vst v3  }
0x21b: {  	v8 =	vld [tilespmem:s23+$0x10];
	[tilespmem:s21+$0xFFFFFFD0] =	vst v4;
	s21 =	smov.u32 s23  }
0x21c: {  	v2 =	vld.idx.msk [tilespmem:v5+s4+$0x0], $0xffff  }
0x21d: {  	v7 =	vld.idx.msk [tilespmem:v5+s10+$0x0], $0xffff  }
0x21e: {  	v9 =	vld [tilespmem:s23+$0xFFFFFFC0]  }
0x21f: {  	v10 =	vld [tilespmem:s23+$0xFFFFFFE0]  }
0x220: {  	v3 =	vld [tilespmem:s23+$0x20]  }
.Ltmp18:
0x221: {  	v4 =	vld [tilespmem:s23+$0xFFFFFFD0];
	(pc) =	sbr.rel @p1 .LBB2_20-.Ltmp18, $4  }
0x222: {  	vm0 =	veq.s32 v2, $0x0;
	v5 =	vld [tilespmem:s23+$0x0]  }
0x223: {  	v2 =	vsel vm0, $0x0, v7  }
0x224: {  	v7 =	vmul.f32 v2, v9;
	v9 =	vmul.f32 v6, v2  }
0x225: {  	v8 =	vmul.f32 v8, v2;
	v6 =	vmul.f32 v10, v2  }
.LBB2_21:
0x226: {  	[tilespmem:s21+$0x30] =	vst v9  }
0x227: {  	[tilespmem:s21+$0xFFFFFFC0] =	vst v7  }
0x228: {  	v1 =	vmul.f32 v1, v2;
	[tilespmem:s21+$0x10] =	vst v8  }
0x229: {  	v3 =	vmul.f32 v3, v2;
	[tilespmem:s21+$0xFFFFFFE0] =	vst v6  }
0x22a: {  	v5 =	vmul.f32 v5, v2;
	[tilespmem:s21+$0xFFFFFFF0] =	vst v1  }
0x22b: {  	v1 =	vmul.f32 v4, v2;
	[tilespmem:s21+$0x20] =	vst v3  }
0x22c: {  	[tilespmem:s21+$0x0] =	vst v5  }
0x22d: {  	[tilespmem:s21+$0xFFFFFFD0] =	vst v1  }
.LBB2_22:
0x22e: {  	s21 =	sadd.s32 $0x100, s18  }
0x22f: {  	s21 =	sadd.s32 s5, s21  }
0x230: {  	s21 =	sshll.u32 s21, $0x4  }
0x231: {  	s22 =	simm.s32 $0xB200;
	s21 =	sadd.s32 s3, s21  }
0x232: {  	[hbm4b:s21+s4] =	stream.linear.scatter [tilespmem:s22], [sflag:$0xF], $0x2000, $0x38;
	[tilespmem:$0x17200] =	vst v63  }
0x233: {  	s21 =	simm.s32 @!p0 $0xF  }
0x234: {  	_ =	swait.ge @!p0 [sflag:s21], $0x2000  }
0x235: {  	s23 =	simm.s32 @!p0 $0xB200;
	[sflag:s21] =	ssyncset.done @!p0 $0x0  }
0x236: {  	s22 =	sadd.s32 @!p0 $0x380, s19;
	[sflag:s21] =	ssyncadd.s32 @!p0 $0xFFFFE000;
	s21 =	simm.s32 @!p0 $0x40  }
0x237: {  	[tilespmem:s23], [sflag:$0x5] =	stream.indirect.gather @!p0 [hbm4b:s2+s21], $0x80, s22, s21, $0xb8;
	[tilespmem:$0x17200] =	vst v63  }
0x238: {  	v1 =	vld [tilespmem:s18+$0x1A40]  }
0x239: {  	v2 =	vld [tilespmem:s18+$0x140];
	_ =	sdelay $0x1  }
0x23a: {  	v3 =	vld [tilespmem:s18+$0x1A50]  }
0x23b: {  	v4 =	vld [tilespmem:s18+$0x150]  }
0x23c: {  	vm0 =	vlt.f32 v1, $1.000000000e+00;
	vm1 =	vgt.f32 v1, $1.000000000e+00;
	v1 =	vld [tilespmem:s18+$0x1A60]  }
0x23d: {  	vm2 =	veq.s32 v2, $0x0;
	v2 =	vld [tilespmem:s18+$0x160]  }
0x23e: {  	vm0 =	vmor vm1, vm0  }
0x23f: {  	vm7 =	vlt.f32 v3, $1.000000000e+00;
	vm8 =	vgt.f32 v3, $1.000000000e+00;
	vm0 =	vmor vm2, vm0  }
0x240: {  	v63 =	vld [tilespmem:s18+$0x1A70];
	vm9 =	veq.s32 v4, $0x0;
	vm1 =	vmor vm8, vm7;
	v3 =	vsel vm0, $0x3F800000, v0  }
0x241: {  	vm0 =	vmor vm9, vm1;
	(xrf0) =	vmax.scan.msk.f32 $0xffff, v3;
	v3 =	vld [tilespmem:s18+$0x170];
	vm10 =	vlt.f32 v1, $1.000000000e+00;
	vm11 =	vgt.f32 v1, $1.000000000e+00  }
0x242: {  	v1 =	vsel vm0, $0x3F800000, v0;
	vm12 =	veq.s32 v2, $0x0;
	vm1 =	vmor vm11, vm10  }
0x243: {  	(xrf0) =	vmax.scan.msk.f32 $0xffff, v1;
	vm0 =	vmor vm12, vm1  }
0x244: {  	v1 =	vsel vm0, $0x3F800000, v0  }
0x245: {  	vm13 =	vlt.f32 v63, $1.000000000e+00;
	vm14 =	vgt.f32 v63, $1.000000000e+00  }
0x246: {  	vm1 =	vmor vm14, vm13;
	(xrf0) =	vmax.scan.msk.f32 $0xffff, v1;
	vm15 =	veq.s32 v3, $0x0  }
0x247: {  	vm0 =	vmor vm15, vm1;
	v1, _, _ =	vpop (xrf0)  }
0x248: {  	(v2sf) =	vpush v1, $0xF;
	v1 =	vsel vm0, $0x3F800000, v0  }
0x249: {  	v2, _, _ =	vpop (xrf0);
	(xrf0) =	vmax.scan.msk.f32 $0xffff, v1  }
0x24a: {  	(v2sf) =	vpush v2, $0xF;
	_ =	sdelay $0x1  }
0x24b: {  	v1, _, _ =	vpop (xrf0)  }
0x24c: {  	(v2sf) =	vpush v1, $0xF;
	_ =	sdelay $0x1  }
0x24d: {  	v1, _, _ =	vpop (xrf0)  }
0x24e: {  	(v2sf) =	vpush v1, $0xF;
	_ =	sdelay $0x6  }
0x24f: {  	s25 =	spop (v2sf)  }
0x250: {  	p1 =	sgt.f32 s25, $0.0e+00  }
0x251: {  	s22 =	spop (v2sf)  }
0x252: {  	p2 =	sgt.f32 @!p1 s22, $0.0e+00;
	_ =	sdelay $0x1  }
0x253: {  	s22 =	spop (v2sf);
	p2 =	por p1, p2  }
0x254: {  	p3 =	sgt.f32 @!p2 s22, $0.0e+00;
	_ =	sdelay $0x1  }
0x255: {  	s22 =	spop (v2sf);
	p3 =	por p2, p3  }
0x256: {  	p4 =	sgt.f32 @!p3 s22, $0.0e+00;
	_ =	sdelay $0x1  }
0x257: {  	p4 =	por p3, p4  }
.Ltmp19:
0x258: {  	_ = 	snop;
	(pc) =	sbr.rel @!p4 .LBB2_26-.Ltmp19, $4  }
0x259: {  	_ = 	snop  }
0x25a: {  	_ =	swait.ge [sflag:s29], $0x2000  }
0x25b: {  	[sflag:s29] =	ssyncset.done $0x0  }
0x25c: {  	[sflag:s29] =	ssyncadd.s32 $0xFFFFE000  }
0x25d: {  	s23 =	simm.s32 $0x0  }
0x25e: {  	s23 =	simm.s32 @p1 $0x0  }
0x25f: {  	s23 =	simm.s32 @!p2 $0x0  }
0x260: {  	s23 =	simm.s32 @!p3 $0x0  }
0x261: {  	s22 =	simm.s32 $0xD240;
	s24 =	sadd.s32 s23, s20  }
0x262: {  	s22 =	simm.s32 @p1 $0xD240;
	v1 =	vmov s24  }
0x263: {  	s22 =	simm.s32 @!p2 $0xD240  }
0x264: {  	s22 =	simm.s32 @!p3 $0xD240  }
0x265: {  	v5 =	vld [tilespmem:s22+$0x30]  }
0x266: {  	v8 =	vld [tilespmem:s22+$0x10]  }
0x267: {  	v2 =	vld.idx.msk [tilespmem:v1+s4+$0x0], $0xffff  }
0x268: {  	v4 =	vld.idx.msk [tilespmem:v1+s10+$0x0], $0xffff  }
0x269: {  	v6 =	vld [tilespmem:s22+$0xFFFFFFC0]  }
0x26a: {  	v10 =	vld [tilespmem:s22+$0xFFFFFFE0]  }
0x26b: {  	v3 =	vld [tilespmem:s22+$0x20];
	p1 =	sne.s32 s23, $0x3F  }
.Ltmp20:
0x26c: {  	v1 =	vld [tilespmem:s22+$0xFFFFFFF0];
	vm0 =	veq.s32 v2, $0x0;
	(pc) =	sbr.rel @!p1 .LBB2_25-.Ltmp20, $4  }
0x26d: {  	v2 =	vsel vm0, $0x0, v4;
	v4 =	vld [tilespmem:s22+$0xFFFFFFD0]  }
0x26e: {  	v9 =	vmul.f32 v5, v2;
	v5 =	vld [tilespmem:s22+$0x0]  }
0x26f: {  	v7 =	vmul.f32 v2, v6  }
0x270: {  	s23 =	sadd.s32 $0x1, s23;
	s24 =	smov.u32 s22;
	v6 =	vmul.f32 v10, v2;
	v8 =	vmul.f32 v8, v2  }
.LBB2_24:
0x271: {  	p1 =	sne.s32 s23, $0x3F  }
0x272: {  	v4 =	vmul.f32 v4, v2;
	v3 =	vmul.f32 v3, v2;
	[tilespmem:s22+$0x30] =	vst v9;
	s24 =	sadd.s32 $0x80, s24;
	s25 =	smov.u32 s23;
	s23 =	sadd.s32 $0x1, s23  }
0x273: {  	v1 =	vmul.f32 v1, v2;
	[tilespmem:s22+$0xFFFFFFC0] =	vst v7;
	v2 =	vmul.f32 v5, v2  }
0x274: {  	s25 =	sadd.s32 s25, s20;
	[tilespmem:s22+$0x10] =	vst v8  }
0x275: {  	v5 =	vmov s25;
	[tilespmem:s22+$0xFFFFFFE0] =	vst v6  }
0x276: {  	[tilespmem:s22+$0xFFFFFFF0] =	vst v1  }
0x277: {  	v1 =	vld [tilespmem:s24+$0xFFFFFFF0];
	[tilespmem:s22+$0x0] =	vst v2  }
0x278: {  	v6 =	vld [tilespmem:s24+$0x30];
	[tilespmem:s22+$0x20] =	vst v3  }
0x279: {  	v8 =	vld [tilespmem:s24+$0x10];
	[tilespmem:s22+$0xFFFFFFD0] =	vst v4;
	s22 =	smov.u32 s24  }
0x27a: {  	v2 =	vld.idx.msk [tilespmem:v5+s4+$0x0], $0xffff  }
0x27b: {  	v7 =	vld.idx.msk [tilespmem:v5+s10+$0x0], $0xffff  }
0x27c: {  	v9 =	vld [tilespmem:s24+$0xFFFFFFC0]  }
0x27d: {  	v10 =	vld [tilespmem:s24+$0xFFFFFFE0]  }
0x27e: {  	v3 =	vld [tilespmem:s24+$0x20]  }
.Ltmp21:
0x27f: {  	v4 =	vld [tilespmem:s24+$0xFFFFFFD0];
	(pc) =	sbr.rel @p1 .LBB2_24-.Ltmp21, $4  }
0x280: {  	vm0 =	veq.s32 v2, $0x0;
	v5 =	vld [tilespmem:s24+$0x0]  }
0x281: {  	v2 =	vsel vm0, $0x0, v7  }
0x282: {  	v7 =	vmul.f32 v2, v9;
	v9 =	vmul.f32 v6, v2  }
0x283: {  	v8 =	vmul.f32 v8, v2;
	v6 =	vmul.f32 v10, v2  }
.LBB2_25:
0x284: {  	[tilespmem:s22+$0x30] =	vst v9  }
0x285: {  	[tilespmem:s22+$0xFFFFFFC0] =	vst v7  }
0x286: {  	v1 =	vmul.f32 v1, v2;
	[tilespmem:s22+$0x10] =	vst v8  }
0x287: {  	v3 =	vmul.f32 v3, v2;
	[tilespmem:s22+$0xFFFFFFE0] =	vst v6  }
0x288: {  	v5 =	vmul.f32 v5, v2;
	[tilespmem:s22+$0xFFFFFFF0] =	vst v1  }
0x289: {  	v1 =	vmul.f32 v4, v2;
	[tilespmem:s22+$0x20] =	vst v3  }
0x28a: {  	[tilespmem:s22+$0x0] =	vst v5  }
0x28b: {  	[tilespmem:s22+$0xFFFFFFD0] =	vst v1  }
.LBB2_26:
0x28c: {  	s22 =	sadd.s32 $0x140, s18  }
0x28d: {  	s22 =	sadd.s32 s5, s22  }
0x28e: {  	s22 =	sshll.u32 s22, $0x4  }
0x28f: {  	s23 =	simm.s32 $0xD200;
	s22 =	sadd.s32 s3, s22  }
0x290: {  	[hbm4b:s22+s4] =	stream.linear.scatter [tilespmem:s23], [sflag:$0x10], $0x2000, $0x38;
	[tilespmem:$0x17200] =	vst v63  }
0x291: {  	s22 =	simm.s32 @!p0 $0x10  }
0x292: {  	_ =	swait.ge @!p0 [sflag:s22], $0x2000  }
0x293: {  	[sflag:s22] =	ssyncset.done @!p0 $0x0  }
0x294: {  	s23 =	simm.s32 @!p0 $0xD200;
	[sflag:s22] =	ssyncadd.s32 @!p0 $0xFFFFE000;
	s22 =	sadd.s32 @!p0 $0x3C0, s19  }
0x295: {  	[tilespmem:s23], [sflag:$0x6] =	stream.indirect.gather @!p0 [hbm4b:s2+s21], $0x80, s22, s21, $0xb8;
	[tilespmem:$0x17200] =	vst v63  }
0x296: {  	v1 =	vld [tilespmem:s18+$0x1A80]  }
0x297: {  	v2 =	vld [tilespmem:s18+$0x180];
	_ =	sdelay $0x1  }
0x298: {  	v3 =	vld [tilespmem:s18+$0x1A90]  }
0x299: {  	v4 =	vld [tilespmem:s18+$0x190]  }
0x29a: {  	vm0 =	vlt.f32 v1, $1.000000000e+00;
	vm1 =	vgt.f32 v1, $1.000000000e+00;
	v1 =	vld [tilespmem:s18+$0x1AA0]  }
0x29b: {  	vm2 =	veq.s32 v2, $0x0;
	v2 =	vld [tilespmem:s18+$0x1A0]  }
0x29c: {  	vm0 =	vmor vm1, vm0  }
0x29d: {  	vm7 =	vlt.f32 v3, $1.000000000e+00;
	vm8 =	vgt.f32 v3, $1.000000000e+00;
	vm0 =	vmor vm2, vm0  }
0x29e: {  	v63 =	vld [tilespmem:s18+$0x1AB0];
	vm9 =	veq.s32 v4, $0x0;
	vm1 =	vmor vm8, vm7;
	v3 =	vsel vm0, $0x3F800000, v0  }
0x29f: {  	vm0 =	vmor vm9, vm1;
	(xrf0) =	vmax.scan.msk.f32 $0xffff, v3;
	v3 =	vld [tilespmem:s18+$0x1B0];
	vm10 =	vlt.f32 v1, $1.000000000e+00;
	vm11 =	vgt.f32 v1, $1.000000000e+00  }
0x2a0: {  	v1 =	vsel vm0, $0x3F800000, v0;
	vm12 =	veq.s32 v2, $0x0;
	vm1 =	vmor vm11, vm10  }
0x2a1: {  	(xrf0) =	vmax.scan.msk.f32 $0xffff, v1;
	vm0 =	vmor vm12, vm1  }
0x2a2: {  	v1 =	vsel vm0, $0x3F800000, v0  }
0x2a3: {  	vm13 =	vlt.f32 v63, $1.000000000e+00;
	vm14 =	vgt.f32 v63, $1.000000000e+00  }
0x2a4: {  	vm1 =	vmor vm14, vm13;
	(xrf0) =	vmax.scan.msk.f32 $0xffff, v1;
	vm15 =	veq.s32 v3, $0x0  }
0x2a5: {  	vm0 =	vmor vm15, vm1;
	v1, _, _ =	vpop (xrf0)  }
0x2a6: {  	(v2sf) =	vpush v1, $0xF;
	v1 =	vsel vm0, $0x3F800000, v0  }
0x2a7: {  	v2, _, _ =	vpop (xrf0);
	(xrf0) =	vmax.scan.msk.f32 $0xffff, v1  }
0x2a8: {  	(v2sf) =	vpush v2, $0xF;
	_ =	sdelay $0x1  }
0x2a9: {  	v1, _, _ =	vpop (xrf0)  }
0x2aa: {  	(v2sf) =	vpush v1, $0xF;
	_ =	sdelay $0x1  }
0x2ab: {  	v1, _, _ =	vpop (xrf0)  }
0x2ac: {  	(v2sf) =	vpush v1, $0xF;
	_ =	sdelay $0x6  }
0x2ad: {  	s25 =	spop (v2sf)  }
0x2ae: {  	p1 =	sgt.f32 s25, $0.0e+00  }
0x2af: {  	s21 =	spop (v2sf)  }
0x2b0: {  	p2 =	sgt.f32 @!p1 s21, $0.0e+00;
	_ =	sdelay $0x1  }
0x2b1: {  	s21 =	spop (v2sf);
	p2 =	por p1, p2  }
0x2b2: {  	p3 =	sgt.f32 @!p2 s21, $0.0e+00;
	_ =	sdelay $0x1  }
0x2b3: {  	s21 =	spop (v2sf);
	p3 =	por p2, p3  }
0x2b4: {  	p4 =	sgt.f32 @!p3 s21, $0.0e+00;
	_ =	sdelay $0x1  }
0x2b5: {  	p4 =	por p3, p4  }
.Ltmp22:
0x2b6: {  	_ = 	snop;
	(pc) =	sbr.rel @!p4 .LBB2_30-.Ltmp22, $4  }
0x2b7: {  	_ = 	snop  }
0x2b8: {  	_ =	swait.ge [sflag:s30], $0x2000  }
0x2b9: {  	[sflag:s30] =	ssyncset.done $0x0  }
0x2ba: {  	[sflag:s30] =	ssyncadd.s32 $0xFFFFE000  }
0x2bb: {  	s22 =	simm.s32 $0x0  }
0x2bc: {  	s22 =	simm.s32 @p1 $0x0  }
0x2bd: {  	s22 =	simm.s32 @!p2 $0x0  }
0x2be: {  	s22 =	simm.s32 @!p3 $0x0  }
0x2bf: {  	s21 =	simm.s32 $0xF240;
	s23 =	sadd.s32 s22, s6  }
0x2c0: {  	s21 =	simm.s32 @p1 $0xF240;
	v1 =	vmov s23  }
0x2c1: {  	s21 =	simm.s32 @!p2 $0xF240  }
0x2c2: {  	s21 =	simm.s32 @!p3 $0xF240  }
0x2c3: {  	v5 =	vld [tilespmem:s21+$0x30]  }
0x2c4: {  	v8 =	vld [tilespmem:s21+$0x10]  }
0x2c5: {  	v2 =	vld.idx.msk [tilespmem:v1+s4+$0x0], $0xffff  }
0x2c6: {  	v4 =	vld.idx.msk [tilespmem:v1+s10+$0x0], $0xffff  }
0x2c7: {  	v6 =	vld [tilespmem:s21+$0xFFFFFFC0]  }
0x2c8: {  	v10 =	vld [tilespmem:s21+$0xFFFFFFE0]  }
0x2c9: {  	v3 =	vld [tilespmem:s21+$0x20];
	p1 =	sne.s32 s22, $0x3F  }
.Ltmp23:
0x2ca: {  	v1 =	vld [tilespmem:s21+$0xFFFFFFF0];
	vm0 =	veq.s32 v2, $0x0;
	(pc) =	sbr.rel @!p1 .LBB2_29-.Ltmp23, $4  }
0x2cb: {  	v2 =	vsel vm0, $0x0, v4;
	v4 =	vld [tilespmem:s21+$0xFFFFFFD0]  }
0x2cc: {  	v9 =	vmul.f32 v5, v2;
	v5 =	vld [tilespmem:s21+$0x0]  }
0x2cd: {  	v7 =	vmul.f32 v2, v6  }
0x2ce: {  	s22 =	sadd.s32 $0x1, s22;
	s23 =	smov.u32 s21;
	v6 =	vmul.f32 v10, v2;
	v8 =	vmul.f32 v8, v2  }
.LBB2_28:
0x2cf: {  	p1 =	sne.s32 s22, $0x3F  }
0x2d0: {  	v4 =	vmul.f32 v4, v2;
	v3 =	vmul.f32 v3, v2;
	[tilespmem:s21+$0x30] =	vst v9;
	s23 =	sadd.s32 $0x80, s23;
	s24 =	smov.u32 s22;
	s22 =	sadd.s32 $0x1, s22  }
0x2d1: {  	v1 =	vmul.f32 v1, v2;
	[tilespmem:s21+$0xFFFFFFC0] =	vst v7;
	v2 =	vmul.f32 v5, v2  }
0x2d2: {  	s24 =	sadd.s32 s24, s6;
	[tilespmem:s21+$0x10] =	vst v8  }
0x2d3: {  	v5 =	vmov s24;
	[tilespmem:s21+$0xFFFFFFE0] =	vst v6  }
0x2d4: {  	[tilespmem:s21+$0xFFFFFFF0] =	vst v1  }
0x2d5: {  	v1 =	vld [tilespmem:s23+$0xFFFFFFF0];
	[tilespmem:s21+$0x0] =	vst v2  }
0x2d6: {  	v6 =	vld [tilespmem:s23+$0x30];
	[tilespmem:s21+$0x20] =	vst v3  }
0x2d7: {  	v8 =	vld [tilespmem:s23+$0x10];
	[tilespmem:s21+$0xFFFFFFD0] =	vst v4;
	s21 =	smov.u32 s23  }
0x2d8: {  	v2 =	vld.idx.msk [tilespmem:v5+s4+$0x0], $0xffff  }
0x2d9: {  	v7 =	vld.idx.msk [tilespmem:v5+s10+$0x0], $0xffff  }
0x2da: {  	v9 =	vld [tilespmem:s23+$0xFFFFFFC0]  }
0x2db: {  	v10 =	vld [tilespmem:s23+$0xFFFFFFE0]  }
0x2dc: {  	v3 =	vld [tilespmem:s23+$0x20]  }
.Ltmp24:
0x2dd: {  	v4 =	vld [tilespmem:s23+$0xFFFFFFD0];
	(pc) =	sbr.rel @p1 .LBB2_28-.Ltmp24, $4  }
0x2de: {  	vm0 =	veq.s32 v2, $0x0;
	v5 =	vld [tilespmem:s23+$0x0]  }
0x2df: {  	v2 =	vsel vm0, $0x0, v7  }
0x2e0: {  	v7 =	vmul.f32 v2, v9;
	v9 =	vmul.f32 v6, v2  }
0x2e1: {  	v8 =	vmul.f32 v8, v2;
	v6 =	vmul.f32 v10, v2  }
.LBB2_29:
0x2e2: {  	[tilespmem:s21+$0x30] =	vst v9  }
0x2e3: {  	[tilespmem:s21+$0xFFFFFFC0] =	vst v7  }
0x2e4: {  	v1 =	vmul.f32 v1, v2;
	[tilespmem:s21+$0x10] =	vst v8  }
0x2e5: {  	v3 =	vmul.f32 v3, v2;
	[tilespmem:s21+$0xFFFFFFE0] =	vst v6  }
0x2e6: {  	v5 =	vmul.f32 v5, v2;
	[tilespmem:s21+$0xFFFFFFF0] =	vst v1  }
0x2e7: {  	v1 =	vmul.f32 v4, v2;
	[tilespmem:s21+$0x20] =	vst v3  }
0x2e8: {  	[tilespmem:s21+$0x0] =	vst v5  }
0x2e9: {  	[tilespmem:s21+$0xFFFFFFD0] =	vst v1  }
.LBB2_30:
0x2ea: {  	s21 =	sadd.s32 $0x180, s18  }
0x2eb: {  	s21 =	sadd.s32 s5, s21  }
0x2ec: {  	s21 =	sshll.u32 s21, $0x4  }
0x2ed: {  	s22 =	simm.s32 $0xF200;
	s21 =	sadd.s32 s3, s21  }
0x2ee: {  	[hbm4b:s21+s4] =	stream.linear.scatter [tilespmem:s22], [sflag:$0x11], $0x2000, $0x38;
	[tilespmem:$0x17200] =	vst v63  }
0x2ef: {  	s21 =	simm.s32 @!p0 $0x11  }
0x2f0: {  	_ =	swait.ge @!p0 [sflag:s21], $0x2000  }
0x2f1: {  	s23 =	simm.s32 @!p0 $0xF200;
	[sflag:s21] =	ssyncset.done @!p0 $0x0  }
0x2f2: {  	s22 =	sadd.s32 @!p0 $0x400, s19;
	[sflag:s21] =	ssyncadd.s32 @!p0 $0xFFFFE000;
	s21 =	simm.s32 @!p0 $0x40  }
0x2f3: {  	[tilespmem:s23], [sflag:$0x7] =	stream.indirect.gather @!p0 [hbm4b:s2+s21], $0x80, s22, s21, $0xb8;
	[tilespmem:$0x17200] =	vst v63  }
0x2f4: {  	v1 =	vld [tilespmem:s18+$0x1AC0]  }
0x2f5: {  	v2 =	vld [tilespmem:s18+$0x1C0];
	_ =	sdelay $0x1  }
0x2f6: {  	v3 =	vld [tilespmem:s18+$0x1AD0]  }
0x2f7: {  	v4 =	vld [tilespmem:s18+$0x1D0]  }
0x2f8: {  	vm0 =	vlt.f32 v1, $1.000000000e+00;
	vm1 =	vgt.f32 v1, $1.000000000e+00;
	v1 =	vld [tilespmem:s18+$0x1AE0]  }
0x2f9: {  	vm2 =	veq.s32 v2, $0x0;
	v2 =	vld [tilespmem:s18+$0x1E0]  }
0x2fa: {  	vm0 =	vmor vm1, vm0  }
0x2fb: {  	vm7 =	vlt.f32 v3, $1.000000000e+00;
	vm8 =	vgt.f32 v3, $1.000000000e+00;
	vm0 =	vmor vm2, vm0  }
0x2fc: {  	v63 =	vld [tilespmem:s18+$0x1AF0];
	vm9 =	veq.s32 v4, $0x0;
	vm1 =	vmor vm8, vm7;
	v3 =	vsel vm0, $0x3F800000, v0  }
0x2fd: {  	vm0 =	vmor vm9, vm1;
	(xrf0) =	vmax.scan.msk.f32 $0xffff, v3;
	v3 =	vld [tilespmem:s18+$0x1F0];
	vm10 =	vlt.f32 v1, $1.000000000e+00;
	vm11 =	vgt.f32 v1, $1.000000000e+00  }
0x2fe: {  	v1 =	vsel vm0, $0x3F800000, v0;
	vm12 =	veq.s32 v2, $0x0;
	vm1 =	vmor vm11, vm10  }
0x2ff: {  	(xrf0) =	vmax.scan.msk.f32 $0xffff, v1;
	vm0 =	vmor vm12, vm1  }
0x300: {  	v1 =	vsel vm0, $0x3F800000, v0  }
0x301: {  	vm13 =	vlt.f32 v63, $1.000000000e+00;
	vm14 =	vgt.f32 v63, $1.000000000e+00  }
0x302: {  	vm1 =	vmor vm14, vm13;
	(xrf0) =	vmax.scan.msk.f32 $0xffff, v1;
	vm15 =	veq.s32 v3, $0x0  }
0x303: {  	vm0 =	vmor vm15, vm1;
	v1, _, _ =	vpop (xrf0)  }
0x304: {  	(v2sf) =	vpush v1, $0xF;
	v1 =	vsel vm0, $0x3F800000, v0  }
0x305: {  	v2, _, _ =	vpop (xrf0);
	(xrf0) =	vmax.scan.msk.f32 $0xffff, v1  }
0x306: {  	(v2sf) =	vpush v2, $0xF;
	_ =	sdelay $0x1  }
0x307: {  	v1, _, _ =	vpop (xrf0)  }
0x308: {  	(v2sf) =	vpush v1, $0xF;
	_ =	sdelay $0x1  }
0x309: {  	v1, _, _ =	vpop (xrf0)  }
0x30a: {  	(v2sf) =	vpush v1, $0xF;
	_ =	sdelay $0x6  }
0x30b: {  	s25 =	spop (v2sf)  }
0x30c: {  	p1 =	sgt.f32 s25, $0.0e+00  }
0x30d: {  	s22 =	spop (v2sf)  }
0x30e: {  	p2 =	sgt.f32 @!p1 s22, $0.0e+00;
	_ =	sdelay $0x1  }
0x30f: {  	s22 =	spop (v2sf);
	p2 =	por p1, p2  }
0x310: {  	p3 =	sgt.f32 @!p2 s22, $0.0e+00;
	_ =	sdelay $0x1  }
0x311: {  	s22 =	spop (v2sf);
	p3 =	por p2, p3  }
0x312: {  	p4 =	sgt.f32 @!p3 s22, $0.0e+00;
	_ =	sdelay $0x1  }
0x313: {  	p4 =	por p3, p4  }
.Ltmp25:
0x314: {  	_ = 	snop;
	(pc) =	sbr.rel @!p4 .LBB2_34-.Ltmp25, $4  }
0x315: {  	_ = 	snop  }
0x316: {  	_ =	swait.ge [sflag:s31], $0x2000  }
0x317: {  	[sflag:s31] =	ssyncset.done $0x0  }
0x318: {  	[sflag:s31] =	ssyncadd.s32 $0xFFFFE000  }
0x319: {  	s23 =	simm.s32 $0x0  }
0x31a: {  	s23 =	simm.s32 @p1 $0x0  }
0x31b: {  	s23 =	simm.s32 @!p2 $0x0  }
0x31c: {  	s23 =	simm.s32 @!p3 $0x0  }
0x31d: {  	s22 =	simm.s32 $0x11240;
	s24 =	sadd.s32 s23, s11  }
0x31e: {  	s22 =	simm.s32 @p1 $0x11240;
	v1 =	vmov s24  }
0x31f: {  	s22 =	simm.s32 @!p2 $0x11240  }
0x320: {  	s22 =	simm.s32 @!p3 $0x11240  }
0x321: {  	v5 =	vld [tilespmem:s22+$0x30]  }
0x322: {  	v8 =	vld [tilespmem:s22+$0x10]  }
0x323: {  	v2 =	vld.idx.msk [tilespmem:v1+s4+$0x0], $0xffff  }
0x324: {  	v4 =	vld.idx.msk [tilespmem:v1+s10+$0x0], $0xffff  }
0x325: {  	v6 =	vld [tilespmem:s22+$0xFFFFFFC0]  }
0x326: {  	v10 =	vld [tilespmem:s22+$0xFFFFFFE0]  }
0x327: {  	v3 =	vld [tilespmem:s22+$0x20];
	p1 =	sne.s32 s23, $0x3F  }
.Ltmp26:
0x328: {  	v1 =	vld [tilespmem:s22+$0xFFFFFFF0];
	vm0 =	veq.s32 v2, $0x0;
	(pc) =	sbr.rel @!p1 .LBB2_33-.Ltmp26, $4  }
0x329: {  	v2 =	vsel vm0, $0x0, v4;
	v4 =	vld [tilespmem:s22+$0xFFFFFFD0]  }
0x32a: {  	v9 =	vmul.f32 v5, v2;
	v5 =	vld [tilespmem:s22+$0x0]  }
0x32b: {  	v7 =	vmul.f32 v2, v6  }
0x32c: {  	s23 =	sadd.s32 $0x1, s23;
	s24 =	smov.u32 s22;
	v6 =	vmul.f32 v10, v2;
	v8 =	vmul.f32 v8, v2  }
.LBB2_32:
0x32d: {  	p1 =	sne.s32 s23, $0x3F  }
0x32e: {  	v4 =	vmul.f32 v4, v2;
	v3 =	vmul.f32 v3, v2;
	[tilespmem:s22+$0x30] =	vst v9;
	s24 =	sadd.s32 $0x80, s24;
	s25 =	smov.u32 s23;
	s23 =	sadd.s32 $0x1, s23  }
0x32f: {  	v1 =	vmul.f32 v1, v2;
	[tilespmem:s22+$0xFFFFFFC0] =	vst v7;
	v2 =	vmul.f32 v5, v2  }
0x330: {  	s25 =	sadd.s32 s25, s11;
	[tilespmem:s22+$0x10] =	vst v8  }
0x331: {  	v5 =	vmov s25;
	[tilespmem:s22+$0xFFFFFFE0] =	vst v6  }
0x332: {  	[tilespmem:s22+$0xFFFFFFF0] =	vst v1  }
0x333: {  	v1 =	vld [tilespmem:s24+$0xFFFFFFF0];
	[tilespmem:s22+$0x0] =	vst v2  }
0x334: {  	v6 =	vld [tilespmem:s24+$0x30];
	[tilespmem:s22+$0x20] =	vst v3  }
0x335: {  	v8 =	vld [tilespmem:s24+$0x10];
	[tilespmem:s22+$0xFFFFFFD0] =	vst v4;
	s22 =	smov.u32 s24  }
0x336: {  	v2 =	vld.idx.msk [tilespmem:v5+s4+$0x0], $0xffff  }
0x337: {  	v7 =	vld.idx.msk [tilespmem:v5+s10+$0x0], $0xffff  }
0x338: {  	v9 =	vld [tilespmem:s24+$0xFFFFFFC0]  }
0x339: {  	v10 =	vld [tilespmem:s24+$0xFFFFFFE0]  }
0x33a: {  	v3 =	vld [tilespmem:s24+$0x20]  }
.Ltmp27:
0x33b: {  	v4 =	vld [tilespmem:s24+$0xFFFFFFD0];
	(pc) =	sbr.rel @p1 .LBB2_32-.Ltmp27, $4  }
0x33c: {  	vm0 =	veq.s32 v2, $0x0;
	v5 =	vld [tilespmem:s24+$0x0]  }
0x33d: {  	v2 =	vsel vm0, $0x0, v7  }
0x33e: {  	v7 =	vmul.f32 v2, v9;
	v9 =	vmul.f32 v6, v2  }
0x33f: {  	v8 =	vmul.f32 v8, v2;
	v6 =	vmul.f32 v10, v2  }
.LBB2_33:
0x340: {  	[tilespmem:s22+$0x30] =	vst v9  }
0x341: {  	[tilespmem:s22+$0xFFFFFFC0] =	vst v7  }
0x342: {  	v1 =	vmul.f32 v1, v2;
	[tilespmem:s22+$0x10] =	vst v8  }
0x343: {  	v3 =	vmul.f32 v3, v2;
	[tilespmem:s22+$0xFFFFFFE0] =	vst v6  }
0x344: {  	v5 =	vmul.f32 v5, v2;
	[tilespmem:s22+$0xFFFFFFF0] =	vst v1  }
0x345: {  	v1 =	vmul.f32 v4, v2;
	[tilespmem:s22+$0x20] =	vst v3  }
0x346: {  	[tilespmem:s22+$0x0] =	vst v5  }
0x347: {  	[tilespmem:s22+$0xFFFFFFD0] =	vst v1  }
.LBB2_34:
0x348: {  	s22 =	sadd.s32 $0x1C0, s18  }
0x349: {  	s22 =	sadd.s32 s5, s22  }
0x34a: {  	s22 =	sshll.u32 s22, $0x4  }
0x34b: {  	s23 =	simm.s32 $0x11200;
	s22 =	sadd.s32 s3, s22  }
0x34c: {  	[hbm4b:s22+s4] =	stream.linear.scatter [tilespmem:s23], [sflag:$0x12], $0x2000, $0x38;
	[tilespmem:$0x17200] =	vst v63  }
0x34d: {  	s22 =	simm.s32 @!p0 $0x12  }
0x34e: {  	_ =	swait.ge @!p0 [sflag:s22], $0x2000  }
0x34f: {  	[sflag:s22] =	ssyncset.done @!p0 $0x0  }
0x350: {  	s23 =	simm.s32 @!p0 $0x11200;
	[sflag:s22] =	ssyncadd.s32 @!p0 $0xFFFFE000;
	s22 =	sadd.s32 @!p0 $0x440, s19  }
0x351: {  	[tilespmem:s23], [sflag:$0x8] =	stream.indirect.gather @!p0 [hbm4b:s2+s21], $0x80, s22, s21, $0xb8;
	[tilespmem:$0x17200] =	vst v63  }
0x352: {  	v1 =	vld [tilespmem:s18+$0x1B00]  }
0x353: {  	v2 =	vld [tilespmem:s18+$0x200];
	_ =	sdelay $0x1  }
0x354: {  	v3 =	vld [tilespmem:s18+$0x1B10]  }
0x355: {  	v4 =	vld [tilespmem:s18+$0x210]  }
0x356: {  	vm0 =	vlt.f32 v1, $1.000000000e+00;
	vm1 =	vgt.f32 v1, $1.000000000e+00;
	v1 =	vld [tilespmem:s18+$0x1B20]  }
0x357: {  	vm2 =	veq.s32 v2, $0x0;
	v2 =	vld [tilespmem:s18+$0x220]  }
0x358: {  	vm0 =	vmor vm1, vm0  }
0x359: {  	vm7 =	vlt.f32 v3, $1.000000000e+00;
	vm8 =	vgt.f32 v3, $1.000000000e+00;
	vm0 =	vmor vm2, vm0  }
0x35a: {  	v63 =	vld [tilespmem:s18+$0x1B30];
	vm9 =	veq.s32 v4, $0x0;
	vm1 =	vmor vm8, vm7;
	v3 =	vsel vm0, $0x3F800000, v0  }
0x35b: {  	vm0 =	vmor vm9, vm1;
	(xrf0) =	vmax.scan.msk.f32 $0xffff, v3;
	v3 =	vld [tilespmem:s18+$0x230];
	vm10 =	vlt.f32 v1, $1.000000000e+00;
	vm11 =	vgt.f32 v1, $1.000000000e+00  }
0x35c: {  	v1 =	vsel vm0, $0x3F800000, v0;
	vm12 =	veq.s32 v2, $0x0;
	vm1 =	vmor vm11, vm10  }
0x35d: {  	(xrf0) =	vmax.scan.msk.f32 $0xffff, v1;
	vm0 =	vmor vm12, vm1  }
0x35e: {  	v1 =	vsel vm0, $0x3F800000, v0  }
0x35f: {  	vm13 =	vlt.f32 v63, $1.000000000e+00;
	vm14 =	vgt.f32 v63, $1.000000000e+00  }
0x360: {  	vm1 =	vmor vm14, vm13;
	(xrf0) =	vmax.scan.msk.f32 $0xffff, v1;
	vm15 =	veq.s32 v3, $0x0  }
0x361: {  	vm0 =	vmor vm15, vm1;
	v1, _, _ =	vpop (xrf0)  }
0x362: {  	(v2sf) =	vpush v1, $0xF;
	v1 =	vsel vm0, $0x3F800000, v0  }
0x363: {  	v2, _, _ =	vpop (xrf0);
	(xrf0) =	vmax.scan.msk.f32 $0xffff, v1  }
0x364: {  	(v2sf) =	vpush v2, $0xF;
	_ =	sdelay $0x1  }
0x365: {  	v1, _, _ =	vpop (xrf0)  }
0x366: {  	(v2sf) =	vpush v1, $0xF;
	_ =	sdelay $0x1  }
0x367: {  	v1, _, _ =	vpop (xrf0)  }
0x368: {  	(v2sf) =	vpush v1, $0xF;
	_ =	sdelay $0x6  }
0x369: {  	s25 =	spop (v2sf)  }
0x36a: {  	p1 =	sgt.f32 s25, $0.0e+00  }
0x36b: {  	s21 =	spop (v2sf)  }
0x36c: {  	p2 =	sgt.f32 @!p1 s21, $0.0e+00;
	_ =	sdelay $0x1  }
0x36d: {  	s21 =	spop (v2sf);
	p2 =	por p1, p2  }
0x36e: {  	p3 =	sgt.f32 @!p2 s21, $0.0e+00;
	_ =	sdelay $0x1  }
0x36f: {  	s21 =	spop (v2sf);
	p3 =	por p2, p3  }
0x370: {  	p4 =	sgt.f32 @!p3 s21, $0.0e+00;
	_ =	sdelay $0x1  }
0x371: {  	p4 =	por p3, p4  }
.Ltmp28:
0x372: {  	_ = 	snop;
	(pc) =	sbr.rel @!p4 .LBB2_38-.Ltmp28, $4  }
0x373: {  	_ = 	snop  }
0x374: {  	_ =	swait.ge [sflag:s1], $0x2000  }
0x375: {  	[sflag:s1] =	ssyncset.done $0x0  }
0x376: {  	[sflag:s1] =	ssyncadd.s32 $0xFFFFE000  }
0x377: {  	s22 =	simm.s32 $0x0  }
0x378: {  	s22 =	simm.s32 @p1 $0x0  }
0x379: {  	s22 =	simm.s32 @!p2 $0x0  }
0x37a: {  	s22 =	simm.s32 @!p3 $0x0  }
0x37b: {  	s21 =	simm.s32 $0x13240;
	s23 =	sadd.s32 s22, s12  }
0x37c: {  	s21 =	simm.s32 @p1 $0x13240;
	v1 =	vmov s23  }
0x37d: {  	s21 =	simm.s32 @!p2 $0x13240  }
0x37e: {  	s21 =	simm.s32 @!p3 $0x13240  }
0x37f: {  	v5 =	vld [tilespmem:s21+$0x30]  }
0x380: {  	v8 =	vld [tilespmem:s21+$0x10]  }
0x381: {  	v2 =	vld.idx.msk [tilespmem:v1+s4+$0x0], $0xffff  }
0x382: {  	v4 =	vld.idx.msk [tilespmem:v1+s10+$0x0], $0xffff  }
0x383: {  	v6 =	vld [tilespmem:s21+$0xFFFFFFC0]  }
0x384: {  	v10 =	vld [tilespmem:s21+$0xFFFFFFE0]  }
0x385: {  	v3 =	vld [tilespmem:s21+$0x20];
	p1 =	sne.s32 s22, $0x3F  }
.Ltmp29:
0x386: {  	v1 =	vld [tilespmem:s21+$0xFFFFFFF0];
	vm0 =	veq.s32 v2, $0x0;
	(pc) =	sbr.rel @!p1 .LBB2_37-.Ltmp29, $4  }
0x387: {  	v2 =	vsel vm0, $0x0, v4;
	v4 =	vld [tilespmem:s21+$0xFFFFFFD0]  }
0x388: {  	v9 =	vmul.f32 v5, v2;
	v5 =	vld [tilespmem:s21+$0x0]  }
0x389: {  	v7 =	vmul.f32 v2, v6  }
0x38a: {  	s22 =	sadd.s32 $0x1, s22;
	s23 =	smov.u32 s21;
	v6 =	vmul.f32 v10, v2;
	v8 =	vmul.f32 v8, v2  }
.LBB2_36:
0x38b: {  	p1 =	sne.s32 s22, $0x3F  }
0x38c: {  	v4 =	vmul.f32 v4, v2;
	v3 =	vmul.f32 v3, v2;
	[tilespmem:s21+$0x30] =	vst v9;
	s23 =	sadd.s32 $0x80, s23;
	s24 =	smov.u32 s22;
	s22 =	sadd.s32 $0x1, s22  }
0x38d: {  	v1 =	vmul.f32 v1, v2;
	[tilespmem:s21+$0xFFFFFFC0] =	vst v7;
	v2 =	vmul.f32 v5, v2  }
0x38e: {  	s24 =	sadd.s32 s24, s12;
	[tilespmem:s21+$0x10] =	vst v8  }
0x38f: {  	v5 =	vmov s24;
	[tilespmem:s21+$0xFFFFFFE0] =	vst v6  }
0x390: {  	[tilespmem:s21+$0xFFFFFFF0] =	vst v1  }
0x391: {  	v1 =	vld [tilespmem:s23+$0xFFFFFFF0];
	[tilespmem:s21+$0x0] =	vst v2  }
0x392: {  	v6 =	vld [tilespmem:s23+$0x30];
	[tilespmem:s21+$0x20] =	vst v3  }
0x393: {  	v8 =	vld [tilespmem:s23+$0x10];
	[tilespmem:s21+$0xFFFFFFD0] =	vst v4;
	s21 =	smov.u32 s23  }
0x394: {  	v2 =	vld.idx.msk [tilespmem:v5+s4+$0x0], $0xffff  }
0x395: {  	v7 =	vld.idx.msk [tilespmem:v5+s10+$0x0], $0xffff  }
0x396: {  	v9 =	vld [tilespmem:s23+$0xFFFFFFC0]  }
0x397: {  	v10 =	vld [tilespmem:s23+$0xFFFFFFE0]  }
0x398: {  	v3 =	vld [tilespmem:s23+$0x20]  }
.Ltmp30:
0x399: {  	v4 =	vld [tilespmem:s23+$0xFFFFFFD0];
	(pc) =	sbr.rel @p1 .LBB2_36-.Ltmp30, $4  }
0x39a: {  	vm0 =	veq.s32 v2, $0x0;
	v5 =	vld [tilespmem:s23+$0x0]  }
0x39b: {  	v2 =	vsel vm0, $0x0, v7  }
0x39c: {  	v7 =	vmul.f32 v2, v9;
	v9 =	vmul.f32 v6, v2  }
0x39d: {  	v8 =	vmul.f32 v8, v2;
	v6 =	vmul.f32 v10, v2  }
.LBB2_37:
0x39e: {  	[tilespmem:s21+$0x30] =	vst v9  }
0x39f: {  	[tilespmem:s21+$0xFFFFFFC0] =	vst v7  }
0x3a0: {  	v1 =	vmul.f32 v1, v2;
	[tilespmem:s21+$0x10] =	vst v8  }
0x3a1: {  	v3 =	vmul.f32 v3, v2;
	[tilespmem:s21+$0xFFFFFFE0] =	vst v6  }
0x3a2: {  	v5 =	vmul.f32 v5, v2;
	[tilespmem:s21+$0xFFFFFFF0] =	vst v1  }
0x3a3: {  	v1 =	vmul.f32 v4, v2;
	[tilespmem:s21+$0x20] =	vst v3  }
0x3a4: {  	[tilespmem:s21+$0x0] =	vst v5  }
0x3a5: {  	[tilespmem:s21+$0xFFFFFFD0] =	vst v1  }
.LBB2_38:
0x3a6: {  	s18 =	sadd.s32 $0x200, s18  }
0x3a7: {  	s18 =	sadd.s32 s5, s18  }
0x3a8: {  	s18 =	sshll.u32 s18, $0x4  }
0x3a9: {  	s21 =	simm.s32 $0x13200;
	s18 =	sadd.s32 s3, s18  }
0x3aa: {  	[hbm4b:s18+s4] =	stream.linear.scatter [tilespmem:s21], [sflag:$0x13], $0x2000, $0x38;
	[tilespmem:$0x17200] =	vst v63  }
0x3ab: {  	s18 =	simm.s32 @!p0 $0x13  }
0x3ac: {  	_ =	swait.ge @!p0 [sflag:s18], $0x2000  }
0x3ad: {  	s21 =	simm.s32 @!p0 $0x13200;
	[sflag:s18] =	ssyncset.done @!p0 $0x0  }
0x3ae: {  	[sflag:s18] =	ssyncadd.s32 @!p0 $0xFFFFE000;
	s18 =	sadd.s32 @!p0 $0x480, s19;
	s19 =	simm.s32 @!p0 $0x40  }
0x3af: {  	[tilespmem:s21], [sflag:$0x9] =	stream.indirect.gather @!p0 [hbm4b:s2+s19], $0x80, s18, s19, $0xb8;
	[tilespmem:$0x17200] =	vst v63  }
0x3b0: {  	v1 =	vld [tilespmem:s17+$0x1900]  }
0x3b1: {  	v2 =	vld [tilespmem:s17+$0x0]  }
0x3b2: {  	s22 =	sor.u32 $0x50, s17  }
0x3b3: {  	v3 =	vld [tilespmem:s22+$0x1900]  }
0x3b4: {  	s23 =	sor.u32 $0x60, s17;
	v4 =	vld [tilespmem:s22+$0x0]  }
0x3b5: {  	vm0 =	vlt.f32 v1, $1.000000000e+00;
	vm1 =	vgt.f32 v1, $1.000000000e+00;
	v1 =	vld [tilespmem:s23+$0x1900]  }
0x3b6: {  	vm2 =	veq.s32 v2, $0x0;
	v2 =	vld [tilespmem:s23+$0x0]  }
0x3b7: {  	vm0 =	vmor vm1, vm0  }
0x3b8: {  	s24 =	sor.u32 $0x70, s17;
	vm7 =	vlt.f32 v3, $1.000000000e+00;
	vm8 =	vgt.f32 v3, $1.000000000e+00;
	vm0 =	vmor vm2, vm0  }
0x3b9: {  	v63 =	vld [tilespmem:s24+$0x1900];
	vm9 =	veq.s32 v4, $0x0;
	vm1 =	vmor vm8, vm7;
	v3 =	vsel vm0, $0x3F800000, v0  }
0x3ba: {  	vm0 =	vmor vm9, vm1;
	(xrf0) =	vmax.scan.msk.f32 $0xffff, v3;
	v3 =	vld [tilespmem:s24+$0x0];
	vm10 =	vlt.f32 v1, $1.000000000e+00;
	vm11 =	vgt.f32 v1, $1.000000000e+00  }
0x3bb: {  	v1 =	vsel vm0, $0x3F800000, v0;
	vm12 =	veq.s32 v2, $0x0;
	vm1 =	vmor vm11, vm10  }
0x3bc: {  	(xrf0) =	vmax.scan.msk.f32 $0xffff, v1;
	vm0 =	vmor vm12, vm1  }
0x3bd: {  	v1 =	vsel vm0, $0x3F800000, v0  }
0x3be: {  	vm13 =	vlt.f32 v63, $1.000000000e+00;
	vm14 =	vgt.f32 v63, $1.000000000e+00  }
0x3bf: {  	vm1 =	vmor vm14, vm13;
	(xrf0) =	vmax.scan.msk.f32 $0xffff, v1;
	vm15 =	veq.s32 v3, $0x0  }
0x3c0: {  	vm0 =	vmor vm15, vm1;
	v1, _, _ =	vpop (xrf0)  }
0x3c1: {  	(v2sf) =	vpush v1, $0xF;
	v1 =	vsel vm0, $0x3F800000, v0  }
0x3c2: {  	v2, _, _ =	vpop (xrf0);
	(xrf0) =	vmax.scan.msk.f32 $0xffff, v1  }
0x3c3: {  	(v2sf) =	vpush v2, $0xF;
	_ =	sdelay $0x1  }
0x3c4: {  	v1, _, _ =	vpop (xrf0)  }
0x3c5: {  	(v2sf) =	vpush v1, $0xF;
	_ =	sdelay $0x1  }
0x3c6: {  	v1, _, _ =	vpop (xrf0)  }
0x3c7: {  	(v2sf) =	vpush v1, $0xF;
	_ =	sdelay $0x6  }
0x3c8: {  	s25 =	spop (v2sf)  }
0x3c9: {  	p0 =	sgt.f32 s25, $0.0e+00  }
0x3ca: {  	s18 =	spop (v2sf)  }
0x3cb: {  	p1 =	sgt.f32 @!p0 s18, $0.0e+00;
	_ =	sdelay $0x1  }
0x3cc: {  	s18 =	spop (v2sf);
	p1 =	por p0, p1  }
0x3cd: {  	p2 =	sgt.f32 @!p1 s18, $0.0e+00;
	_ =	sdelay $0x1  }
0x3ce: {  	s18 =	spop (v2sf);
	p2 =	por p1, p2  }
0x3cf: {  	p3 =	sgt.f32 @!p2 s18, $0.0e+00;
	_ =	sdelay $0x1  }
0x3d0: {  	p3 =	por p2, p3  }
.Ltmp31:
0x3d1: {  	_ = 	snop;
	(pc) =	sbr.rel @!p3 .LBB2_42-.Ltmp31, $4  }
0x3d2: {  	_ = 	snop  }
0x3d3: {  	_ =	swait.ge [sflag:s0], $0x2000  }
0x3d4: {  	[sflag:s0] =	ssyncset.done $0x0  }
0x3d5: {  	[sflag:s0] =	ssyncadd.s32 $0xFFFFE000  }
0x3d6: {  	s19 =	simm.s32 $0x0  }
0x3d7: {  	s19 =	simm.s32 @p0 $0x0  }
0x3d8: {  	s19 =	simm.s32 @!p1 $0x0  }
0x3d9: {  	s19 =	simm.s32 @!p2 $0x0  }
0x3da: {  	s18 =	simm.s32 $0x15240;
	s21 =	sadd.s32 s19, s13  }
0x3db: {  	s18 =	simm.s32 @p0 $0x15240;
	v1 =	vmov s21  }
0x3dc: {  	s18 =	simm.s32 @!p1 $0x15240  }
0x3dd: {  	s18 =	simm.s32 @!p2 $0x15240  }
0x3de: {  	v5 =	vld [tilespmem:s18+$0x30]  }
0x3df: {  	v8 =	vld [tilespmem:s18+$0x10]  }
0x3e0: {  	v2 =	vld.idx.msk [tilespmem:v1+s4+$0x0], $0xffff  }
0x3e1: {  	v4 =	vld.idx.msk [tilespmem:v1+s10+$0x0], $0xffff  }
0x3e2: {  	v6 =	vld [tilespmem:s18+$0xFFFFFFC0]  }
0x3e3: {  	v10 =	vld [tilespmem:s18+$0xFFFFFFE0]  }
0x3e4: {  	v3 =	vld [tilespmem:s18+$0x20];
	p0 =	sne.s32 s19, $0x3F  }
.Ltmp32:
0x3e5: {  	v1 =	vld [tilespmem:s18+$0xFFFFFFF0];
	vm0 =	veq.s32 v2, $0x0;
	(pc) =	sbr.rel @!p0 .LBB2_41-.Ltmp32, $4  }
0x3e6: {  	v2 =	vsel vm0, $0x0, v4;
	v4 =	vld [tilespmem:s18+$0xFFFFFFD0]  }
0x3e7: {  	v9 =	vmul.f32 v5, v2;
	v5 =	vld [tilespmem:s18+$0x0]  }
0x3e8: {  	v7 =	vmul.f32 v2, v6  }
0x3e9: {  	s19 =	sadd.s32 $0x1, s19;
	s21 =	smov.u32 s18;
	v6 =	vmul.f32 v10, v2;
	v8 =	vmul.f32 v8, v2  }
.LBB2_40:
0x3ea: {  	p0 =	sne.s32 s19, $0x3F  }
0x3eb: {  	v4 =	vmul.f32 v4, v2;
	v3 =	vmul.f32 v3, v2;
	[tilespmem:s18+$0x30] =	vst v9;
	s21 =	sadd.s32 $0x80, s21;
	s22 =	smov.u32 s19;
	s19 =	sadd.s32 $0x1, s19  }
0x3ec: {  	v1 =	vmul.f32 v1, v2;
	v2 =	vmul.f32 v5, v2;
	[tilespmem:s18+$0xFFFFFFC0] =	vst v7  }
0x3ed: {  	s22 =	sadd.s32 s22, s13;
	[tilespmem:s18+$0x10] =	vst v8  }
0x3ee: {  	v5 =	vmov s22;
	[tilespmem:s18+$0xFFFFFFE0] =	vst v6  }
0x3ef: {  	[tilespmem:s18+$0xFFFFFFF0] =	vst v1  }
0x3f0: {  	v1 =	vld [tilespmem:s21+$0xFFFFFFF0];
	[tilespmem:s18+$0x0] =	vst v2  }
0x3f1: {  	v6 =	vld [tilespmem:s21+$0x30];
	[tilespmem:s18+$0x20] =	vst v3  }
0x3f2: {  	v8 =	vld [tilespmem:s21+$0x10];
	[tilespmem:s18+$0xFFFFFFD0] =	vst v4;
	s18 =	smov.u32 s21  }
0x3f3: {  	v2 =	vld.idx.msk [tilespmem:v5+s4+$0x0], $0xffff  }
0x3f4: {  	v7 =	vld.idx.msk [tilespmem:v5+s10+$0x0], $0xffff  }
0x3f5: {  	v9 =	vld [tilespmem:s21+$0xFFFFFFC0]  }
0x3f6: {  	v10 =	vld [tilespmem:s21+$0xFFFFFFE0]  }
0x3f7: {  	v3 =	vld [tilespmem:s21+$0x20]  }
.Ltmp33:
0x3f8: {  	v4 =	vld [tilespmem:s21+$0xFFFFFFD0];
	(pc) =	sbr.rel @p0 .LBB2_40-.Ltmp33, $4  }
0x3f9: {  	vm0 =	veq.s32 v2, $0x0;
	v5 =	vld [tilespmem:s21+$0x0]  }
0x3fa: {  	v2 =	vsel vm0, $0x0, v7  }
0x3fb: {  	v7 =	vmul.f32 v2, v9;
	v9 =	vmul.f32 v6, v2  }
0x3fc: {  	v8 =	vmul.f32 v8, v2;
	v6 =	vmul.f32 v10, v2  }
.Ltmp34:
0x3fd: {  	_ = 	snop;
	(pc) =	sbr.rel .LBB2_41-.Ltmp34, $1  }
0x3fe: {  	_ =	sdelay $0x3  }
.LBB2_44:
0x3ff: {  	_ =	sfence.sel $0x180000  }
0x400: {  	[bflag:$0x0] =	sbarrier.arrive $0xFFFF  }
0x401: {  	_ =	strace $0x90000047  }
0x402: {  	s0 =	stileid.u32;
	[bflag:$0x2] =	sbarrier.arrive $0xFFFF  }
0x403: {  	p0 =	sne.s32 s0, $0x0;
	s0 =	rddreg [dreg:$0x4]  }
0x404: {  	s0 =	sadd.s32 @!p0 $0x100000, s0  }
0x405: {  	[sflag:s0] =	ssyncadd.tile.s32 @!p0 $0x1;
	_ =	shalt  }
.Lfunc_end2:
_tile_overlayer_lowered:
.L_overlay_start_2:
0x406: {  	(tag) =	ssettag $0x2  }
0x407: {  	s0 =	rddreg [dreg:$0x0];
	s2 =	stileid.u32  }
0x408: {  	s1 =	rddreg [dreg:$0x1];
	p0 =	sne.s32 s2, $0x0  }
0x409: {  	s3 =	rddreg [dreg:$0x2];
	[bflag:$0x3] =	sbarrier.arrive $0xFFFF;
	s2 =	simm.s32 @!p0 $0x1C16  }
0x40a: {  	[timem:s3], [sflag:s2] =	dma.local @!p0 [hbm:s0], s1  }
0x40b: {  	s0 =	simm.s32 @!p0 $0x16  }
0x40c: {  	_ =	swait.ge @!p0 [sflag:s0], s1  }
0x40d: {  	s1 =	ssub.s32 @!p0 $0x0, s1;
	[sflag:s0] =	ssyncset.done @!p0 $0x0  }
0x40e: {  	[sflag:s0] =	ssyncadd.s32 @!p0 s1  }
0x40f: {  	[bflag:$0x3] =	sbarrier.arrive $0xFFFF  }
0x410: {  	_ =	shalt  }

</sc_bundles>
